<compile_context>
chip_gen: v7x
topology: tpu7x:2x2x1
jax: 0.10.2.dev20260603
libtpu: 0.0.44.dev20260713+nightly
codegen_flags: <defaults>
</compile_context>

<pallas_src>
import functools

import jax
import jax.numpy as jnp
from jax import lax
from jax.experimental import pallas as pl
from jax.experimental.pallas import tpu as pltpu
from jax.experimental.pallas import tpu_sc as plsc

K = 16
N = 10000
E = 160000
B = 8
D = 128
H = 4
DH = D // H
FF = 4 * D

NC = 2
NS = 16
NW = NC * NS
NPAD = 10112
RPT = NPAD // NS
CH = 128
EPT = 5120
NCH = EPT // CH
EPAD = NW * EPT
CW = 16
SEG = N // B

NSUB = (RPT + CH - 1) // CH


def _sub(i):
    off = i * CH
    ln = CH if i < NSUB - 1 else RPT - (NSUB - 1) * CH
    return off, ln


def _sc_agg_body(h2d, src_flat, dst_flat, zr_h,
                 agg_out,
                 srcA, dstA, srcB, dstB, rowsA, rowsB, acc,
                 si1, si2, sg1, sg2, ss1, ss2):
    c = lax.axis_index("c")
    s = lax.axis_index("s")
    w = s * NC + c

    pltpu.sync_copy(zr_h, rowsA)
    for i in range(NSUB):
        off, ln = _sub(i)
        pltpu.sync_copy(rowsA.at[pl.ds(0, ln)],
                        acc.at[pl.ds(s * RPT + off, ln)])

    def frame_body(t, carry):
        plsc.subcore_barrier()
        base0 = (t * NW + w) * EPT

        def chunk_body(j2, carry2):
            a = base0 + (2 * j2) * CH
            b = a + CH
            ia_s = pltpu.async_copy(src_flat.at[pl.ds(a, CH)], srcA, si1)
            ia_d = pltpu.async_copy(dst_flat.at[pl.ds(a, CH)], dstA, si1)
            ib_s = pltpu.async_copy(src_flat.at[pl.ds(b, CH)], srcB, si2)
            ib_d = pltpu.async_copy(dst_flat.at[pl.ds(b, CH)], dstB, si2)
            ia_s.wait(); ia_d.wait()
            gA = pltpu.async_copy(h2d.at[srcA], rowsA, sg1)
            ib_s.wait(); ib_d.wait()
            gB = pltpu.async_copy(h2d.at[srcB], rowsB, sg2)
            gA.wait()
            sA = pltpu.async_copy(rowsA, acc.at[dstA], ss1, add=True)
            gB.wait()
            sB = pltpu.async_copy(rowsB, acc.at[dstB], ss2, add=True)
            sA.wait(); sB.wait()
            return carry2

        lax.fori_loop(0, NCH // 2, chunk_body, 0)
        plsc.subcore_barrier()
        for i in range(NSUB):
            off, ln = _sub(i)
            pltpu.sync_copy(acc.at[pl.ds(s * RPT + off, ln)],
                            rowsA.at[pl.ds(0, ln)])
            pltpu.sync_copy(rowsA.at[pl.ds(0, ln)],
                            agg_out.at[t, c, pl.ds(s * RPT + off, ln)])
        return carry

    lax.fori_loop(0, K, frame_body, 0)


_sc_agg = functools.partial(
    pl.kernel,
    out_type=jax.ShapeDtypeStruct((K, NC, NPAD, D), jnp.float32),
    mesh=plsc.VectorSubcoreMesh(core_axis_name="c", subcore_axis_name="s"),
    scratch_types=[
        pltpu.VMEM((CH,), jnp.int32),
        pltpu.VMEM((CH,), jnp.int32),
        pltpu.VMEM((CH,), jnp.int32),
        pltpu.VMEM((CH,), jnp.int32),
        pltpu.VMEM((CH, D), jnp.float32),
        pltpu.VMEM((CH, D), jnp.float32),
        pltpu.VMEM_SHARED((NPAD, D), jnp.float32),
        pltpu.SemaphoreType.DMA,
        pltpu.SemaphoreType.DMA,
        pltpu.SemaphoreType.DMA,
        pltpu.SemaphoreType.DMA,
        pltpu.SemaphoreType.DMA,
        pltpu.SemaphoreType.DMA,
    ],
)(_sc_agg_body)


def _sc_cnt_body(dst_flat, ones_h, zr_h,
                 cnt_out,
                 dstA, dstB, onesr, cacc,
                 si1, si2, ss1, ss2):
    c = lax.axis_index("c")
    s = lax.axis_index("s")
    w = s * NC + c

    pltpu.sync_copy(zr_h, onesr)
    for i in range(NSUB):
        off, ln = _sub(i)
        pltpu.sync_copy(onesr.at[pl.ds(0, ln)],
                        cacc.at[pl.ds(s * RPT + off, ln)])

    def frame_body(t, carry):
        pltpu.sync_copy(ones_h, onesr)
        plsc.subcore_barrier()
        base0 = (t * NW + w) * EPT

        def chunk_body(j2, carry2):
            a = base0 + (2 * j2) * CH
            b = a + CH
            iA = pltpu.async_copy(dst_flat.at[pl.ds(a, CH)], dstA, si1)
            iB = pltpu.async_copy(dst_flat.at[pl.ds(b, CH)], dstB, si2)
            iA.wait()
            sA = pltpu.async_copy(onesr, cacc.at[dstA], ss1, add=True)
            iB.wait()
            sB = pltpu.async_copy(onesr, cacc.at[dstB], ss2, add=True)
            sA.wait(); sB.wait()
            return carry2

        lax.fori_loop(0, NCH // 2, chunk_body, 0)
        plsc.subcore_barrier()
        for i in range(NSUB):
            off, ln = _sub(i)
            pltpu.sync_copy(cacc.at[pl.ds(s * RPT + off, ln)],
                            onesr.at[pl.ds(0, ln)])
            pltpu.sync_copy(onesr.at[pl.ds(0, ln)],
                            cnt_out.at[t, c, pl.ds(s * RPT + off, ln)])
        return carry

    lax.fori_loop(0, K, frame_body, 0)


_sc_cnt = functools.partial(
    pl.kernel,
    out_type=jax.ShapeDtypeStruct((K, NC, NPAD, D), jnp.float32),
    mesh=plsc.VectorSubcoreMesh(core_axis_name="c", subcore_axis_name="s"),
    scratch_types=[
        pltpu.VMEM((CH,), jnp.int32),
        pltpu.VMEM((CH,), jnp.int32),
        pltpu.VMEM((CH, D), jnp.float32),
        pltpu.VMEM_SHARED((NPAD, D), jnp.float32),
        pltpu.SemaphoreType.DMA,
        pltpu.SemaphoreType.DMA,
        pltpu.SemaphoreType.DMA,
        pltpu.SemaphoreType.DMA,
    ],
)(_sc_cnt_body)


BL = 1264


def _tc_sage_body(h_ref, agg_ref, cnt_ref,
                  wl_ref, wr_ref, b_ref, o_ref):
    h = h_ref[0]
    a = agg_ref[0]
    cn = cnt_ref[0]
    mean = a / jnp.maximum(cn, 1.0)
    out = (jnp.dot(mean, wl_ref[...], preferred_element_type=jnp.float32)
           + jnp.dot(h, wr_ref[...], preferred_element_type=jnp.float32)
           + b_ref[...])
    nrm = jnp.sqrt(jnp.sum(out * out, axis=-1, keepdims=True))
    out = out / jnp.maximum(nrm, 1e-12)
    o_ref[0] = jnp.maximum(out, 0.0)


def _tc_sage(h3, aggd, cntd, wlT, wrT, b2d):
    return pl.pallas_call(
        _tc_sage_body,
        grid=(K, NPAD // BL),
        in_specs=[
            pl.BlockSpec((1, BL, D), lambda t, i: (t, i, 0)),
            pl.BlockSpec((1, BL, D), lambda t, i: (t, i, 0)),
            pl.BlockSpec((1, BL, 1), lambda t, i: (t, i, 0)),
            pl.BlockSpec((D, D), lambda t, i: (0, 0)),
            pl.BlockSpec((D, D), lambda t, i: (0, 0)),
            pl.BlockSpec((1, D), lambda t, i: (0, 0)),
        ],
        out_specs=pl.BlockSpec((1, BL, D), lambda t, i: (t, i, 0)),
        out_shape=jax.ShapeDtypeStruct((K, NPAD, D), jnp.float32),
    )(h3, aggd, cntd, wlT, wrT, b2d)


def _tc_pool_body(h_ref, ball_ref, gsum_ref):
    h = h_ref[0]
    balls = jnp.concatenate(
        [h[b * SEG:b * SEG + 1, :] for b in range(B)], axis=0)
    gsums = jnp.concatenate(
        [jnp.sum(h[b * SEG:(b + 1) * SEG, :], axis=0, keepdims=True)
         for b in range(B)], axis=0)
    ball_ref[...] = balls[None]
    gsum_ref[...] = gsums[None]


def _tc_pool(h3):
    return pl.pallas_call(
        _tc_pool_body,
        grid=(K,),
        in_specs=[pl.BlockSpec((1, NPAD, D), lambda t: (t, 0, 0))],
        out_specs=[pl.BlockSpec((1, B, D), lambda t: (t, 0, 0)),
                   pl.BlockSpec((1, B, D), lambda t: (t, 0, 0))],
        out_shape=[jax.ShapeDtypeStruct((K, B, D), jnp.float32),
                   jax.ShapeDtypeStruct((K, B, D), jnp.float32)],
    )(h3)


def _ln(x, g, b):
    m = jnp.mean(x, axis=-1, keepdims=True)
    v = jnp.mean((x - m) * (x - m), axis=-1, keepdims=True)
    return (x - m) * lax.rsqrt(v + 1e-5) * g + b


def _tc_encoder_body(ball_ref, gsum_ref, posx_ref,
                     alng_ref, alnb_ref, aw1_ref, ab1_ref, aw2_ref, ab2_ref,
                     l0_refs, l1_refs, o_ref):
    ball = jnp.swapaxes(ball_ref[...], 0, 1).reshape(B * K, D)
    gmean = jnp.swapaxes(gsum_ref[...], 0, 1).reshape(B * K, D) * (1.0 / SEG)
    f = jnp.concatenate([ball, gmean], axis=-1)
    f = _ln(f, alng_ref[...], alnb_ref[...])
    f = jnp.maximum(jnp.dot(f, aw1_ref[...], preferred_element_type=jnp.float32)
                    + ab1_ref[...], 0.0)
    f = jnp.dot(f, aw2_ref[...], preferred_element_type=jnp.float32) + ab2_ref[...]
    fs = f + posx_ref[...]

    for refs in (l0_refs, l1_refs):
        (ln1g, ln1b, wqkv, bqkv, wo, bo, ln2g, ln2b, w1, b1, w2, b2) = refs
        hh = _ln(fs, ln1g[...], ln1b[...])
        qkv = jnp.dot(hh, wqkv[...], preferred_element_type=jnp.float32) + bqkv[...]
        q = qkv[:, :D]
        k = qkv[:, D:2 * D]
        v = qkv[:, 2 * D:]
        rows = []
        for b in range(B):
            qb = q[b * K:(b + 1) * K, :]
            kb = k[b * K:(b + 1) * K, :]
            vb = v[b * K:(b + 1) * K, :]
            heads = []
            for hd in range(H):
                qh = qb[:, hd * DH:(hd + 1) * DH]
                kh = kb[:, hd * DH:(hd + 1) * DH]
                vh = vb[:, hd * DH:(hd + 1) * DH]
                att = lax.dot_general(qh, kh, (((1,), (1,)), ((), ())),
                                      preferred_element_type=jnp.float32)
                att = att * (1.0 / (DH ** 0.5))
                mx = jnp.max(att, axis=-1, keepdims=True)
                ex = jnp.exp(att - mx)
                att = ex / jnp.sum(ex, axis=-1, keepdims=True)
                heads.append(jnp.dot(att, vh, preferred_element_type=jnp.float32))
            rows.append(jnp.concatenate(heads, axis=-1))
        o = jnp.concatenate(rows, axis=0)
        fs = fs + jnp.dot(o, wo[...], preferred_element_type=jnp.float32) + bo[...]
        h2 = _ln(fs, ln2g[...], ln2b[...])
        h2 = jnp.maximum(jnp.dot(h2, w1[...], preferred_element_type=jnp.float32)
                         + b1[...], 0.0)
        h2 = jnp.dot(h2, w2[...], preferred_element_type=jnp.float32) + b2[...]
        fs = fs + h2

    o_ref[...] = jnp.concatenate(
        [fs[b * K + K - 1:b * K + K, :] for b in range(B)], axis=0)


def _tc_encoder(ball, gsum, posx, aggp, layerp):
    return pl.pallas_call(
        _tc_encoder_body,
        out_shape=jax.ShapeDtypeStruct((B, D), jnp.float32),
    )(ball, gsum, posx, *aggp, layerp[0], layerp[1])


def kernel(x, edge_index, batch_index, ptr, params):
    f32 = jnp.float32

    xpad = jnp.concatenate([x, jnp.zeros((K, NPAD - N, D), f32)], axis=1)

    src = edge_index[:, 0, :]
    dst = edge_index[:, 1, :]
    pad = EPAD - E
    src_p = jnp.concatenate([src, jnp.zeros((K, pad), jnp.int32)], axis=1)
    dst_p = jnp.concatenate(
        [dst, jnp.full((K, pad), NPAD - 1, jnp.int32)], axis=1)
    frame_off = (jnp.arange(K, dtype=jnp.int32) * NPAD)[:, None]
    src_g = (src_p + frame_off).reshape(K * EPAD)
    dst_g = dst_p.reshape(K * EPAD)

    zr_h = jnp.zeros((CH, D), f32)
    ones_big = jnp.ones((CH, D), f32)

    def _diff(cum):
        ss = cum[:, 0] + cum[:, 1]
        return ss - jnp.concatenate([jnp.zeros_like(ss[:1]), ss[:-1]], axis=0)

    g = params["gnn"]
    cnt = _sc_cnt(dst_g, ones_big, zr_h)
    cntd = _diff(cnt[:, :, :, 0:1])
    agg1 = _sc_agg(xpad.reshape(K * NPAD, D), src_g, dst_g, zr_h)
    h1 = _tc_sage(xpad, _diff(agg1), cntd,
                  g[0]["Wl"].T, g[0]["Wr"].T, g[0]["b"][None, :])
    agg2 = _sc_agg(h1.reshape(K * NPAD, D), src_g, dst_g, zr_h)
    h2 = _tc_sage(h1, _diff(agg2), cntd,
                  g[1]["Wl"].T, g[1]["Wr"].T, g[1]["b"][None, :])

    ball, gsum = _tc_pool(h2)

    a = params["agg"]
    aggp = (a["ln_g"][None, :], a["ln_b"][None, :],
            a["W1"].T, a["b1"][None, :], a["W2"].T, a["b2"][None, :])
    layerp = []
    for p in params["layers"]:
        layerp.append((p["ln1_g"][None, :], p["ln1_b"][None, :],
                       p["Wqkv"].T, p["bqkv"][None, :],
                       p["Wo"].T, p["bo"][None, :],
                       p["ln2_g"][None, :], p["ln2_b"][None, :],
                       p["W1"].T, p["b1"][None, :],
                       p["W2"].T, p["b2"][None, :]))
    posx = jnp.tile(params["pos"], (B, 1))

    z = _tc_encoder(ball, gsum, posx, aggp, layerp)
    last_node = h2[K - 1, :N, :]
    return (z, last_node)

# --- scband reference (transcript-rebuilt; emitter-appended) ---
"""Pipeline reference for scband-state-encoder-10582799417748 (READ-ONLY COPY).

The authoritative reference and input builder live on the scoring server;
editing this copy changes nothing except your own understanding.
"""

import jax, jax.numpy as jnp
import numpy as np

K = 16; N = 10000; E = 160000; B = 8; D = 128; H = 4; DH = D // H; FF = 4 * D

def _dense(key, out_dim, in_dim):
    return jax.random.normal(key, (out_dim, in_dim), jnp.float32) / np.sqrt(in_dim)

def _make_params(key):
    ks = jax.random.split(key, 40)
    i = 0
    gnn = []
    for _ in range(2):
        gnn.append({"Wl": _dense(ks[i], D, D), "Wr": _dense(ks[i + 1], D, D), "b": jnp.zeros((D,), jnp.float32)})
        i += 2
    agg = {"ln_g": jnp.ones((2 * D,), jnp.float32), "ln_b": jnp.zeros((2 * D,), jnp.float32),
           "W1": _dense(ks[i], D, 2 * D), "b1": jnp.zeros((D,), jnp.float32),
           "W2": _dense(ks[i + 1], D, D), "b2": jnp.zeros((D,), jnp.float32)}
    i += 2
    layers = []
    for _ in range(2):
        layers.append({"ln1_g": jnp.ones((D,), jnp.float32), "ln1_b": jnp.zeros((D,), jnp.float32),
                       "Wqkv": _dense(ks[i], 3 * D, D), "bqkv": jnp.zeros((3 * D,), jnp.float32),
                       "Wo": _dense(ks[i + 1], D, D), "bo": jnp.zeros((D,), jnp.float32),
                       "ln2_g": jnp.ones((D,), jnp.float32), "ln2_b": jnp.zeros((D,), jnp.float32),
                       "W1": _dense(ks[i + 2], FF, D), "b1": jnp.zeros((FF,), jnp.float32),
                       "W2": _dense(ks[i + 3], D, FF), "b2": jnp.zeros((D,), jnp.float32)})
        i += 4
    pos = jax.random.normal(ks[i], (K, D), jnp.float32) * 0.02
    return {"gnn": gnn, "agg": agg, "layers": layers, "pos": pos}

def setup_inputs(seed: int = 0):
    key = jax.random.key(seed)
    k1, k2, k3 = jax.random.split(key, 3)
    x = jax.random.normal(k1, (K, N, D), jnp.float32)
    edge_index = jax.random.randint(k2, (K, 2, E), 0, N, dtype=jnp.int32)
    batch_index = jnp.repeat(jnp.arange(B, dtype=jnp.int32), N // B)
    ptr = jnp.arange(B + 1, dtype=jnp.int32) * (N // B)
    params = _make_params(k3)
    return {"x": x, "edge_index": edge_index, "batch_index": batch_index, "ptr": ptr, "params": params}

def _layer_norm(x, g, b):
    m = jnp.mean(x, axis=-1, keepdims=True)
    v = jnp.var(x, axis=-1, keepdims=True)
    return (x - m) / jnp.sqrt(v + 1e-5) * g + b

def _sage(h, ei, p):
    src, dst = ei[0], ei[1]
    msgs = h[src]
    agg = jax.ops.segment_sum(msgs, dst, num_segments=h.shape[0])
    cnt = jax.ops.segment_sum(jnp.ones((ei.shape[1], 1), h.dtype), dst, num_segments=h.shape[0])
    mean = agg / jnp.maximum(cnt, 1.0)
    out = mean @ p["Wl"].T + h @ p["Wr"].T + p["b"]
    nrm = jnp.maximum(jnp.linalg.norm(out, axis=-1, keepdims=True), 1e-12)
    return out / nrm

def _mha(xx, p):
    b, s, _ = xx.shape
    qkv = xx @ p["Wqkv"].T + p["bqkv"]
    q, k, v = jnp.split(qkv, 3, axis=-1)
    def sp(t):
        return t.reshape(b, s, H, DH).transpose(0, 2, 1, 3)
    q, k, v = sp(q), sp(k), sp(v)
    att = jax.nn.softmax(q @ k.transpose(0, 1, 3, 2) / np.sqrt(DH), axis=-1)
    o = (att @ v).transpose(0, 2, 1, 3).reshape(b, s, D)
    return o @ p["Wo"].T + p["bo"]

def _forward(x, params, edge_index, batch_index, ptr):
    frames = []
    last_node = None
    ones = jnp.ones((N, 1), jnp.float32)
    cnt_g = jax.ops.segment_sum(ones, batch_index, num_segments=B)
    for t in range(K):
        h = x[t]
        for p in params["gnn"]:
            h = jax.nn.relu(_sage(h, edge_index[t], p))
        last_node = h
        ball = h[ptr[:-1]]
        gmean = jax.ops.segment_sum(h, batch_index, num_segments=B) / jnp.maximum(cnt_g, 1.0)
        f = jnp.concatenate([ball, gmean], axis=-1)
        a = params["agg"]
        f = _layer_norm(f, a["ln_g"], a["ln_b"])
        f = jax.nn.relu(f @ a["W1"].T + a["b1"])
        f = f @ a["W2"].T + a["b2"]
        frames.append(f)
    fs = jnp.stack(frames, axis=1) + params["pos"][None, :, :]
    for p in params["layers"]:
        fs = fs + _mha(_layer_norm(fs, p["ln1_g"], p["ln1_b"]), p)
        h2 = _layer_norm(fs, p["ln2_g"], p["ln2_b"])
        h2 = jax.nn.relu(h2 @ p["W1"].T + p["b1"]) @ p["W2"].T + p["b2"]
        fs = fs + h2
    z = fs[:, -1, :]
    return (z, last_node)

def reference(x, edge_index, batch_index, ptr, params):
    return _forward(x, params, edge_index, batch_index, ptr)

if __name__ == "__main__":
    import jax
    _d = setup_inputs()
    print(jax.jit(kernel)(*tuple(_d.values())))

</pallas_src>

<mosaic_0001>
#map = affine_map<(d0, d1) -> (0, 0)>
#map1 = affine_map<(d0, d1) -> (0)>
#map2 = affine_map<(d0, d1) -> (0, 0, 0, 0)>
module attributes {stable_mosaic.version = 14 : i64} {
  func.func @_sc_agg_body(%arg0: i32, %arg1: i32, %arg2: memref<161792x128xf32, #tpu.memory_space<hbm>>, %arg3: memref<2621440xi32, #tpu.memory_space<hbm>>, %arg4: memref<2621440xi32, #tpu.memory_space<hbm>>, %arg5: memref<128x128xf32, #tpu.memory_space<hbm>>, %arg6: memref<16x2x10112x128xf32, #tpu.memory_space<hbm>>, %arg7: memref<128xi32, #tpu.memory_space<vmem>>, %arg8: memref<128xi32, #tpu.memory_space<vmem>>, %arg9: memref<128xi32, #tpu.memory_space<vmem>>, %arg10: memref<128xi32, #tpu.memory_space<vmem>>, %arg11: memref<128x128xf32, #tpu.memory_space<vmem>>, %arg12: memref<128x128xf32, #tpu.memory_space<vmem>>, %arg13: memref<10112x128xf32, #tpu.memory_space<vmem_shared>>, %arg14: memref<!tpu.dma_semaphore, #tpu.memory_space<semaphore_mem>>, %arg15: memref<!tpu.dma_semaphore, #tpu.memory_space<semaphore_mem>>, %arg16: memref<!tpu.dma_semaphore, #tpu.memory_space<semaphore_mem>>, %arg17: memref<!tpu.dma_semaphore, #tpu.memory_space<semaphore_mem>>, %arg18: memref<!tpu.dma_semaphore, #tpu.memory_space<semaphore_mem>>, %arg19: memref<!tpu.dma_semaphore, #tpu.memory_space<semaphore_mem>>) attributes {dimension_semantics = [#tpu.dimension_semantics<core_parallel>, #tpu.dimension_semantics<subcore_parallel>], iteration_bounds = array<i64: 2, 16>, scalar_prefetch = 0 : i64, scratch_operands = 13 : i64, tpu.core_type = #tpu.core_type<sc_vector_subcore>, window_params = [{transform_indices = #map}, {transform_indices = #map1}, {transform_indices = #map1}, {transform_indices = #map}, {transform_indices = #map2}]} {
    %mul3A = arith.constant 2 : i32
    %mul3A_0 = arith.muli %arg1, %mul3A : i32
    %add3A = arith.addi %mul3A_0, %arg0 : i32
    "tpu.region"() ({
      %run_scoped3A = tpu.sem_alloc : memref<!tpu.dma_semaphore, #tpu.memory_space<semaphore_mem>>
      tpu.enqueue_dma source(%arg5 : memref<128x128xf32, #tpu.memory_space<hbm>>) target(%arg11 : memref<128x128xf32, #tpu.memory_space<vmem>>) target_semaphore(%run_scoped3A : memref<!tpu.dma_semaphore, #tpu.memory_space<semaphore_mem>>)
      tpu.wait_dma2 semaphore(%run_scoped3A : memref<!tpu.dma_semaphore, #tpu.memory_space<semaphore_mem>>) src(%arg5 : memref<128x128xf32, #tpu.memory_space<hbm>>) dst(%arg11 : memref<128x128xf32, #tpu.memory_space<vmem>>)
      tpu.yield
    }) : () -> ()
    %mul3A_1 = arith.constant 632 : i32
    %mul3A_2 = arith.muli %arg1, %mul3A_1 : i32
    %add3A_3 = arith.constant 0 : i32
    %add3A_4 = arith.addi %mul3A_2, %add3A_3 : i32
    "tpu.region"() ({
      %run_scoped3A = tpu.sem_alloc : memref<!tpu.dma_semaphore, #tpu.memory_space<semaphore_mem>>
      %dma_start3A = arith.constant 0 : i32
      %dma_start3A_26 = arith.constant 0 : i32
      %dma_start3A_27 = tpu.memref_slice %arg11[%dma_start3A, %dma_start3A_26] : memref<128x128xf32, #tpu.memory_space<vmem>> -> memref<128x128xf32, #tpu.memory_space<vmem>>
      %dma_start3A_28 = arith.constant 0 : i32
      %dma_start3A_29 = tpu.memref_slice %arg13[%add3A_4, %dma_start3A_28] : memref<10112x128xf32, #tpu.memory_space<vmem_shared>> -> memref<128x128xf32, #tpu.memory_space<vmem_shared>>
      %dma_start3A_30 = arith.constant 0 : i32
      %dma_start3A_31 = tpu.memref_slice %arg13[%add3A_4, %dma_start3A_30] : memref<10112x128xf32, #tpu.memory_space<vmem_shared>> -> memref<128x128xf32, #tpu.memory_space<vmem_shared>>
      %dma_start3A_32 = arith.constant 0 : i32
      %dma_start3A_33 = arith.constant 0 : i32
      %dma_start3A_34 = tpu.memref_slice %arg11[%dma_start3A_32, %dma_start3A_33] : memref<128x128xf32, #tpu.memory_space<vmem>> -> memref<128x128xf32, #tpu.memory_space<vmem>>
      tpu.enqueue_dma source(%dma_start3A_34 : memref<128x128xf32, #tpu.memory_space<vmem>>) target(%dma_start3A_31 : memref<128x128xf32, #tpu.memory_space<vmem_shared>>) target_semaphore(%run_scoped3A : memref<!tpu.dma_semaphore, #tpu.memory_space<semaphore_mem>>)
      %dma_wait3A = arith.constant 0 : i32
      %dma_wait3A_35 = arith.constant 0 : i32
      %dma_wait3A_36 = tpu.memref_slice %arg11[%dma_wait3A, %dma_wait3A_35] : memref<128x128xf32, #tpu.memory_space<vmem>> -> memref<128x128xf32, #tpu.memory_space<vmem>>
      %dma_wait3A_37 = arith.constant 0 : i32
      %dma_wait3A_38 = tpu.memref_slice %arg13[%add3A_4, %dma_wait3A_37] : memref<10112x128xf32, #tpu.memory_space<vmem_shared>> -> memref<128x128xf32, #tpu.memory_space<vmem_shared>>
      %dma_wait3A_39 = arith.constant 0 : i32
      %dma_wait3A_40 = tpu.memref_slice %arg13[%add3A_4, %dma_wait3A_39] : memref<10112x128xf32, #tpu.memory_space<vmem_shared>> -> memref<128x128xf32, #tpu.memory_space<vmem_shared>>
      %dma_wait3A_41 = arith.constant 0 : i32
      %dma_wait3A_42 = arith.constant 0 : i32
      %dma_wait3A_43 = tpu.memref_slice %arg11[%dma_wait3A_41, %dma_wait3A_42] : memref<128x128xf32, #tpu.memory_space<vmem>> -> memref<128x128xf32, #tpu.memory_space<vmem>>
      tpu.wait_dma2 semaphore(%run_scoped3A : memref<!tpu.dma_semaphore, #tpu.memory_space<semaphore_mem>>) src(%dma_wait3A_43 : memref<128x128xf32, #tpu.memory_space<vmem>>) dst(%dma_wait3A_40 : memref<128x128xf32, #tpu.memory_space<vmem_shared>>)
      tpu.yield
    }) : () -> ()
    %mul3A_5 = arith.constant 632 : i32
    %mul3A_6 = arith.muli %arg1, %mul3A_5 : i32
    %add3A_7 = arith.constant 128 : i32
    %add3A_8 = arith.addi %mul3A_6, %add3A_7 : i32
    "tpu.region"() ({
      %run_scoped3A = tpu.sem_alloc : memref<!tpu.dma_semaphore, #tpu.memory_space<semaphore_mem>>
      %dma_start3A = arith.constant 0 : i32
      %dma_start3A_26 = arith.constant 0 : i32
      %dma_start3A_27 = tpu.memref_slice %arg11[%dma_start3A, %dma_start3A_26] : memref<128x128xf32, #tpu.memory_space<vmem>> -> memref<128x128xf32, #tpu.memory_space<vmem>>
      %dma_start3A_28 = arith.constant 0 : i32
      %dma_start3A_29 = tpu.memref_slice %arg13[%add3A_8, %dma_start3A_28] : memref<10112x128xf32, #tpu.memory_space<vmem_shared>> -> memref<128x128xf32, #tpu.memory_space<vmem_shared>>
      %dma_start3A_30 = arith.constant 0 : i32
      %dma_start3A_31 = tpu.memref_slice %arg13[%add3A_8, %dma_start3A_30] : memref<10112x128xf32, #tpu.memory_space<vmem_shared>> -> memref<128x128xf32, #tpu.memory_space<vmem_shared>>
      %dma_start3A_32 = arith.constant 0 : i32
      %dma_start3A_33 = arith.constant 0 : i32
      %dma_start3A_34 = tpu.memref_slice %arg11[%dma_start3A_32, %dma_start3A_33] : memref<128x128xf32, #tpu.memory_space<vmem>> -> memref<128x128xf32, #tpu.memory_space<vmem>>
      tpu.enqueue_dma source(%dma_start3A_34 : memref<128x128xf32, #tpu.memory_space<vmem>>) target(%dma_start3A_31 : memref<128x128xf32, #tpu.memory_space<vmem_shared>>) target_semaphore(%run_scoped3A : memref<!tpu.dma_semaphore, #tpu.memory_space<semaphore_mem>>)
      %dma_wait3A = arith.constant 0 : i32
      %dma_wait3A_35 = arith.constant 0 : i32
      %dma_wait3A_36 = tpu.memref_slice %arg11[%dma_wait3A, %dma_wait3A_35] : memref<128x128xf32, #tpu.memory_space<vmem>> -> memref<128x128xf32, #tpu.memory_space<vmem>>
      %dma_wait3A_37 = arith.constant 0 : i32
      %dma_wait3A_38 = tpu.memref_slice %arg13[%add3A_8, %dma_wait3A_37] : memref<10112x128xf32, #tpu.memory_space<vmem_shared>> -> memref<128x128xf32, #tpu.memory_space<vmem_shared>>
      %dma_wait3A_39 = arith.constant 0 : i32
      %dma_wait3A_40 = tpu.memref_slice %arg13[%add3A_8, %dma_wait3A_39] : memref<10112x128xf32, #tpu.memory_space<vmem_shared>> -> memref<128x128xf32, #tpu.memory_space<vmem_shared>>
      %dma_wait3A_41 = arith.constant 0 : i32
      %dma_wait3A_42 = arith.constant 0 : i32
      %dma_wait3A_43 = tpu.memref_slice %arg11[%dma_wait3A_41, %dma_wait3A_42] : memref<128x128xf32, #tpu.memory_space<vmem>> -> memref<128x128xf32, #tpu.memory_space<vmem>>
      tpu.wait_dma2 semaphore(%run_scoped3A : memref<!tpu.dma_semaphore, #tpu.memory_space<semaphore_mem>>) src(%dma_wait3A_43 : memref<128x128xf32, #tpu.memory_space<vmem>>) dst(%dma_wait3A_40 : memref<128x128xf32, #tpu.memory_space<vmem_shared>>)
      tpu.yield
    }) : () -> ()
    %mul3A_9 = arith.constant 632 : i32
    %mul3A_10 = arith.muli %arg1, %mul3A_9 : i32
    %add3A_11 = arith.constant 256 : i32
    %add3A_12 = arith.addi %mul3A_10, %add3A_11 : i32
    "tpu.region"() ({
      %run_scoped3A = tpu.sem_alloc : memref<!tpu.dma_semaphore, #tpu.memory_space<semaphore_mem>>
      %dma_start3A = arith.constant 0 : i32
      %dma_start3A_26 = arith.constant 0 : i32
      %dma_start3A_27 = tpu.memref_slice %arg11[%dma_start3A, %dma_start3A_26] : memref<128x128xf32, #tpu.memory_space<vmem>> -> memref<128x128xf32, #tpu.memory_space<vmem>>
      %dma_start3A_28 = arith.constant 0 : i32
      %dma_start3A_29 = tpu.memref_slice %arg13[%add3A_12, %dma_start3A_28] : memref<10112x128xf32, #tpu.memory_space<vmem_shared>> -> memref<128x128xf32, #tpu.memory_space<vmem_shared>>
      %dma_start3A_30 = arith.constant 0 : i32
      %dma_start3A_31 = tpu.memref_slice %arg13[%add3A_12, %dma_start3A_30] : memref<10112x128xf32, #tpu.memory_space<vmem_shared>> -> memref<128x128xf32, #tpu.memory_space<vmem_shared>>
      %dma_start3A_32 = arith.constant 0 : i32
      %dma_start3A_33 = arith.constant 0 : i32
      %dma_start3A_34 = tpu.memref_slice %arg11[%dma_start3A_32, %dma_start3A_33] : memref<128x128xf32, #tpu.memory_space<vmem>> -> memref<128x128xf32, #tpu.memory_space<vmem>>
      tpu.enqueue_dma source(%dma_start3A_34 : memref<128x128xf32, #tpu.memory_space<vmem>>) target(%dma_start3A_31 : memref<128x128xf32, #tpu.memory_space<vmem_shared>>) target_semaphore(%run_scoped3A : memref<!tpu.dma_semaphore, #tpu.memory_space<semaphore_mem>>)
      %dma_wait3A = arith.constant 0 : i32
      %dma_wait3A_35 = arith.constant 0 : i32
      %dma_wait3A_36 = tpu.memref_slice %arg11[%dma_wait3A, %dma_wait3A_35] : memref<128x128xf32, #tpu.memory_space<vmem>> -> memref<128x128xf32, #tpu.memory_space<vmem>>
      %dma_wait3A_37 = arith.constant 0 : i32
      %dma_wait3A_38 = tpu.memref_slice %arg13[%add3A_12, %dma_wait3A_37] : memref<10112x128xf32, #tpu.memory_space<vmem_shared>> -> memref<128x128xf32, #tpu.memory_space<vmem_shared>>
      %dma_wait3A_39 = arith.constant 0 : i32
      %dma_wait3A_40 = tpu.memref_slice %arg13[%add3A_12, %dma_wait3A_39] : memref<10112x128xf32, #tpu.memory_space<vmem_shared>> -> memref<128x128xf32, #tpu.memory_space<vmem_shared>>
      %dma_wait3A_41 = arith.constant 0 : i32
      %dma_wait3A_42 = arith.constant 0 : i32
      %dma_wait3A_43 = tpu.memref_slice %arg11[%dma_wait3A_41, %dma_wait3A_42] : memref<128x128xf32, #tpu.memory_space<vmem>> -> memref<128x128xf32, #tpu.memory_space<vmem>>
      tpu.wait_dma2 semaphore(%run_scoped3A : memref<!tpu.dma_semaphore, #tpu.memory_space<semaphore_mem>>) src(%dma_wait3A_43 : memref<128x128xf32, #tpu.memory_space<vmem>>) dst(%dma_wait3A_40 : memref<128x128xf32, #tpu.memory_space<vmem_shared>>)
      tpu.yield
    }) : () -> ()
    %mul3A_13 = arith.constant 632 : i32
    %mul3A_14 = arith.muli %arg1, %mul3A_13 : i32
    %add3A_15 = arith.constant 384 : i32
    %add3A_16 = arith.addi %mul3A_14, %add3A_15 : i32
    "tpu.region"() ({
      %run_scoped3A = tpu.sem_alloc : memref<!tpu.dma_semaphore, #tpu.memory_space<semaphore_mem>>
      %dma_start3A = arith.constant 0 : i32
      %dma_start3A_26 = arith.constant 0 : i32
      %dma_start3A_27 = tpu.memref_slice %arg11[%dma_start3A, %dma_start3A_26] : memref<128x128xf32, #tpu.memory_space<vmem>> -> memref<128x128xf32, #tpu.memory_space<vmem>>
      %dma_start3A_28 = arith.constant 0 : i32
      %dma_start3A_29 = tpu.memref_slice %arg13[%add3A_16, %dma_start3A_28] : memref<10112x128xf32, #tpu.memory_space<vmem_shared>> -> memref<128x128xf32, #tpu.memory_space<vmem_shared>>
      %dma_start3A_30 = arith.constant 0 : i32
      %dma_start3A_31 = tpu.memref_slice %arg13[%add3A_16, %dma_start3A_30] : memref<10112x128xf32, #tpu.memory_space<vmem_shared>> -> memref<128x128xf32, #tpu.memory_space<vmem_shared>>
      %dma_start3A_32 = arith.constant 0 : i32
      %dma_start3A_33 = arith.constant 0 : i32
      %dma_start3A_34 = tpu.memref_slice %arg11[%dma_start3A_32, %dma_start3A_33] : memref<128x128xf32, #tpu.memory_space<vmem>> -> memref<128x128xf32, #tpu.memory_space<vmem>>
      tpu.enqueue_dma source(%dma_start3A_34 : memref<128x128xf32, #tpu.memory_space<vmem>>) target(%dma_start3A_31 : memref<128x128xf32, #tpu.memory_space<vmem_shared>>) target_semaphore(%run_scoped3A : memref<!tpu.dma_semaphore, #tpu.memory_space<semaphore_mem>>)
      %dma_wait3A = arith.constant 0 : i32
      %dma_wait3A_35 = arith.constant 0 : i32
      %dma_wait3A_36 = tpu.memref_slice %arg11[%dma_wait3A, %dma_wait3A_35] : memref<128x128xf32, #tpu.memory_space<vmem>> -> memref<128x128xf32, #tpu.memory_space<vmem>>
      %dma_wait3A_37 = arith.constant 0 : i32
      %dma_wait3A_38 = tpu.memref_slice %arg13[%add3A_16, %dma_wait3A_37] : memref<10112x128xf32, #tpu.memory_space<vmem_shared>> -> memref<128x128xf32, #tpu.memory_space<vmem_shared>>
      %dma_wait3A_39 = arith.constant 0 : i32
      %dma_wait3A_40 = tpu.memref_slice %arg13[%add3A_16, %dma_wait3A_39] : memref<10112x128xf32, #tpu.memory_space<vmem_shared>> -> memref<128x128xf32, #tpu.memory_space<vmem_shared>>
      %dma_wait3A_41 = arith.constant 0 : i32
      %dma_wait3A_42 = arith.constant 0 : i32
      %dma_wait3A_43 = tpu.memref_slice %arg11[%dma_wait3A_41, %dma_wait3A_42] : memref<128x128xf32, #tpu.memory_space<vmem>> -> memref<128x128xf32, #tpu.memory_space<vmem>>
      tpu.wait_dma2 semaphore(%run_scoped3A : memref<!tpu.dma_semaphore, #tpu.memory_space<semaphore_mem>>) src(%dma_wait3A_43 : memref<128x128xf32, #tpu.memory_space<vmem>>) dst(%dma_wait3A_40 : memref<128x128xf32, #tpu.memory_space<vmem_shared>>)
      tpu.yield
    }) : () -> ()
    %mul3A_17 = arith.constant 632 : i32
    %mul3A_18 = arith.muli %arg1, %mul3A_17 : i32
    %add3A_19 = arith.constant 512 : i32
    %add3A_20 = arith.addi %mul3A_18, %add3A_19 : i32
    "tpu.region"() ({
      %run_scoped3A = tpu.sem_alloc : memref<!tpu.dma_semaphore, #tpu.memory_space<semaphore_mem>>
      %dma_start3A = arith.constant 0 : i32
      %dma_start3A_26 = arith.constant 0 : i32
      %dma_start3A_27 = tpu.memref_slice %arg11[%dma_start3A, %dma_start3A_26] : memref<128x128xf32, #tpu.memory_space<vmem>> -> memref<120x128xf32, #tpu.memory_space<vmem>>
      %dma_start3A_28 = arith.constant 0 : i32
      %dma_start3A_29 = tpu.memref_slice %arg13[%add3A_20, %dma_start3A_28] : memref<10112x128xf32, #tpu.memory_space<vmem_shared>> -> memref<120x128xf32, #tpu.memory_space<vmem_shared>>
      %dma_start3A_30 = arith.constant 0 : i32
      %dma_start3A_31 = tpu.memref_slice %arg13[%add3A_20, %dma_start3A_30] : memref<10112x128xf32, #tpu.memory_space<vmem_shared>> -> memref<120x128xf32, #tpu.memory_space<vmem_shared>>
      %dma_start3A_32 = arith.constant 0 : i32
      %dma_start3A_33 = arith.constant 0 : i32
      %dma_start3A_34 = tpu.memref_slice %arg11[%dma_start3A_32, %dma_start3A_33] : memref<128x128xf32, #tpu.memory_space<vmem>> -> memref<120x128xf32, #tpu.memory_space<vmem>>
      tpu.enqueue_dma source(%dma_start3A_34 : memref<120x128xf32, #tpu.memory_space<vmem>>) target(%dma_start3A_31 : memref<120x128xf32, #tpu.memory_space<vmem_shared>>) target_semaphore(%run_scoped3A : memref<!tpu.dma_semaphore, #tpu.memory_space<semaphore_mem>>)
      %dma_wait3A = arith.constant 0 : i32
      %dma_wait3A_35 = arith.constant 0 : i32
      %dma_wait3A_36 = tpu.memref_slice %arg11[%dma_wait3A, %dma_wait3A_35] : memref<128x128xf32, #tpu.memory_space<vmem>> -> memref<120x128xf32, #tpu.memory_space<vmem>>
      %dma_wait3A_37 = arith.constant 0 : i32
      %dma_wait3A_38 = tpu.memref_slice %arg13[%add3A_20, %dma_wait3A_37] : memref<10112x128xf32, #tpu.memory_space<vmem_shared>> -> memref<120x128xf32, #tpu.memory_space<vmem_shared>>
      %dma_wait3A_39 = arith.constant 0 : i32
      %dma_wait3A_40 = tpu.memref_slice %arg13[%add3A_20, %dma_wait3A_39] : memref<10112x128xf32, #tpu.memory_space<vmem_shared>> -> memref<120x128xf32, #tpu.memory_space<vmem_shared>>
      %dma_wait3A_41 = arith.constant 0 : i32
      %dma_wait3A_42 = arith.constant 0 : i32
      %dma_wait3A_43 = tpu.memref_slice %arg11[%dma_wait3A_41, %dma_wait3A_42] : memref<128x128xf32, #tpu.memory_space<vmem>> -> memref<120x128xf32, #tpu.memory_space<vmem>>
      tpu.wait_dma2 semaphore(%run_scoped3A : memref<!tpu.dma_semaphore, #tpu.memory_space<semaphore_mem>>) src(%dma_wait3A_43 : memref<120x128xf32, #tpu.memory_space<vmem>>) dst(%dma_wait3A_40 : memref<120x128xf32, #tpu.memory_space<vmem_shared>>)
      tpu.yield
    }) : () -> ()
    %scan3A = arith.constant 0 : i32
    %scan3A_21 = arith.constant 0 : i32
    %scan3A_22 = arith.constant 16 : i32
    %scan3A_23 = arith.addi %scan3A_21, %scan3A_22 : i32
    %scan3A_24 = arith.constant 1 : i32
    scf.for %scan3A_26 = %scan3A_21 to %scan3A_23 step %scan3A_24  : i32 {
      %barrier3A = arith.constant 0 : index
      tpu.barrier barrier_id(%barrier3A)
      %mul3A_27 = arith.constant 32 : i32
      %mul3A_28 = arith.muli %scan3A_26, %mul3A_27 : i32
      %add3A_29 = arith.addi %mul3A_28, %add3A : i32
      %mul3A_30 = arith.constant 5120 : i32
      %mul3A_31 = arith.muli %add3A_29, %mul3A_30 : i32
      %scan3A_32 = arith.constant 0 : i32
      %scan3A_33 = arith.constant 0 : i32
      %scan3A_34 = arith.constant 20 : i32
      %scan3A_35 = arith.addi %scan3A_33, %scan3A_34 : i32
      %scan3A_36 = arith.constant 1 : i32
      scf.for %scan3A_79 = %scan3A_33 to %scan3A_35 step %scan3A_36  : i32 {
        %mul3A_80 = arith.constant 2 : i32
        %mul3A_81 = arith.muli %mul3A_80, %scan3A_79 : i32
        %mul3A_82 = arith.constant 128 : i32
        %mul3A_83 = arith.muli %mul3A_81, %mul3A_82 : i32
        %add3A_84 = arith.addi %mul3A_31, %mul3A_83 : i32
        %add3A_85 = arith.constant 128 : i32
        %add3A_86 = arith.addi %add3A_84, %add3A_85 : i32
        %dma_start3A = tpu.memref_slice %arg3[%add3A_84] : memref<2621440xi32, #tpu.memory_space<hbm>> -> memref<128xi32, #tpu.memory_space<hbm>>
        %dma_start3A_87 = tpu.memref_slice %arg3[%add3A_84] : memref<2621440xi32, #tpu.memory_space<hbm>> -> memref<128xi32, #tpu.memory_space<hbm>>
        tpu.enqueue_dma source(%dma_start3A_87 : memref<128xi32, #tpu.memory_space<hbm>>) target(%arg7 : memref<128xi32, #tpu.memory_space<vmem>>) target_semaphore(%arg14 : memref<!tpu.dma_semaphore, #tpu.memory_space<semaphore_mem>>)
        %dma_start3A_88 = tpu.memref_slice %arg4[%add3A_84] : memref<2621440xi32, #tpu.memory_space<hbm>> -> memref<128xi32, #tpu.memory_space<hbm>>
        %dma_start3A_89 = tpu.memref_slice %arg4[%add3A_84] : memref<2621440xi32, #tpu.memory_space<hbm>> -> memref<128xi32, #tpu.memory_space<hbm>>
        tpu.enqueue_dma source(%dma_start3A_89 : memref<128xi32, #tpu.memory_space<hbm>>) target(%arg8 : memref<128xi32, #tpu.memory_space<vmem>>) target_semaphore(%arg14 : memref<!tpu.dma_semaphore, #tpu.memory_space<semaphore_mem>>)
        %dma_start3A_90 = tpu.memref_slice %arg3[%add3A_86] : memref<2621440xi32, #tpu.memory_space<hbm>> -> memref<128xi32, #tpu.memory_space<hbm>>
        %dma_start3A_91 = tpu.memref_slice %arg3[%add3A_86] : memref<2621440xi32, #tpu.memory_space<hbm>> -> memref<128xi32, #tpu.memory_space<hbm>>
        tpu.enqueue_dma source(%dma_start3A_91 : memref<128xi32, #tpu.memory_space<hbm>>) target(%arg9 : memref<128xi32, #tpu.memory_space<vmem>>) target_semaphore(%arg15 : memref<!tpu.dma_semaphore, #tpu.memory_space<semaphore_mem>>)
        %dma_start3A_92 = tpu.memref_slice %arg4[%add3A_86] : memref<2621440xi32, #tpu.memory_space<hbm>> -> memref<128xi32, #tpu.memory_space<hbm>>
        %dma_start3A_93 = tpu.memref_slice %arg4[%add3A_86] : memref<2621440xi32, #tpu.memory_space<hbm>> -> memref<128xi32, #tpu.memory_space<hbm>>
        tpu.enqueue_dma source(%dma_start3A_93 : memref<128xi32, #tpu.memory_space<hbm>>) target(%arg10 : memref<128xi32, #tpu.memory_space<vmem>>) target_semaphore(%arg15 : memref<!tpu.dma_semaphore, #tpu.memory_space<semaphore_mem>>)
        %dma_wait3A = tpu.memref_slice %arg3[%add3A_84] : memref<2621440xi32, #tpu.memory_space<hbm>> -> memref<128xi32, #tpu.memory_space<hbm>>
        %dma_wait3A_94 = tpu.memref_slice %arg3[%add3A_84] : memref<2621440xi32, #tpu.memory_space<hbm>> -> memref<128xi32, #tpu.memory_space<hbm>>
        tpu.wait_dma2 semaphore(%arg14 : memref<!tpu.dma_semaphore, #tpu.memory_space<semaphore_mem>>) src(%dma_wait3A_94 : memref<128xi32, #tpu.memory_space<hbm>>) dst(%arg7 : memref<128xi32, #tpu.memory_space<vmem>>)
        %dma_wait3A_95 = tpu.memref_slice %arg4[%add3A_84] : memref<2621440xi32, #tpu.memory_space<hbm>> -> memref<128xi32, #tpu.memory_space<hbm>>
        %dma_wait3A_96 = tpu.memref_slice %arg4[%add3A_84] : memref<2621440xi32, #tpu.memory_space<hbm>> -> memref<128xi32, #tpu.memory_space<hbm>>
        tpu.wait_dma2 semaphore(%arg14 : memref<!tpu.dma_semaphore, #tpu.memory_space<semaphore_mem>>) src(%dma_wait3A_96 : memref<128xi32, #tpu.memory_space<hbm>>) dst(%arg8 : memref<128xi32, #tpu.memory_space<vmem>>)
        %dma_start3A_97 = arith.constant 0 : i32
        %dma_start3A_98 = arith.constant 0 : i32
        %dma_start3A_99 = tpu.memref_slice %arg2[%dma_start3A_97, %dma_start3A_98] : memref<161792x128xf32, #tpu.memory_space<hbm>> -> memref<161792x128xf32, #tpu.memory_space<hbm>>
        tpu.enqueue_indirect_dma source(%dma_start3A_99 : memref<161792x128xf32, #tpu.memory_space<hbm>>) target(%arg11 : memref<128x128xf32, #tpu.memory_space<vmem>>) offsets(%arg7 : memref<128xi32, #tpu.memory_space<vmem>>) semaphore(%arg16 : memref<!tpu.dma_semaphore, #tpu.memory_space<semaphore_mem>>)
        %dma_wait3A_100 = tpu.memref_slice %arg3[%add3A_86] : memref<2621440xi32, #tpu.memory_space<hbm>> -> memref<128xi32, #tpu.memory_space<hbm>>
        %dma_wait3A_101 = tpu.memref_slice %arg3[%add3A_86] : memref<2621440xi32, #tpu.memory_space<hbm>> -> memref<128xi32, #tpu.memory_space<hbm>>
        tpu.wait_dma2 semaphore(%arg15 : memref<!tpu.dma_semaphore, #tpu.memory_space<semaphore_mem>>) src(%dma_wait3A_101 : memref<128xi32, #tpu.memory_space<hbm>>) dst(%arg9 : memref<128xi32, #tpu.memory_space<vmem>>)
        %dma_wait3A_102 = tpu.memref_slice %arg4[%add3A_86] : memref<2621440xi32, #tpu.memory_space<hbm>> -> memref<128xi32, #tpu.memory_space<hbm>>
        %dma_wait3A_103 = tpu.memref_slice %arg4[%add3A_86] : memref<2621440xi32, #tpu.memory_space<hbm>> -> memref<128xi32, #tpu.memory_space<hbm>>
        tpu.wait_dma2 semaphore(%arg15 : memref<!tpu.dma_semaphore, #tpu.memory_space<semaphore_mem>>) src(%dma_wait3A_103 : memref<128xi32, #tpu.memory_space<hbm>>) dst(%arg10 : memref<128xi32, #tpu.memory_space<vmem>>)
        %dma_start3A_104 = arith.constant 0 : i32
        %dma_start3A_105 = arith.constant 0 : i32
        %dma_start3A_106 = tpu.memref_slice %arg2[%dma_start3A_104, %dma_start3A_105] : memref<161792x128xf32, #tpu.memory_space<hbm>> -> memref<161792x128xf32, #tpu.memory_space<hbm>>
        tpu.enqueue_indirect_dma source(%dma_start3A_106 : memref<161792x128xf32, #tpu.memory_space<hbm>>) target(%arg12 : memref<128x128xf32, #tpu.memory_space<vmem>>) offsets(%arg9 : memref<128xi32, #tpu.memory_space<vmem>>) semaphore(%arg17 : memref<!tpu.dma_semaphore, #tpu.memory_space<semaphore_mem>>)
        %dma_wait3A_107 = arith.constant 0 : i32
        %dma_wait3A_108 = arith.constant 0 : i32
        %dma_wait3A_109 = tpu.memref_slice %arg2[%dma_wait3A_107, %dma_wait3A_108] : memref<161792x128xf32, #tpu.memory_space<hbm>> -> memref<161792x128xf32, #tpu.memory_space<hbm>>
        tpu.wait_indirect_dma semaphore(%arg16 : memref<!tpu.dma_semaphore, #tpu.memory_space<semaphore_mem>>) src(%dma_wait3A_109 : memref<161792x128xf32, #tpu.memory_space<hbm>>) dst(%arg11 : memref<128x128xf32, #tpu.memory_space<vmem>>)
        %dma_start3A_110 = arith.constant 0 : i32
        %dma_start3A_111 = arith.constant 0 : i32
        %dma_start3A_112 = tpu.memref_slice %arg13[%dma_start3A_110, %dma_start3A_111] : memref<10112x128xf32, #tpu.memory_space<vmem_shared>> -> memref<10112x128xf32, #tpu.memory_space<vmem_shared>>
        tpu.enqueue_indirect_dma source(%arg11 : memref<128x128xf32, #tpu.memory_space<vmem>>) target(%dma_start3A_112 : memref<10112x128xf32, #tpu.memory_space<vmem_shared>>) offsets(%arg8 : memref<128xi32, #tpu.memory_space<vmem>>) semaphore(%arg18 : memref<!tpu.dma_semaphore, #tpu.memory_space<semaphore_mem>>) {add = true}
        %dma_wait3A_113 = arith.constant 0 : i32
        %dma_wait3A_114 = arith.constant 0 : i32
        %dma_wait3A_115 = tpu.memref_slice %arg2[%dma_wait3A_113, %dma_wait3A_114] : memref<161792x128xf32, #tpu.memory_space<hbm>> -> memref<161792x128xf32, #tpu.memory_space<hbm>>
        tpu.wait_indirect_dma semaphore(%arg17 : memref<!tpu.dma_semaphore, #tpu.memory_space<semaphore_mem>>) src(%dma_wait3A_115 : memref<161792x128xf32, #tpu.memory_space<hbm>>) dst(%arg12 : memref<128x128xf32, #tpu.memory_space<vmem>>)
        %dma_start3A_116 = arith.constant 0 : i32
        %dma_start3A_117 = arith.constant 0 : i32
        %dma_start3A_118 = tpu.memref_slice %arg13[%dma_start3A_116, %dma_start3A_117] : memref<10112x128xf32, #tpu.memory_space<vmem_shared>> -> memref<10112x128xf32, #tpu.memory_space<vmem_shared>>
        tpu.enqueue_indirect_dma source(%arg12 : memref<128x128xf32, #tpu.memory_space<vmem>>) target(%dma_start3A_118 : memref<10112x128xf32, #tpu.memory_space<vmem_shared>>) offsets(%arg10 : memref<128xi32, #tpu.memory_space<vmem>>) semaphore(%arg19 : memref<!tpu.dma_semaphore, #tpu.memory_space<semaphore_mem>>) {add = true}
        %dma_wait3A_119 = arith.constant 0 : i32
        %dma_wait3A_120 = arith.constant 0 : i32
        %dma_wait3A_121 = tpu.memref_slice %arg13[%dma_wait3A_119, %dma_wait3A_120] : memref<10112x128xf32, #tpu.memory_space<vmem_shared>> -> memref<10112x128xf32, #tpu.memory_space<vmem_shared>>
        tpu.wait_indirect_dma semaphore(%arg18 : memref<!tpu.dma_semaphore, #tpu.memory_space<semaphore_mem>>) src(%arg11 : memref<128x128xf32, #tpu.memory_space<vmem>>) dst(%dma_wait3A_121 : memref<10112x128xf32, #tpu.memory_space<vmem_shared>>)
        %dma_wait3A_122 = arith.constant 0 : i32
        %dma_wait3A_123 = arith.constant 0 : i32
        %dma_wait3A_124 = tpu.memref_slice %arg13[%dma_wait3A_122, %dma_wait3A_123] : memref<10112x128xf32, #tpu.memory_space<vmem_shared>> -> memref<10112x128xf32, #tpu.memory_space<vmem_shared>>
        tpu.wait_indirect_dma semaphore(%arg19 : memref<!tpu.dma_semaphore, #tpu.memory_space<semaphore_mem>>) src(%arg12 : memref<128x128xf32, #tpu.memory_space<vmem>>) dst(%dma_wait3A_124 : memref<10112x128xf32, #tpu.memory_space<vmem_shared>>)
      }
      %scan3A_37 = arith.constant 20 : i32
      %barrier3A_38 = arith.constant 0 : index
      tpu.barrier barrier_id(%barrier3A_38)
      %mul3A_39 = arith.constant 632 : i32
      %mul3A_40 = arith.muli %arg1, %mul3A_39 : i32
      %add3A_41 = arith.constant 0 : i32
      %add3A_42 = arith.addi %mul3A_40, %add3A_41 : i32
      "tpu.region"() ({
        %run_scoped3A = tpu.sem_alloc : memref<!tpu.dma_semaphore, #tpu.memory_space<semaphore_mem>>
        %dma_start3A = arith.constant 0 : i32
        %dma_start3A_79 = arith.constant 0 : i32
        %dma_start3A_80 = tpu.memref_slice %arg11[%dma_start3A, %dma_start3A_79] : memref<128x128xf32, #tpu.memory_space<vmem>> -> memref<128x128xf32, #tpu.memory_space<vmem>>
        %dma_start3A_81 = arith.constant 0 : i32
        %dma_start3A_82 = tpu.memref_slice %arg13[%add3A_42, %dma_start3A_81] : memref<10112x128xf32, #tpu.memory_space<vmem_shared>> -> memref<128x128xf32, #tpu.memory_space<vmem_shared>>
        %dma_start3A_83 = arith.constant 0 : i32
        %dma_start3A_84 = arith.constant 0 : i32
        %dma_start3A_85 = tpu.memref_slice %arg11[%dma_start3A_83, %dma_start3A_84] : memref<128x128xf32, #tpu.memory_space<vmem>> -> memref<128x128xf32, #tpu.memory_space<vmem>>
        %dma_start3A_86 = arith.constant 0 : i32
        %dma_start3A_87 = tpu.memref_slice %arg13[%add3A_42, %dma_start3A_86] : memref<10112x128xf32, #tpu.memory_space<vmem_shared>> -> memref<128x128xf32, #tpu.memory_space<vmem_shared>>
        tpu.enqueue_dma source(%dma_start3A_87 : memref<128x128xf32, #tpu.memory_space<vmem_shared>>) target(%dma_start3A_85 : memref<128x128xf32, #tpu.memory_space<vmem>>) target_semaphore(%run_scoped3A : memref<!tpu.dma_semaphore, #tpu.memory_space<semaphore_mem>>)
        %dma_wait3A = arith.constant 0 : i32
        %dma_wait3A_88 = arith.constant 0 : i32
        %dma_wait3A_89 = tpu.memref_slice %arg11[%dma_wait3A, %dma_wait3A_88] : memref<128x128xf32, #tpu.memory_space<vmem>> -> memref<128x128xf32, #tpu.memory_space<vmem>>
        %dma_wait3A_90 = arith.constant 0 : i32
        %dma_wait3A_91 = tpu.memref_slice %arg13[%add3A_42, %dma_wait3A_90] : memref<10112x128xf32, #tpu.memory_space<vmem_shared>> -> memref<128x128xf32, #tpu.memory_space<vmem_shared>>
        %dma_wait3A_92 = arith.constant 0 : i32
        %dma_wait3A_93 = arith.constant 0 : i32
        %dma_wait3A_94 = tpu.memref_slice %arg11[%dma_wait3A_92, %dma_wait3A_93] : memref<128x128xf32, #tpu.memory_space<vmem>> -> memref<128x128xf32, #tpu.memory_space<vmem>>
        %dma_wait3A_95 = arith.constant 0 : i32
        %dma_wait3A_96 = tpu.memref_slice %arg13[%add3A_42, %dma_wait3A_95] : memref<10112x128xf32, #tpu.memory_space<vmem_shared>> -> memref<128x128xf32, #tpu.memory_space<vmem_shared>>
        tpu.wait_dma2 semaphore(%run_scoped3A : memref<!tpu.dma_semaphore, #tpu.memory_space<semaphore_mem>>) src(%dma_wait3A_96 : memref<128x128xf32, #tpu.memory_space<vmem_shared>>) dst(%dma_wait3A_94 : memref<128x128xf32, #tpu.memory_space<vmem>>)
        tpu.yield
      }) : () -> ()
      %mul3A_43 = arith.constant 632 : i32
      %mul3A_44 = arith.muli %arg1, %mul3A_43 : i32
      %add3A_45 = arith.constant 0 : i32
      %add3A_46 = arith.addi %mul3A_44, %add3A_45 : i32
      "tpu.region"() ({
        %run_scoped3A = tpu.sem_alloc : memref<!tpu.dma_semaphore, #tpu.memory_space<semaphore_mem>>
        %dma_start3A = arith.constant 0 : i32
        %dma_start3A_79 = arith.constant 0 : i32
        %dma_start3A_80 = tpu.memref_slice %arg11[%dma_start3A, %dma_start3A_79] : memref<128x128xf32, #tpu.memory_space<vmem>> -> memref<128x128xf32, #tpu.memory_space<vmem>>
        %dma_start3A_81 = arith.constant 0 : i32
        %dma_start3A_82 = tpu.memref_slice %arg6[%scan3A_26, %arg0, %add3A_46, %dma_start3A_81] : memref<16x2x10112x128xf32, #tpu.memory_space<hbm>> -> memref<1x1x128x128xf32, #tpu.memory_space<hbm>>
        %dma_start3A_83 = tpu.memref_squeeze %dma_start3A_82 : memref<1x1x128x128xf32, #tpu.memory_space<hbm>> -> memref<128x128xf32, #tpu.memory_space<hbm>>
        %dma_start3A_84 = arith.constant 0 : i32
        %dma_start3A_85 = tpu.memref_slice %arg6[%scan3A_26, %arg0, %add3A_46, %dma_start3A_84] : memref<16x2x10112x128xf32, #tpu.memory_space<hbm>> -> memref<1x1x128x128xf32, #tpu.memory_space<hbm>>
        %dma_start3A_86 = tpu.memref_squeeze %dma_start3A_85 : memref<1x1x128x128xf32, #tpu.memory_space<hbm>> -> memref<128x128xf32, #tpu.memory_space<hbm>>
        %dma_start3A_87 = arith.constant 0 : i32
        %dma_start3A_88 = arith.constant 0 : i32
        %dma_start3A_89 = tpu.memref_slice %arg11[%dma_start3A_87, %dma_start3A_88] : memref<128x128xf32, #tpu.memory_space<vmem>> -> memref<128x128xf32, #tpu.memory_space<vmem>>
        tpu.enqueue_dma source(%dma_start3A_89 : memref<128x128xf32, #tpu.memory_space<vmem>>) target(%dma_start3A_86 : memref<128x128xf32, #tpu.memory_space<hbm>>) target_semaphore(%run_scoped3A : memref<!tpu.dma_semaphore, #tpu.memory_space<semaphore_mem>>)
        %dma_wait3A = arith.constant 0 : i32
        %dma_wait3A_90 = arith.constant 0 : i32
        %dma_wait3A_91 = tpu.memref_slice %arg11[%dma_wait3A, %dma_wait3A_90] : memref<128x128xf32, #tpu.memory_space<vmem>> -> memref<128x128xf32, #tpu.memory_space<vmem>>
        %dma_wait3A_92 = arith.constant 0 : i32
        %dma_wait3A_93 = tpu.memref_slice %arg6[%scan3A_26, %arg0, %add3A_46, %dma_wait3A_92] : memref<16x2x10112x128xf32, #tpu.memory_space<hbm>> -> memref<1x1x128x128xf32, #tpu.memory_space<hbm>>
        %dma_wait3A_94 = tpu.memref_squeeze %dma_wait3A_93 : memref<1x1x128x128xf32, #tpu.memory_space<hbm>> -> memref<128x128xf32, #tpu.memory_space<hbm>>
        %dma_wait3A_95 = arith.constant 0 : i32
        %dma_wait3A_96 = tpu.memref_slice %arg6[%scan3A_26, %arg0, %add3A_46, %dma_wait3A_95] : memref<16x2x10112x128xf32, #tpu.memory_space<hbm>> -> memref<1x1x128x128xf32, #tpu.memory_space<hbm>>
        %dma_wait3A_97 = tpu.memref_squeeze %dma_wait3A_96 : memref<1x1x128x128xf32, #tpu.memory_space<hbm>> -> memref<128x128xf32, #tpu.memory_space<hbm>>
        %dma_wait3A_98 = arith.constant 0 : i32
        %dma_wait3A_99 = arith.constant 0 : i32
        %dma_wait3A_100 = tpu.memref_slice %arg11[%dma_wait3A_98, %dma_wait3A_99] : memref<128x128xf32, #tpu.memory_space<vmem>> -> memref<128x128xf32, #tpu.memory_space<vmem>>
        tpu.wait_dma2 semaphore(%run_scoped3A : memref<!tpu.dma_semaphore, #tpu.memory_space<semaphore_mem>>) src(%dma_wait3A_100 : memref<128x128xf32, #tpu.memory_space<vmem>>) dst(%dma_wait3A_97 : memref<128x128xf32, #tpu.memory_space<hbm>>)
        tpu.yield
      }) : () -> ()
      %mul3A_47 = arith.constant 632 : i32
      %mul3A_48 = arith.muli %arg1, %mul3A_47 : i32
      %add3A_49 = arith.constant 128 : i32
      %add3A_50 = arith.addi %mul3A_48, %add3A_49 : i32
      "tpu.region"() ({
        %run_scoped3A = tpu.sem_alloc : memref<!tpu.dma_semaphore, #tpu.memory_space<semaphore_mem>>
        %dma_start3A = arith.constant 0 : i32
        %dma_start3A_79 = arith.constant 0 : i32
        %dma_start3A_80 = tpu.memref_slice %arg11[%dma_start3A, %dma_start3A_79] : memref<128x128xf32, #tpu.memory_space<vmem>> -> memref<128x128xf32, #tpu.memory_space<vmem>>
        %dma_start3A_81 = arith.constant 0 : i32
        %dma_start3A_82 = tpu.memref_slice %arg13[%add3A_50, %dma_start3A_81] : memref<10112x128xf32, #tpu.memory_space<vmem_shared>> -> memref<128x128xf32, #tpu.memory_space<vmem_shared>>
        %dma_start3A_83 = arith.constant 0 : i32
        %dma_start3A_84 = arith.constant 0 : i32
        %dma_start3A_85 = tpu.memref_slice %arg11[%dma_start3A_83, %dma_start3A_84] : memref<128x128xf32, #tpu.memory_space<vmem>> -> memref<128x128xf32, #tpu.memory_space<vmem>>
        %dma_start3A_86 = arith.constant 0 : i32
        %dma_start3A_87 = tpu.memref_slice %arg13[%add3A_50, %dma_start3A_86] : memref<10112x128xf32, #tpu.memory_space<vmem_shared>> -> memref<128x128xf32, #tpu.memory_space<vmem_shared>>
        tpu.enqueue_dma source(%dma_start3A_87 : memref<128x128xf32, #tpu.memory_space<vmem_shared>>) target(%dma_start3A_85 : memref<128x128xf32, #tpu.memory_space<vmem>>) target_semaphore(%run_scoped3A : memref<!tpu.dma_semaphore, #tpu.memory_space<semaphore_mem>>)
        %dma_wait3A = arith.constant 0 : i32
        %dma_wait3A_88 = arith.constant 0 : i32
        %dma_wait3A_89 = tpu.memref_slice %arg11[%dma_wait3A, %dma_wait3A_88] : memref<128x128xf32, #tpu.memory_space<vmem>> -> memref<128x128xf32, #tpu.memory_space<vmem>>
        %dma_wait3A_90 = arith.constant 0 : i32
        %dma_wait3A_91 = tpu.memref_slice %arg13[%add3A_50, %dma_wait3A_90] : memref<10112x128xf32, #tpu.memory_space<vmem_shared>> -> memref<128x128xf32, #tpu.memory_space<vmem_shared>>
        %dma_wait3A_92 = arith.constant 0 : i32
        %dma_wait3A_93 = arith.constant 0 : i32
        %dma_wait3A_94 = tpu.memref_slice %arg11[%dma_wait3A_92, %dma_wait3A_93] : memref<128x128xf32, #tpu.memory_space<vmem>> -> memref<128x128xf32, #tpu.memory_space<vmem>>
        %dma_wait3A_95 = arith.constant 0 : i32
        %dma_wait3A_96 = tpu.memref_slice %arg13[%add3A_50, %dma_wait3A_95] : memref<10112x128xf32, #tpu.memory_space<vmem_shared>> -> memref<128x128xf32, #tpu.memory_space<vmem_shared>>
        tpu.wait_dma2 semaphore(%run_scoped3A : memref<!tpu.dma_semaphore, #tpu.memory_space<semaphore_mem>>) src(%dma_wait3A_96 : memref<128x128xf32, #tpu.memory_space<vmem_shared>>) dst(%dma_wait3A_94 : memref<128x128xf32, #tpu.memory_space<vmem>>)
        tpu.yield
      }) : () -> ()
      %mul3A_51 = arith.constant 632 : i32
      %mul3A_52 = arith.muli %arg1, %mul3A_51 : i32
      %add3A_53 = arith.constant 128 : i32
      %add3A_54 = arith.addi %mul3A_52, %add3A_53 : i32
      "tpu.region"() ({
        %run_scoped3A = tpu.sem_alloc : memref<!tpu.dma_semaphore, #tpu.memory_space<semaphore_mem>>
        %dma_start3A = arith.constant 0 : i32
        %dma_start3A_79 = arith.constant 0 : i32
        %dma_start3A_80 = tpu.memref_slice %arg11[%dma_start3A, %dma_start3A_79] : memref<128x128xf32, #tpu.memory_space<vmem>> -> memref<128x128xf32, #tpu.memory_space<vmem>>
        %dma_start3A_81 = arith.constant 0 : i32
        %dma_start3A_82 = tpu.memref_slice %arg6[%scan3A_26, %arg0, %add3A_54, %dma_start3A_81] : memref<16x2x10112x128xf32, #tpu.memory_space<hbm>> -> memref<1x1x128x128xf32, #tpu.memory_space<hbm>>
        %dma_start3A_83 = tpu.memref_squeeze %dma_start3A_82 : memref<1x1x128x128xf32, #tpu.memory_space<hbm>> -> memref<128x128xf32, #tpu.memory_space<hbm>>
        %dma_start3A_84 = arith.constant 0 : i32
        %dma_start3A_85 = tpu.memref_slice %arg6[%scan3A_26, %arg0, %add3A_54, %dma_start3A_84] : memref<16x2x10112x128xf32, #tpu.memory_space<hbm>> -> memref<1x1x128x128xf32, #tpu.memory_space<hbm>>
        %dma_start3A_86 = tpu.memref_squeeze %dma_start3A_85 : memref<1x1x128x128xf32, #tpu.memory_space<hbm>> -> memref<128x128xf32, #tpu.memory_space<hbm>>
        %dma_start3A_87 = arith.constant 0 : i32
        %dma_start3A_88 = arith.constant 0 : i32
        %dma_start3A_89 = tpu.memref_slice %arg11[%dma_start3A_87, %dma_start3A_88] : memref<128x128xf32, #tpu.memory_space<vmem>> -> memref<128x128xf32, #tpu.memory_space<vmem>>
        tpu.enqueue_dma source(%dma_start3A_89 : memref<128x128xf32, #tpu.memory_space<vmem>>) target(%dma_start3A_86 : memref<128x128xf32, #tpu.memory_space<hbm>>) target_semaphore(%run_scoped3A : memref<!tpu.dma_semaphore, #tpu.memory_space<semaphore_mem>>)
        %dma_wait3A = arith.constant 0 : i32
        %dma_wait3A_90 = arith.constant 0 : i32
        %dma_wait3A_91 = tpu.memref_slice %arg11[%dma_wait3A, %dma_wait3A_90] : memref<128x128xf32, #tpu.memory_space<vmem>> -> memref<128x128xf32, #tpu.memory_space<vmem>>
        %dma_wait3A_92 = arith.constant 0 : i32
        %dma_wait3A_93 = tpu.memref_slice %arg6[%scan3A_26, %arg0, %add3A_54, %dma_wait3A_92] : memref<16x2x10112x128xf32, #tpu.memory_space<hbm>> -> memref<1x1x128x128xf32, #tpu.memory_space<hbm>>
        %dma_wait3A_94 = tpu.memref_squeeze %dma_wait3A_93 : memref<1x1x128x128xf32, #tpu.memory_space<hbm>> -> memref<128x128xf32, #tpu.memory_space<hbm>>
        %dma_wait3A_95 = arith.constant 0 : i32
        %dma_wait3A_96 = tpu.memref_slice %arg6[%scan3A_26, %arg0, %add3A_54, %dma_wait3A_95] : memref<16x2x10112x128xf32, #tpu.memory_space<hbm>> -> memref<1x1x128x128xf32, #tpu.memory_space<hbm>>
        %dma_wait3A_97 = tpu.memref_squeeze %dma_wait3A_96 : memref<1x1x128x128xf32, #tpu.memory_space<hbm>> -> memref<128x128xf32, #tpu.memory_space<hbm>>
        %dma_wait3A_98 = arith.constant 0 : i32
        %dma_wait3A_99 = arith.constant 0 : i32
        %dma_wait3A_100 = tpu.memref_slice %arg11[%dma_wait3A_98, %dma_wait3A_99] : memref<128x128xf32, #tpu.memory_space<vmem>> -> memref<128x128xf32, #tpu.memory_space<vmem>>
        tpu.wait_dma2 semaphore(%run_scoped3A : memref<!tpu.dma_semaphore, #tpu.memory_space<semaphore_mem>>) src(%dma_wait3A_100 : memref<128x128xf32, #tpu.memory_space<vmem>>) dst(%dma_wait3A_97 : memref<128x128xf32, #tpu.memory_space<hbm>>)
        tpu.yield
      }) : () -> ()
      %mul3A_55 = arith.constant 632 : i32
      %mul3A_56 = arith.muli %arg1, %mul3A_55 : i32
      %add3A_57 = arith.constant 256 : i32
      %add3A_58 = arith.addi %mul3A_56, %add3A_57 : i32
      "tpu.region"() ({
        %run_scoped3A = tpu.sem_alloc : memref<!tpu.dma_semaphore, #tpu.memory_space<semaphore_mem>>
        %dma_start3A = arith.constant 0 : i32
        %dma_start3A_79 = arith.constant 0 : i32
        %dma_start3A_80 = tpu.memref_slice %arg11[%dma_start3A, %dma_start3A_79] : memref<128x128xf32, #tpu.memory_space<vmem>> -> memref<128x128xf32, #tpu.memory_space<vmem>>
        %dma_start3A_81 = arith.constant 0 : i32
        %dma_start3A_82 = tpu.memref_slice %arg13[%add3A_58, %dma_start3A_81] : memref<10112x128xf32, #tpu.memory_space<vmem_shared>> -> memref<128x128xf32, #tpu.memory_space<vmem_shared>>
        %dma_start3A_83 = arith.constant 0 : i32
        %dma_start3A_84 = arith.constant 0 : i32
        %dma_start3A_85 = tpu.memref_slice %arg11[%dma_start3A_83, %dma_start3A_84] : memref<128x128xf32, #tpu.memory_space<vmem>> -> memref<128x128xf32, #tpu.memory_space<vmem>>
        %dma_start3A_86 = arith.constant 0 : i32
        %dma_start3A_87 = tpu.memref_slice %arg13[%add3A_58, %dma_start3A_86] : memref<10112x128xf32, #tpu.memory_space<vmem_shared>> -> memref<128x128xf32, #tpu.memory_space<vmem_shared>>
        tpu.enqueue_dma source(%dma_start3A_87 : memref<128x128xf32, #tpu.memory_space<vmem_shared>>) target(%dma_start3A_85 : memref<128x128xf32, #tpu.memory_space<vmem>>) target_semaphore(%run_scoped3A : memref<!tpu.dma_semaphore, #tpu.memory_space<semaphore_mem>>)
        %dma_wait3A = arith.constant 0 : i32
        %dma_wait3A_88 = arith.constant 0 : i32
        %dma_wait3A_89 = tpu.memref_slice %arg11[%dma_wait3A, %dma_wait3A_88] : memref<128x128xf32, #tpu.memory_space<vmem>> -> memref<128x128xf32, #tpu.memory_space<vmem>>
        %dma_wait3A_90 = arith.constant 0 : i32
        %dma_wait3A_91 = tpu.memref_slice %arg13[%add3A_58, %dma_wait3A_90] : memref<10112x128xf32, #tpu.memory_space<vmem_shared>> -> memref<128x128xf32, #tpu.memory_space<vmem_shared>>
        %dma_wait3A_92 = arith.constant 0 : i32
        %dma_wait3A_93 = arith.constant 0 : i32
        %dma_wait3A_94 = tpu.memref_slice %arg11[%dma_wait3A_92, %dma_wait3A_93] : memref<128x128xf32, #tpu.memory_space<vmem>> -> memref<128x128xf32, #tpu.memory_space<vmem>>
        %dma_wait3A_95 = arith.constant 0 : i32
        %dma_wait3A_96 = tpu.memref_slice %arg13[%add3A_58, %dma_wait3A_95] : memref<10112x128xf32, #tpu.memory_space<vmem_shared>> -> memref<128x128xf32, #tpu.memory_space<vmem_shared>>
        tpu.wait_dma2 semaphore(%run_scoped3A : memref<!tpu.dma_semaphore, #tpu.memory_space<semaphore_mem>>) src(%dma_wait3A_96 : memref<128x128xf32, #tpu.memory_space<vmem_shared>>) dst(%dma_wait3A_94 : memref<128x128xf32, #tpu.memory_space<vmem>>)
        tpu.yield
      }) : () -> ()
      %mul3A_59 = arith.constant 632 : i32
      %mul3A_60 = arith.muli %arg1, %mul3A_59 : i32
      %add3A_61 = arith.constant 256 : i32
      %add3A_62 = arith.addi %mul3A_60, %add3A_61 : i32
      "tpu.region"() ({
        %run_scoped3A = tpu.sem_alloc : memref<!tpu.dma_semaphore, #tpu.memory_space<semaphore_mem>>
        %dma_start3A = arith.constant 0 : i32
        %dma_start3A_79 = arith.constant 0 : i32
        %dma_start3A_80 = tpu.memref_slice %arg11[%dma_start3A, %dma_start3A_79] : memref<128x128xf32, #tpu.memory_space<vmem>> -> memref<128x128xf32, #tpu.memory_space<vmem>>
        %dma_start3A_81 = arith.constant 0 : i32
        %dma_start3A_82 = tpu.memref_slice %arg6[%scan3A_26, %arg0, %add3A_62, %dma_start3A_81] : memref<16x2x10112x128xf32, #tpu.memory_space<hbm>> -> memref<1x1x128x128xf32, #tpu.memory_space<hbm>>
        %dma_start3A_83 = tpu.memref_squeeze %dma_start3A_82 : memref<1x1x128x128xf32, #tpu.memory_space<hbm>> -> memref<128x128xf32, #tpu.memory_space<hbm>>
        %dma_start3A_84 = arith.constant 0 : i32
        %dma_start3A_85 = tpu.memref_slice %arg6[%scan3A_26, %arg0, %add3A_62, %dma_start3A_84] : memref<16x2x10112x128xf32, #tpu.memory_space<hbm>> -> memref<1x1x128x128xf32, #tpu.memory_space<hbm>>
        %dma_start3A_86 = tpu.memref_squeeze %dma_start3A_85 : memref<1x1x128x128xf32, #tpu.memory_space<hbm>> -> memref<128x128xf32, #tpu.memory_space<hbm>>
        %dma_start3A_87 = arith.constant 0 : i32
        %dma_start3A_88 = arith.constant 0 : i32
        %dma_start3A_89 = tpu.memref_slice %arg11[%dma_start3A_87, %dma_start3A_88] : memref<128x128xf32, #tpu.memory_space<vmem>> -> memref<128x128xf32, #tpu.memory_space<vmem>>
        tpu.enqueue_dma source(%dma_start3A_89 : memref<128x128xf32, #tpu.memory_space<vmem>>) target(%dma_start3A_86 : memref<128x128xf32, #tpu.memory_space<hbm>>) target_semaphore(%run_scoped3A : memref<!tpu.dma_semaphore, #tpu.memory_space<semaphore_mem>>)
        %dma_wait3A = arith.constant 0 : i32
        %dma_wait3A_90 = arith.constant 0 : i32
        %dma_wait3A_91 = tpu.memref_slice %arg11[%dma_wait3A, %dma_wait3A_90] : memref<128x128xf32, #tpu.memory_space<vmem>> -> memref<128x128xf32, #tpu.memory_space<vmem>>
        %dma_wait3A_92 = arith.constant 0 : i32
        %dma_wait3A_93 = tpu.memref_slice %arg6[%scan3A_26, %arg0, %add3A_62, %dma_wait3A_92] : memref<16x2x10112x128xf32, #tpu.memory_space<hbm>> -> memref<1x1x128x128xf32, #tpu.memory_space<hbm>>
        %dma_wait3A_94 = tpu.memref_squeeze %dma_wait3A_93 : memref<1x1x128x128xf32, #tpu.memory_space<hbm>> -> memref<128x128xf32, #tpu.memory_space<hbm>>
        %dma_wait3A_95 = arith.constant 0 : i32
        %dma_wait3A_96 = tpu.memref_slice %arg6[%scan3A_26, %arg0, %add3A_62, %dma_wait3A_95] : memref<16x2x10112x128xf32, #tpu.memory_space<hbm>> -> memref<1x1x128x128xf32, #tpu.memory_space<hbm>>
        %dma_wait3A_97 = tpu.memref_squeeze %dma_wait3A_96 : memref<1x1x128x128xf32, #tpu.memory_space<hbm>> -> memref<128x128xf32, #tpu.memory_space<hbm>>
        %dma_wait3A_98 = arith.constant 0 : i32
        %dma_wait3A_99 = arith.constant 0 : i32
        %dma_wait3A_100 = tpu.memref_slice %arg11[%dma_wait3A_98, %dma_wait3A_99] : memref<128x128xf32, #tpu.memory_space<vmem>> -> memref<128x128xf32, #tpu.memory_space<vmem>>
        tpu.wait_dma2 semaphore(%run_scoped3A : memref<!tpu.dma_semaphore, #tpu.memory_space<semaphore_mem>>) src(%dma_wait3A_100 : memref<128x128xf32, #tpu.memory_space<vmem>>) dst(%dma_wait3A_97 : memref<128x128xf32, #tpu.memory_space<hbm>>)
        tpu.yield
      }) : () -> ()
      %mul3A_63 = arith.constant 632 : i32
      %mul3A_64 = arith.muli %arg1, %mul3A_63 : i32
      %add3A_65 = arith.constant 384 : i32
      %add3A_66 = arith.addi %mul3A_64, %add3A_65 : i32
      "tpu.region"() ({
        %run_scoped3A = tpu.sem_alloc : memref<!tpu.dma_semaphore, #tpu.memory_space<semaphore_mem>>
        %dma_start3A = arith.constant 0 : i32
        %dma_start3A_79 = arith.constant 0 : i32
        %dma_start3A_80 = tpu.memref_slice %arg11[%dma_start3A, %dma_start3A_79] : memref<128x128xf32, #tpu.memory_space<vmem>> -> memref<128x128xf32, #tpu.memory_space<vmem>>
        %dma_start3A_81 = arith.constant 0 : i32
        %dma_start3A_82 = tpu.memref_slice %arg13[%add3A_66, %dma_start3A_81] : memref<10112x128xf32, #tpu.memory_space<vmem_shared>> -> memref<128x128xf32, #tpu.memory_space<vmem_shared>>
        %dma_start3A_83 = arith.constant 0 : i32
        %dma_start3A_84 = arith.constant 0 : i32
        %dma_start3A_85 = tpu.memref_slice %arg11[%dma_start3A_83, %dma_start3A_84] : memref<128x128xf32, #tpu.memory_space<vmem>> -> memref<128x128xf32, #tpu.memory_space<vmem>>
        %dma_start3A_86 = arith.constant 0 : i32
        %dma_start3A_87 = tpu.memref_slice %arg13[%add3A_66, %dma_start3A_86] : memref<10112x128xf32, #tpu.memory_space<vmem_shared>> -> memref<128x128xf32, #tpu.memory_space<vmem_shared>>
        tpu.enqueue_dma source(%dma_start3A_87 : memref<128x128xf32, #tpu.memory_space<vmem_shared>>) target(%dma_start3A_85 : memref<128x128xf32, #tpu.memory_space<vmem>>) target_semaphore(%run_scoped3A : memref<!tpu.dma_semaphore, #tpu.memory_space<semaphore_mem>>)
        %dma_wait3A = arith.constant 0 : i32
        %dma_wait3A_88 = arith.constant 0 : i32
        %dma_wait3A_89 = tpu.memref_slice %arg11[%dma_wait3A, %dma_wait3A_88] : memref<128x128xf32, #tpu.memory_space<vmem>> -> memref<128x128xf32, #tpu.memory_space<vmem>>
        %dma_wait3A_90 = arith.constant 0 : i32
        %dma_wait3A_91 = tpu.memref_slice %arg13[%add3A_66, %dma_wait3A_90] : memref<10112x128xf32, #tpu.memory_space<vmem_shared>> -> memref<128x128xf32, #tpu.memory_space<vmem_shared>>
        %dma_wait3A_92 = arith.constant 0 : i32
        %dma_wait3A_93 = arith.constant 0 : i32
        %dma_wait3A_94 = tpu.memref_slice %arg11[%dma_wait3A_92, %dma_wait3A_93] : memref<128x128xf32, #tpu.memory_space<vmem>> -> memref<128x128xf32, #tpu.memory_space<vmem>>
        %dma_wait3A_95 = arith.constant 0 : i32
        %dma_wait3A_96 = tpu.memref_slice %arg13[%add3A_66, %dma_wait3A_95] : memref<10112x128xf32, #tpu.memory_space<vmem_shared>> -> memref<128x128xf32, #tpu.memory_space<vmem_shared>>
        tpu.wait_dma2 semaphore(%run_scoped3A : memref<!tpu.dma_semaphore, #tpu.memory_space<semaphore_mem>>) src(%dma_wait3A_96 : memref<128x128xf32, #tpu.memory_space<vmem_shared>>) dst(%dma_wait3A_94 : memref<128x128xf32, #tpu.memory_space<vmem>>)
        tpu.yield
      }) : () -> ()
      %mul3A_67 = arith.constant 632 : i32
      %mul3A_68 = arith.muli %arg1, %mul3A_67 : i32
      %add3A_69 = arith.constant 384 : i32
      %add3A_70 = arith.addi %mul3A_68, %add3A_69 : i32
      "tpu.region"() ({
        %run_scoped3A = tpu.sem_alloc : memref<!tpu.dma_semaphore, #tpu.memory_space<semaphore_mem>>
        %dma_start3A = arith.constant 0 : i32
        %dma_start3A_79 = arith.constant 0 : i32
        %dma_start3A_80 = tpu.memref_slice %arg11[%dma_start3A, %dma_start3A_79] : memref<128x128xf32, #tpu.memory_space<vmem>> -> memref<128x128xf32, #tpu.memory_space<vmem>>
        %dma_start3A_81 = arith.constant 0 : i32
        %dma_start3A_82 = tpu.memref_slice %arg6[%scan3A_26, %arg0, %add3A_70, %dma_start3A_81] : memref<16x2x10112x128xf32, #tpu.memory_space<hbm>> -> memref<1x1x128x128xf32, #tpu.memory_space<hbm>>
        %dma_start3A_83 = tpu.memref_squeeze %dma_start3A_82 : memref<1x1x128x128xf32, #tpu.memory_space<hbm>> -> memref<128x128xf32, #tpu.memory_space<hbm>>
        %dma_start3A_84 = arith.constant 0 : i32
        %dma_start3A_85 = tpu.memref_slice %arg6[%scan3A_26, %arg0, %add3A_70, %dma_start3A_84] : memref<16x2x10112x128xf32, #tpu.memory_space<hbm>> -> memref<1x1x128x128xf32, #tpu.memory_space<hbm>>
        %dma_start3A_86 = tpu.memref_squeeze %dma_start3A_85 : memref<1x1x128x128xf32, #tpu.memory_space<hbm>> -> memref<128x128xf32, #tpu.memory_space<hbm>>
        %dma_start3A_87 = arith.constant 0 : i32
        %dma_start3A_88 = arith.constant 0 : i32
        %dma_start3A_89 = tpu.memref_slice %arg11[%dma_start3A_87, %dma_start3A_88] : memref<128x128xf32, #tpu.memory_space<vmem>> -> memref<128x128xf32, #tpu.memory_space<vmem>>
        tpu.enqueue_dma source(%dma_start3A_89 : memref<128x128xf32, #tpu.memory_space<vmem>>) target(%dma_start3A_86 : memref<128x128xf32, #tpu.memory_space<hbm>>) target_semaphore(%run_scoped3A : memref<!tpu.dma_semaphore, #tpu.memory_space<semaphore_mem>>)
        %dma_wait3A = arith.constant 0 : i32
        %dma_wait3A_90 = arith.constant 0 : i32
        %dma_wait3A_91 = tpu.memref_slice %arg11[%dma_wait3A, %dma_wait3A_90] : memref<128x128xf32, #tpu.memory_space<vmem>> -> memref<128x128xf32, #tpu.memory_space<vmem>>
        %dma_wait3A_92 = arith.constant 0 : i32
        %dma_wait3A_93 = tpu.memref_slice %arg6[%scan3A_26, %arg0, %add3A_70, %dma_wait3A_92] : memref<16x2x10112x128xf32, #tpu.memory_space<hbm>> -> memref<1x1x128x128xf32, #tpu.memory_space<hbm>>
        %dma_wait3A_94 = tpu.memref_squeeze %dma_wait3A_93 : memref<1x1x128x128xf32, #tpu.memory_space<hbm>> -> memref<128x128xf32, #tpu.memory_space<hbm>>
        %dma_wait3A_95 = arith.constant 0 : i32
        %dma_wait3A_96 = tpu.memref_slice %arg6[%scan3A_26, %arg0, %add3A_70, %dma_wait3A_95] : memref<16x2x10112x128xf32, #tpu.memory_space<hbm>> -> memref<1x1x128x128xf32, #tpu.memory_space<hbm>>
        %dma_wait3A_97 = tpu.memref_squeeze %dma_wait3A_96 : memref<1x1x128x128xf32, #tpu.memory_space<hbm>> -> memref<128x128xf32, #tpu.memory_space<hbm>>
        %dma_wait3A_98 = arith.constant 0 : i32
        %dma_wait3A_99 = arith.constant 0 : i32
        %dma_wait3A_100 = tpu.memref_slice %arg11[%dma_wait3A_98, %dma_wait3A_99] : memref<128x128xf32, #tpu.memory_space<vmem>> -> memref<128x128xf32, #tpu.memory_space<vmem>>
        tpu.wait_dma2 semaphore(%run_scoped3A : memref<!tpu.dma_semaphore, #tpu.memory_space<semaphore_mem>>) src(%dma_wait3A_100 : memref<128x128xf32, #tpu.memory_space<vmem>>) dst(%dma_wait3A_97 : memref<128x128xf32, #tpu.memory_space<hbm>>)
        tpu.yield
      }) : () -> ()
      %mul3A_71 = arith.constant 632 : i32
      %mul3A_72 = arith.muli %arg1, %mul3A_71 : i32
      %add3A_73 = arith.constant 512 : i32
      %add3A_74 = arith.addi %mul3A_72, %add3A_73 : i32
      "tpu.region"() ({
        %run_scoped3A = tpu.sem_alloc : memref<!tpu.dma_semaphore, #tpu.memory_space<semaphore_mem>>
        %dma_start3A = arith.constant 0 : i32
        %dma_start3A_79 = arith.constant 0 : i32
        %dma_start3A_80 = tpu.memref_slice %arg11[%dma_start3A, %dma_start3A_79] : memref<128x128xf32, #tpu.memory_space<vmem>> -> memref<120x128xf32, #tpu.memory_space<vmem>>
        %dma_start3A_81 = arith.constant 0 : i32
        %dma_start3A_82 = tpu.memref_slice %arg13[%add3A_74, %dma_start3A_81] : memref<10112x128xf32, #tpu.memory_space<vmem_shared>> -> memref<120x128xf32, #tpu.memory_space<vmem_shared>>
        %dma_start3A_83 = arith.constant 0 : i32
        %dma_start3A_84 = arith.constant 0 : i32
        %dma_start3A_85 = tpu.memref_slice %arg11[%dma_start3A_83, %dma_start3A_84] : memref<128x128xf32, #tpu.memory_space<vmem>> -> memref<120x128xf32, #tpu.memory_space<vmem>>
        %dma_start3A_86 = arith.constant 0 : i32
        %dma_start3A_87 = tpu.memref_slice %arg13[%add3A_74, %dma_start3A_86] : memref<10112x128xf32, #tpu.memory_space<vmem_shared>> -> memref<120x128xf32, #tpu.memory_space<vmem_shared>>
        tpu.enqueue_dma source(%dma_start3A_87 : memref<120x128xf32, #tpu.memory_space<vmem_shared>>) target(%dma_start3A_85 : memref<120x128xf32, #tpu.memory_space<vmem>>) target_semaphore(%run_scoped3A : memref<!tpu.dma_semaphore, #tpu.memory_space<semaphore_mem>>)
        %dma_wait3A = arith.constant 0 : i32
        %dma_wait3A_88 = arith.constant 0 : i32
        %dma_wait3A_89 = tpu.memref_slice %arg11[%dma_wait3A, %dma_wait3A_88] : memref<128x128xf32, #tpu.memory_space<vmem>> -> memref<120x128xf32, #tpu.memory_space<vmem>>
        %dma_wait3A_90 = arith.constant 0 : i32
        %dma_wait3A_91 = tpu.memref_slice %arg13[%add3A_74, %dma_wait3A_90] : memref<10112x128xf32, #tpu.memory_space<vmem_shared>> -> memref<120x128xf32, #tpu.memory_space<vmem_shared>>
        %dma_wait3A_92 = arith.constant 0 : i32
        %dma_wait3A_93 = arith.constant 0 : i32
        %dma_wait3A_94 = tpu.memref_slice %arg11[%dma_wait3A_92, %dma_wait3A_93] : memref<128x128xf32, #tpu.memory_space<vmem>> -> memref<120x128xf32, #tpu.memory_space<vmem>>
        %dma_wait3A_95 = arith.constant 0 : i32
        %dma_wait3A_96 = tpu.memref_slice %arg13[%add3A_74, %dma_wait3A_95] : memref<10112x128xf32, #tpu.memory_space<vmem_shared>> -> memref<120x128xf32, #tpu.memory_space<vmem_shared>>
        tpu.wait_dma2 semaphore(%run_scoped3A : memref<!tpu.dma_semaphore, #tpu.memory_space<semaphore_mem>>) src(%dma_wait3A_96 : memref<120x128xf32, #tpu.memory_space<vmem_shared>>) dst(%dma_wait3A_94 : memref<120x128xf32, #tpu.memory_space<vmem>>)
        tpu.yield
      }) : () -> ()
      %mul3A_75 = arith.constant 632 : i32
      %mul3A_76 = arith.muli %arg1, %mul3A_75 : i32
      %add3A_77 = arith.constant 512 : i32
      %add3A_78 = arith.addi %mul3A_76, %add3A_77 : i32
      "tpu.region"() ({
        %run_scoped3A = tpu.sem_alloc : memref<!tpu.dma_semaphore, #tpu.memory_space<semaphore_mem>>
        %dma_start3A = arith.constant 0 : i32
        %dma_start3A_79 = arith.constant 0 : i32
        %dma_start3A_80 = tpu.memref_slice %arg11[%dma_start3A, %dma_start3A_79] : memref<128x128xf32, #tpu.memory_space<vmem>> -> memref<120x128xf32, #tpu.memory_space<vmem>>
        %dma_start3A_81 = arith.constant 0 : i32
        %dma_start3A_82 = tpu.memref_slice %arg6[%scan3A_26, %arg0, %add3A_78, %dma_start3A_81] : memref<16x2x10112x128xf32, #tpu.memory_space<hbm>> -> memref<1x1x120x128xf32, #tpu.memory_space<hbm>>
        %dma_start3A_83 = tpu.memref_squeeze %dma_start3A_82 : memref<1x1x120x128xf32, #tpu.memory_space<hbm>> -> memref<120x128xf32, #tpu.memory_space<hbm>>
        %dma_start3A_84 = arith.constant 0 : i32
        %dma_start3A_85 = tpu.memref_slice %arg6[%scan3A_26, %arg0, %add3A_78, %dma_start3A_84] : memref<16x2x10112x128xf32, #tpu.memory_space<hbm>> -> memref<1x1x120x128xf32, #tpu.memory_space<hbm>>
        %dma_start3A_86 = tpu.memref_squeeze %dma_start3A_85 : memref<1x1x120x128xf32, #tpu.memory_space<hbm>> -> memref<120x128xf32, #tpu.memory_space<hbm>>
        %dma_start3A_87 = arith.constant 0 : i32
        %dma_start3A_88 = arith.constant 0 : i32
        %dma_start3A_89 = tpu.memref_slice %arg11[%dma_start3A_87, %dma_start3A_88] : memref<128x128xf32, #tpu.memory_space<vmem>> -> memref<120x128xf32, #tpu.memory_space<vmem>>
        tpu.enqueue_dma source(%dma_start3A_89 : memref<120x128xf32, #tpu.memory_space<vmem>>) target(%dma_start3A_86 : memref<120x128xf32, #tpu.memory_space<hbm>>) target_semaphore(%run_scoped3A : memref<!tpu.dma_semaphore, #tpu.memory_space<semaphore_mem>>)
        %dma_wait3A = arith.constant 0 : i32
        %dma_wait3A_90 = arith.constant 0 : i32
        %dma_wait3A_91 = tpu.memref_slice %arg11[%dma_wait3A, %dma_wait3A_90] : memref<128x128xf32, #tpu.memory_space<vmem>> -> memref<120x128xf32, #tpu.memory_space<vmem>>
        %dma_wait3A_92 = arith.constant 0 : i32
        %dma_wait3A_93 = tpu.memref_slice %arg6[%scan3A_26, %arg0, %add3A_78, %dma_wait3A_92] : memref<16x2x10112x128xf32, #tpu.memory_space<hbm>> -> memref<1x1x120x128xf32, #tpu.memory_space<hbm>>
        %dma_wait3A_94 = tpu.memref_squeeze %dma_wait3A_93 : memref<1x1x120x128xf32, #tpu.memory_space<hbm>> -> memref<120x128xf32, #tpu.memory_space<hbm>>
        %dma_wait3A_95 = arith.constant 0 : i32
        %dma_wait3A_96 = tpu.memref_slice %arg6[%scan3A_26, %arg0, %add3A_78, %dma_wait3A_95] : memref<16x2x10112x128xf32, #tpu.memory_space<hbm>> -> memref<1x1x120x128xf32, #tpu.memory_space<hbm>>
        %dma_wait3A_97 = tpu.memref_squeeze %dma_wait3A_96 : memref<1x1x120x128xf32, #tpu.memory_space<hbm>> -> memref<120x128xf32, #tpu.memory_space<hbm>>
        %dma_wait3A_98 = arith.constant 0 : i32
        %dma_wait3A_99 = arith.constant 0 : i32
        %dma_wait3A_100 = tpu.memref_slice %arg11[%dma_wait3A_98, %dma_wait3A_99] : memref<128x128xf32, #tpu.memory_space<vmem>> -> memref<120x128xf32, #tpu.memory_space<vmem>>
        tpu.wait_dma2 semaphore(%run_scoped3A : memref<!tpu.dma_semaphore, #tpu.memory_space<semaphore_mem>>) src(%dma_wait3A_100 : memref<120x128xf32, #tpu.memory_space<vmem>>) dst(%dma_wait3A_97 : memref<120x128xf32, #tpu.memory_space<hbm>>)
        tpu.yield
      }) : () -> ()
    }
    %scan3A_25 = arith.constant 16 : i32
    return
  }
}

#map = affine_map<(d0, d1) -> (0, 0)>
#map1 = affine_map<(d0, d1) -> (0)>
#map2 = affine_map<(d0, d1) -> (0, 0, 0, 0)>
module attributes {stable_mosaic.version = 14 : i64} {
  func.func @_sc_agg_body(%arg0: i32, %arg1: i32, %arg2: memref<161792x128xf32, #tpu.memory_space<hbm>>, %arg3: memref<2621440xi32, #tpu.memory_space<hbm>>, %arg4: memref<2621440xi32, #tpu.memory_space<hbm>>, %arg5: memref<128x128xf32, #tpu.memory_space<hbm>>, %arg6: memref<16x2x10112x128xf32, #tpu.memory_space<hbm>>, %arg7: memref<128xi32, #tpu.memory_space<vmem>>, %arg8: memref<128xi32, #tpu.memory_space<vmem>>, %arg9: memref<128xi32, #tpu.memory_space<vmem>>, %arg10: memref<128xi32, #tpu.memory_space<vmem>>, %arg11: memref<128x128xf32, #tpu.memory_space<vmem>>, %arg12: memref<128x128xf32, #tpu.memory_space<vmem>>, %arg13: memref<10112x128xf32, #tpu.memory_space<vmem_shared>>, %arg14: memref<!tpu.dma_semaphore, #tpu.memory_space<semaphore_mem>>, %arg15: memref<!tpu.dma_semaphore, #tpu.memory_space<semaphore_mem>>, %arg16: memref<!tpu.dma_semaphore, #tpu.memory_space<semaphore_mem>>, %arg17: memref<!tpu.dma_semaphore, #tpu.memory_space<semaphore_mem>>, %arg18: memref<!tpu.dma_semaphore, #tpu.memory_space<semaphore_mem>>, %arg19: memref<!tpu.dma_semaphore, #tpu.memory_space<semaphore_mem>>) attributes {dimension_semantics = [#tpu.dimension_semantics<core_parallel>, #tpu.dimension_semantics<subcore_parallel>], iteration_bounds = array<i64: 2, 16>, scalar_prefetch = 0 : i64, scratch_operands = 13 : i64, tpu.core_type = #tpu.core_type<sc_vector_subcore>, window_params = [{transform_indices = #map}, {transform_indices = #map1}, {transform_indices = #map1}, {transform_indices = #map}, {transform_indices = #map2}]} {
    %mul3A = arith.constant 2 : i32
    %mul3A_0 = arith.muli %arg1, %mul3A : i32
    %add3A = arith.addi %mul3A_0, %arg0 : i32
    "tpu.region"() ({
      %run_scoped3A = tpu.sem_alloc : memref<!tpu.dma_semaphore, #tpu.memory_space<semaphore_mem>>
      tpu.enqueue_dma source(%arg5 : memref<128x128xf32, #tpu.memory_space<hbm>>) target(%arg11 : memref<128x128xf32, #tpu.memory_space<vmem>>) target_semaphore(%run_scoped3A : memref<!tpu.dma_semaphore, #tpu.memory_space<semaphore_mem>>)
      tpu.wait_dma2 semaphore(%run_scoped3A : memref<!tpu.dma_semaphore, #tpu.memory_space<semaphore_mem>>) src(%arg5 : memref<128x128xf32, #tpu.memory_space<hbm>>) dst(%arg11 : memref<128x128xf32, #tpu.memory_space<vmem>>)
      tpu.yield
    }) : () -> ()
    %mul3A_1 = arith.constant 632 : i32
    %mul3A_2 = arith.muli %arg1, %mul3A_1 : i32
    %add3A_3 = arith.constant 0 : i32
    %add3A_4 = arith.addi %mul3A_2, %add3A_3 : i32
    "tpu.region"() ({
      %run_scoped3A = tpu.sem_alloc : memref<!tpu.dma_semaphore, #tpu.memory_space<semaphore_mem>>
      %dma_start3A = arith.constant 0 : i32
      %dma_start3A_26 = arith.constant 0 : i32
      %dma_start3A_27 = tpu.memref_slice %arg11[%dma_start3A, %dma_start3A_26] : memref<128x128xf32, #tpu.memory_space<vmem>> -> memref<128x128xf32, #tpu.memory_space<vmem>>
      %dma_start3A_28 = arith.constant 0 : i32
      %dma_start3A_29 = tpu.memref_slice %arg13[%add3A_4, %dma_start3A_28] : memref<10112x128xf32, #tpu.memory_space<vmem_shared>> -> memref<128x128xf32, #tpu.memory_space<vmem_shared>>
      %dma_start3A_30 = arith.constant 0 : i32
      %dma_start3A_31 = tpu.memref_slice %arg13[%add3A_4, %dma_start3A_30] : memref<10112x128xf32, #tpu.memory_space<vmem_shared>> -> memref<128x128xf32, #tpu.memory_space<vmem_shared>>
      %dma_start3A_32 = arith.constant 0 : i32
      %dma_start3A_33 = arith.constant 0 : i32
      %dma_start3A_34 = tpu.memref_slice %arg11[%dma_start3A_32, %dma_start3A_33] : memref<128x128xf32, #tpu.memory_space<vmem>> -> memref<128x128xf32, #tpu.memory_space<vmem>>
      tpu.enqueue_dma source(%dma_start3A_34 : memref<128x128xf32, #tpu.memory_space<vmem>>) target(%dma_start3A_31 : memref<128x128xf32, #tpu.memory_space<vmem_shared>>) target_semaphore(%run_scoped3A : memref<!tpu.dma_semaphore, #tpu.memory_space<semaphore_mem>>)
      %dma_wait3A = arith.constant 0 : i32
      %dma_wait3A_35 = arith.constant 0 : i32
      %dma_wait3A_36 = tpu.memref_slice %arg11[%dma_wait3A, %dma_wait3A_35] : memref<128x128xf32, #tpu.memory_space<vmem>> -> memref<128x128xf32, #tpu.memory_space<vmem>>
      %dma_wait3A_37 = arith.constant 0 : i32
      %dma_wait3A_38 = tpu.memref_slice %arg13[%add3A_4, %dma_wait3A_37] : memref<10112x128xf32, #tpu.memory_space<vmem_shared>> -> memref<128x128xf32, #tpu.memory_space<vmem_shared>>
      %dma_wait3A_39 = arith.constant 0 : i32
      %dma_wait3A_40 = tpu.memref_slice %arg13[%add3A_4, %dma_wait3A_39] : memref<10112x128xf32, #tpu.memory_space<vmem_shared>> -> memref<128x128xf32, #tpu.memory_space<vmem_shared>>
      %dma_wait3A_41 = arith.constant 0 : i32
      %dma_wait3A_42 = arith.constant 0 : i32
      %dma_wait3A_43 = tpu.memref_slice %arg11[%dma_wait3A_41, %dma_wait3A_42] : memref<128x128xf32, #tpu.memory_space<vmem>> -> memref<128x128xf32, #tpu.memory_space<vmem>>
      tpu.wait_dma2 semaphore(%run_scoped3A : memref<!tpu.dma_semaphore, #tpu.memory_space<semaphore_mem>>) src(%dma_wait3A_43 : memref<128x128xf32, #tpu.memory_space<vmem>>) dst(%dma_wait3A_40 : memref<128x128xf32, #tpu.memory_space<vmem_shared>>)
      tpu.yield
    }) : () -> ()
    %mul3A_5 = arith.constant 632 : i32
    %mul3A_6 = arith.muli %arg1, %mul3A_5 : i32
    %add3A_7 = arith.constant 128 : i32
    %add3A_8 = arith.addi %mul3A_6, %add3A_7 : i32
    "tpu.region"() ({
      %run_scoped3A = tpu.sem_alloc : memref<!tpu.dma_semaphore, #tpu.memory_space<semaphore_mem>>
      %dma_start3A = arith.constant 0 : i32
      %dma_start3A_26 = arith.constant 0 : i32
      %dma_start3A_27 = tpu.memref_slice %arg11[%dma_start3A, %dma_start3A_26] : memref<128x128xf32, #tpu.memory_space<vmem>> -> memref<128x128xf32, #tpu.memory_space<vmem>>
      %dma_start3A_28 = arith.constant 0 : i32
      %dma_start3A_29 = tpu.memref_slice %arg13[%add3A_8, %dma_start3A_28] : memref<10112x128xf32, #tpu.memory_space<vmem_shared>> -> memref<128x128xf32, #tpu.memory_space<vmem_shared>>
      %dma_start3A_30 = arith.constant 0 : i32
      %dma_start3A_31 = tpu.memref_slice %arg13[%add3A_8, %dma_start3A_30] : memref<10112x128xf32, #tpu.memory_space<vmem_shared>> -> memref<128x128xf32, #tpu.memory_space<vmem_shared>>
      %dma_start3A_32 = arith.constant 0 : i32
      %dma_start3A_33 = arith.constant 0 : i32
      %dma_start3A_34 = tpu.memref_slice %arg11[%dma_start3A_32, %dma_start3A_33] : memref<128x128xf32, #tpu.memory_space<vmem>> -> memref<128x128xf32, #tpu.memory_space<vmem>>
      tpu.enqueue_dma source(%dma_start3A_34 : memref<128x128xf32, #tpu.memory_space<vmem>>) target(%dma_start3A_31 : memref<128x128xf32, #tpu.memory_space<vmem_shared>>) target_semaphore(%run_scoped3A : memref<!tpu.dma_semaphore, #tpu.memory_space<semaphore_mem>>)
      %dma_wait3A = arith.constant 0 : i32
      %dma_wait3A_35 = arith.constant 0 : i32
      %dma_wait3A_36 = tpu.memref_slice %arg11[%dma_wait3A, %dma_wait3A_35] : memref<128x128xf32, #tpu.memory_space<vmem>> -> memref<128x128xf32, #tpu.memory_space<vmem>>
      %dma_wait3A_37 = arith.constant 0 : i32
      %dma_wait3A_38 = tpu.memref_slice %arg13[%add3A_8, %dma_wait3A_37] : memref<10112x128xf32, #tpu.memory_space<vmem_shared>> -> memref<128x128xf32, #tpu.memory_space<vmem_shared>>
      %dma_wait3A_39 = arith.constant 0 : i32
      %dma_wait3A_40 = tpu.memref_slice %arg13[%add3A_8, %dma_wait3A_39] : memref<10112x128xf32, #tpu.memory_space<vmem_shared>> -> memref<128x128xf32, #tpu.memory_space<vmem_shared>>
      %dma_wait3A_41 = arith.constant 0 : i32
      %dma_wait3A_42 = arith.constant 0 : i32
      %dma_wait3A_43 = tpu.memref_slice %arg11[%dma_wait3A_41, %dma_wait3A_42] : memref<128x128xf32, #tpu.memory_space<vmem>> -> memref<128x128xf32, #tpu.memory_space<vmem>>
      tpu.wait_dma2 semaphore(%run_scoped3A : memref<!tpu.dma_semaphore, #tpu.memory_space<semaphore_mem>>) src(%dma_wait3A_43 : memref<128x128xf32, #tpu.memory_space<vmem>>) dst(%dma_wait3A_40 : memref<128x128xf32, #tpu.memory_space<vmem_shared>>)
      tpu.yield
    }) : () -> ()
    %mul3A_9 = arith.constant 632 : i32
    %mul3A_10 = arith.muli %arg1, %mul3A_9 : i32
    %add3A_11 = arith.constant 256 : i32
    %add3A_12 = arith.addi %mul3A_10, %add3A_11 : i32
    "tpu.region"() ({
      %run_scoped3A = tpu.sem_alloc : memref<!tpu.dma_semaphore, #tpu.memory_space<semaphore_mem>>
      %dma_start3A = arith.constant 0 : i32
      %dma_start3A_26 = arith.constant 0 : i32
      %dma_start3A_27 = tpu.memref_slice %arg11[%dma_start3A, %dma_start3A_26] : memref<128x128xf32, #tpu.memory_space<vmem>> -> memref<128x128xf32, #tpu.memory_space<vmem>>
      %dma_start3A_28 = arith.constant 0 : i32
      %dma_start3A_29 = tpu.memref_slice %arg13[%add3A_12, %dma_start3A_28] : memref<10112x128xf32, #tpu.memory_space<vmem_shared>> -> memref<128x128xf32, #tpu.memory_space<vmem_shared>>
      %dma_start3A_30 = arith.constant 0 : i32
      %dma_start3A_31 = tpu.memref_slice %arg13[%add3A_12, %dma_start3A_30] : memref<10112x128xf32, #tpu.memory_space<vmem_shared>> -> memref<128x128xf32, #tpu.memory_space<vmem_shared>>
      %dma_start3A_32 = arith.constant 0 : i32
      %dma_start3A_33 = arith.constant 0 : i32
      %dma_start3A_34 = tpu.memref_slice %arg11[%dma_start3A_32, %dma_start3A_33] : memref<128x128xf32, #tpu.memory_space<vmem>> -> memref<128x128xf32, #tpu.memory_space<vmem>>
      tpu.enqueue_dma source(%dma_start3A_34 : memref<128x128xf32, #tpu.memory_space<vmem>>) target(%dma_start3A_31 : memref<128x128xf32, #tpu.memory_space<vmem_shared>>) target_semaphore(%run_scoped3A : memref<!tpu.dma_semaphore, #tpu.memory_space<semaphore_mem>>)
      %dma_wait3A = arith.constant 0 : i32
      %dma_wait3A_35 = arith.constant 0 : i32
      %dma_wait3A_36 = tpu.memref_slice %arg11[%dma_wait3A, %dma_wait3A_35] : memref<128x128xf32, #tpu.memory_space<vmem>> -> memref<128x128xf32, #tpu.memory_space<vmem>>
      %dma_wait3A_37 = arith.constant 0 : i32
      %dma_wait3A_38 = tpu.memref_slice %arg13[%add3A_12, %dma_wait3A_37] : memref<10112x128xf32, #tpu.memory_space<vmem_shared>> -> memref<128x128xf32, #tpu.memory_space<vmem_shared>>
      %dma_wait3A_39 = arith.constant 0 : i32
      %dma_wait3A_40 = tpu.memref_slice %arg13[%add3A_12, %dma_wait3A_39] : memref<10112x128xf32, #tpu.memory_space<vmem_shared>> -> memref<128x128xf32, #tpu.memory_space<vmem_shared>>
      %dma_wait3A_41 = arith.constant 0 : i32
      %dma_wait3A_42 = arith.constant 0 : i32
      %dma_wait3A_43 = tpu.memref_slice %arg11[%dma_wait3A_41, %dma_wait3A_42] : memref<128x128xf32, #tpu.memory_space<vmem>> -> memref<128x128xf32, #tpu.memory_space<vmem>>
      tpu.wait_dma2 semaphore(%run_scoped3A : memref<!tpu.dma_semaphore, #tpu.memory_space<semaphore_mem>>) src(%dma_wait3A_43 : memref<128x128xf32, #tpu.memory_space<vmem>>) dst(%dma_wait3A_40 : memref<128x128xf32, #tpu.memory_space<vmem_shared>>)
      tpu.yield
    }) : () -> ()
    %mul3A_13 = arith.constant 632 : i32
    %mul3A_14 = arith.muli %arg1, %mul3A_13 : i32
    %add3A_15 = arith.constant 384 : i32
    %add3A_16 = arith.addi %mul3A_14, %add3A_15 : i32
    "tpu.region"() ({
      %run_scoped3A = tpu.sem_alloc : memref<!tpu.dma_semaphore, #tpu.memory_space<semaphore_mem>>
      %dma_start3A = arith.constant 0 : i32
      %dma_start3A_26 = arith.constant 0 : i32
      %dma_start3A_27 = tpu.memref_slice %arg11[%dma_start3A, %dma_start3A_26] : memref<128x128xf32, #tpu.memory_space<vmem>> -> memref<128x128xf32, #tpu.memory_space<vmem>>
      %dma_start3A_28 = arith.constant 0 : i32
      %dma_start3A_29 = tpu.memref_slice %arg13[%add3A_16, %dma_start3A_28] : memref<10112x128xf32, #tpu.memory_space<vmem_shared>> -> memref<128x128xf32, #tpu.memory_space<vmem_shared>>
      %dma_start3A_30 = arith.constant 0 : i32
      %dma_start3A_31 = tpu.memref_slice %arg13[%add3A_16, %dma_start3A_30] : memref<10112x128xf32, #tpu.memory_space<vmem_shared>> -> memref<128x128xf32, #tpu.memory_space<vmem_shared>>
      %dma_start3A_32 = arith.constant 0 : i32
      %dma_start3A_33 = arith.constant 0 : i32
      %dma_start3A_34 = tpu.memref_slice %arg11[%dma_start3A_32, %dma_start3A_33] : memref<128x128xf32, #tpu.memory_space<vmem>> -> memref<128x128xf32, #tpu.memory_space<vmem>>
      tpu.enqueue_dma source(%dma_start3A_34 : memref<128x128xf32, #tpu.memory_space<vmem>>) target(%dma_start3A_31 : memref<128x128xf32, #tpu.memory_space<vmem_shared>>) target_semaphore(%run_scoped3A : memref<!tpu.dma_semaphore, #tpu.memory_space<semaphore_mem>>)
      %dma_wait3A = arith.constant 0 : i32
      %dma_wait3A_35 = arith.constant 0 : i32
      %dma_wait3A_36 = tpu.memref_slice %arg11[%dma_wait3A, %dma_wait3A_35] : memref<128x128xf32, #tpu.memory_space<vmem>> -> memref<128x128xf32, #tpu.memory_space<vmem>>
      %dma_wait3A_37 = arith.constant 0 : i32
      %dma_wait3A_38 = tpu.memref_slice %arg13[%add3A_16, %dma_wait3A_37] : memref<10112x128xf32, #tpu.memory_space<vmem_shared>> -> memref<128x128xf32, #tpu.memory_space<vmem_shared>>
      %dma_wait3A_39 = arith.constant 0 : i32
      %dma_wait3A_40 = tpu.memref_slice %arg13[%add3A_16, %dma_wait3A_39] : memref<10112x128xf32, #tpu.memory_space<vmem_shared>> -> memref<128x128xf32, #tpu.memory_space<vmem_shared>>
      %dma_wait3A_41 = arith.constant 0 : i32
      %dma_wait3A_42 = arith.constant 0 : i32
      %dma_wait3A_43 = tpu.memref_slice %arg11[%dma_wait3A_41, %dma_wait3A_42] : memref<128x128xf32, #tpu.memory_space<vmem>> -> memref<128x128xf32, #tpu.memory_space<vmem>>
      tpu.wait_dma2 semaphore(%run_scoped3A : memref<!tpu.dma_semaphore, #tpu.memory_space<semaphore_mem>>) src(%dma_wait3A_43 : memref<128x128xf32, #tpu.memory_space<vmem>>) dst(%dma_wait3A_40 : memref<128x128xf32, #tpu.memory_space<vmem_shared>>)
      tpu.yield
    }) : () -> ()
    %mul3A_17 = arith.constant 632 : i32
    %mul3A_18 = arith.muli %arg1, %mul3A_17 : i32
    %add3A_19 = arith.constant 512 : i32
    %add3A_20 = arith.addi %mul3A_18, %add3A_19 : i32
    "tpu.region"() ({
      %run_scoped3A = tpu.sem_alloc : memref<!tpu.dma_semaphore, #tpu.memory_space<semaphore_mem>>
      %dma_start3A = arith.constant 0 : i32
      %dma_start3A_26 = arith.constant 0 : i32
      %dma_start3A_27 = tpu.memref_slice %arg11[%dma_start3A, %dma_start3A_26] : memref<128x128xf32, #tpu.memory_space<vmem>> -> memref<120x128xf32, #tpu.memory_space<vmem>>
      %dma_start3A_28 = arith.constant 0 : i32
      %dma_start3A_29 = tpu.memref_slice %arg13[%add3A_20, %dma_start3A_28] : memref<10112x128xf32, #tpu.memory_space<vmem_shared>> -> memref<120x128xf32, #tpu.memory_space<vmem_shared>>
      %dma_start3A_30 = arith.constant 0 : i32
      %dma_start3A_31 = tpu.memref_slice %arg13[%add3A_20, %dma_start3A_30] : memref<10112x128xf32, #tpu.memory_space<vmem_shared>> -> memref<120x128xf32, #tpu.memory_space<vmem_shared>>
      %dma_start3A_32 = arith.constant 0 : i32
      %dma_start3A_33 = arith.constant 0 : i32
      %dma_start3A_34 = tpu.memref_slice %arg11[%dma_start3A_32, %dma_start3A_33] : memref<128x128xf32, #tpu.memory_space<vmem>> -> memref<120x128xf32, #tpu.memory_space<vmem>>
      tpu.enqueue_dma source(%dma_start3A_34 : memref<120x128xf32, #tpu.memory_space<vmem>>) target(%dma_start3A_31 : memref<120x128xf32, #tpu.memory_space<vmem_shared>>) target_semaphore(%run_scoped3A : memref<!tpu.dma_semaphore, #tpu.memory_space<semaphore_mem>>)
      %dma_wait3A = arith.constant 0 : i32
      %dma_wait3A_35 = arith.constant 0 : i32
      %dma_wait3A_36 = tpu.memref_slice %arg11[%dma_wait3A, %dma_wait3A_35] : memref<128x128xf32, #tpu.memory_space<vmem>> -> memref<120x128xf32, #tpu.memory_space<vmem>>
      %dma_wait3A_37 = arith.constant 0 : i32
      %dma_wait3A_38 = tpu.memref_slice %arg13[%add3A_20, %dma_wait3A_37] : memref<10112x128xf32, #tpu.memory_space<vmem_shared>> -> memref<120x128xf32, #tpu.memory_space<vmem_shared>>
      %dma_wait3A_39 = arith.constant 0 : i32
      %dma_wait3A_40 = tpu.memref_slice %arg13[%add3A_20, %dma_wait3A_39] : memref<10112x128xf32, #tpu.memory_space<vmem_shared>> -> memref<120x128xf32, #tpu.memory_space<vmem_shared>>
      %dma_wait3A_41 = arith.constant 0 : i32
      %dma_wait3A_42 = arith.constant 0 : i32
      %dma_wait3A_43 = tpu.memref_slice %arg11[%dma_wait3A_41, %dma_wait3A_42] : memref<128x128xf32, #tpu.memory_space<vmem>> -> memref<120x128xf32, #tpu.memory_space<vmem>>
      tpu.wait_dma2 semaphore(%run_scoped3A : memref<!tpu.dma_semaphore, #tpu.memory_space<semaphore_mem>>) src(%dma_wait3A_43 : memref<120x128xf32, #tpu.memory_space<vmem>>) dst(%dma_wait3A_40 : memref<120x128xf32, #tpu.memory_space<vmem_shared>>)
      tpu.yield
    }) : () -> ()
    %scan3A = arith.constant 0 : i32
    %scan3A_21 = arith.constant 0 : i32
    %scan3A_22 = arith.constant 16 : i32
    %scan3A_23 = arith.addi %scan3A_21, %scan3A_22 : i32
    %scan3A_24 = arith.constant 1 : i32
    scf.for %scan3A_26 = %scan3A_21 to %scan3A_23 step %scan3A_24  : i32 {
      %barrier3A = arith.constant 0 : index
      tpu.barrier barrier_id(%barrier3A)
      %mul3A_27 = arith.constant 32 : i32
      %mul3A_28 = arith.muli %scan3A_26, %mul3A_27 : i32
      %add3A_29 = arith.addi %mul3A_28, %add3A : i32
      %mul3A_30 = arith.constant 5120 : i32
      %mul3A_31 = arith.muli %add3A_29, %mul3A_30 : i32
      %scan3A_32 = arith.constant 0 : i32
      %scan3A_33 = arith.constant 0 : i32
      %scan3A_34 = arith.constant 20 : i32
      %scan3A_35 = arith.addi %scan3A_33, %scan3A_34 : i32
      %scan3A_36 = arith.constant 1 : i32
      scf.for %scan3A_79 = %scan3A_33 to %scan3A_35 step %scan3A_36  : i32 {
        %mul3A_80 = arith.constant 2 : i32
        %mul3A_81 = arith.muli %mul3A_80, %scan3A_79 : i32
        %mul3A_82 = arith.constant 128 : i32
        %mul3A_83 = arith.muli %mul3A_81, %mul3A_82 : i32
        %add3A_84 = arith.addi %mul3A_31, %mul3A_83 : i32
        %add3A_85 = arith.constant 128 : i32
        %add3A_86 = arith.addi %add3A_84, %add3A_85 : i32
        %dma_start3A = tpu.memref_slice %arg3[%add3A_84] : memref<2621440xi32, #tpu.memory_space<hbm>> -> memref<128xi32, #tpu.memory_space<hbm>>
        %dma_start3A_87 = tpu.memref_slice %arg3[%add3A_84] : memref<2621440xi32, #tpu.memory_space<hbm>> -> memref<128xi32, #tpu.memory_space<hbm>>
        tpu.enqueue_dma source(%dma_start3A_87 : memref<128xi32, #tpu.memory_space<hbm>>) target(%arg7 : memref<128xi32, #tpu.memory_space<vmem>>) target_semaphore(%arg14 : memref<!tpu.dma_semaphore, #tpu.memory_space<semaphore_mem>>)
        %dma_start3A_88 = tpu.memref_slice %arg4[%add3A_84] : memref<2621440xi32, #tpu.memory_space<hbm>> -> memref<128xi32, #tpu.memory_space<hbm>>
        %dma_start3A_89 = tpu.memref_slice %arg4[%add3A_84] : memref<2621440xi32, #tpu.memory_space<hbm>> -> memref<128xi32, #tpu.memory_space<hbm>>
        tpu.enqueue_dma source(%dma_start3A_89 : memref<128xi32, #tpu.memory_space<hbm>>) target(%arg8 : memref<128xi32, #tpu.memory_space<vmem>>) target_semaphore(%arg14 : memref<!tpu.dma_semaphore, #tpu.memory_space<semaphore_mem>>)
        %dma_start3A_90 = tpu.memref_slice %arg3[%add3A_86] : memref<2621440xi32, #tpu.memory_space<hbm>> -> memref<128xi32, #tpu.memory_space<hbm>>
        %dma_start3A_91 = tpu.memref_slice %arg3[%add3A_86] : memref<2621440xi32, #tpu.memory_space<hbm>> -> memref<128xi32, #tpu.memory_space<hbm>>
        tpu.enqueue_dma source(%dma_start3A_91 : memref<128xi32, #tpu.memory_space<hbm>>) target(%arg9 : memref<128xi32, #tpu.memory_space<vmem>>) target_semaphore(%arg15 : memref<!tpu.dma_semaphore, #tpu.memory_space<semaphore_mem>>)
        %dma_start3A_92 = tpu.memref_slice %arg4[%add3A_86] : memref<2621440xi32, #tpu.memory_space<hbm>> -> memref<128xi32, #tpu.memory_space<hbm>>
        %dma_start3A_93 = tpu.memref_slice %arg4[%add3A_86] : memref<2621440xi32, #tpu.memory_space<hbm>> -> memref<128xi32, #tpu.memory_space<hbm>>
        tpu.enqueue_dma source(%dma_start3A_93 : memref<128xi32, #tpu.memory_space<hbm>>) target(%arg10 : memref<128xi32, #tpu.memory_space<vmem>>) target_semaphore(%arg15 : memref<!tpu.dma_semaphore, #tpu.memory_space<semaphore_mem>>)
        %dma_wait3A = tpu.memref_slice %arg3[%add3A_84] : memref<2621440xi32, #tpu.memory_space<hbm>> -> memref<128xi32, #tpu.memory_space<hbm>>
        %dma_wait3A_94 = tpu.memref_slice %arg3[%add3A_84] : memref<2621440xi32, #tpu.memory_space<hbm>> -> memref<128xi32, #tpu.memory_space<hbm>>
        tpu.wait_dma2 semaphore(%arg14 : memref<!tpu.dma_semaphore, #tpu.memory_space<semaphore_mem>>) src(%dma_wait3A_94 : memref<128xi32, #tpu.memory_space<hbm>>) dst(%arg7 : memref<128xi32, #tpu.memory_space<vmem>>)
        %dma_wait3A_95 = tpu.memref_slice %arg4[%add3A_84] : memref<2621440xi32, #tpu.memory_space<hbm>> -> memref<128xi32, #tpu.memory_space<hbm>>
        %dma_wait3A_96 = tpu.memref_slice %arg4[%add3A_84] : memref<2621440xi32, #tpu.memory_space<hbm>> -> memref<128xi32, #tpu.memory_space<hbm>>
        tpu.wait_dma2 semaphore(%arg14 : memref<!tpu.dma_semaphore, #tpu.memory_space<semaphore_mem>>) src(%dma_wait3A_96 : memref<128xi32, #tpu.memory_space<hbm>>) dst(%arg8 : memref<128xi32, #tpu.memory_space<vmem>>)
        %dma_start3A_97 = arith.constant 0 : i32
        %dma_start3A_98 = arith.constant 0 : i32
        %dma_start3A_99 = tpu.memref_slice %arg2[%dma_start3A_97, %dma_start3A_98] : memref<161792x128xf32, #tpu.memory_space<hbm>> -> memref<161792x128xf32, #tpu.memory_space<hbm>>
        tpu.enqueue_indirect_dma source(%dma_start3A_99 : memref<161792x128xf32, #tpu.memory_space<hbm>>) target(%arg11 : memref<128x128xf32, #tpu.memory_space<vmem>>) offsets(%arg7 : memref<128xi32, #tpu.memory_space<vmem>>) semaphore(%arg16 : memref<!tpu.dma_semaphore, #tpu.memory_space<semaphore_mem>>)
        %dma_wait3A_100 = tpu.memref_slice %arg3[%add3A_86] : memref<2621440xi32, #tpu.memory_space<hbm>> -> memref<128xi32, #tpu.memory_space<hbm>>
        %dma_wait3A_101 = tpu.memref_slice %arg3[%add3A_86] : memref<2621440xi32, #tpu.memory_space<hbm>> -> memref<128xi32, #tpu.memory_space<hbm>>
        tpu.wait_dma2 semaphore(%arg15 : memref<!tpu.dma_semaphore, #tpu.memory_space<semaphore_mem>>) src(%dma_wait3A_101 : memref<128xi32, #tpu.memory_space<hbm>>) dst(%arg9 : memref<128xi32, #tpu.memory_space<vmem>>)
        %dma_wait3A_102 = tpu.memref_slice %arg4[%add3A_86] : memref<2621440xi32, #tpu.memory_space<hbm>> -> memref<128xi32, #tpu.memory_space<hbm>>
        %dma_wait3A_103 = tpu.memref_slice %arg4[%add3A_86] : memref<2621440xi32, #tpu.memory_space<hbm>> -> memref<128xi32, #tpu.memory_space<hbm>>
        tpu.wait_dma2 semaphore(%arg15 : memref<!tpu.dma_semaphore, #tpu.memory_space<semaphore_mem>>) src(%dma_wait3A_103 : memref<128xi32, #tpu.memory_space<hbm>>) dst(%arg10 : memref<128xi32, #tpu.memory_space<vmem>>)
        %dma_start3A_104 = arith.constant 0 : i32
        %dma_start3A_105 = arith.constant 0 : i32
        %dma_start3A_106 = tpu.memref_slice %arg2[%dma_start3A_104, %dma_start3A_105] : memref<161792x128xf32, #tpu.memory_space<hbm>> -> memref<161792x128xf32, #tpu.memory_space<hbm>>
        tpu.enqueue_indirect_dma source(%dma_start3A_106 : memref<161792x128xf32, #tpu.memory_space<hbm>>) target(%arg12 : memref<128x128xf32, #tpu.memory_space<vmem>>) offsets(%arg9 : memref<128xi32, #tpu.memory_space<vmem>>) semaphore(%arg17 : memref<!tpu.dma_semaphore, #tpu.memory_space<semaphore_mem>>)
        %dma_wait3A_107 = arith.constant 0 : i32
        %dma_wait3A_108 = arith.constant 0 : i32
        %dma_wait3A_109 = tpu.memref_slice %arg2[%dma_wait3A_107, %dma_wait3A_108] : memref<161792x128xf32, #tpu.memory_space<hbm>> -> memref<161792x128xf32, #tpu.memory_space<hbm>>
        tpu.wait_indirect_dma semaphore(%arg16 : memref<!tpu.dma_semaphore, #tpu.memory_space<semaphore_mem>>) src(%dma_wait3A_109 : memref<161792x128xf32, #tpu.memory_space<hbm>>) dst(%arg11 : memref<128x128xf32, #tpu.memory_space<vmem>>)
        %dma_start3A_110 = arith.constant 0 : i32
        %dma_start3A_111 = arith.constant 0 : i32
        %dma_start3A_112 = tpu.memref_slice %arg13[%dma_start3A_110, %dma_start3A_111] : memref<10112x128xf32, #tpu.memory_space<vmem_shared>> -> memref<10112x128xf32, #tpu.memory_space<vmem_shared>>
        tpu.enqueue_indirect_dma source(%arg11 : memref<128x128xf32, #tpu.memory_space<vmem>>) target(%dma_start3A_112 : memref<10112x128xf32, #tpu.memory_space<vmem_shared>>) offsets(%arg8 : memref<128xi32, #tpu.memory_space<vmem>>) semaphore(%arg18 : memref<!tpu.dma_semaphore, #tpu.memory_space<semaphore_mem>>) {add = true}
        %dma_wait3A_113 = arith.constant 0 : i32
        %dma_wait3A_114 = arith.constant 0 : i32
        %dma_wait3A_115 = tpu.memref_slice %arg2[%dma_wait3A_113, %dma_wait3A_114] : memref<161792x128xf32, #tpu.memory_space<hbm>> -> memref<161792x128xf32, #tpu.memory_space<hbm>>
        tpu.wait_indirect_dma semaphore(%arg17 : memref<!tpu.dma_semaphore, #tpu.memory_space<semaphore_mem>>) src(%dma_wait3A_115 : memref<161792x128xf32, #tpu.memory_space<hbm>>) dst(%arg12 : memref<128x128xf32, #tpu.memory_space<vmem>>)
        %dma_start3A_116 = arith.constant 0 : i32
        %dma_start3A_117 = arith.constant 0 : i32
        %dma_start3A_118 = tpu.memref_slice %arg13[%dma_start3A_116, %dma_start3A_117] : memref<10112x128xf32, #tpu.memory_space<vmem_shared>> -> memref<10112x128xf32, #tpu.memory_space<vmem_shared>>
        tpu.enqueue_indirect_dma source(%arg12 : memref<128x128xf32, #tpu.memory_space<vmem>>) target(%dma_start3A_118 : memref<10112x128xf32, #tpu.memory_space<vmem_shared>>) offsets(%arg10 : memref<128xi32, #tpu.memory_space<vmem>>) semaphore(%arg19 : memref<!tpu.dma_semaphore, #tpu.memory_space<semaphore_mem>>) {add = true}
        %dma_wait3A_119 = arith.constant 0 : i32
        %dma_wait3A_120 = arith.constant 0 : i32
        %dma_wait3A_121 = tpu.memref_slice %arg13[%dma_wait3A_119, %dma_wait3A_120] : memref<10112x128xf32, #tpu.memory_space<vmem_shared>> -> memref<10112x128xf32, #tpu.memory_space<vmem_shared>>
        tpu.wait_indirect_dma semaphore(%arg18 : memref<!tpu.dma_semaphore, #tpu.memory_space<semaphore_mem>>) src(%arg11 : memref<128x128xf32, #tpu.memory_space<vmem>>) dst(%dma_wait3A_121 : memref<10112x128xf32, #tpu.memory_space<vmem_shared>>)
        %dma_wait3A_122 = arith.constant 0 : i32
        %dma_wait3A_123 = arith.constant 0 : i32
        %dma_wait3A_124 = tpu.memref_slice %arg13[%dma_wait3A_122, %dma_wait3A_123] : memref<10112x128xf32, #tpu.memory_space<vmem_shared>> -> memref<10112x128xf32, #tpu.memory_space<vmem_shared>>
        tpu.wait_indirect_dma semaphore(%arg19 : memref<!tpu.dma_semaphore, #tpu.memory_space<semaphore_mem>>) src(%arg12 : memref<128x128xf32, #tpu.memory_space<vmem>>) dst(%dma_wait3A_124 : memref<10112x128xf32, #tpu.memory_space<vmem_shared>>)
      }
      %scan3A_37 = arith.constant 20 : i32
      %barrier3A_38 = arith.constant 0 : index
      tpu.barrier barrier_id(%barrier3A_38)
      %mul3A_39 = arith.constant 632 : i32
      %mul3A_40 = arith.muli %arg1, %mul3A_39 : i32
      %add3A_41 = arith.constant 0 : i32
      %add3A_42 = arith.addi %mul3A_40, %add3A_41 : i32
      "tpu.region"() ({
        %run_scoped3A = tpu.sem_alloc : memref<!tpu.dma_semaphore, #tpu.memory_space<semaphore_mem>>
        %dma_start3A = arith.constant 0 : i32
        %dma_start3A_79 = arith.constant 0 : i32
        %dma_start3A_80 = tpu.memref_slice %arg11[%dma_start3A, %dma_start3A_79] : memref<128x128xf32, #tpu.memory_space<vmem>> -> memref<128x128xf32, #tpu.memory_space<vmem>>
        %dma_start3A_81 = arith.constant 0 : i32
        %dma_start3A_82 = tpu.memref_slice %arg13[%add3A_42, %dma_start3A_81] : memref<10112x128xf32, #tpu.memory_space<vmem_shared>> -> memref<128x128xf32, #tpu.memory_space<vmem_shared>>
        %dma_start3A_83 = arith.constant 0 : i32
        %dma_start3A_84 = arith.constant 0 : i32
        %dma_start3A_85 = tpu.memref_slice %arg11[%dma_start3A_83, %dma_start3A_84] : memref<128x128xf32, #tpu.memory_space<vmem>> -> memref<128x128xf32, #tpu.memory_space<vmem>>
        %dma_start3A_86 = arith.constant 0 : i32
        %dma_start3A_87 = tpu.memref_slice %arg13[%add3A_42, %dma_start3A_86] : memref<10112x128xf32, #tpu.memory_space<vmem_shared>> -> memref<128x128xf32, #tpu.memory_space<vmem_shared>>
        tpu.enqueue_dma source(%dma_start3A_87 : memref<128x128xf32, #tpu.memory_space<vmem_shared>>) target(%dma_start3A_85 : memref<128x128xf32, #tpu.memory_space<vmem>>) target_semaphore(%run_scoped3A : memref<!tpu.dma_semaphore, #tpu.memory_space<semaphore_mem>>)
        %dma_wait3A = arith.constant 0 : i32
        %dma_wait3A_88 = arith.constant 0 : i32
        %dma_wait3A_89 = tpu.memref_slice %arg11[%dma_wait3A, %dma_wait3A_88] : memref<128x128xf32, #tpu.memory_space<vmem>> -> memref<128x128xf32, #tpu.memory_space<vmem>>
        %dma_wait3A_90 = arith.constant 0 : i32
        %dma_wait3A_91 = tpu.memref_slice %arg13[%add3A_42, %dma_wait3A_90] : memref<10112x128xf32, #tpu.memory_space<vmem_shared>> -> memref<128x128xf32, #tpu.memory_space<vmem_shared>>
        %dma_wait3A_92 = arith.constant 0 : i32
        %dma_wait3A_93 = arith.constant 0 : i32
        %dma_wait3A_94 = tpu.memref_slice %arg11[%dma_wait3A_92, %dma_wait3A_93] : memref<128x128xf32, #tpu.memory_space<vmem>> -> memref<128x128xf32, #tpu.memory_space<vmem>>
        %dma_wait3A_95 = arith.constant 0 : i32
        %dma_wait3A_96 = tpu.memref_slice %arg13[%add3A_42, %dma_wait3A_95] : memref<10112x128xf32, #tpu.memory_space<vmem_shared>> -> memref<128x128xf32, #tpu.memory_space<vmem_shared>>
        tpu.wait_dma2 semaphore(%run_scoped3A : memref<!tpu.dma_semaphore, #tpu.memory_space<semaphore_mem>>) src(%dma_wait3A_96 : memref<128x128xf32, #tpu.memory_space<vmem_shared>>) dst(%dma_wait3A_94 : memref<128x128xf32, #tpu.memory_space<vmem>>)
        tpu.yield
      }) : () -> ()
      %mul3A_43 = arith.constant 632 : i32
      %mul3A_44 = arith.muli %arg1, %mul3A_43 : i32
      %add3A_45 = arith.constant 0 : i32
      %add3A_46 = arith.addi %mul3A_44, %add3A_45 : i32
      "tpu.region"() ({
        %run_scoped3A = tpu.sem_alloc : memref<!tpu.dma_semaphore, #tpu.memory_space<semaphore_mem>>
        %dma_start3A = arith.constant 0 : i32
        %dma_start3A_79 = arith.constant 0 : i32
        %dma_start3A_80 = tpu.memref_slice %arg11[%dma_start3A, %dma_start3A_79] : memref<128x128xf32, #tpu.memory_space<vmem>> -> memref<128x128xf32, #tpu.memory_space<vmem>>
        %dma_start3A_81 = arith.constant 0 : i32
        %dma_start3A_82 = tpu.memref_slice %arg6[%scan3A_26, %arg0, %add3A_46, %dma_start3A_81] : memref<16x2x10112x128xf32, #tpu.memory_space<hbm>> -> memref<1x1x128x128xf32, #tpu.memory_space<hbm>>
        %dma_start3A_83 = tpu.memref_squeeze %dma_start3A_82 : memref<1x1x128x128xf32, #tpu.memory_space<hbm>> -> memref<128x128xf32, #tpu.memory_space<hbm>>
        %dma_start3A_84 = arith.constant 0 : i32
        %dma_start3A_85 = tpu.memref_slice %arg6[%scan3A_26, %arg0, %add3A_46, %dma_start3A_84] : memref<16x2x10112x128xf32, #tpu.memory_space<hbm>> -> memref<1x1x128x128xf32, #tpu.memory_space<hbm>>
        %dma_start3A_86 = tpu.memref_squeeze %dma_start3A_85 : memref<1x1x128x128xf32, #tpu.memory_space<hbm>> -> memref<128x128xf32, #tpu.memory_space<hbm>>
        %dma_start3A_87 = arith.constant 0 : i32
        %dma_start3A_88 = arith.constant 0 : i32
        %dma_start3A_89 = tpu.memref_slice %arg11[%dma_start3A_87, %dma_start3A_88] : memref<128x128xf32, #tpu.memory_space<vmem>> -> memref<128x128xf32, #tpu.memory_space<vmem>>
        tpu.enqueue_dma source(%dma_start3A_89 : memref<128x128xf32, #tpu.memory_space<vmem>>) target(%dma_start3A_86 : memref<128x128xf32, #tpu.memory_space<hbm>>) target_semaphore(%run_scoped3A : memref<!tpu.dma_semaphore, #tpu.memory_space<semaphore_mem>>)
        %dma_wait3A = arith.constant 0 : i32
        %dma_wait3A_90 = arith.constant 0 : i32
        %dma_wait3A_91 = tpu.memref_slice %arg11[%dma_wait3A, %dma_wait3A_90] : memref<128x128xf32, #tpu.memory_space<vmem>> -> memref<128x128xf32, #tpu.memory_space<vmem>>
        %dma_wait3A_92 = arith.constant 0 : i32
        %dma_wait3A_93 = tpu.memref_slice %arg6[%scan3A_26, %arg0, %add3A_46, %dma_wait3A_92] : memref<16x2x10112x128xf32, #tpu.memory_space<hbm>> -> memref<1x1x128x128xf32, #tpu.memory_space<hbm>>
        %dma_wait3A_94 = tpu.memref_squeeze %dma_wait3A_93 : memref<1x1x128x128xf32, #tpu.memory_space<hbm>> -> memref<128x128xf32, #tpu.memory_space<hbm>>
        %dma_wait3A_95 = arith.constant 0 : i32
        %dma_wait3A_96 = tpu.memref_slice %arg6[%scan3A_26, %arg0, %add3A_46, %dma_wait3A_95] : memref<16x2x10112x128xf32, #tpu.memory_space<hbm>> -> memref<1x1x128x128xf32, #tpu.memory_space<hbm>>
        %dma_wait3A_97 = tpu.memref_squeeze %dma_wait3A_96 : memref<1x1x128x128xf32, #tpu.memory_space<hbm>> -> memref<128x128xf32, #tpu.memory_space<hbm>>
        %dma_wait3A_98 = arith.constant 0 : i32
        %dma_wait3A_99 = arith.constant 0 : i32
        %dma_wait3A_100 = tpu.memref_slice %arg11[%dma_wait3A_98, %dma_wait3A_99] : memref<128x128xf32, #tpu.memory_space<vmem>> -> memref<128x128xf32, #tpu.memory_space<vmem>>
        tpu.wait_dma2 semaphore(%run_scoped3A : memref<!tpu.dma_semaphore, #tpu.memory_space<semaphore_mem>>) src(%dma_wait3A_100 : memref<128x128xf32, #tpu.memory_space<vmem>>) dst(%dma_wait3A_97 : memref<128x128xf32, #tpu.memory_space<hbm>>)
        tpu.yield
      }) : () -> ()
      %mul3A_47 = arith.constant 632 : i32
      %mul3A_48 = arith.muli %arg1, %mul3A_47 : i32
      %add3A_49 = arith.constant 128 : i32
      %add3A_50 = arith.addi %mul3A_48, %add3A_49 : i32
      "tpu.region"() ({
        %run_scoped3A = tpu.sem_alloc : memref<!tpu.dma_semaphore, #tpu.memory_space<semaphore_mem>>
        %dma_start3A = arith.constant 0 : i32
        %dma_start3A_79 = arith.constant 0 : i32
        %dma_start3A_80 = tpu.memref_slice %arg11[%dma_start3A, %dma_start3A_79] : memref<128x128xf32, #tpu.memory_space<vmem>> -> memref<128x128xf32, #tpu.memory_space<vmem>>
        %dma_start3A_81 = arith.constant 0 : i32
        %dma_start3A_82 = tpu.memref_slice %arg13[%add3A_50, %dma_start3A_81] : memref<10112x128xf32, #tpu.memory_space<vmem_shared>> -> memref<128x128xf32, #tpu.memory_space<vmem_shared>>
        %dma_start3A_83 = arith.constant 0 : i32
        %dma_start3A_84 = arith.constant 0 : i32
        %dma_start3A_85 = tpu.memref_slice %arg11[%dma_start3A_83, %dma_start3A_84] : memref<128x128xf32, #tpu.memory_space<vmem>> -> memref<128x128xf32, #tpu.memory_space<vmem>>
        %dma_start3A_86 = arith.constant 0 : i32
        %dma_start3A_87 = tpu.memref_slice %arg13[%add3A_50, %dma_start3A_86] : memref<10112x128xf32, #tpu.memory_space<vmem_shared>> -> memref<128x128xf32, #tpu.memory_space<vmem_shared>>
        tpu.enqueue_dma source(%dma_start3A_87 : memref<128x128xf32, #tpu.memory_space<vmem_shared>>) target(%dma_start3A_85 : memref<128x128xf32, #tpu.memory_space<vmem>>) target_semaphore(%run_scoped3A : memref<!tpu.dma_semaphore, #tpu.memory_space<semaphore_mem>>)
        %dma_wait3A = arith.constant 0 : i32
        %dma_wait3A_88 = arith.constant 0 : i32
        %dma_wait3A_89 = tpu.memref_slice %arg11[%dma_wait3A, %dma_wait3A_88] : memref<128x128xf32, #tpu.memory_space<vmem>> -> memref<128x128xf32, #tpu.memory_space<vmem>>
        %dma_wait3A_90 = arith.constant 0 : i32
        %dma_wait3A_91 = tpu.memref_slice %arg13[%add3A_50, %dma_wait3A_90] : memref<10112x128xf32, #tpu.memory_space<vmem_shared>> -> memref<128x128xf32, #tpu.memory_space<vmem_shared>>
        %dma_wait3A_92 = arith.constant 0 : i32
        %dma_wait3A_93 = arith.constant 0 : i32
        %dma_wait3A_94 = tpu.memref_slice %arg11[%dma_wait3A_92, %dma_wait3A_93] : memref<128x128xf32, #tpu.memory_space<vmem>> -> memref<128x128xf32, #tpu.memory_space<vmem>>
        %dma_wait3A_95 = arith.constant 0 : i32
        %dma_wait3A_96 = tpu.memref_slice %arg13[%add3A_50, %dma_wait3A_95] : memref<10112x128xf32, #tpu.memory_space<vmem_shared>> -> memref<128x128xf32, #tpu.memory_space<vmem_shared>>
        tpu.wait_dma2 semaphore(%run_scoped3A : memref<!tpu.dma_semaphore, #tpu.memory_space<semaphore_mem>>) src(%dma_wait3A_96 : memref<128x128xf32, #tpu.memory_space<vmem_shared>>) dst(%dma_wait3A_94 : memref<128x128xf32, #tpu.memory_space<vmem>>)
        tpu.yield
      }) : () -> ()
      %mul3A_51 = arith.constant 632 : i32
      %mul3A_52 = arith.muli %arg1, %mul3A_51 : i32
      %add3A_53 = arith.constant 128 : i32
      %add3A_54 = arith.addi %mul3A_52, %add3A_53 : i32
      "tpu.region"() ({
        %run_scoped3A = tpu.sem_alloc : memref<!tpu.dma_semaphore, #tpu.memory_space<semaphore_mem>>
        %dma_start3A = arith.constant 0 : i32
        %dma_start3A_79 = arith.constant 0 : i32
        %dma_start3A_80 = tpu.memref_slice %arg11[%dma_start3A, %dma_start3A_79] : memref<128x128xf32, #tpu.memory_space<vmem>> -> memref<128x128xf32, #tpu.memory_space<vmem>>
        %dma_start3A_81 = arith.constant 0 : i32
        %dma_start3A_82 = tpu.memref_slice %arg6[%scan3A_26, %arg0, %add3A_54, %dma_start3A_81] : memref<16x2x10112x128xf32, #tpu.memory_space<hbm>> -> memref<1x1x128x128xf32, #tpu.memory_space<hbm>>
        %dma_start3A_83 = tpu.memref_squeeze %dma_start3A_82 : memref<1x1x128x128xf32, #tpu.memory_space<hbm>> -> memref<128x128xf32, #tpu.memory_space<hbm>>
        %dma_start3A_84 = arith.constant 0 : i32
        %dma_start3A_85 = tpu.memref_slice %arg6[%scan3A_26, %arg0, %add3A_54, %dma_start3A_84] : memref<16x2x10112x128xf32, #tpu.memory_space<hbm>> -> memref<1x1x128x128xf32, #tpu.memory_space<hbm>>
        %dma_start3A_86 = tpu.memref_squeeze %dma_start3A_85 : memref<1x1x128x128xf32, #tpu.memory_space<hbm>> -> memref<128x128xf32, #tpu.memory_space<hbm>>
        %dma_start3A_87 = arith.constant 0 : i32
        %dma_start3A_88 = arith.constant 0 : i32
        %dma_start3A_89 = tpu.memref_slice %arg11[%dma_start3A_87, %dma_start3A_88] : memref<128x128xf32, #tpu.memory_space<vmem>> -> memref<128x128xf32, #tpu.memory_space<vmem>>
        tpu.enqueue_dma source(%dma_start3A_89 : memref<128x128xf32, #tpu.memory_space<vmem>>) target(%dma_start3A_86 : memref<128x128xf32, #tpu.memory_space<hbm>>) target_semaphore(%run_scoped3A : memref<!tpu.dma_semaphore, #tpu.memory_space<semaphore_mem>>)
        %dma_wait3A = arith.constant 0 : i32
        %dma_wait3A_90 = arith.constant 0 : i32
        %dma_wait3A_91 = tpu.memref_slice %arg11[%dma_wait3A, %dma_wait3A_90] : memref<128x128xf32, #tpu.memory_space<vmem>> -> memref<128x128xf32, #tpu.memory_space<vmem>>
        %dma_wait3A_92 = arith.constant 0 : i32
        %dma_wait3A_93 = tpu.memref_slice %arg6[%scan3A_26, %arg0, %add3A_54, %dma_wait3A_92] : memref<16x2x10112x128xf32, #tpu.memory_space<hbm>> -> memref<1x1x128x128xf32, #tpu.memory_space<hbm>>
        %dma_wait3A_94 = tpu.memref_squeeze %dma_wait3A_93 : memref<1x1x128x128xf32, #tpu.memory_space<hbm>> -> memref<128x128xf32, #tpu.memory_space<hbm>>
        %dma_wait3A_95 = arith.constant 0 : i32
        %dma_wait3A_96 = tpu.memref_slice %arg6[%scan3A_26, %arg0, %add3A_54, %dma_wait3A_95] : memref<16x2x10112x128xf32, #tpu.memory_space<hbm>> -> memref<1x1x128x128xf32, #tpu.memory_space<hbm>>
        %dma_wait3A_97 = tpu.memref_squeeze %dma_wait3A_96 : memref<1x1x128x128xf32, #tpu.memory_space<hbm>> -> memref<128x128xf32, #tpu.memory_space<hbm>>
        %dma_wait3A_98 = arith.constant 0 : i32
        %dma_wait3A_99 = arith.constant 0 : i32
        %dma_wait3A_100 = tpu.memref_slice %arg11[%dma_wait3A_98, %dma_wait3A_99] : memref<128x128xf32, #tpu.memory_space<vmem>> -> memref<128x128xf32, #tpu.memory_space<vmem>>
        tpu.wait_dma2 semaphore(%run_scoped3A : memref<!tpu.dma_semaphore, #tpu.memory_space<semaphore_mem>>) src(%dma_wait3A_100 : memref<128x128xf32, #tpu.memory_space<vmem>>) dst(%dma_wait3A_97 : memref<128x128xf32, #tpu.memory_space<hbm>>)
        tpu.yield
      }) : () -> ()
      %mul3A_55 = arith.constant 632 : i32
      %mul3A_56 = arith.muli %arg1, %mul3A_55 : i32
      %add3A_57 = arith.constant 256 : i32
      %add3A_58 = arith.addi %mul3A_56, %add3A_57 : i32
      "tpu.region"() ({
        %run_scoped3A = tpu.sem_alloc : memref<!tpu.dma_semaphore, #tpu.memory_space<semaphore_mem>>
        %dma_start3A = arith.constant 0 : i32
        %dma_start3A_79 = arith.constant 0 : i32
        %dma_start3A_80 = tpu.memref_slice %arg11[%dma_start3A, %dma_start3A_79] : memref<128x128xf32, #tpu.memory_space<vmem>> -> memref<128x128xf32, #tpu.memory_space<vmem>>
        %dma_start3A_81 = arith.constant 0 : i32
        %dma_start3A_82 = tpu.memref_slice %arg13[%add3A_58, %dma_start3A_81] : memref<10112x128xf32, #tpu.memory_space<vmem_shared>> -> memref<128x128xf32, #tpu.memory_space<vmem_shared>>
        %dma_start3A_83 = arith.constant 0 : i32
        %dma_start3A_84 = arith.constant 0 : i32
        %dma_start3A_85 = tpu.memref_slice %arg11[%dma_start3A_83, %dma_start3A_84] : memref<128x128xf32, #tpu.memory_space<vmem>> -> memref<128x128xf32, #tpu.memory_space<vmem>>
        %dma_start3A_86 = arith.constant 0 : i32
        %dma_start3A_87 = tpu.memref_slice %arg13[%add3A_58, %dma_start3A_86] : memref<10112x128xf32, #tpu.memory_space<vmem_shared>> -> memref<128x128xf32, #tpu.memory_space<vmem_shared>>
        tpu.enqueue_dma source(%dma_start3A_87 : memref<128x128xf32, #tpu.memory_space<vmem_shared>>) target(%dma_start3A_85 : memref<128x128xf32, #tpu.memory_space<vmem>>) target_semaphore(%run_scoped3A : memref<!tpu.dma_semaphore, #tpu.memory_space<semaphore_mem>>)
        %dma_wait3A = arith.constant 0 : i32
        %dma_wait3A_88 = arith.constant 0 : i32
        %dma_wait3A_89 = tpu.memref_slice %arg11[%dma_wait3A, %dma_wait3A_88] : memref<128x128xf32, #tpu.memory_space<vmem>> -> memref<128x128xf32, #tpu.memory_space<vmem>>
        %dma_wait3A_90 = arith.constant 0 : i32
        %dma_wait3A_91 = tpu.memref_slice %arg13[%add3A_58, %dma_wait3A_90] : memref<10112x128xf32, #tpu.memory_space<vmem_shared>> -> memref<128x128xf32, #tpu.memory_space<vmem_shared>>
        %dma_wait3A_92 = arith.constant 0 : i32
        %dma_wait3A_93 = arith.constant 0 : i32
        %dma_wait3A_94 = tpu.memref_slice %arg11[%dma_wait3A_92, %dma_wait3A_93] : memref<128x128xf32, #tpu.memory_space<vmem>> -> memref<128x128xf32, #tpu.memory_space<vmem>>
        %dma_wait3A_95 = arith.constant 0 : i32
        %dma_wait3A_96 = tpu.memref_slice %arg13[%add3A_58, %dma_wait3A_95] : memref<10112x128xf32, #tpu.memory_space<vmem_shared>> -> memref<128x128xf32, #tpu.memory_space<vmem_shared>>
        tpu.wait_dma2 semaphore(%run_scoped3A : memref<!tpu.dma_semaphore, #tpu.memory_space<semaphore_mem>>) src(%dma_wait3A_96 : memref<128x128xf32, #tpu.memory_space<vmem_shared>>) dst(%dma_wait3A_94 : memref<128x128xf32, #tpu.memory_space<vmem>>)
        tpu.yield
      }) : () -> ()
      %mul3A_59 = arith.constant 632 : i32
      %mul3A_60 = arith.muli %arg1, %mul3A_59 : i32
      %add3A_61 = arith.constant 256 : i32
      %add3A_62 = arith.addi %mul3A_60, %add3A_61 : i32
      "tpu.region"() ({
        %run_scoped3A = tpu.sem_alloc : memref<!tpu.dma_semaphore, #tpu.memory_space<semaphore_mem>>
        %dma_start3A = arith.constant 0 : i32
        %dma_start3A_79 = arith.constant 0 : i32
        %dma_start3A_80 = tpu.memref_slice %arg11[%dma_start3A, %dma_start3A_79] : memref<128x128xf32, #tpu.memory_space<vmem>> -> memref<128x128xf32, #tpu.memory_space<vmem>>
        %dma_start3A_81 = arith.constant 0 : i32
        %dma_start3A_82 = tpu.memref_slice %arg6[%scan3A_26, %arg0, %add3A_62, %dma_start3A_81] : memref<16x2x10112x128xf32, #tpu.memory_space<hbm>> -> memref<1x1x128x128xf32, #tpu.memory_space<hbm>>
        %dma_start3A_83 = tpu.memref_squeeze %dma_start3A_82 : memref<1x1x128x128xf32, #tpu.memory_space<hbm>> -> memref<128x128xf32, #tpu.memory_space<hbm>>
        %dma_start3A_84 = arith.constant 0 : i32
        %dma_start3A_85 = tpu.memref_slice %arg6[%scan3A_26, %arg0, %add3A_62, %dma_start3A_84] : memref<16x2x10112x128xf32, #tpu.memory_space<hbm>> -> memref<1x1x128x128xf32, #tpu.memory_space<hbm>>
        %dma_start3A_86 = tpu.memref_squeeze %dma_start3A_85 : memref<1x1x128x128xf32, #tpu.memory_space<hbm>> -> memref<128x128xf32, #tpu.memory_space<hbm>>
        %dma_start3A_87 = arith.constant 0 : i32
        %dma_start3A_88 = arith.constant 0 : i32
        %dma_start3A_89 = tpu.memref_slice %arg11[%dma_start3A_87, %dma_start3A_88] : memref<128x128xf32, #tpu.memory_space<vmem>> -> memref<128x128xf32, #tpu.memory_space<vmem>>
        tpu.enqueue_dma source(%dma_start3A_89 : memref<128x128xf32, #tpu.memory_space<vmem>>) target(%dma_start3A_86 : memref<128x128xf32, #tpu.memory_space<hbm>>) target_semaphore(%run_scoped3A : memref<!tpu.dma_semaphore, #tpu.memory_space<semaphore_mem>>)
        %dma_wait3A = arith.constant 0 : i32
        %dma_wait3A_90 = arith.constant 0 : i32
        %dma_wait3A_91 = tpu.memref_slice %arg11[%dma_wait3A, %dma_wait3A_90] : memref<128x128xf32, #tpu.memory_space<vmem>> -> memref<128x128xf32, #tpu.memory_space<vmem>>
        %dma_wait3A_92 = arith.constant 0 : i32
        %dma_wait3A_93 = tpu.memref_slice %arg6[%scan3A_26, %arg0, %add3A_62, %dma_wait3A_92] : memref<16x2x10112x128xf32, #tpu.memory_space<hbm>> -> memref<1x1x128x128xf32, #tpu.memory_space<hbm>>
        %dma_wait3A_94 = tpu.memref_squeeze %dma_wait3A_93 : memref<1x1x128x128xf32, #tpu.memory_space<hbm>> -> memref<128x128xf32, #tpu.memory_space<hbm>>
        %dma_wait3A_95 = arith.constant 0 : i32
        %dma_wait3A_96 = tpu.memref_slice %arg6[%scan3A_26, %arg0, %add3A_62, %dma_wait3A_95] : memref<16x2x10112x128xf32, #tpu.memory_space<hbm>> -> memref<1x1x128x128xf32, #tpu.memory_space<hbm>>
        %dma_wait3A_97 = tpu.memref_squeeze %dma_wait3A_96 : memref<1x1x128x128xf32, #tpu.memory_space<hbm>> -> memref<128x128xf32, #tpu.memory_space<hbm>>
        %dma_wait3A_98 = arith.constant 0 : i32
        %dma_wait3A_99 = arith.constant 0 : i32
        %dma_wait3A_100 = tpu.memref_slice %arg11[%dma_wait3A_98, %dma_wait3A_99] : memref<128x128xf32, #tpu.memory_space<vmem>> -> memref<128x128xf32, #tpu.memory_space<vmem>>
        tpu.wait_dma2 semaphore(%run_scoped3A : memref<!tpu.dma_semaphore, #tpu.memory_space<semaphore_mem>>) src(%dma_wait3A_100 : memref<128x128xf32, #tpu.memory_space<vmem>>) dst(%dma_wait3A_97 : memref<128x128xf32, #tpu.memory_space<hbm>>)
        tpu.yield
      }) : () -> ()
      %mul3A_63 = arith.constant 632 : i32
      %mul3A_64 = arith.muli %arg1, %mul3A_63 : i32
      %add3A_65 = arith.constant 384 : i32
      %add3A_66 = arith.addi %mul3A_64, %add3A_65 : i32
      "tpu.region"() ({
        %run_scoped3A = tpu.sem_alloc : memref<!tpu.dma_semaphore, #tpu.memory_space<semaphore_mem>>
        %dma_start3A = arith.constant 0 : i32
        %dma_start3A_79 = arith.constant 0 : i32
        %dma_start3A_80 = tpu.memref_slice %arg11[%dma_start3A, %dma_start3A_79] : memref<128x128xf32, #tpu.memory_space<vmem>> -> memref<128x128xf32, #tpu.memory_space<vmem>>
        %dma_start3A_81 = arith.constant 0 : i32
        %dma_start3A_82 = tpu.memref_slice %arg13[%add3A_66, %dma_start3A_81] : memref<10112x128xf32, #tpu.memory_space<vmem_shared>> -> memref<128x128xf32, #tpu.memory_space<vmem_shared>>
        %dma_start3A_83 = arith.constant 0 : i32
        %dma_start3A_84 = arith.constant 0 : i32
        %dma_start3A_85 = tpu.memref_slice %arg11[%dma_start3A_83, %dma_start3A_84] : memref<128x128xf32, #tpu.memory_space<vmem>> -> memref<128x128xf32, #tpu.memory_space<vmem>>
        %dma_start3A_86 = arith.constant 0 : i32
        %dma_start3A_87 = tpu.memref_slice %arg13[%add3A_66, %dma_start3A_86] : memref<10112x128xf32, #tpu.memory_space<vmem_shared>> -> memref<128x128xf32, #tpu.memory_space<vmem_shared>>
        tpu.enqueue_dma source(%dma_start3A_87 : memref<128x128xf32, #tpu.memory_space<vmem_shared>>) target(%dma_start3A_85 : memref<128x128xf32, #tpu.memory_space<vmem>>) target_semaphore(%run_scoped3A : memref<!tpu.dma_semaphore, #tpu.memory_space<semaphore_mem>>)
        %dma_wait3A = arith.constant 0 : i32
        %dma_wait3A_88 = arith.constant 0 : i32
        %dma_wait3A_89 = tpu.memref_slice %arg11[%dma_wait3A, %dma_wait3A_88] : memref<128x128xf32, #tpu.memory_space<vmem>> -> memref<128x128xf32, #tpu.memory_space<vmem>>
        %dma_wait3A_90 = arith.constant 0 : i32
        %dma_wait3A_91 = tpu.memref_slice %arg13[%add3A_66, %dma_wait3A_90] : memref<10112x128xf32, #tpu.memory_space<vmem_shared>> -> memref<128x128xf32, #tpu.memory_space<vmem_shared>>
        %dma_wait3A_92 = arith.constant 0 : i32
        %dma_wait3A_93 = arith.constant 0 : i32
        %dma_wait3A_94 = tpu.memref_slice %arg11[%dma_wait3A_92, %dma_wait3A_93] : memref<128x128xf32, #tpu.memory_space<vmem>> -> memref<128x128xf32, #tpu.memory_space<vmem>>
        %dma_wait3A_95 = arith.constant 0 : i32
        %dma_wait3A_96 = tpu.memref_slice %arg13[%add3A_66, %dma_wait3A_95] : memref<10112x128xf32, #tpu.memory_space<vmem_shared>> -> memref<128x128xf32, #tpu.memory_space<vmem_shared>>
        tpu.wait_dma2 semaphore(%run_scoped3A : memref<!tpu.dma_semaphore, #tpu.memory_space<semaphore_mem>>) src(%dma_wait3A_96 : memref<128x128xf32, #tpu.memory_space<vmem_shared>>) dst(%dma_wait3A_94 : memref<128x128xf32, #tpu.memory_space<vmem>>)
        tpu.yield
      }) : () -> ()
      %mul3A_67 = arith.constant 632 : i32
      %mul3A_68 = arith.muli %arg1, %mul3A_67 : i32
      %add3A_69 = arith.constant 384 : i32
      %add3A_70 = arith.addi %mul3A_68, %add3A_69 : i32
      "tpu.region"() ({
        %run_scoped3A = tpu.sem_alloc : memref<!tpu.dma_semaphore, #tpu.memory_space<semaphore_mem>>
        %dma_start3A = arith.constant 0 : i32
        %dma_start3A_79 = arith.constant 0 : i32
        %dma_start3A_80 = tpu.memref_slice %arg11[%dma_start3A, %dma_start3A_79] : memref<128x128xf32, #tpu.memory_space<vmem>> -> memref<128x128xf32, #tpu.memory_space<vmem>>
        %dma_start3A_81 = arith.constant 0 : i32
        %dma_start3A_82 = tpu.memref_slice %arg6[%scan3A_26, %arg0, %add3A_70, %dma_start3A_81] : memref<16x2x10112x128xf32, #tpu.memory_space<hbm>> -> memref<1x1x128x128xf32, #tpu.memory_space<hbm>>
        %dma_start3A_83 = tpu.memref_squeeze %dma_start3A_82 : memref<1x1x128x128xf32, #tpu.memory_space<hbm>> -> memref<128x128xf32, #tpu.memory_space<hbm>>
        %dma_start3A_84 = arith.constant 0 : i32
        %dma_start3A_85 = tpu.memref_slice %arg6[%scan3A_26, %arg0, %add3A_70, %dma_start3A_84] : memref<16x2x10112x128xf32, #tpu.memory_space<hbm>> -> memref<1x1x128x128xf32, #tpu.memory_space<hbm>>
        %dma_start3A_86 = tpu.memref_squeeze %dma_start3A_85 : memref<1x1x128x128xf32, #tpu.memory_space<hbm>> -> memref<128x128xf32, #tpu.memory_space<hbm>>
        %dma_start3A_87 = arith.constant 0 : i32
        %dma_start3A_88 = arith.constant 0 : i32
        %dma_start3A_89 = tpu.memref_slice %arg11[%dma_start3A_87, %dma_start3A_88] : memref<128x128xf32, #tpu.memory_space<vmem>> -> memref<128x128xf32, #tpu.memory_space<vmem>>
        tpu.enqueue_dma source(%dma_start3A_89 : memref<128x128xf32, #tpu.memory_space<vmem>>) target(%dma_start3A_86 : memref<128x128xf32, #tpu.memory_space<hbm>>) target_semaphore(%run_scoped3A : memref<!tpu.dma_semaphore, #tpu.memory_space<semaphore_mem>>)
        %dma_wait3A = arith.constant 0 : i32
        %dma_wait3A_90 = arith.constant 0 : i32
        %dma_wait3A_91 = tpu.memref_slice %arg11[%dma_wait3A, %dma_wait3A_90] : memref<128x128xf32, #tpu.memory_space<vmem>> -> memref<128x128xf32, #tpu.memory_space<vmem>>
        %dma_wait3A_92 = arith.constant 0 : i32
        %dma_wait3A_93 = tpu.memref_slice %arg6[%scan3A_26, %arg0, %add3A_70, %dma_wait3A_92] : memref<16x2x10112x128xf32, #tpu.memory_space<hbm>> -> memref<1x1x128x128xf32, #tpu.memory_space<hbm>>
        %dma_wait3A_94 = tpu.memref_squeeze %dma_wait3A_93 : memref<1x1x128x128xf32, #tpu.memory_space<hbm>> -> memref<128x128xf32, #tpu.memory_space<hbm>>
        %dma_wait3A_95 = arith.constant 0 : i32
        %dma_wait3A_96 = tpu.memref_slice %arg6[%scan3A_26, %arg0, %add3A_70, %dma_wait3A_95] : memref<16x2x10112x128xf32, #tpu.memory_space<hbm>> -> memref<1x1x128x128xf32, #tpu.memory_space<hbm>>
        %dma_wait3A_97 = tpu.memref_squeeze %dma_wait3A_96 : memref<1x1x128x128xf32, #tpu.memory_space<hbm>> -> memref<128x128xf32, #tpu.memory_space<hbm>>
        %dma_wait3A_98 = arith.constant 0 : i32
        %dma_wait3A_99 = arith.constant 0 : i32
        %dma_wait3A_100 = tpu.memref_slice %arg11[%dma_wait3A_98, %dma_wait3A_99] : memref<128x128xf32, #tpu.memory_space<vmem>> -> memref<128x128xf32, #tpu.memory_space<vmem>>
        tpu.wait_dma2 semaphore(%run_scoped3A : memref<!tpu.dma_semaphore, #tpu.memory_space<semaphore_mem>>) src(%dma_wait3A_100 : memref<128x128xf32, #tpu.memory_space<vmem>>) dst(%dma_wait3A_97 : memref<128x128xf32, #tpu.memory_space<hbm>>)
        tpu.yield
      }) : () -> ()
      %mul3A_71 = arith.constant 632 : i32
      %mul3A_72 = arith.muli %arg1, %mul3A_71 : i32
      %add3A_73 = arith.constant 512 : i32
      %add3A_74 = arith.addi %mul3A_72, %add3A_73 : i32
      "tpu.region"() ({
        %run_scoped3A = tpu.sem_alloc : memref<!tpu.dma_semaphore, #tpu.memory_space<semaphore_mem>>
        %dma_start3A = arith.constant 0 : i32
        %dma_start3A_79 = arith.constant 0 : i32
        %dma_start3A_80 = tpu.memref_slice %arg11[%dma_start3A, %dma_start3A_79] : memref<128x128xf32, #tpu.memory_space<vmem>> -> memref<120x128xf32, #tpu.memory_space<vmem>>
        %dma_start3A_81 = arith.constant 0 : i32
        %dma_start3A_82 = tpu.memref_slice %arg13[%add3A_74, %dma_start3A_81] : memref<10112x128xf32, #tpu.memory_space<vmem_shared>> -> memref<120x128xf32, #tpu.memory_space<vmem_shared>>
        %dma_start3A_83 = arith.constant 0 : i32
        %dma_start3A_84 = arith.constant 0 : i32
        %dma_start3A_85 = tpu.memref_slice %arg11[%dma_start3A_83, %dma_start3A_84] : memref<128x128xf32, #tpu.memory_space<vmem>> -> memref<120x128xf32, #tpu.memory_space<vmem>>
        %dma_start3A_86 = arith.constant 0 : i32
        %dma_start3A_87 = tpu.memref_slice %arg13[%add3A_74, %dma_start3A_86] : memref<10112x128xf32, #tpu.memory_space<vmem_shared>> -> memref<120x128xf32, #tpu.memory_space<vmem_shared>>
        tpu.enqueue_dma source(%dma_start3A_87 : memref<120x128xf32, #tpu.memory_space<vmem_shared>>) target(%dma_start3A_85 : memref<120x128xf32, #tpu.memory_space<vmem>>) target_semaphore(%run_scoped3A : memref<!tpu.dma_semaphore, #tpu.memory_space<semaphore_mem>>)
        %dma_wait3A = arith.constant 0 : i32
        %dma_wait3A_88 = arith.constant 0 : i32
        %dma_wait3A_89 = tpu.memref_slice %arg11[%dma_wait3A, %dma_wait3A_88] : memref<128x128xf32, #tpu.memory_space<vmem>> -> memref<120x128xf32, #tpu.memory_space<vmem>>
        %dma_wait3A_90 = arith.constant 0 : i32
        %dma_wait3A_91 = tpu.memref_slice %arg13[%add3A_74, %dma_wait3A_90] : memref<10112x128xf32, #tpu.memory_space<vmem_shared>> -> memref<120x128xf32, #tpu.memory_space<vmem_shared>>
        %dma_wait3A_92 = arith.constant 0 : i32
        %dma_wait3A_93 = arith.constant 0 : i32
        %dma_wait3A_94 = tpu.memref_slice %arg11[%dma_wait3A_92, %dma_wait3A_93] : memref<128x128xf32, #tpu.memory_space<vmem>> -> memref<120x128xf32, #tpu.memory_space<vmem>>
        %dma_wait3A_95 = arith.constant 0 : i32
        %dma_wait3A_96 = tpu.memref_slice %arg13[%add3A_74, %dma_wait3A_95] : memref<10112x128xf32, #tpu.memory_space<vmem_shared>> -> memref<120x128xf32, #tpu.memory_space<vmem_shared>>
        tpu.wait_dma2 semaphore(%run_scoped3A : memref<!tpu.dma_semaphore, #tpu.memory_space<semaphore_mem>>) src(%dma_wait3A_96 : memref<120x128xf32, #tpu.memory_space<vmem_shared>>) dst(%dma_wait3A_94 : memref<120x128xf32, #tpu.memory_space<vmem>>)
        tpu.yield
      }) : () -> ()
      %mul3A_75 = arith.constant 632 : i32
      %mul3A_76 = arith.muli %arg1, %mul3A_75 : i32
      %add3A_77 = arith.constant 512 : i32
      %add3A_78 = arith.addi %mul3A_76, %add3A_77 : i32
      "tpu.region"() ({
        %run_scoped3A = tpu.sem_alloc : memref<!tpu.dma_semaphore, #tpu.memory_space<semaphore_mem>>
        %dma_start3A = arith.constant 0 : i32
        %dma_start3A_79 = arith.constant 0 : i32
        %dma_start3A_80 = tpu.memref_slice %arg11[%dma_start3A, %dma_start3A_79] : memref<128x128xf32, #tpu.memory_space<vmem>> -> memref<120x128xf32, #tpu.memory_space<vmem>>
        %dma_start3A_81 = arith.constant 0 : i32
        %dma_start3A_82 = tpu.memref_slice %arg6[%scan3A_26, %arg0, %add3A_78, %dma_start3A_81] : memref<16x2x10112x128xf32, #tpu.memory_space<hbm>> -> memref<1x1x120x128xf32, #tpu.memory_space<hbm>>
        %dma_start3A_83 = tpu.memref_squeeze %dma_start3A_82 : memref<1x1x120x128xf32, #tpu.memory_space<hbm>> -> memref<120x128xf32, #tpu.memory_space<hbm>>
        %dma_start3A_84 = arith.constant 0 : i32
        %dma_start3A_85 = tpu.memref_slice %arg6[%scan3A_26, %arg0, %add3A_78, %dma_start3A_84] : memref<16x2x10112x128xf32, #tpu.memory_space<hbm>> -> memref<1x1x120x128xf32, #tpu.memory_space<hbm>>
        %dma_start3A_86 = tpu.memref_squeeze %dma_start3A_85 : memref<1x1x120x128xf32, #tpu.memory_space<hbm>> -> memref<120x128xf32, #tpu.memory_space<hbm>>
        %dma_start3A_87 = arith.constant 0 : i32
        %dma_start3A_88 = arith.constant 0 : i32
        %dma_start3A_89 = tpu.memref_slice %arg11[%dma_start3A_87, %dma_start3A_88] : memref<128x128xf32, #tpu.memory_space<vmem>> -> memref<120x128xf32, #tpu.memory_space<vmem>>
        tpu.enqueue_dma source(%dma_start3A_89 : memref<120x128xf32, #tpu.memory_space<vmem>>) target(%dma_start3A_86 : memref<120x128xf32, #tpu.memory_space<hbm>>) target_semaphore(%run_scoped3A : memref<!tpu.dma_semaphore, #tpu.memory_space<semaphore_mem>>)
        %dma_wait3A = arith.constant 0 : i32
        %dma_wait3A_90 = arith.constant 0 : i32
        %dma_wait3A_91 = tpu.memref_slice %arg11[%dma_wait3A, %dma_wait3A_90] : memref<128x128xf32, #tpu.memory_space<vmem>> -> memref<120x128xf32, #tpu.memory_space<vmem>>
        %dma_wait3A_92 = arith.constant 0 : i32
        %dma_wait3A_93 = tpu.memref_slice %arg6[%scan3A_26, %arg0, %add3A_78, %dma_wait3A_92] : memref<16x2x10112x128xf32, #tpu.memory_space<hbm>> -> memref<1x1x120x128xf32, #tpu.memory_space<hbm>>
        %dma_wait3A_94 = tpu.memref_squeeze %dma_wait3A_93 : memref<1x1x120x128xf32, #tpu.memory_space<hbm>> -> memref<120x128xf32, #tpu.memory_space<hbm>>
        %dma_wait3A_95 = arith.constant 0 : i32
        %dma_wait3A_96 = tpu.memref_slice %arg6[%scan3A_26, %arg0, %add3A_78, %dma_wait3A_95] : memref<16x2x10112x128xf32, #tpu.memory_space<hbm>> -> memref<1x1x120x128xf32, #tpu.memory_space<hbm>>
        %dma_wait3A_97 = tpu.memref_squeeze %dma_wait3A_96 : memref<1x1x120x128xf32, #tpu.memory_space<hbm>> -> memref<120x128xf32, #tpu.memory_space<hbm>>
        %dma_wait3A_98 = arith.constant 0 : i32
        %dma_wait3A_99 = arith.constant 0 : i32
        %dma_wait3A_100 = tpu.memref_slice %arg11[%dma_wait3A_98, %dma_wait3A_99] : memref<128x128xf32, #tpu.memory_space<vmem>> -> memref<120x128xf32, #tpu.memory_space<vmem>>
        tpu.wait_dma2 semaphore(%run_scoped3A : memref<!tpu.dma_semaphore, #tpu.memory_space<semaphore_mem>>) src(%dma_wait3A_100 : memref<120x128xf32, #tpu.memory_space<vmem>>) dst(%dma_wait3A_97 : memref<120x128xf32, #tpu.memory_space<hbm>>)
        tpu.yield
      }) : () -> ()
    }
    %scan3A_25 = arith.constant 16 : i32
    return
  }
}

#map = affine_map<(d0, d1) -> (0)>
#map1 = affine_map<(d0, d1) -> (0, 0)>
#map2 = affine_map<(d0, d1) -> (0, 0, 0, 0)>
module attributes {stable_mosaic.version = 14 : i64} {
  func.func @_sc_cnt_body(%arg0: i32, %arg1: i32, %arg2: memref<2621440xi32, #tpu.memory_space<hbm>>, %arg3: memref<128x128xf32, #tpu.memory_space<hbm>>, %arg4: memref<128x128xf32, #tpu.memory_space<hbm>>, %arg5: memref<16x2x10112x128xf32, #tpu.memory_space<hbm>>, %arg6: memref<128xi32, #tpu.memory_space<vmem>>, %arg7: memref<128xi32, #tpu.memory_space<vmem>>, %arg8: memref<128x128xf32, #tpu.memory_space<vmem>>, %arg9: memref<10112x128xf32, #tpu.memory_space<vmem_shared>>, %arg10: memref<!tpu.dma_semaphore, #tpu.memory_space<semaphore_mem>>, %arg11: memref<!tpu.dma_semaphore, #tpu.memory_space<semaphore_mem>>, %arg12: memref<!tpu.dma_semaphore, #tpu.memory_space<semaphore_mem>>, %arg13: memref<!tpu.dma_semaphore, #tpu.memory_space<semaphore_mem>>) attributes {dimension_semantics = [#tpu.dimension_semantics<core_parallel>, #tpu.dimension_semantics<subcore_parallel>], iteration_bounds = array<i64: 2, 16>, scalar_prefetch = 0 : i64, scratch_operands = 8 : i64, tpu.core_type = #tpu.core_type<sc_vector_subcore>, window_params = [{transform_indices = #map}, {transform_indices = #map1}, {transform_indices = #map1}, {transform_indices = #map2}]} {
    %mul3A = arith.constant 2 : i32
    %mul3A_0 = arith.muli %arg1, %mul3A : i32
    %add3A = arith.addi %mul3A_0, %arg0 : i32
    "tpu.region"() ({
      %run_scoped3A = tpu.sem_alloc : memref<!tpu.dma_semaphore, #tpu.memory_space<semaphore_mem>>
      tpu.enqueue_dma source(%arg4 : memref<128x128xf32, #tpu.memory_space<hbm>>) target(%arg8 : memref<128x128xf32, #tpu.memory_space<vmem>>) target_semaphore(%run_scoped3A : memref<!tpu.dma_semaphore, #tpu.memory_space<semaphore_mem>>)
      tpu.wait_dma2 semaphore(%run_scoped3A : memref<!tpu.dma_semaphore, #tpu.memory_space<semaphore_mem>>) src(%arg4 : memref<128x128xf32, #tpu.memory_space<hbm>>) dst(%arg8 : memref<128x128xf32, #tpu.memory_space<vmem>>)
      tpu.yield
    }) : () -> ()
    %mul3A_1 = arith.constant 632 : i32
    %mul3A_2 = arith.muli %arg1, %mul3A_1 : i32
    %add3A_3 = arith.constant 0 : i32
    %add3A_4 = arith.addi %mul3A_2, %add3A_3 : i32
    "tpu.region"() ({
      %run_scoped3A = tpu.sem_alloc : memref<!tpu.dma_semaphore, #tpu.memory_space<semaphore_mem>>
      %dma_start3A = arith.constant 0 : i32
      %dma_start3A_26 = arith.constant 0 : i32
      %dma_start3A_27 = tpu.memref_slice %arg8[%dma_start3A, %dma_start3A_26] : memref<128x128xf32, #tpu.memory_space<vmem>> -> memref<128x128xf32, #tpu.memory_space<vmem>>
      %dma_start3A_28 = arith.constant 0 : i32
      %dma_start3A_29 = tpu.memref_slice %arg9[%add3A_4, %dma_start3A_28] : memref<10112x128xf32, #tpu.memory_space<vmem_shared>> -> memref<128x128xf32, #tpu.memory_space<vmem_shared>>
      %dma_start3A_30 = arith.constant 0 : i32
      %dma_start3A_31 = tpu.memref_slice %arg9[%add3A_4, %dma_start3A_30] : memref<10112x128xf32, #tpu.memory_space<vmem_shared>> -> memref<128x128xf32, #tpu.memory_space<vmem_shared>>
      %dma_start3A_32 = arith.constant 0 : i32
      %dma_start3A_33 = arith.constant 0 : i32
      %dma_start3A_34 = tpu.memref_slice %arg8[%dma_start3A_32, %dma_start3A_33] : memref<128x128xf32, #tpu.memory_space<vmem>> -> memref<128x128xf32, #tpu.memory_space<vmem>>
      tpu.enqueue_dma source(%dma_start3A_34 : memref<128x128xf32, #tpu.memory_space<vmem>>) target(%dma_start3A_31 : memref<128x128xf32, #tpu.memory_space<vmem_shared>>) target_semaphore(%run_scoped3A : memref<!tpu.dma_semaphore, #tpu.memory_space<semaphore_mem>>)
      %dma_wait3A = arith.constant 0 : i32
      %dma_wait3A_35 = arith.constant 0 : i32
      %dma_wait3A_36 = tpu.memref_slice %arg8[%dma_wait3A, %dma_wait3A_35] : memref<128x128xf32, #tpu.memory_space<vmem>> -> memref<128x128xf32, #tpu.memory_space<vmem>>
      %dma_wait3A_37 = arith.constant 0 : i32
      %dma_wait3A_38 = tpu.memref_slice %arg9[%add3A_4, %dma_wait3A_37] : memref<10112x128xf32, #tpu.memory_space<vmem_shared>> -> memref<128x128xf32, #tpu.memory_space<vmem_shared>>
      %dma_wait3A_39 = arith.constant 0 : i32
      %dma_wait3A_40 = tpu.memref_slice %arg9[%add3A_4, %dma_wait3A_39] : memref<10112x128xf32, #tpu.memory_space<vmem_shared>> -> memref<128x128xf32, #tpu.memory_space<vmem_shared>>
      %dma_wait3A_41 = arith.constant 0 : i32
      %dma_wait3A_42 = arith.constant 0 : i32
      %dma_wait3A_43 = tpu.memref_slice %arg8[%dma_wait3A_41, %dma_wait3A_42] : memref<128x128xf32, #tpu.memory_space<vmem>> -> memref<128x128xf32, #tpu.memory_space<vmem>>
      tpu.wait_dma2 semaphore(%run_scoped3A : memref<!tpu.dma_semaphore, #tpu.memory_space<semaphore_mem>>) src(%dma_wait3A_43 : memref<128x128xf32, #tpu.memory_space<vmem>>) dst(%dma_wait3A_40 : memref<128x128xf32, #tpu.memory_space<vmem_shared>>)
      tpu.yield
    }) : () -> ()
    %mul3A_5 = arith.constant 632 : i32
    %mul3A_6 = arith.muli %arg1, %mul3A_5 : i32
    %add3A_7 = arith.constant 128 : i32
    %add3A_8 = arith.addi %mul3A_6, %add3A_7 : i32
    "tpu.region"() ({
      %run_scoped3A = tpu.sem_alloc : memref<!tpu.dma_semaphore, #tpu.memory_space<semaphore_mem>>
      %dma_start3A = arith.constant 0 : i32
      %dma_start3A_26 = arith.constant 0 : i32
      %dma_start3A_27 = tpu.memref_slice %arg8[%dma_start3A, %dma_start3A_26] : memref<128x128xf32, #tpu.memory_space<vmem>> -> memref<128x128xf32, #tpu.memory_space<vmem>>
      %dma_start3A_28 = arith.constant 0 : i32
      %dma_start3A_29 = tpu.memref_slice %arg9[%add3A_8, %dma_start3A_28] : memref<10112x128xf32, #tpu.memory_space<vmem_shared>> -> memref<128x128xf32, #tpu.memory_space<vmem_shared>>
      %dma_start3A_30 = arith.constant 0 : i32
      %dma_start3A_31 = tpu.memref_slice %arg9[%add3A_8, %dma_start3A_30] : memref<10112x128xf32, #tpu.memory_space<vmem_shared>> -> memref<128x128xf32, #tpu.memory_space<vmem_shared>>
      %dma_start3A_32 = arith.constant 0 : i32
      %dma_start3A_33 = arith.constant 0 : i32
      %dma_start3A_34 = tpu.memref_slice %arg8[%dma_start3A_32, %dma_start3A_33] : memref<128x128xf32, #tpu.memory_space<vmem>> -> memref<128x128xf32, #tpu.memory_space<vmem>>
      tpu.enqueue_dma source(%dma_start3A_34 : memref<128x128xf32, #tpu.memory_space<vmem>>) target(%dma_start3A_31 : memref<128x128xf32, #tpu.memory_space<vmem_shared>>) target_semaphore(%run_scoped3A : memref<!tpu.dma_semaphore, #tpu.memory_space<semaphore_mem>>)
      %dma_wait3A = arith.constant 0 : i32
      %dma_wait3A_35 = arith.constant 0 : i32
      %dma_wait3A_36 = tpu.memref_slice %arg8[%dma_wait3A, %dma_wait3A_35] : memref<128x128xf32, #tpu.memory_space<vmem>> -> memref<128x128xf32, #tpu.memory_space<vmem>>
      %dma_wait3A_37 = arith.constant 0 : i32
      %dma_wait3A_38 = tpu.memref_slice %arg9[%add3A_8, %dma_wait3A_37] : memref<10112x128xf32, #tpu.memory_space<vmem_shared>> -> memref<128x128xf32, #tpu.memory_space<vmem_shared>>
      %dma_wait3A_39 = arith.constant 0 : i32
      %dma_wait3A_40 = tpu.memref_slice %arg9[%add3A_8, %dma_wait3A_39] : memref<10112x128xf32, #tpu.memory_space<vmem_shared>> -> memref<128x128xf32, #tpu.memory_space<vmem_shared>>
      %dma_wait3A_41 = arith.constant 0 : i32
      %dma_wait3A_42 = arith.constant 0 : i32
      %dma_wait3A_43 = tpu.memref_slice %arg8[%dma_wait3A_41, %dma_wait3A_42] : memref<128x128xf32, #tpu.memory_space<vmem>> -> memref<128x128xf32, #tpu.memory_space<vmem>>
      tpu.wait_dma2 semaphore(%run_scoped3A : memref<!tpu.dma_semaphore, #tpu.memory_space<semaphore_mem>>) src(%dma_wait3A_43 : memref<128x128xf32, #tpu.memory_space<vmem>>) dst(%dma_wait3A_40 : memref<128x128xf32, #tpu.memory_space<vmem_shared>>)
      tpu.yield
    }) : () -> ()
    %mul3A_9 = arith.constant 632 : i32
    %mul3A_10 = arith.muli %arg1, %mul3A_9 : i32
    %add3A_11 = arith.constant 256 : i32
    %add3A_12 = arith.addi %mul3A_10, %add3A_11 : i32
    "tpu.region"() ({
      %run_scoped3A = tpu.sem_alloc : memref<!tpu.dma_semaphore, #tpu.memory_space<semaphore_mem>>
      %dma_start3A = arith.constant 0 : i32
      %dma_start3A_26 = arith.constant 0 : i32
      %dma_start3A_27 = tpu.memref_slice %arg8[%dma_start3A, %dma_start3A_26] : memref<128x128xf32, #tpu.memory_space<vmem>> -> memref<128x128xf32, #tpu.memory_space<vmem>>
      %dma_start3A_28 = arith.constant 0 : i32
      %dma_start3A_29 = tpu.memref_slice %arg9[%add3A_12, %dma_start3A_28] : memref<10112x128xf32, #tpu.memory_space<vmem_shared>> -> memref<128x128xf32, #tpu.memory_space<vmem_shared>>
      %dma_start3A_30 = arith.constant 0 : i32
      %dma_start3A_31 = tpu.memref_slice %arg9[%add3A_12, %dma_start3A_30] : memref<10112x128xf32, #tpu.memory_space<vmem_shared>> -> memref<128x128xf32, #tpu.memory_space<vmem_shared>>
      %dma_start3A_32 = arith.constant 0 : i32
      %dma_start3A_33 = arith.constant 0 : i32
      %dma_start3A_34 = tpu.memref_slice %arg8[%dma_start3A_32, %dma_start3A_33] : memref<128x128xf32, #tpu.memory_space<vmem>> -> memref<128x128xf32, #tpu.memory_space<vmem>>
      tpu.enqueue_dma source(%dma_start3A_34 : memref<128x128xf32, #tpu.memory_space<vmem>>) target(%dma_start3A_31 : memref<128x128xf32, #tpu.memory_space<vmem_shared>>) target_semaphore(%run_scoped3A : memref<!tpu.dma_semaphore, #tpu.memory_space<semaphore_mem>>)
      %dma_wait3A = arith.constant 0 : i32
      %dma_wait3A_35 = arith.constant 0 : i32
      %dma_wait3A_36 = tpu.memref_slice %arg8[%dma_wait3A, %dma_wait3A_35] : memref<128x128xf32, #tpu.memory_space<vmem>> -> memref<128x128xf32, #tpu.memory_space<vmem>>
      %dma_wait3A_37 = arith.constant 0 : i32
      %dma_wait3A_38 = tpu.memref_slice %arg9[%add3A_12, %dma_wait3A_37] : memref<10112x128xf32, #tpu.memory_space<vmem_shared>> -> memref<128x128xf32, #tpu.memory_space<vmem_shared>>
      %dma_wait3A_39 = arith.constant 0 : i32
      %dma_wait3A_40 = tpu.memref_slice %arg9[%add3A_12, %dma_wait3A_39] : memref<10112x128xf32, #tpu.memory_space<vmem_shared>> -> memref<128x128xf32, #tpu.memory_space<vmem_shared>>
      %dma_wait3A_41 = arith.constant 0 : i32
      %dma_wait3A_42 = arith.constant 0 : i32
      %dma_wait3A_43 = tpu.memref_slice %arg8[%dma_wait3A_41, %dma_wait3A_42] : memref<128x128xf32, #tpu.memory_space<vmem>> -> memref<128x128xf32, #tpu.memory_space<vmem>>
      tpu.wait_dma2 semaphore(%run_scoped3A : memref<!tpu.dma_semaphore, #tpu.memory_space<semaphore_mem>>) src(%dma_wait3A_43 : memref<128x128xf32, #tpu.memory_space<vmem>>) dst(%dma_wait3A_40 : memref<128x128xf32, #tpu.memory_space<vmem_shared>>)
      tpu.yield
    }) : () -> ()
    %mul3A_13 = arith.constant 632 : i32
    %mul3A_14 = arith.muli %arg1, %mul3A_13 : i32
    %add3A_15 = arith.constant 384 : i32
    %add3A_16 = arith.addi %mul3A_14, %add3A_15 : i32
    "tpu.region"() ({
      %run_scoped3A = tpu.sem_alloc : memref<!tpu.dma_semaphore, #tpu.memory_space<semaphore_mem>>
      %dma_start3A = arith.constant 0 : i32
      %dma_start3A_26 = arith.constant 0 : i32
      %dma_start3A_27 = tpu.memref_slice %arg8[%dma_start3A, %dma_start3A_26] : memref<128x128xf32, #tpu.memory_space<vmem>> -> memref<128x128xf32, #tpu.memory_space<vmem>>
      %dma_start3A_28 = arith.constant 0 : i32
      %dma_start3A_29 = tpu.memref_slice %arg9[%add3A_16, %dma_start3A_28] : memref<10112x128xf32, #tpu.memory_space<vmem_shared>> -> memref<128x128xf32, #tpu.memory_space<vmem_shared>>
      %dma_start3A_30 = arith.constant 0 : i32
      %dma_start3A_31 = tpu.memref_slice %arg9[%add3A_16, %dma_start3A_30] : memref<10112x128xf32, #tpu.memory_space<vmem_shared>> -> memref<128x128xf32, #tpu.memory_space<vmem_shared>>
      %dma_start3A_32 = arith.constant 0 : i32
      %dma_start3A_33 = arith.constant 0 : i32
      %dma_start3A_34 = tpu.memref_slice %arg8[%dma_start3A_32, %dma_start3A_33] : memref<128x128xf32, #tpu.memory_space<vmem>> -> memref<128x128xf32, #tpu.memory_space<vmem>>
      tpu.enqueue_dma source(%dma_start3A_34 : memref<128x128xf32, #tpu.memory_space<vmem>>) target(%dma_start3A_31 : memref<128x128xf32, #tpu.memory_space<vmem_shared>>) target_semaphore(%run_scoped3A : memref<!tpu.dma_semaphore, #tpu.memory_space<semaphore_mem>>)
      %dma_wait3A = arith.constant 0 : i32
      %dma_wait3A_35 = arith.constant 0 : i32
      %dma_wait3A_36 = tpu.memref_slice %arg8[%dma_wait3A, %dma_wait3A_35] : memref<128x128xf32, #tpu.memory_space<vmem>> -> memref<128x128xf32, #tpu.memory_space<vmem>>
      %dma_wait3A_37 = arith.constant 0 : i32
      %dma_wait3A_38 = tpu.memref_slice %arg9[%add3A_16, %dma_wait3A_37] : memref<10112x128xf32, #tpu.memory_space<vmem_shared>> -> memref<128x128xf32, #tpu.memory_space<vmem_shared>>
      %dma_wait3A_39 = arith.constant 0 : i32
      %dma_wait3A_40 = tpu.memref_slice %arg9[%add3A_16, %dma_wait3A_39] : memref<10112x128xf32, #tpu.memory_space<vmem_shared>> -> memref<128x128xf32, #tpu.memory_space<vmem_shared>>
      %dma_wait3A_41 = arith.constant 0 : i32
      %dma_wait3A_42 = arith.constant 0 : i32
      %dma_wait3A_43 = tpu.memref_slice %arg8[%dma_wait3A_41, %dma_wait3A_42] : memref<128x128xf32, #tpu.memory_space<vmem>> -> memref<128x128xf32, #tpu.memory_space<vmem>>
      tpu.wait_dma2 semaphore(%run_scoped3A : memref<!tpu.dma_semaphore, #tpu.memory_space<semaphore_mem>>) src(%dma_wait3A_43 : memref<128x128xf32, #tpu.memory_space<vmem>>) dst(%dma_wait3A_40 : memref<128x128xf32, #tpu.memory_space<vmem_shared>>)
      tpu.yield
    }) : () -> ()
    %mul3A_17 = arith.constant 632 : i32
    %mul3A_18 = arith.muli %arg1, %mul3A_17 : i32
    %add3A_19 = arith.constant 512 : i32
    %add3A_20 = arith.addi %mul3A_18, %add3A_19 : i32
    "tpu.region"() ({
      %run_scoped3A = tpu.sem_alloc : memref<!tpu.dma_semaphore, #tpu.memory_space<semaphore_mem>>
      %dma_start3A = arith.constant 0 : i32
      %dma_start3A_26 = arith.constant 0 : i32
      %dma_start3A_27 = tpu.memref_slice %arg8[%dma_start3A, %dma_start3A_26] : memref<128x128xf32, #tpu.memory_space<vmem>> -> memref<120x128xf32, #tpu.memory_space<vmem>>
      %dma_start3A_28 = arith.constant 0 : i32
      %dma_start3A_29 = tpu.memref_slice %arg9[%add3A_20, %dma_start3A_28] : memref<10112x128xf32, #tpu.memory_space<vmem_shared>> -> memref<120x128xf32, #tpu.memory_space<vmem_shared>>
      %dma_start3A_30 = arith.constant 0 : i32
      %dma_start3A_31 = tpu.memref_slice %arg9[%add3A_20, %dma_start3A_30] : memref<10112x128xf32, #tpu.memory_space<vmem_shared>> -> memref<120x128xf32, #tpu.memory_space<vmem_shared>>
      %dma_start3A_32 = arith.constant 0 : i32
      %dma_start3A_33 = arith.constant 0 : i32
      %dma_start3A_34 = tpu.memref_slice %arg8[%dma_start3A_32, %dma_start3A_33] : memref<128x128xf32, #tpu.memory_space<vmem>> -> memref<120x128xf32, #tpu.memory_space<vmem>>
      tpu.enqueue_dma source(%dma_start3A_34 : memref<120x128xf32, #tpu.memory_space<vmem>>) target(%dma_start3A_31 : memref<120x128xf32, #tpu.memory_space<vmem_shared>>) target_semaphore(%run_scoped3A : memref<!tpu.dma_semaphore, #tpu.memory_space<semaphore_mem>>)
      %dma_wait3A = arith.constant 0 : i32
      %dma_wait3A_35 = arith.constant 0 : i32
      %dma_wait3A_36 = tpu.memref_slice %arg8[%dma_wait3A, %dma_wait3A_35] : memref<128x128xf32, #tpu.memory_space<vmem>> -> memref<120x128xf32, #tpu.memory_space<vmem>>
      %dma_wait3A_37 = arith.constant 0 : i32
      %dma_wait3A_38 = tpu.memref_slice %arg9[%add3A_20, %dma_wait3A_37] : memref<10112x128xf32, #tpu.memory_space<vmem_shared>> -> memref<120x128xf32, #tpu.memory_space<vmem_shared>>
      %dma_wait3A_39 = arith.constant 0 : i32
      %dma_wait3A_40 = tpu.memref_slice %arg9[%add3A_20, %dma_wait3A_39] : memref<10112x128xf32, #tpu.memory_space<vmem_shared>> -> memref<120x128xf32, #tpu.memory_space<vmem_shared>>
      %dma_wait3A_41 = arith.constant 0 : i32
      %dma_wait3A_42 = arith.constant 0 : i32
      %dma_wait3A_43 = tpu.memref_slice %arg8[%dma_wait3A_41, %dma_wait3A_42] : memref<128x128xf32, #tpu.memory_space<vmem>> -> memref<120x128xf32, #tpu.memory_space<vmem>>
      tpu.wait_dma2 semaphore(%run_scoped3A : memref<!tpu.dma_semaphore, #tpu.memory_space<semaphore_mem>>) src(%dma_wait3A_43 : memref<120x128xf32, #tpu.memory_space<vmem>>) dst(%dma_wait3A_40 : memref<120x128xf32, #tpu.memory_space<vmem_shared>>)
      tpu.yield
    }) : () -> ()
    %scan3A = arith.constant 0 : i32
    %scan3A_21 = arith.constant 0 : i32
    %scan3A_22 = arith.constant 16 : i32
    %scan3A_23 = arith.addi %scan3A_21, %scan3A_22 : i32
    %scan3A_24 = arith.constant 1 : i32
    scf.for %scan3A_26 = %scan3A_21 to %scan3A_23 step %scan3A_24  : i32 {
      "tpu.region"() ({
        %run_scoped3A = tpu.sem_alloc : memref<!tpu.dma_semaphore, #tpu.memory_space<semaphore_mem>>
        tpu.enqueue_dma source(%arg3 : memref<128x128xf32, #tpu.memory_space<hbm>>) target(%arg8 : memref<128x128xf32, #tpu.memory_space<vmem>>) target_semaphore(%run_scoped3A : memref<!tpu.dma_semaphore, #tpu.memory_space<semaphore_mem>>)
        tpu.wait_dma2 semaphore(%run_scoped3A : memref<!tpu.dma_semaphore, #tpu.memory_space<semaphore_mem>>) src(%arg3 : memref<128x128xf32, #tpu.memory_space<hbm>>) dst(%arg8 : memref<128x128xf32, #tpu.memory_space<vmem>>)
        tpu.yield
      }) : () -> ()
      %barrier3A = arith.constant 0 : index
      tpu.barrier barrier_id(%barrier3A)
      %mul3A_27 = arith.constant 32 : i32
      %mul3A_28 = arith.muli %scan3A_26, %mul3A_27 : i32
      %add3A_29 = arith.addi %mul3A_28, %add3A : i32
      %mul3A_30 = arith.constant 5120 : i32
      %mul3A_31 = arith.muli %add3A_29, %mul3A_30 : i32
      %scan3A_32 = arith.constant 0 : i32
      %scan3A_33 = arith.constant 0 : i32
      %scan3A_34 = arith.constant 20 : i32
      %scan3A_35 = arith.addi %scan3A_33, %scan3A_34 : i32
      %scan3A_36 = arith.constant 1 : i32
      scf.for %scan3A_79 = %scan3A_33 to %scan3A_35 step %scan3A_36  : i32 {
        %mul3A_80 = arith.constant 2 : i32
        %mul3A_81 = arith.muli %mul3A_80, %scan3A_79 : i32
        %mul3A_82 = arith.constant 128 : i32
        %mul3A_83 = arith.muli %mul3A_81, %mul3A_82 : i32
        %add3A_84 = arith.addi %mul3A_31, %mul3A_83 : i32
        %add3A_85 = arith.constant 128 : i32
        %add3A_86 = arith.addi %add3A_84, %add3A_85 : i32
        %dma_start3A = tpu.memref_slice %arg2[%add3A_84] : memref<2621440xi32, #tpu.memory_space<hbm>> -> memref<128xi32, #tpu.memory_space<hbm>>
        %dma_start3A_87 = tpu.memref_slice %arg2[%add3A_84] : memref<2621440xi32, #tpu.memory_space<hbm>> -> memref<128xi32, #tpu.memory_space<hbm>>
        tpu.enqueue_dma source(%dma_start3A_87 : memref<128xi32, #tpu.memory_space<hbm>>) target(%arg6 : memref<128xi32, #tpu.memory_space<vmem>>) target_semaphore(%arg10 : memref<!tpu.dma_semaphore, #tpu.memory_space<semaphore_mem>>)
        %dma_start3A_88 = tpu.memref_slice %arg2[%add3A_86] : memref<2621440xi32, #tpu.memory_space<hbm>> -> memref<128xi32, #tpu.memory_space<hbm>>
        %dma_start3A_89 = tpu.memref_slice %arg2[%add3A_86] : memref<2621440xi32, #tpu.memory_space<hbm>> -> memref<128xi32, #tpu.memory_space<hbm>>
        tpu.enqueue_dma source(%dma_start3A_89 : memref<128xi32, #tpu.memory_space<hbm>>) target(%arg7 : memref<128xi32, #tpu.memory_space<vmem>>) target_semaphore(%arg11 : memref<!tpu.dma_semaphore, #tpu.memory_space<semaphore_mem>>)
        %dma_wait3A = tpu.memref_slice %arg2[%add3A_84] : memref<2621440xi32, #tpu.memory_space<hbm>> -> memref<128xi32, #tpu.memory_space<hbm>>
        %dma_wait3A_90 = tpu.memref_slice %arg2[%add3A_84] : memref<2621440xi32, #tpu.memory_space<hbm>> -> memref<128xi32, #tpu.memory_space<hbm>>
        tpu.wait_dma2 semaphore(%arg10 : memref<!tpu.dma_semaphore, #tpu.memory_space<semaphore_mem>>) src(%dma_wait3A_90 : memref<128xi32, #tpu.memory_space<hbm>>) dst(%arg6 : memref<128xi32, #tpu.memory_space<vmem>>)
        %dma_start3A_91 = arith.constant 0 : i32
        %dma_start3A_92 = arith.constant 0 : i32
        %dma_start3A_93 = tpu.memref_slice %arg9[%dma_start3A_91, %dma_start3A_92] : memref<10112x128xf32, #tpu.memory_space<vmem_shared>> -> memref<10112x128xf32, #tpu.memory_space<vmem_shared>>
        tpu.enqueue_indirect_dma source(%arg8 : memref<128x128xf32, #tpu.memory_space<vmem>>) target(%dma_start3A_93 : memref<10112x128xf32, #tpu.memory_space<vmem_shared>>) offsets(%arg6 : memref<128xi32, #tpu.memory_space<vmem>>) semaphore(%arg12 : memref<!tpu.dma_semaphore, #tpu.memory_space<semaphore_mem>>) {add = true}
        %dma_wait3A_94 = tpu.memref_slice %arg2[%add3A_86] : memref<2621440xi32, #tpu.memory_space<hbm>> -> memref<128xi32, #tpu.memory_space<hbm>>
        %dma_wait3A_95 = tpu.memref_slice %arg2[%add3A_86] : memref<2621440xi32, #tpu.memory_space<hbm>> -> memref<128xi32, #tpu.memory_space<hbm>>
        tpu.wait_dma2 semaphore(%arg11 : memref<!tpu.dma_semaphore, #tpu.memory_space<semaphore_mem>>) src(%dma_wait3A_95 : memref<128xi32, #tpu.memory_space<hbm>>) dst(%arg7 : memref<128xi32, #tpu.memory_space<vmem>>)
        %dma_start3A_96 = arith.constant 0 : i32
        %dma_start3A_97 = arith.constant 0 : i32
        %dma_start3A_98 = tpu.memref_slice %arg9[%dma_start3A_96, %dma_start3A_97] : memref<10112x128xf32, #tpu.memory_space<vmem_shared>> -> memref<10112x128xf32, #tpu.memory_space<vmem_shared>>
        tpu.enqueue_indirect_dma source(%arg8 : memref<128x128xf32, #tpu.memory_space<vmem>>) target(%dma_start3A_98 : memref<10112x128xf32, #tpu.memory_space<vmem_shared>>) offsets(%arg7 : memref<128xi32, #tpu.memory_space<vmem>>) semaphore(%arg13 : memref<!tpu.dma_semaphore, #tpu.memory_space<semaphore_mem>>) {add = true}
        %dma_wait3A_99 = arith.constant 0 : i32
        %dma_wait3A_100 = arith.constant 0 : i32
        %dma_wait3A_101 = tpu.memref_slice %arg9[%dma_wait3A_99, %dma_wait3A_100] : memref<10112x128xf32, #tpu.memory_space<vmem_shared>> -> memref<10112x128xf32, #tpu.memory_space<vmem_shared>>
        tpu.wait_indirect_dma semaphore(%arg12 : memref<!tpu.dma_semaphore, #tpu.memory_space<semaphore_mem>>) src(%arg8 : memref<128x128xf32, #tpu.memory_space<vmem>>) dst(%dma_wait3A_101 : memref<10112x128xf32, #tpu.memory_space<vmem_shared>>)
        %dma_wait3A_102 = arith.constant 0 : i32
        %dma_wait3A_103 = arith.constant 0 : i32
        %dma_wait3A_104 = tpu.memref_slice %arg9[%dma_wait3A_102, %dma_wait3A_103] : memref<10112x128xf32, #tpu.memory_space<vmem_shared>> -> memref<10112x128xf32, #tpu.memory_space<vmem_shared>>
        tpu.wait_indirect_dma semaphore(%arg13 : memref<!tpu.dma_semaphore, #tpu.memory_space<semaphore_mem>>) src(%arg8 : memref<128x128xf32, #tpu.memory_space<vmem>>) dst(%dma_wait3A_104 : memref<10112x128xf32, #tpu.memory_space<vmem_shared>>)
      }
      %scan3A_37 = arith.constant 20 : i32
      %barrier3A_38 = arith.constant 0 : index
      tpu.barrier barrier_id(%barrier3A_38)
      %mul3A_39 = arith.constant 632 : i32
      %mul3A_40 = arith.muli %arg1, %mul3A_39 : i32
      %add3A_41 = arith.constant 0 : i32
      %add3A_42 = arith.addi %mul3A_40, %add3A_41 : i32
      "tpu.region"() ({
        %run_scoped3A = tpu.sem_alloc : memref<!tpu.dma_semaphore, #tpu.memory_space<semaphore_mem>>
        %dma_start3A = arith.constant 0 : i32
        %dma_start3A_79 = arith.constant 0 : i32
        %dma_start3A_80 = tpu.memref_slice %arg8[%dma_start3A, %dma_start3A_79] : memref<128x128xf32, #tpu.memory_space<vmem>> -> memref<128x128xf32, #tpu.memory_space<vmem>>
        %dma_start3A_81 = arith.constant 0 : i32
        %dma_start3A_82 = tpu.memref_slice %arg9[%add3A_42, %dma_start3A_81] : memref<10112x128xf32, #tpu.memory_space<vmem_shared>> -> memref<128x128xf32, #tpu.memory_space<vmem_shared>>
        %dma_start3A_83 = arith.constant 0 : i32
        %dma_start3A_84 = arith.constant 0 : i32
        %dma_start3A_85 = tpu.memref_slice %arg8[%dma_start3A_83, %dma_start3A_84] : memref<128x128xf32, #tpu.memory_space<vmem>> -> memref<128x128xf32, #tpu.memory_space<vmem>>
        %dma_start3A_86 = arith.constant 0 : i32
        %dma_start3A_87 = tpu.memref_slice %arg9[%add3A_42, %dma_start3A_86] : memref<10112x128xf32, #tpu.memory_space<vmem_shared>> -> memref<128x128xf32, #tpu.memory_space<vmem_shared>>
        tpu.enqueue_dma source(%dma_start3A_87 : memref<128x128xf32, #tpu.memory_space<vmem_shared>>) target(%dma_start3A_85 : memref<128x128xf32, #tpu.memory_space<vmem>>) target_semaphore(%run_scoped3A : memref<!tpu.dma_semaphore, #tpu.memory_space<semaphore_mem>>)
        %dma_wait3A = arith.constant 0 : i32
        %dma_wait3A_88 = arith.constant 0 : i32
        %dma_wait3A_89 = tpu.memref_slice %arg8[%dma_wait3A, %dma_wait3A_88] : memref<128x128xf32, #tpu.memory_space<vmem>> -> memref<128x128xf32, #tpu.memory_space<vmem>>
        %dma_wait3A_90 = arith.constant 0 : i32
        %dma_wait3A_91 = tpu.memref_slice %arg9[%add3A_42, %dma_wait3A_90] : memref<10112x128xf32, #tpu.memory_space<vmem_shared>> -> memref<128x128xf32, #tpu.memory_space<vmem_shared>>
        %dma_wait3A_92 = arith.constant 0 : i32
        %dma_wait3A_93 = arith.constant 0 : i32
        %dma_wait3A_94 = tpu.memref_slice %arg8[%dma_wait3A_92, %dma_wait3A_93] : memref<128x128xf32, #tpu.memory_space<vmem>> -> memref<128x128xf32, #tpu.memory_space<vmem>>
        %dma_wait3A_95 = arith.constant 0 : i32
        %dma_wait3A_96 = tpu.memref_slice %arg9[%add3A_42, %dma_wait3A_95] : memref<10112x128xf32, #tpu.memory_space<vmem_shared>> -> memref<128x128xf32, #tpu.memory_space<vmem_shared>>
        tpu.wait_dma2 semaphore(%run_scoped3A : memref<!tpu.dma_semaphore, #tpu.memory_space<semaphore_mem>>) src(%dma_wait3A_96 : memref<128x128xf32, #tpu.memory_space<vmem_shared>>) dst(%dma_wait3A_94 : memref<128x128xf32, #tpu.memory_space<vmem>>)
        tpu.yield
      }) : () -> ()
      %mul3A_43 = arith.constant 632 : i32
      %mul3A_44 = arith.muli %arg1, %mul3A_43 : i32
      %add3A_45 = arith.constant 0 : i32
      %add3A_46 = arith.addi %mul3A_44, %add3A_45 : i32
      "tpu.region"() ({
        %run_scoped3A = tpu.sem_alloc : memref<!tpu.dma_semaphore, #tpu.memory_space<semaphore_mem>>
        %dma_start3A = arith.constant 0 : i32
        %dma_start3A_79 = arith.constant 0 : i32
        %dma_start3A_80 = tpu.memref_slice %arg8[%dma_start3A, %dma_start3A_79] : memref<128x128xf32, #tpu.memory_space<vmem>> -> memref<128x128xf32, #tpu.memory_space<vmem>>
        %dma_start3A_81 = arith.constant 0 : i32
        %dma_start3A_82 = tpu.memref_slice %arg5[%scan3A_26, %arg0, %add3A_46, %dma_start3A_81] : memref<16x2x10112x128xf32, #tpu.memory_space<hbm>> -> memref<1x1x128x128xf32, #tpu.memory_space<hbm>>
        %dma_start3A_83 = tpu.memref_squeeze %dma_start3A_82 : memref<1x1x128x128xf32, #tpu.memory_space<hbm>> -> memref<128x128xf32, #tpu.memory_space<hbm>>
        %dma_start3A_84 = arith.constant 0 : i32
        %dma_start3A_85 = tpu.memref_slice %arg5[%scan3A_26, %arg0, %add3A_46, %dma_start3A_84] : memref<16x2x10112x128xf32, #tpu.memory_space<hbm>> -> memref<1x1x128x128xf32, #tpu.memory_space<hbm>>
        %dma_start3A_86 = tpu.memref_squeeze %dma_start3A_85 : memref<1x1x128x128xf32, #tpu.memory_space<hbm>> -> memref<128x128xf32, #tpu.memory_space<hbm>>
        %dma_start3A_87 = arith.constant 0 : i32
        %dma_start3A_88 = arith.constant 0 : i32
        %dma_start3A_89 = tpu.memref_slice %arg8[%dma_start3A_87, %dma_start3A_88] : memref<128x128xf32, #tpu.memory_space<vmem>> -> memref<128x128xf32, #tpu.memory_space<vmem>>
        tpu.enqueue_dma source(%dma_start3A_89 : memref<128x128xf32, #tpu.memory_space<vmem>>) target(%dma_start3A_86 : memref<128x128xf32, #tpu.memory_space<hbm>>) target_semaphore(%run_scoped3A : memref<!tpu.dma_semaphore, #tpu.memory_space<semaphore_mem>>)
        %dma_wait3A = arith.constant 0 : i32
        %dma_wait3A_90 = arith.constant 0 : i32
        %dma_wait3A_91 = tpu.memref_slice %arg8[%dma_wait3A, %dma_wait3A_90] : memref<128x128xf32, #tpu.memory_space<vmem>> -> memref<128x128xf32, #tpu.memory_space<vmem>>
        %dma_wait3A_92 = arith.constant 0 : i32
        %dma_wait3A_93 = tpu.memref_slice %arg5[%scan3A_26, %arg0, %add3A_46, %dma_wait3A_92] : memref<16x2x10112x128xf32, #tpu.memory_space<hbm>> -> memref<1x1x128x128xf32, #tpu.memory_space<hbm>>
        %dma_wait3A_94 = tpu.memref_squeeze %dma_wait3A_93 : memref<1x1x128x128xf32, #tpu.memory_space<hbm>> -> memref<128x128xf32, #tpu.memory_space<hbm>>
        %dma_wait3A_95 = arith.constant 0 : i32
        %dma_wait3A_96 = tpu.memref_slice %arg5[%scan3A_26, %arg0, %add3A_46, %dma_wait3A_95] : memref<16x2x10112x128xf32, #tpu.memory_space<hbm>> -> memref<1x1x128x128xf32, #tpu.memory_space<hbm>>
        %dma_wait3A_97 = tpu.memref_squeeze %dma_wait3A_96 : memref<1x1x128x128xf32, #tpu.memory_space<hbm>> -> memref<128x128xf32, #tpu.memory_space<hbm>>
        %dma_wait3A_98 = arith.constant 0 : i32
        %dma_wait3A_99 = arith.constant 0 : i32
        %dma_wait3A_100 = tpu.memref_slice %arg8[%dma_wait3A_98, %dma_wait3A_99] : memref<128x128xf32, #tpu.memory_space<vmem>> -> memref<128x128xf32, #tpu.memory_space<vmem>>
        tpu.wait_dma2 semaphore(%run_scoped3A : memref<!tpu.dma_semaphore, #tpu.memory_space<semaphore_mem>>) src(%dma_wait3A_100 : memref<128x128xf32, #tpu.memory_space<vmem>>) dst(%dma_wait3A_97 : memref<128x128xf32, #tpu.memory_space<hbm>>)
        tpu.yield
      }) : () -> ()
      %mul3A_47 = arith.constant 632 : i32
      %mul3A_48 = arith.muli %arg1, %mul3A_47 : i32
      %add3A_49 = arith.constant 128 : i32
      %add3A_50 = arith.addi %mul3A_48, %add3A_49 : i32
      "tpu.region"() ({
        %run_scoped3A = tpu.sem_alloc : memref<!tpu.dma_semaphore, #tpu.memory_space<semaphore_mem>>
        %dma_start3A = arith.constant 0 : i32
        %dma_start3A_79 = arith.constant 0 : i32
        %dma_start3A_80 = tpu.memref_slice %arg8[%dma_start3A, %dma_start3A_79] : memref<128x128xf32, #tpu.memory_space<vmem>> -> memref<128x128xf32, #tpu.memory_space<vmem>>
        %dma_start3A_81 = arith.constant 0 : i32
        %dma_start3A_82 = tpu.memref_slice %arg9[%add3A_50, %dma_start3A_81] : memref<10112x128xf32, #tpu.memory_space<vmem_shared>> -> memref<128x128xf32, #tpu.memory_space<vmem_shared>>
        %dma_start3A_83 = arith.constant 0 : i32
        %dma_start3A_84 = arith.constant 0 : i32
        %dma_start3A_85 = tpu.memref_slice %arg8[%dma_start3A_83, %dma_start3A_84] : memref<128x128xf32, #tpu.memory_space<vmem>> -> memref<128x128xf32, #tpu.memory_space<vmem>>
        %dma_start3A_86 = arith.constant 0 : i32
        %dma_start3A_87 = tpu.memref_slice %arg9[%add3A_50, %dma_start3A_86] : memref<10112x128xf32, #tpu.memory_space<vmem_shared>> -> memref<128x128xf32, #tpu.memory_space<vmem_shared>>
        tpu.enqueue_dma source(%dma_start3A_87 : memref<128x128xf32, #tpu.memory_space<vmem_shared>>) target(%dma_start3A_85 : memref<128x128xf32, #tpu.memory_space<vmem>>) target_semaphore(%run_scoped3A : memref<!tpu.dma_semaphore, #tpu.memory_space<semaphore_mem>>)
        %dma_wait3A = arith.constant 0 : i32
        %dma_wait3A_88 = arith.constant 0 : i32
        %dma_wait3A_89 = tpu.memref_slice %arg8[%dma_wait3A, %dma_wait3A_88] : memref<128x128xf32, #tpu.memory_space<vmem>> -> memref<128x128xf32, #tpu.memory_space<vmem>>
        %dma_wait3A_90 = arith.constant 0 : i32
        %dma_wait3A_91 = tpu.memref_slice %arg9[%add3A_50, %dma_wait3A_90] : memref<10112x128xf32, #tpu.memory_space<vmem_shared>> -> memref<128x128xf32, #tpu.memory_space<vmem_shared>>
        %dma_wait3A_92 = arith.constant 0 : i32
        %dma_wait3A_93 = arith.constant 0 : i32
        %dma_wait3A_94 = tpu.memref_slice %arg8[%dma_wait3A_92, %dma_wait3A_93] : memref<128x128xf32, #tpu.memory_space<vmem>> -> memref<128x128xf32, #tpu.memory_space<vmem>>
        %dma_wait3A_95 = arith.constant 0 : i32
        %dma_wait3A_96 = tpu.memref_slice %arg9[%add3A_50, %dma_wait3A_95] : memref<10112x128xf32, #tpu.memory_space<vmem_shared>> -> memref<128x128xf32, #tpu.memory_space<vmem_shared>>
        tpu.wait_dma2 semaphore(%run_scoped3A : memref<!tpu.dma_semaphore, #tpu.memory_space<semaphore_mem>>) src(%dma_wait3A_96 : memref<128x128xf32, #tpu.memory_space<vmem_shared>>) dst(%dma_wait3A_94 : memref<128x128xf32, #tpu.memory_space<vmem>>)
        tpu.yield
      }) : () -> ()
      %mul3A_51 = arith.constant 632 : i32
      %mul3A_52 = arith.muli %arg1, %mul3A_51 : i32
      %add3A_53 = arith.constant 128 : i32
      %add3A_54 = arith.addi %mul3A_52, %add3A_53 : i32
      "tpu.region"() ({
        %run_scoped3A = tpu.sem_alloc : memref<!tpu.dma_semaphore, #tpu.memory_space<semaphore_mem>>
        %dma_start3A = arith.constant 0 : i32
        %dma_start3A_79 = arith.constant 0 : i32
        %dma_start3A_80 = tpu.memref_slice %arg8[%dma_start3A, %dma_start3A_79] : memref<128x128xf32, #tpu.memory_space<vmem>> -> memref<128x128xf32, #tpu.memory_space<vmem>>
        %dma_start3A_81 = arith.constant 0 : i32
        %dma_start3A_82 = tpu.memref_slice %arg5[%scan3A_26, %arg0, %add3A_54, %dma_start3A_81] : memref<16x2x10112x128xf32, #tpu.memory_space<hbm>> -> memref<1x1x128x128xf32, #tpu.memory_space<hbm>>
        %dma_start3A_83 = tpu.memref_squeeze %dma_start3A_82 : memref<1x1x128x128xf32, #tpu.memory_space<hbm>> -> memref<128x128xf32, #tpu.memory_space<hbm>>
        %dma_start3A_84 = arith.constant 0 : i32
        %dma_start3A_85 = tpu.memref_slice %arg5[%scan3A_26, %arg0, %add3A_54, %dma_start3A_84] : memref<16x2x10112x128xf32, #tpu.memory_space<hbm>> -> memref<1x1x128x128xf32, #tpu.memory_space<hbm>>
        %dma_start3A_86 = tpu.memref_squeeze %dma_start3A_85 : memref<1x1x128x128xf32, #tpu.memory_space<hbm>> -> memref<128x128xf32, #tpu.memory_space<hbm>>
        %dma_start3A_87 = arith.constant 0 : i32
        %dma_start3A_88 = arith.constant 0 : i32
        %dma_start3A_89 = tpu.memref_slice %arg8[%dma_start3A_87, %dma_start3A_88] : memref<128x128xf32, #tpu.memory_space<vmem>> -> memref<128x128xf32, #tpu.memory_space<vmem>>
        tpu.enqueue_dma source(%dma_start3A_89 : memref<128x128xf32, #tpu.memory_space<vmem>>) target(%dma_start3A_86 : memref<128x128xf32, #tpu.memory_space<hbm>>) target_semaphore(%run_scoped3A : memref<!tpu.dma_semaphore, #tpu.memory_space<semaphore_mem>>)
        %dma_wait3A = arith.constant 0 : i32
        %dma_wait3A_90 = arith.constant 0 : i32
        %dma_wait3A_91 = tpu.memref_slice %arg8[%dma_wait3A, %dma_wait3A_90] : memref<128x128xf32, #tpu.memory_space<vmem>> -> memref<128x128xf32, #tpu.memory_space<vmem>>
        %dma_wait3A_92 = arith.constant 0 : i32
        %dma_wait3A_93 = tpu.memref_slice %arg5[%scan3A_26, %arg0, %add3A_54, %dma_wait3A_92] : memref<16x2x10112x128xf32, #tpu.memory_space<hbm>> -> memref<1x1x128x128xf32, #tpu.memory_space<hbm>>
        %dma_wait3A_94 = tpu.memref_squeeze %dma_wait3A_93 : memref<1x1x128x128xf32, #tpu.memory_space<hbm>> -> memref<128x128xf32, #tpu.memory_space<hbm>>
        %dma_wait3A_95 = arith.constant 0 : i32
        %dma_wait3A_96 = tpu.memref_slice %arg5[%scan3A_26, %arg0, %add3A_54, %dma_wait3A_95] : memref<16x2x10112x128xf32, #tpu.memory_space<hbm>> -> memref<1x1x128x128xf32, #tpu.memory_space<hbm>>
        %dma_wait3A_97 = tpu.memref_squeeze %dma_wait3A_96 : memref<1x1x128x128xf32, #tpu.memory_space<hbm>> -> memref<128x128xf32, #tpu.memory_space<hbm>>
        %dma_wait3A_98 = arith.constant 0 : i32
        %dma_wait3A_99 = arith.constant 0 : i32
        %dma_wait3A_100 = tpu.memref_slice %arg8[%dma_wait3A_98, %dma_wait3A_99] : memref<128x128xf32, #tpu.memory_space<vmem>> -> memref<128x128xf32, #tpu.memory_space<vmem>>
        tpu.wait_dma2 semaphore(%run_scoped3A : memref<!tpu.dma_semaphore, #tpu.memory_space<semaphore_mem>>) src(%dma_wait3A_100 : memref<128x128xf32, #tpu.memory_space<vmem>>) dst(%dma_wait3A_97 : memref<128x128xf32, #tpu.memory_space<hbm>>)
        tpu.yield
      }) : () -> ()
      %mul3A_55 = arith.constant 632 : i32
      %mul3A_56 = arith.muli %arg1, %mul3A_55 : i32
      %add3A_57 = arith.constant 256 : i32
      %add3A_58 = arith.addi %mul3A_56, %add3A_57 : i32
      "tpu.region"() ({
        %run_scoped3A = tpu.sem_alloc : memref<!tpu.dma_semaphore, #tpu.memory_space<semaphore_mem>>
        %dma_start3A = arith.constant 0 : i32
        %dma_start3A_79 = arith.constant 0 : i32
        %dma_start3A_80 = tpu.memref_slice %arg8[%dma_start3A, %dma_start3A_79] : memref<128x128xf32, #tpu.memory_space<vmem>> -> memref<128x128xf32, #tpu.memory_space<vmem>>
        %dma_start3A_81 = arith.constant 0 : i32
        %dma_start3A_82 = tpu.memref_slice %arg9[%add3A_58, %dma_start3A_81] : memref<10112x128xf32, #tpu.memory_space<vmem_shared>> -> memref<128x128xf32, #tpu.memory_space<vmem_shared>>
        %dma_start3A_83 = arith.constant 0 : i32
        %dma_start3A_84 = arith.constant 0 : i32
        %dma_start3A_85 = tpu.memref_slice %arg8[%dma_start3A_83, %dma_start3A_84] : memref<128x128xf32, #tpu.memory_space<vmem>> -> memref<128x128xf32, #tpu.memory_space<vmem>>
        %dma_start3A_86 = arith.constant 0 : i32
        %dma_start3A_87 = tpu.memref_slice %arg9[%add3A_58, %dma_start3A_86] : memref<10112x128xf32, #tpu.memory_space<vmem_shared>> -> memref<128x128xf32, #tpu.memory_space<vmem_shared>>
        tpu.enqueue_dma source(%dma_start3A_87 : memref<128x128xf32, #tpu.memory_space<vmem_shared>>) target(%dma_start3A_85 : memref<128x128xf32, #tpu.memory_space<vmem>>) target_semaphore(%run_scoped3A : memref<!tpu.dma_semaphore, #tpu.memory_space<semaphore_mem>>)
        %dma_wait3A = arith.constant 0 : i32
        %dma_wait3A_88 = arith.constant 0 : i32
        %dma_wait3A_89 = tpu.memref_slice %arg8[%dma_wait3A, %dma_wait3A_88] : memref<128x128xf32, #tpu.memory_space<vmem>> -> memref<128x128xf32, #tpu.memory_space<vmem>>
        %dma_wait3A_90 = arith.constant 0 : i32
        %dma_wait3A_91 = tpu.memref_slice %arg9[%add3A_58, %dma_wait3A_90] : memref<10112x128xf32, #tpu.memory_space<vmem_shared>> -> memref<128x128xf32, #tpu.memory_space<vmem_shared>>
        %dma_wait3A_92 = arith.constant 0 : i32
        %dma_wait3A_93 = arith.constant 0 : i32
        %dma_wait3A_94 = tpu.memref_slice %arg8[%dma_wait3A_92, %dma_wait3A_93] : memref<128x128xf32, #tpu.memory_space<vmem>> -> memref<128x128xf32, #tpu.memory_space<vmem>>
        %dma_wait3A_95 = arith.constant 0 : i32
        %dma_wait3A_96 = tpu.memref_slice %arg9[%add3A_58, %dma_wait3A_95] : memref<10112x128xf32, #tpu.memory_space<vmem_shared>> -> memref<128x128xf32, #tpu.memory_space<vmem_shared>>
        tpu.wait_dma2 semaphore(%run_scoped3A : memref<!tpu.dma_semaphore, #tpu.memory_space<semaphore_mem>>) src(%dma_wait3A_96 : memref<128x128xf32, #tpu.memory_space<vmem_shared>>) dst(%dma_wait3A_94 : memref<128x128xf32, #tpu.memory_space<vmem>>)
        tpu.yield
      }) : () -> ()
      %mul3A_59 = arith.constant 632 : i32
      %mul3A_60 = arith.muli %arg1, %mul3A_59 : i32
      %add3A_61 = arith.constant 256 : i32
      %add3A_62 = arith.addi %mul3A_60, %add3A_61 : i32
      "tpu.region"() ({
        %run_scoped3A = tpu.sem_alloc : memref<!tpu.dma_semaphore, #tpu.memory_space<semaphore_mem>>
        %dma_start3A = arith.constant 0 : i32
        %dma_start3A_79 = arith.constant 0 : i32
        %dma_start3A_80 = tpu.memref_slice %arg8[%dma_start3A, %dma_start3A_79] : memref<128x128xf32, #tpu.memory_space<vmem>> -> memref<128x128xf32, #tpu.memory_space<vmem>>
        %dma_start3A_81 = arith.constant 0 : i32
        %dma_start3A_82 = tpu.memref_slice %arg5[%scan3A_26, %arg0, %add3A_62, %dma_start3A_81] : memref<16x2x10112x128xf32, #tpu.memory_space<hbm>> -> memref<1x1x128x128xf32, #tpu.memory_space<hbm>>
        %dma_start3A_83 = tpu.memref_squeeze %dma_start3A_82 : memref<1x1x128x128xf32, #tpu.memory_space<hbm>> -> memref<128x128xf32, #tpu.memory_space<hbm>>
        %dma_start3A_84 = arith.constant 0 : i32
        %dma_start3A_85 = tpu.memref_slice %arg5[%scan3A_26, %arg0, %add3A_62, %dma_start3A_84] : memref<16x2x10112x128xf32, #tpu.memory_space<hbm>> -> memref<1x1x128x128xf32, #tpu.memory_space<hbm>>
        %dma_start3A_86 = tpu.memref_squeeze %dma_start3A_85 : memref<1x1x128x128xf32, #tpu.memory_space<hbm>> -> memref<128x128xf32, #tpu.memory_space<hbm>>
        %dma_start3A_87 = arith.constant 0 : i32
        %dma_start3A_88 = arith.constant 0 : i32
        %dma_start3A_89 = tpu.memref_slice %arg8[%dma_start3A_87, %dma_start3A_88] : memref<128x128xf32, #tpu.memory_space<vmem>> -> memref<128x128xf32, #tpu.memory_space<vmem>>
        tpu.enqueue_dma source(%dma_start3A_89 : memref<128x128xf32, #tpu.memory_space<vmem>>) target(%dma_start3A_86 : memref<128x128xf32, #tpu.memory_space<hbm>>) target_semaphore(%run_scoped3A : memref<!tpu.dma_semaphore, #tpu.memory_space<semaphore_mem>>)
        %dma_wait3A = arith.constant 0 : i32
        %dma_wait3A_90 = arith.constant 0 : i32
        %dma_wait3A_91 = tpu.memref_slice %arg8[%dma_wait3A, %dma_wait3A_90] : memref<128x128xf32, #tpu.memory_space<vmem>> -> memref<128x128xf32, #tpu.memory_space<vmem>>
        %dma_wait3A_92 = arith.constant 0 : i32
        %dma_wait3A_93 = tpu.memref_slice %arg5[%scan3A_26, %arg0, %add3A_62, %dma_wait3A_92] : memref<16x2x10112x128xf32, #tpu.memory_space<hbm>> -> memref<1x1x128x128xf32, #tpu.memory_space<hbm>>
        %dma_wait3A_94 = tpu.memref_squeeze %dma_wait3A_93 : memref<1x1x128x128xf32, #tpu.memory_space<hbm>> -> memref<128x128xf32, #tpu.memory_space<hbm>>
        %dma_wait3A_95 = arith.constant 0 : i32
        %dma_wait3A_96 = tpu.memref_slice %arg5[%scan3A_26, %arg0, %add3A_62, %dma_wait3A_95] : memref<16x2x10112x128xf32, #tpu.memory_space<hbm>> -> memref<1x1x128x128xf32, #tpu.memory_space<hbm>>
        %dma_wait3A_97 = tpu.memref_squeeze %dma_wait3A_96 : memref<1x1x128x128xf32, #tpu.memory_space<hbm>> -> memref<128x128xf32, #tpu.memory_space<hbm>>
        %dma_wait3A_98 = arith.constant 0 : i32
        %dma_wait3A_99 = arith.constant 0 : i32
        %dma_wait3A_100 = tpu.memref_slice %arg8[%dma_wait3A_98, %dma_wait3A_99] : memref<128x128xf32, #tpu.memory_space<vmem>> -> memref<128x128xf32, #tpu.memory_space<vmem>>
        tpu.wait_dma2 semaphore(%run_scoped3A : memref<!tpu.dma_semaphore, #tpu.memory_space<semaphore_mem>>) src(%dma_wait3A_100 : memref<128x128xf32, #tpu.memory_space<vmem>>) dst(%dma_wait3A_97 : memref<128x128xf32, #tpu.memory_space<hbm>>)
        tpu.yield
      }) : () -> ()
      %mul3A_63 = arith.constant 632 : i32
      %mul3A_64 = arith.muli %arg1, %mul3A_63 : i32
      %add3A_65 = arith.constant 384 : i32
      %add3A_66 = arith.addi %mul3A_64, %add3A_65 : i32
      "tpu.region"() ({
        %run_scoped3A = tpu.sem_alloc : memref<!tpu.dma_semaphore, #tpu.memory_space<semaphore_mem>>
        %dma_start3A = arith.constant 0 : i32
        %dma_start3A_79 = arith.constant 0 : i32
        %dma_start3A_80 = tpu.memref_slice %arg8[%dma_start3A, %dma_start3A_79] : memref<128x128xf32, #tpu.memory_space<vmem>> -> memref<128x128xf32, #tpu.memory_space<vmem>>
        %dma_start3A_81 = arith.constant 0 : i32
        %dma_start3A_82 = tpu.memref_slice %arg9[%add3A_66, %dma_start3A_81] : memref<10112x128xf32, #tpu.memory_space<vmem_shared>> -> memref<128x128xf32, #tpu.memory_space<vmem_shared>>
        %dma_start3A_83 = arith.constant 0 : i32
        %dma_start3A_84 = arith.constant 0 : i32
        %dma_start3A_85 = tpu.memref_slice %arg8[%dma_start3A_83, %dma_start3A_84] : memref<128x128xf32, #tpu.memory_space<vmem>> -> memref<128x128xf32, #tpu.memory_space<vmem>>
        %dma_start3A_86 = arith.constant 0 : i32
        %dma_start3A_87 = tpu.memref_slice %arg9[%add3A_66, %dma_start3A_86] : memref<10112x128xf32, #tpu.memory_space<vmem_shared>> -> memref<128x128xf32, #tpu.memory_space<vmem_shared>>
        tpu.enqueue_dma source(%dma_start3A_87 : memref<128x128xf32, #tpu.memory_space<vmem_shared>>) target(%dma_start3A_85 : memref<128x128xf32, #tpu.memory_space<vmem>>) target_semaphore(%run_scoped3A : memref<!tpu.dma_semaphore, #tpu.memory_space<semaphore_mem>>)
        %dma_wait3A = arith.constant 0 : i32
        %dma_wait3A_88 = arith.constant 0 : i32
        %dma_wait3A_89 = tpu.memref_slice %arg8[%dma_wait3A, %dma_wait3A_88] : memref<128x128xf32, #tpu.memory_space<vmem>> -> memref<128x128xf32, #tpu.memory_space<vmem>>
        %dma_wait3A_90 = arith.constant 0 : i32
        %dma_wait3A_91 = tpu.memref_slice %arg9[%add3A_66, %dma_wait3A_90] : memref<10112x128xf32, #tpu.memory_space<vmem_shared>> -> memref<128x128xf32, #tpu.memory_space<vmem_shared>>
        %dma_wait3A_92 = arith.constant 0 : i32
        %dma_wait3A_93 = arith.constant 0 : i32
        %dma_wait3A_94 = tpu.memref_slice %arg8[%dma_wait3A_92, %dma_wait3A_93] : memref<128x128xf32, #tpu.memory_space<vmem>> -> memref<128x128xf32, #tpu.memory_space<vmem>>
        %dma_wait3A_95 = arith.constant 0 : i32
        %dma_wait3A_96 = tpu.memref_slice %arg9[%add3A_66, %dma_wait3A_95] : memref<10112x128xf32, #tpu.memory_space<vmem_shared>> -> memref<128x128xf32, #tpu.memory_space<vmem_shared>>
        tpu.wait_dma2 semaphore(%run_scoped3A : memref<!tpu.dma_semaphore, #tpu.memory_space<semaphore_mem>>) src(%dma_wait3A_96 : memref<128x128xf32, #tpu.memory_space<vmem_shared>>) dst(%dma_wait3A_94 : memref<128x128xf32, #tpu.memory_space<vmem>>)
        tpu.yield
      }) : () -> ()
      %mul3A_67 = arith.constant 632 : i32
      %mul3A_68 = arith.muli %arg1, %mul3A_67 : i32
      %add3A_69 = arith.constant 384 : i32
      %add3A_70 = arith.addi %mul3A_68, %add3A_69 : i32
      "tpu.region"() ({
        %run_scoped3A = tpu.sem_alloc : memref<!tpu.dma_semaphore, #tpu.memory_space<semaphore_mem>>
        %dma_start3A = arith.constant 0 : i32
        %dma_start3A_79 = arith.constant 0 : i32
        %dma_start3A_80 = tpu.memref_slice %arg8[%dma_start3A, %dma_start3A_79] : memref<128x128xf32, #tpu.memory_space<vmem>> -> memref<128x128xf32, #tpu.memory_space<vmem>>
        %dma_start3A_81 = arith.constant 0 : i32
        %dma_start3A_82 = tpu.memref_slice %arg5[%scan3A_26, %arg0, %add3A_70, %dma_start3A_81] : memref<16x2x10112x128xf32, #tpu.memory_space<hbm>> -> memref<1x1x128x128xf32, #tpu.memory_space<hbm>>
        %dma_start3A_83 = tpu.memref_squeeze %dma_start3A_82 : memref<1x1x128x128xf32, #tpu.memory_space<hbm>> -> memref<128x128xf32, #tpu.memory_space<hbm>>
        %dma_start3A_84 = arith.constant 0 : i32
        %dma_start3A_85 = tpu.memref_slice %arg5[%scan3A_26, %arg0, %add3A_70, %dma_start3A_84] : memref<16x2x10112x128xf32, #tpu.memory_space<hbm>> -> memref<1x1x128x128xf32, #tpu.memory_space<hbm>>
        %dma_start3A_86 = tpu.memref_squeeze %dma_start3A_85 : memref<1x1x128x128xf32, #tpu.memory_space<hbm>> -> memref<128x128xf32, #tpu.memory_space<hbm>>
        %dma_start3A_87 = arith.constant 0 : i32
        %dma_start3A_88 = arith.constant 0 : i32
        %dma_start3A_89 = tpu.memref_slice %arg8[%dma_start3A_87, %dma_start3A_88] : memref<128x128xf32, #tpu.memory_space<vmem>> -> memref<128x128xf32, #tpu.memory_space<vmem>>
        tpu.enqueue_dma source(%dma_start3A_89 : memref<128x128xf32, #tpu.memory_space<vmem>>) target(%dma_start3A_86 : memref<128x128xf32, #tpu.memory_space<hbm>>) target_semaphore(%run_scoped3A : memref<!tpu.dma_semaphore, #tpu.memory_space<semaphore_mem>>)
        %dma_wait3A = arith.constant 0 : i32
        %dma_wait3A_90 = arith.constant 0 : i32
        %dma_wait3A_91 = tpu.memref_slice %arg8[%dma_wait3A, %dma_wait3A_90] : memref<128x128xf32, #tpu.memory_space<vmem>> -> memref<128x128xf32, #tpu.memory_space<vmem>>
        %dma_wait3A_92 = arith.constant 0 : i32
        %dma_wait3A_93 = tpu.memref_slice %arg5[%scan3A_26, %arg0, %add3A_70, %dma_wait3A_92] : memref<16x2x10112x128xf32, #tpu.memory_space<hbm>> -> memref<1x1x128x128xf32, #tpu.memory_space<hbm>>
        %dma_wait3A_94 = tpu.memref_squeeze %dma_wait3A_93 : memref<1x1x128x128xf32, #tpu.memory_space<hbm>> -> memref<128x128xf32, #tpu.memory_space<hbm>>
        %dma_wait3A_95 = arith.constant 0 : i32
        %dma_wait3A_96 = tpu.memref_slice %arg5[%scan3A_26, %arg0, %add3A_70, %dma_wait3A_95] : memref<16x2x10112x128xf32, #tpu.memory_space<hbm>> -> memref<1x1x128x128xf32, #tpu.memory_space<hbm>>
        %dma_wait3A_97 = tpu.memref_squeeze %dma_wait3A_96 : memref<1x1x128x128xf32, #tpu.memory_space<hbm>> -> memref<128x128xf32, #tpu.memory_space<hbm>>
        %dma_wait3A_98 = arith.constant 0 : i32
        %dma_wait3A_99 = arith.constant 0 : i32
        %dma_wait3A_100 = tpu.memref_slice %arg8[%dma_wait3A_98, %dma_wait3A_99] : memref<128x128xf32, #tpu.memory_space<vmem>> -> memref<128x128xf32, #tpu.memory_space<vmem>>
        tpu.wait_dma2 semaphore(%run_scoped3A : memref<!tpu.dma_semaphore, #tpu.memory_space<semaphore_mem>>) src(%dma_wait3A_100 : memref<128x128xf32, #tpu.memory_space<vmem>>) dst(%dma_wait3A_97 : memref<128x128xf32, #tpu.memory_space<hbm>>)
        tpu.yield
      }) : () -> ()
      %mul3A_71 = arith.constant 632 : i32
      %mul3A_72 = arith.muli %arg1, %mul3A_71 : i32
      %add3A_73 = arith.constant 512 : i32
      %add3A_74 = arith.addi %mul3A_72, %add3A_73 : i32
      "tpu.region"() ({
        %run_scoped3A = tpu.sem_alloc : memref<!tpu.dma_semaphore, #tpu.memory_space<semaphore_mem>>
        %dma_start3A = arith.constant 0 : i32
        %dma_start3A_79 = arith.constant 0 : i32
        %dma_start3A_80 = tpu.memref_slice %arg8[%dma_start3A, %dma_start3A_79] : memref<128x128xf32, #tpu.memory_space<vmem>> -> memref<120x128xf32, #tpu.memory_space<vmem>>
        %dma_start3A_81 = arith.constant 0 : i32
        %dma_start3A_82 = tpu.memref_slice %arg9[%add3A_74, %dma_start3A_81] : memref<10112x128xf32, #tpu.memory_space<vmem_shared>> -> memref<120x128xf32, #tpu.memory_space<vmem_shared>>
        %dma_start3A_83 = arith.constant 0 : i32
        %dma_start3A_84 = arith.constant 0 : i32
        %dma_start3A_85 = tpu.memref_slice %arg8[%dma_start3A_83, %dma_start3A_84] : memref<128x128xf32, #tpu.memory_space<vmem>> -> memref<120x128xf32, #tpu.memory_space<vmem>>
        %dma_start3A_86 = arith.constant 0 : i32
        %dma_start3A_87 = tpu.memref_slice %arg9[%add3A_74, %dma_start3A_86] : memref<10112x128xf32, #tpu.memory_space<vmem_shared>> -> memref<120x128xf32, #tpu.memory_space<vmem_shared>>
        tpu.enqueue_dma source(%dma_start3A_87 : memref<120x128xf32, #tpu.memory_space<vmem_shared>>) target(%dma_start3A_85 : memref<120x128xf32, #tpu.memory_space<vmem>>) target_semaphore(%run_scoped3A : memref<!tpu.dma_semaphore, #tpu.memory_space<semaphore_mem>>)
        %dma_wait3A = arith.constant 0 : i32
        %dma_wait3A_88 = arith.constant 0 : i32
        %dma_wait3A_89 = tpu.memref_slice %arg8[%dma_wait3A, %dma_wait3A_88] : memref<128x128xf32, #tpu.memory_space<vmem>> -> memref<120x128xf32, #tpu.memory_space<vmem>>
        %dma_wait3A_90 = arith.constant 0 : i32
        %dma_wait3A_91 = tpu.memref_slice %arg9[%add3A_74, %dma_wait3A_90] : memref<10112x128xf32, #tpu.memory_space<vmem_shared>> -> memref<120x128xf32, #tpu.memory_space<vmem_shared>>
        %dma_wait3A_92 = arith.constant 0 : i32
        %dma_wait3A_93 = arith.constant 0 : i32
        %dma_wait3A_94 = tpu.memref_slice %arg8[%dma_wait3A_92, %dma_wait3A_93] : memref<128x128xf32, #tpu.memory_space<vmem>> -> memref<120x128xf32, #tpu.memory_space<vmem>>
        %dma_wait3A_95 = arith.constant 0 : i32
        %dma_wait3A_96 = tpu.memref_slice %arg9[%add3A_74, %dma_wait3A_95] : memref<10112x128xf32, #tpu.memory_space<vmem_shared>> -> memref<120x128xf32, #tpu.memory_space<vmem_shared>>
        tpu.wait_dma2 semaphore(%run_scoped3A : memref<!tpu.dma_semaphore, #tpu.memory_space<semaphore_mem>>) src(%dma_wait3A_96 : memref<120x128xf32, #tpu.memory_space<vmem_shared>>) dst(%dma_wait3A_94 : memref<120x128xf32, #tpu.memory_space<vmem>>)
        tpu.yield
      }) : () -> ()
      %mul3A_75 = arith.constant 632 : i32
      %mul3A_76 = arith.muli %arg1, %mul3A_75 : i32
      %add3A_77 = arith.constant 512 : i32
      %add3A_78 = arith.addi %mul3A_76, %add3A_77 : i32
      "tpu.region"() ({
        %run_scoped3A = tpu.sem_alloc : memref<!tpu.dma_semaphore, #tpu.memory_space<semaphore_mem>>
        %dma_start3A = arith.constant 0 : i32
        %dma_start3A_79 = arith.constant 0 : i32
        %dma_start3A_80 = tpu.memref_slice %arg8[%dma_start3A, %dma_start3A_79] : memref<128x128xf32, #tpu.memory_space<vmem>> -> memref<120x128xf32, #tpu.memory_space<vmem>>
        %dma_start3A_81 = arith.constant 0 : i32
        %dma_start3A_82 = tpu.memref_slice %arg5[%scan3A_26, %arg0, %add3A_78, %dma_start3A_81] : memref<16x2x10112x128xf32, #tpu.memory_space<hbm>> -> memref<1x1x120x128xf32, #tpu.memory_space<hbm>>
        %dma_start3A_83 = tpu.memref_squeeze %dma_start3A_82 : memref<1x1x120x128xf32, #tpu.memory_space<hbm>> -> memref<120x128xf32, #tpu.memory_space<hbm>>
        %dma_start3A_84 = arith.constant 0 : i32
        %dma_start3A_85 = tpu.memref_slice %arg5[%scan3A_26, %arg0, %add3A_78, %dma_start3A_84] : memref<16x2x10112x128xf32, #tpu.memory_space<hbm>> -> memref<1x1x120x128xf32, #tpu.memory_space<hbm>>
        %dma_start3A_86 = tpu.memref_squeeze %dma_start3A_85 : memref<1x1x120x128xf32, #tpu.memory_space<hbm>> -> memref<120x128xf32, #tpu.memory_space<hbm>>
        %dma_start3A_87 = arith.constant 0 : i32
        %dma_start3A_88 = arith.constant 0 : i32
        %dma_start3A_89 = tpu.memref_slice %arg8[%dma_start3A_87, %dma_start3A_88] : memref<128x128xf32, #tpu.memory_space<vmem>> -> memref<120x128xf32, #tpu.memory_space<vmem>>
        tpu.enqueue_dma source(%dma_start3A_89 : memref<120x128xf32, #tpu.memory_space<vmem>>) target(%dma_start3A_86 : memref<120x128xf32, #tpu.memory_space<hbm>>) target_semaphore(%run_scoped3A : memref<!tpu.dma_semaphore, #tpu.memory_space<semaphore_mem>>)
        %dma_wait3A = arith.constant 0 : i32
        %dma_wait3A_90 = arith.constant 0 : i32
        %dma_wait3A_91 = tpu.memref_slice %arg8[%dma_wait3A, %dma_wait3A_90] : memref<128x128xf32, #tpu.memory_space<vmem>> -> memref<120x128xf32, #tpu.memory_space<vmem>>
        %dma_wait3A_92 = arith.constant 0 : i32
        %dma_wait3A_93 = tpu.memref_slice %arg5[%scan3A_26, %arg0, %add3A_78, %dma_wait3A_92] : memref<16x2x10112x128xf32, #tpu.memory_space<hbm>> -> memref<1x1x120x128xf32, #tpu.memory_space<hbm>>
        %dma_wait3A_94 = tpu.memref_squeeze %dma_wait3A_93 : memref<1x1x120x128xf32, #tpu.memory_space<hbm>> -> memref<120x128xf32, #tpu.memory_space<hbm>>
        %dma_wait3A_95 = arith.constant 0 : i32
        %dma_wait3A_96 = tpu.memref_slice %arg5[%scan3A_26, %arg0, %add3A_78, %dma_wait3A_95] : memref<16x2x10112x128xf32, #tpu.memory_space<hbm>> -> memref<1x1x120x128xf32, #tpu.memory_space<hbm>>
        %dma_wait3A_97 = tpu.memref_squeeze %dma_wait3A_96 : memref<1x1x120x128xf32, #tpu.memory_space<hbm>> -> memref<120x128xf32, #tpu.memory_space<hbm>>
        %dma_wait3A_98 = arith.constant 0 : i32
        %dma_wait3A_99 = arith.constant 0 : i32
        %dma_wait3A_100 = tpu.memref_slice %arg8[%dma_wait3A_98, %dma_wait3A_99] : memref<128x128xf32, #tpu.memory_space<vmem>> -> memref<120x128xf32, #tpu.memory_space<vmem>>
        tpu.wait_dma2 semaphore(%run_scoped3A : memref<!tpu.dma_semaphore, #tpu.memory_space<semaphore_mem>>) src(%dma_wait3A_100 : memref<120x128xf32, #tpu.memory_space<vmem>>) dst(%dma_wait3A_97 : memref<120x128xf32, #tpu.memory_space<hbm>>)
        tpu.yield
      }) : () -> ()
    }
    %scan3A_25 = arith.constant 16 : i32
    return
  }
}

module attributes {stable_mosaic.version = 14 : i64} {
  func.func @_tc_sage_body(%arg0: i32, %arg1: i32, %arg2: memref<1x1264x128xf32, #tpu.memory_space<vmem>>, %arg3: memref<1x1264x128xf32, #tpu.memory_space<vmem>>, %arg4: memref<1x1264x1xf32, #tpu.memory_space<vmem>>, %arg5: memref<128x128xf32, #tpu.memory_space<vmem>>, %arg6: memref<128x128xf32, #tpu.memory_space<vmem>>, %arg7: memref<1x128xf32, #tpu.memory_space<vmem>>, %arg8: memref<1x1264x128xf32, #tpu.memory_space<vmem>>) attributes {dimension_semantics = [#tpu.dimension_semantics<arbitrary>, #tpu.dimension_semantics<arbitrary>], iteration_bounds = array<i64: 16, 8>, scalar_prefetch = 0 : i64, scratch_operands = 0 : i64, tpu.core_type = #tpu.core_type<tc>, window_params = [{transform_indices = @transform_0, window_bounds = array<i64: 1, 1264, 128>}, {transform_indices = @transform_1, window_bounds = array<i64: 1, 1264, 128>}, {transform_indices = @transform_2, window_bounds = array<i64: 1, 1264, 1>}, {pipeline_mode = #tpu.pipeline_mode<synchronous>, transform_indices = @transform_3, window_bounds = array<i64: 128, 128>}, {pipeline_mode = #tpu.pipeline_mode<synchronous>, transform_indices = @transform_4, window_bounds = array<i64: 128, 128>}, {pipeline_mode = #tpu.pipeline_mode<synchronous>, transform_indices = @transform_5, window_bounds = array<i64: 1, 128>}, {transform_indices = @transform_6, window_bounds = array<i64: 1, 1264, 128>}]} {
    %get3A = arith.constant 0 : index
    %get3A_0 = arith.constant 0 : index
    %get3A_1 = arith.constant 0 : index
    %get3A_2 = vector.load %arg2[%get3A, %get3A_0, %get3A_1] : memref<1x1264x128xf32, #tpu.memory_space<vmem>>, vector<1x1264x128xf32>
    %get3A_3 = vector.shape_cast %get3A_2 : vector<1x1264x128xf32> to vector<1264x128xf32>
    %get3A_4 = arith.constant 0 : index
    %get3A_5 = arith.constant 0 : index
    %get3A_6 = arith.constant 0 : index
    %get3A_7 = vector.load %arg3[%get3A_4, %get3A_5, %get3A_6] : memref<1x1264x128xf32, #tpu.memory_space<vmem>>, vector<1x1264x128xf32>
    %get3A_8 = vector.shape_cast %get3A_7 : vector<1x1264x128xf32> to vector<1264x128xf32>
    %get3A_9 = arith.constant 0 : index
    %get3A_10 = arith.constant 0 : index
    %get3A_11 = arith.constant 0 : index
    %get3A_12 = vector.load %arg4[%get3A_9, %get3A_10, %get3A_11] : memref<1x1264x1xf32, #tpu.memory_space<vmem>>, vector<1x1264x1xf32>
    %get3A_13 = vector.shape_cast %get3A_12 : vector<1x1264x1xf32> to vector<1264x1xf32>
    %max3A = arith.constant 1.000000e+00 : f32
    %max3A_14 = vector.broadcast %max3A : f32 to vector<1264x1xf32>
    %max3A_15 = arith.maximumf %get3A_13, %max3A_14 : vector<1264x1xf32>
    %div3A = vector.broadcast %max3A_15 : vector<1264x1xf32> to vector<1264x128xf32>
    %div3A_16 = arith.divf %get3A_8, %div3A : vector<1264x128xf32>
    %get3A_17 = arith.constant 0 : index
    %get3A_18 = arith.constant 0 : index
    %get3A_19 = vector.load %arg5[%get3A_17, %get3A_18] : memref<128x128xf32, #tpu.memory_space<vmem>>, vector<128x128xf32>
    %dot_general3A = arith.constant dense<0.000000e+00> : vector<1264x128xf32>
    %dot_general3A_20 = tpu.matmul %div3A_16, %get3A_19, %dot_general3A {dimension_numbers = #tpu.dot_dimension_numbers<[1], [0], [0], [1], [0, 0, 1, 1], [], []>, transpose_lhs_hint = false} : vector<1264x128xf32>, vector<128x128xf32>, vector<1264x128xf32> -> vector<1264x128xf32>
    %get3A_21 = arith.constant 0 : index
    %get3A_22 = arith.constant 0 : index
    %get3A_23 = vector.load %arg6[%get3A_21, %get3A_22] : memref<128x128xf32, #tpu.memory_space<vmem>>, vector<128x128xf32>
    %dot_general3A_24 = arith.constant dense<0.000000e+00> : vector<1264x128xf32>
    %dot_general3A_25 = tpu.matmul %get3A_3, %get3A_23, %dot_general3A_24 {dimension_numbers = #tpu.dot_dimension_numbers<[1], [0], [0], [1], [0, 0, 1, 1], [], []>, transpose_lhs_hint = false} : vector<1264x128xf32>, vector<128x128xf32>, vector<1264x128xf32> -> vector<1264x128xf32>
    %add3A = arith.addf %dot_general3A_20, %dot_general3A_25 : vector<1264x128xf32>
    %get3A_26 = arith.constant 0 : index
    %get3A_27 = arith.constant 0 : index
    %get3A_28 = vector.load %arg7[%get3A_26, %get3A_27] : memref<1x128xf32, #tpu.memory_space<vmem>>, vector<1x128xf32>
    %add3A_29 = vector.broadcast %get3A_28 : vector<1x128xf32> to vector<1264x128xf32>
    %add3A_30 = arith.addf %add3A, %add3A_29 : vector<1264x128xf32>
    %mul3A = arith.mulf %add3A_30, %add3A_30 : vector<1264x128xf32>
    %reduce_sum3A = arith.constant dense<0.000000e+00> : vector<1264xf32>
    %reduce_sum3A_31 = vector.multi_reduction <add>, %mul3A, %reduce_sum3A [1] : vector<1264x128xf32> to vector<1264xf32>
    %broadcast_in_dim3A = vector.shape_cast %reduce_sum3A_31 : vector<1264xf32> to vector<1264x1xf32>
    %sqrt3A = math.sqrt %broadcast_in_dim3A : vector<1264x1xf32>
    %max3A_32 = arith.constant 9.99999996E-13 : f32
    %max3A_33 = vector.broadcast %max3A_32 : f32 to vector<1264x1xf32>
    %max3A_34 = arith.maximumf %sqrt3A, %max3A_33 : vector<1264x1xf32>
    %div3A_35 = vector.broadcast %max3A_34 : vector<1264x1xf32> to vector<1264x128xf32>
    %div3A_36 = arith.divf %add3A_30, %div3A_35 : vector<1264x128xf32>
    %max3A_37 = arith.constant 0.000000e+00 : f32
    %max3A_38 = vector.broadcast %max3A_37 : f32 to vector<1264x128xf32>
    %max3A_39 = arith.maximumf %div3A_36, %max3A_38 : vector<1264x128xf32>
    %swap3A = arith.constant 0 : index
    %swap3A_40 = arith.constant 0 : index
    %swap3A_41 = arith.constant 0 : index
    %swap3A_42 = vector.load %arg8[%swap3A, %swap3A_40, %swap3A_41] : memref<1x1264x128xf32, #tpu.memory_space<vmem>>, vector<1x1264x128xf32>
    %swap3A_43 = vector.shape_cast %swap3A_42 : vector<1x1264x128xf32> to vector<1264x128xf32>
    %swap3A_44 = vector.shape_cast %max3A_39 : vector<1264x128xf32> to vector<1x1264x128xf32>
    tpu.vector_store %arg8[%swap3A, %swap3A_40, %swap3A_41], %swap3A_44 {strides = array<i32>} : memref<1x1264x128xf32, #tpu.memory_space<vmem>>, vector<1x1264x128xf32>,
    return
  }
  func.func @transform_0(%arg0: i32, %arg1: i32) -> (i32, i32, i32) {
    %c0_i32 = arith.constant 0 : i32
    %c0_i32_0 = arith.constant 0 : i32
    return %arg0, %arg1, %c0_i32 : i32, i32, i32
  }
  func.func @transform_1(%arg0: i32, %arg1: i32) -> (i32, i32, i32) {
    %c0_i32 = arith.constant 0 : i32
    %c0_i32_0 = arith.constant 0 : i32
    return %arg0, %arg1, %c0_i32 : i32, i32, i32
  }
  func.func @transform_2(%arg0: i32, %arg1: i32) -> (i32, i32, i32) {
    %c0_i32 = arith.constant 0 : i32
    %c0_i32_0 = arith.constant 0 : i32
    return %arg0, %arg1, %c0_i32 : i32, i32, i32
  }
  func.func @transform_3(%arg0: i32, %arg1: i32) -> (i32, i32) {
    %c0_i32 = arith.constant 0 : i32
    %c0_i32_0 = arith.constant 0 : i32
    %c0_i32_1 = arith.constant 0 : i32
    return %c0_i32, %c0_i32_0 : i32, i32
  }
  func.func @transform_4(%arg0: i32, %arg1: i32) -> (i32, i32) {
    %c0_i32 = arith.constant 0 : i32
    %c0_i32_0 = arith.constant 0 : i32
    %c0_i32_1 = arith.constant 0 : i32
    return %c0_i32, %c0_i32_0 : i32, i32
  }
  func.func @transform_5(%arg0: i32, %arg1: i32) -> (i32, i32) {
    %c0_i32 = arith.constant 0 : i32
    %c0_i32_0 = arith.constant 0 : i32
    %c0_i32_1 = arith.constant 0 : i32
    return %c0_i32, %c0_i32_0 : i32, i32
  }
  func.func @transform_6(%arg0: i32, %arg1: i32) -> (i32, i32, i32) {
    %c0_i32 = arith.constant 0 : i32
    %c0_i32_0 = arith.constant 0 : i32
    return %arg0, %arg1, %c0_i32 : i32, i32, i32
  }
}

module attributes {stable_mosaic.version = 14 : i64} {
  func.func @_tc_pool_body(%arg0: i32, %arg1: memref<1x10112x128xf32, #tpu.memory_space<vmem>>, %arg2: memref<1x8x128xf32, #tpu.memory_space<vmem>>, %arg3: memref<1x8x128xf32, #tpu.memory_space<vmem>>) attributes {dimension_semantics = [#tpu.dimension_semantics<arbitrary>], iteration_bounds = array<i64: 16>, scalar_prefetch = 0 : i64, scratch_operands = 0 : i64, tpu.core_type = #tpu.core_type<tc>, window_params = [{transform_indices = @transform_0, window_bounds = array<i64: 1, 10112, 128>}, {transform_indices = @transform_1, window_bounds = array<i64: 1, 8, 128>}, {transform_indices = @transform_2, window_bounds = array<i64: 1, 8, 128>}]} {
    %get3A = arith.constant 0 : index
    %get3A_0 = arith.constant 0 : index
    %get3A_1 = arith.constant 0 : index
    %get3A_2 = vector.load %arg1[%get3A, %get3A_0, %get3A_1] : memref<1x10112x128xf32, #tpu.memory_space<vmem>>, vector<1x10112x128xf32>
    %get3A_3 = vector.shape_cast %get3A_2 : vector<1x10112x128xf32> to vector<10112x128xf32>
    %slice3A = vector.extract_strided_slice %get3A_3 {offsets = [0, 0], sizes = [1, 128], strides = [1, 1]} : vector<10112x128xf32> to vector<1x128xf32>
    %slice3A_4 = vector.extract_strided_slice %get3A_3 {offsets = [1250, 0], sizes = [1, 128], strides = [1, 1]} : vector<10112x128xf32> to vector<1x128xf32>
    %slice3A_5 = vector.extract_strided_slice %get3A_3 {offsets = [2500, 0], sizes = [1, 128], strides = [1, 1]} : vector<10112x128xf32> to vector<1x128xf32>
    %slice3A_6 = vector.extract_strided_slice %get3A_3 {offsets = [3750, 0], sizes = [1, 128], strides = [1, 1]} : vector<10112x128xf32> to vector<1x128xf32>
    %slice3A_7 = vector.extract_strided_slice %get3A_3 {offsets = [5000, 0], sizes = [1, 128], strides = [1, 1]} : vector<10112x128xf32> to vector<1x128xf32>
    %slice3A_8 = vector.extract_strided_slice %get3A_3 {offsets = [6250, 0], sizes = [1, 128], strides = [1, 1]} : vector<10112x128xf32> to vector<1x128xf32>
    %slice3A_9 = vector.extract_strided_slice %get3A_3 {offsets = [7500, 0], sizes = [1, 128], strides = [1, 1]} : vector<10112x128xf32> to vector<1x128xf32>
    %slice3A_10 = vector.extract_strided_slice %get3A_3 {offsets = [8750, 0], sizes = [1, 128], strides = [1, 1]} : vector<10112x128xf32> to vector<1x128xf32>
    %concatenate3A = tpu.concatenate %slice3A, %slice3A_4, %slice3A_5, %slice3A_6, %slice3A_7, %slice3A_8, %slice3A_9, %slice3A_10 in 0 : vector<1x128xf32>, vector<1x128xf32>, vector<1x128xf32>, vector<1x128xf32>, vector<1x128xf32>, vector<1x128xf32>, vector<1x128xf32>, vector<1x128xf32> -> vector<8x128xf32>
    %slice3A_11 = vector.extract_strided_slice %get3A_3 {offsets = [0, 0], sizes = [1250, 128], strides = [1, 1]} : vector<10112x128xf32> to vector<1250x128xf32>
    %reduce_sum3A = arith.constant dense<0.000000e+00> : vector<128xf32>
    %reduce_sum3A_12 = vector.multi_reduction <add>, %slice3A_11, %reduce_sum3A [0] : vector<1250x128xf32> to vector<128xf32>
    %broadcast_in_dim3A = vector.shape_cast %reduce_sum3A_12 : vector<128xf32> to vector<1x128xf32>
    %slice3A_13 = vector.extract_strided_slice %get3A_3 {offsets = [1250, 0], sizes = [1250, 128], strides = [1, 1]} : vector<10112x128xf32> to vector<1250x128xf32>
    %reduce_sum3A_14 = arith.constant dense<0.000000e+00> : vector<128xf32>
    %reduce_sum3A_15 = vector.multi_reduction <add>, %slice3A_13, %reduce_sum3A_14 [0] : vector<1250x128xf32> to vector<128xf32>
    %broadcast_in_dim3A_16 = vector.shape_cast %reduce_sum3A_15 : vector<128xf32> to vector<1x128xf32>
    %slice3A_17 = vector.extract_strided_slice %get3A_3 {offsets = [2500, 0], sizes = [1250, 128], strides = [1, 1]} : vector<10112x128xf32> to vector<1250x128xf32>
    %reduce_sum3A_18 = arith.constant dense<0.000000e+00> : vector<128xf32>
    %reduce_sum3A_19 = vector.multi_reduction <add>, %slice3A_17, %reduce_sum3A_18 [0] : vector<1250x128xf32> to vector<128xf32>
    %broadcast_in_dim3A_20 = vector.shape_cast %reduce_sum3A_19 : vector<128xf32> to vector<1x128xf32>
    %slice3A_21 = vector.extract_strided_slice %get3A_3 {offsets = [3750, 0], sizes = [1250, 128], strides = [1, 1]} : vector<10112x128xf32> to vector<1250x128xf32>
    %reduce_sum3A_22 = arith.constant dense<0.000000e+00> : vector<128xf32>
    %reduce_sum3A_23 = vector.multi_reduction <add>, %slice3A_21, %reduce_sum3A_22 [0] : vector<1250x128xf32> to vector<128xf32>
    %broadcast_in_dim3A_24 = vector.shape_cast %reduce_sum3A_23 : vector<128xf32> to vector<1x128xf32>
    %slice3A_25 = vector.extract_strided_slice %get3A_3 {offsets = [5000, 0], sizes = [1250, 128], strides = [1, 1]} : vector<10112x128xf32> to vector<1250x128xf32>
    %reduce_sum3A_26 = arith.constant dense<0.000000e+00> : vector<128xf32>
    %reduce_sum3A_27 = vector.multi_reduction <add>, %slice3A_25, %reduce_sum3A_26 [0] : vector<1250x128xf32> to vector<128xf32>
    %broadcast_in_dim3A_28 = vector.shape_cast %reduce_sum3A_27 : vector<128xf32> to vector<1x128xf32>
    %slice3A_29 = vector.extract_strided_slice %get3A_3 {offsets = [6250, 0], sizes = [1250, 128], strides = [1, 1]} : vector<10112x128xf32> to vector<1250x128xf32>
    %reduce_sum3A_30 = arith.constant dense<0.000000e+00> : vector<128xf32>
    %reduce_sum3A_31 = vector.multi_reduction <add>, %slice3A_29, %reduce_sum3A_30 [0] : vector<1250x128xf32> to vector<128xf32>
    %broadcast_in_dim3A_32 = vector.shape_cast %reduce_sum3A_31 : vector<128xf32> to vector<1x128xf32>
    %slice3A_33 = vector.extract_strided_slice %get3A_3 {offsets = [7500, 0], sizes = [1250, 128], strides = [1, 1]} : vector<10112x128xf32> to vector<1250x128xf32>
    %reduce_sum3A_34 = arith.constant dense<0.000000e+00> : vector<128xf32>
    %reduce_sum3A_35 = vector.multi_reduction <add>, %slice3A_33, %reduce_sum3A_34 [0] : vector<1250x128xf32> to vector<128xf32>
    %broadcast_in_dim3A_36 = vector.shape_cast %reduce_sum3A_35 : vector<128xf32> to vector<1x128xf32>
    %slice3A_37 = vector.extract_strided_slice %get3A_3 {offsets = [8750, 0], sizes = [1250, 128], strides = [1, 1]} : vector<10112x128xf32> to vector<1250x128xf32>
    %reduce_sum3A_38 = arith.constant dense<0.000000e+00> : vector<128xf32>
    %reduce_sum3A_39 = vector.multi_reduction <add>, %slice3A_37, %reduce_sum3A_38 [0] : vector<1250x128xf32> to vector<128xf32>
    %broadcast_in_dim3A_40 = vector.shape_cast %reduce_sum3A_39 : vector<128xf32> to vector<1x128xf32>
    %concatenate3A_41 = tpu.concatenate %broadcast_in_dim3A, %broadcast_in_dim3A_16, %broadcast_in_dim3A_20, %broadcast_in_dim3A_24, %broadcast_in_dim3A_28, %broadcast_in_dim3A_32, %broadcast_in_dim3A_36, %broadcast_in_dim3A_40 in 0 : vector<1x128xf32>, vector<1x128xf32>, vector<1x128xf32>, vector<1x128xf32>, vector<1x128xf32>, vector<1x128xf32>, vector<1x128xf32>, vector<1x128xf32> -> vector<8x128xf32>
    %broadcast_in_dim3A_42 = vector.shape_cast %concatenate3A : vector<8x128xf32> to vector<1x8x128xf32>
    %swap3A = arith.constant 0 : index
    %swap3A_43 = arith.constant 0 : index
    %swap3A_44 = arith.constant 0 : index
    %swap3A_45 = vector.load %arg2[%swap3A, %swap3A_43, %swap3A_44] : memref<1x8x128xf32, #tpu.memory_space<vmem>>, vector<1x8x128xf32>
    tpu.vector_store %arg2[%swap3A, %swap3A_43, %swap3A_44], %broadcast_in_dim3A_42 {strides = array<i32>} : memref<1x8x128xf32, #tpu.memory_space<vmem>>, vector<1x8x128xf32>,
    %broadcast_in_dim3A_46 = vector.shape_cast %concatenate3A_41 : vector<8x128xf32> to vector<1x8x128xf32>
    %swap3A_47 = arith.constant 0 : index
    %swap3A_48 = arith.constant 0 : index
    %swap3A_49 = arith.constant 0 : index
    %swap3A_50 = vector.load %arg3[%swap3A_47, %swap3A_48, %swap3A_49] : memref<1x8x128xf32, #tpu.memory_space<vmem>>, vector<1x8x128xf32>
    tpu.vector_store %arg3[%swap3A_47, %swap3A_48, %swap3A_49], %broadcast_in_dim3A_46 {strides = array<i32>} : memref<1x8x128xf32, #tpu.memory_space<vmem>>, vector<1x8x128xf32>,
    return
  }
  func.func @transform_0(%arg0: i32) -> (i32, i32, i32) {
    %c0_i32 = arith.constant 0 : i32
    %c0_i32_0 = arith.constant 0 : i32
    %c0_i32_1 = arith.constant 0 : i32
    return %arg0, %c0_i32, %c0_i32_0 : i32, i32, i32
  }
  func.func @transform_1(%arg0: i32) -> (i32, i32, i32) {
    %c0_i32 = arith.constant 0 : i32
    %c0_i32_0 = arith.constant 0 : i32
    %c0_i32_1 = arith.constant 0 : i32
    return %arg0, %c0_i32, %c0_i32_0 : i32, i32, i32
  }
  func.func @transform_2(%arg0: i32) -> (i32, i32, i32) {
    %c0_i32 = arith.constant 0 : i32
    %c0_i32_0 = arith.constant 0 : i32
    %c0_i32_1 = arith.constant 0 : i32
    return %arg0, %c0_i32, %c0_i32_0 : i32, i32, i32
  }
}

module attributes {stable_mosaic.version = 14 : i64} {
  func.func @_tc_encoder_body(%arg0: memref<16x8x128xf32, #tpu.memory_space<vmem>>, %arg1: memref<16x8x128xf32, #tpu.memory_space<vmem>>, %arg2: memref<128x128xf32, #tpu.memory_space<vmem>>, %arg3: memref<1x256xf32, #tpu.memory_space<vmem>>, %arg4: memref<1x256xf32, #tpu.memory_space<vmem>>, %arg5: memref<256x128xf32, #tpu.memory_space<vmem>>, %arg6: memref<1x128xf32, #tpu.memory_space<vmem>>, %arg7: memref<128x128xf32, #tpu.memory_space<vmem>>, %arg8: memref<1x128xf32, #tpu.memory_space<vmem>>, %arg9: memref<1x128xf32, #tpu.memory_space<vmem>>, %arg10: memref<1x128xf32, #tpu.memory_space<vmem>>, %arg11: memref<128x384xf32, #tpu.memory_space<vmem>>, %arg12: memref<1x384xf32, #tpu.memory_space<vmem>>, %arg13: memref<128x128xf32, #tpu.memory_space<vmem>>, %arg14: memref<1x128xf32, #tpu.memory_space<vmem>>, %arg15: memref<1x128xf32, #tpu.memory_space<vmem>>, %arg16: memref<1x128xf32, #tpu.memory_space<vmem>>, %arg17: memref<128x512xf32, #tpu.memory_space<vmem>>, %arg18: memref<1x512xf32, #tpu.memory_space<vmem>>, %arg19: memref<512x128xf32, #tpu.memory_space<vmem>>, %arg20: memref<1x128xf32, #tpu.memory_space<vmem>>, %arg21: memref<1x128xf32, #tpu.memory_space<vmem>>, %arg22: memref<1x128xf32, #tpu.memory_space<vmem>>, %arg23: memref<128x384xf32, #tpu.memory_space<vmem>>, %arg24: memref<1x384xf32, #tpu.memory_space<vmem>>, %arg25: memref<128x128xf32, #tpu.memory_space<vmem>>, %arg26: memref<1x128xf32, #tpu.memory_space<vmem>>, %arg27: memref<1x128xf32, #tpu.memory_space<vmem>>, %arg28: memref<1x128xf32, #tpu.memory_space<vmem>>, %arg29: memref<128x512xf32, #tpu.memory_space<vmem>>, %arg30: memref<1x512xf32, #tpu.memory_space<vmem>>, %arg31: memref<512x128xf32, #tpu.memory_space<vmem>>, %arg32: memref<1x128xf32, #tpu.memory_space<vmem>>, %arg33: memref<8x128xf32, #tpu.memory_space<vmem>>) attributes {dimension_semantics = [], scalar_prefetch = 0 : i64, scratch_operands = 0 : i64, tpu.core_type = #tpu.core_type<tc>} {
    %get3A = arith.constant 0 : index
    %get3A_0 = arith.constant 0 : index
    %get3A_1 = arith.constant 0 : index
    %get3A_2 = vector.load %arg0[%get3A, %get3A_0, %get3A_1] : memref<16x8x128xf32, #tpu.memory_space<vmem>>, vector<16x8x128xf32>
    %transpose3A = tpu.transpose %get3A_2, [1, 0, 2] : vector<16x8x128xf32> -> vector<8x16x128xf32>
    %reshape3A = vector.shape_cast %transpose3A : vector<8x16x128xf32> to vector<128x128xf32>
    %get3A_3 = arith.constant 0 : index
    %get3A_4 = arith.constant 0 : index
    %get3A_5 = arith.constant 0 : index
    %get3A_6 = vector.load %arg1[%get3A_3, %get3A_4, %get3A_5] : memref<16x8x128xf32, #tpu.memory_space<vmem>>, vector<16x8x128xf32>
    %transpose3A_7 = tpu.transpose %get3A_6, [1, 0, 2] : vector<16x8x128xf32> -> vector<8x16x128xf32>
    %reshape3A_8 = vector.shape_cast %transpose3A_7 : vector<8x16x128xf32> to vector<128x128xf32>
    %mul3A = arith.constant 8.000000e-04 : f32
    %mul3A_9 = vector.broadcast %mul3A : f32 to vector<128x128xf32>
    %mul3A_10 = arith.mulf %reshape3A_8, %mul3A_9 : vector<128x128xf32>
    %concatenate3A = tpu.concatenate %reshape3A, %mul3A_10 in 1 : vector<128x128xf32>, vector<128x128xf32> -> vector<128x256xf32>
    %get3A_11 = arith.constant 0 : index
    %get3A_12 = arith.constant 0 : index
    %get3A_13 = vector.load %arg3[%get3A_11, %get3A_12] : memref<1x256xf32, #tpu.memory_space<vmem>>, vector<1x256xf32>
    %get3A_14 = arith.constant 0 : index
    %get3A_15 = arith.constant 0 : index
    %get3A_16 = vector.load %arg4[%get3A_14, %get3A_15] : memref<1x256xf32, #tpu.memory_space<vmem>>, vector<1x256xf32>
    %reduce_sum3A = arith.constant dense<0.000000e+00> : vector<128xf32>
    %reduce_sum3A_17 = vector.multi_reduction <add>, %concatenate3A, %reduce_sum3A [1] : vector<128x256xf32> to vector<128xf32>
    %broadcast_in_dim3A = vector.shape_cast %reduce_sum3A_17 : vector<128xf32> to vector<128x1xf32>
    %div3A = arith.constant 2.560000e+02 : f32
    %div3A_18 = vector.broadcast %div3A : f32 to vector<128x1xf32>
    %div3A_19 = arith.divf %broadcast_in_dim3A, %div3A_18 : vector<128x1xf32>
    %sub3A = vector.broadcast %div3A_19 : vector<128x1xf32> to vector<128x256xf32>
    %sub3A_20 = arith.subf %concatenate3A, %sub3A : vector<128x256xf32>
    %sub3A_21 = vector.broadcast %div3A_19 : vector<128x1xf32> to vector<128x256xf32>
    %sub3A_22 = arith.subf %concatenate3A, %sub3A_21 : vector<128x256xf32>
    %mul3A_23 = arith.mulf %sub3A_20, %sub3A_22 : vector<128x256xf32>
    %reduce_sum3A_24 = arith.constant dense<0.000000e+00> : vector<128xf32>
    %reduce_sum3A_25 = vector.multi_reduction <add>, %mul3A_23, %reduce_sum3A_24 [1] : vector<128x256xf32> to vector<128xf32>
    %broadcast_in_dim3A_26 = vector.shape_cast %reduce_sum3A_25 : vector<128xf32> to vector<128x1xf32>
    %div3A_27 = arith.constant 2.560000e+02 : f32
    %div3A_28 = vector.broadcast %div3A_27 : f32 to vector<128x1xf32>
    %div3A_29 = arith.divf %broadcast_in_dim3A_26, %div3A_28 : vector<128x1xf32>
    %sub3A_30 = vector.broadcast %div3A_19 : vector<128x1xf32> to vector<128x256xf32>
    %sub3A_31 = arith.subf %concatenate3A, %sub3A_30 : vector<128x256xf32>
    %add3A = arith.constant 9.99999974E-6 : f32
    %add3A_32 = vector.broadcast %add3A : f32 to vector<128x1xf32>
    %add3A_33 = arith.addf %div3A_29, %add3A_32 : vector<128x1xf32>
    %rsqrt3A = math.rsqrt %add3A_33 : vector<128x1xf32>
    %mul3A_34 = vector.broadcast %rsqrt3A : vector<128x1xf32> to vector<128x256xf32>
    %mul3A_35 = arith.mulf %sub3A_31, %mul3A_34 : vector<128x256xf32>
    %mul3A_36 = vector.broadcast %get3A_13 : vector<1x256xf32> to vector<128x256xf32>
    %mul3A_37 = arith.mulf %mul3A_35, %mul3A_36 : vector<128x256xf32>
    %add3A_38 = vector.broadcast %get3A_16 : vector<1x256xf32> to vector<128x256xf32>
    %add3A_39 = arith.addf %mul3A_37, %add3A_38 : vector<128x256xf32>
    %get3A_40 = arith.constant 0 : index
    %get3A_41 = arith.constant 0 : index
    %get3A_42 = vector.load %arg5[%get3A_40, %get3A_41] : memref<256x128xf32, #tpu.memory_space<vmem>>, vector<256x128xf32>
    %dot_general3A = arith.constant dense<0.000000e+00> : vector<128x128xf32>
    %dot_general3A_43 = tpu.matmul %add3A_39, %get3A_42, %dot_general3A {dimension_numbers = #tpu.dot_dimension_numbers<[1], [0], [0], [1], [0, 0, 1, 1], [], []>, transpose_lhs_hint = false} : vector<128x256xf32>, vector<256x128xf32>, vector<128x128xf32> -> vector<128x128xf32>
    %get3A_44 = arith.constant 0 : index
    %get3A_45 = arith.constant 0 : index
    %get3A_46 = vector.load %arg6[%get3A_44, %get3A_45] : memref<1x128xf32, #tpu.memory_space<vmem>>, vector<1x128xf32>
    %add3A_47 = vector.broadcast %get3A_46 : vector<1x128xf32> to vector<128x128xf32>
    %add3A_48 = arith.addf %dot_general3A_43, %add3A_47 : vector<128x128xf32>
    %max3A = arith.constant 0.000000e+00 : f32
    %max3A_49 = vector.broadcast %max3A : f32 to vector<128x128xf32>
    %max3A_50 = arith.maximumf %add3A_48, %max3A_49 : vector<128x128xf32>
    %get3A_51 = arith.constant 0 : index
    %get3A_52 = arith.constant 0 : index
    %get3A_53 = vector.load %arg7[%get3A_51, %get3A_52] : memref<128x128xf32, #tpu.memory_space<vmem>>, vector<128x128xf32>
    %dot_general3A_54 = arith.constant dense<0.000000e+00> : vector<128x128xf32>
    %dot_general3A_55 = tpu.matmul %max3A_50, %get3A_53, %dot_general3A_54 {dimension_numbers = #tpu.dot_dimension_numbers<[1], [0], [0], [1], [0, 0, 1, 1], [], []>, transpose_lhs_hint = false} : vector<128x128xf32>, vector<128x128xf32>, vector<128x128xf32> -> vector<128x128xf32>
    %get3A_56 = arith.constant 0 : index
    %get3A_57 = arith.constant 0 : index
    %get3A_58 = vector.load %arg8[%get3A_56, %get3A_57] : memref<1x128xf32, #tpu.memory_space<vmem>>, vector<1x128xf32>
    %add3A_59 = vector.broadcast %get3A_58 : vector<1x128xf32> to vector<128x128xf32>
    %add3A_60 = arith.addf %dot_general3A_55, %add3A_59 : vector<128x128xf32>
    %get3A_61 = arith.constant 0 : index
    %get3A_62 = arith.constant 0 : index
    %get3A_63 = vector.load %arg2[%get3A_61, %get3A_62] : memref<128x128xf32, #tpu.memory_space<vmem>>, vector<128x128xf32>
    %add3A_64 = arith.addf %add3A_60, %get3A_63 : vector<128x128xf32>
    %get3A_65 = arith.constant 0 : index
    %get3A_66 = arith.constant 0 : index
    %get3A_67 = vector.load %arg9[%get3A_65, %get3A_66] : memref<1x128xf32, #tpu.memory_space<vmem>>, vector<1x128xf32>
    %get3A_68 = arith.constant 0 : index
    %get3A_69 = arith.constant 0 : index
    %get3A_70 = vector.load %arg10[%get3A_68, %get3A_69] : memref<1x128xf32, #tpu.memory_space<vmem>>, vector<1x128xf32>
    %reduce_sum3A_71 = arith.constant dense<0.000000e+00> : vector<128xf32>
    %reduce_sum3A_72 = vector.multi_reduction <add>, %add3A_64, %reduce_sum3A_71 [1] : vector<128x128xf32> to vector<128xf32>
    %broadcast_in_dim3A_73 = vector.shape_cast %reduce_sum3A_72 : vector<128xf32> to vector<128x1xf32>
    %div3A_74 = arith.constant 1.280000e+02 : f32
    %div3A_75 = vector.broadcast %div3A_74 : f32 to vector<128x1xf32>
    %div3A_76 = arith.divf %broadcast_in_dim3A_73, %div3A_75 : vector<128x1xf32>
    %sub3A_77 = vector.broadcast %div3A_76 : vector<128x1xf32> to vector<128x128xf32>
    %sub3A_78 = arith.subf %add3A_64, %sub3A_77 : vector<128x128xf32>
    %sub3A_79 = vector.broadcast %div3A_76 : vector<128x1xf32> to vector<128x128xf32>
    %sub3A_80 = arith.subf %add3A_64, %sub3A_79 : vector<128x128xf32>
    %mul3A_81 = arith.mulf %sub3A_78, %sub3A_80 : vector<128x128xf32>
    %reduce_sum3A_82 = arith.constant dense<0.000000e+00> : vector<128xf32>
    %reduce_sum3A_83 = vector.multi_reduction <add>, %mul3A_81, %reduce_sum3A_82 [1] : vector<128x128xf32> to vector<128xf32>
    %broadcast_in_dim3A_84 = vector.shape_cast %reduce_sum3A_83 : vector<128xf32> to vector<128x1xf32>
    %div3A_85 = arith.constant 1.280000e+02 : f32
    %div3A_86 = vector.broadcast %div3A_85 : f32 to vector<128x1xf32>
    %div3A_87 = arith.divf %broadcast_in_dim3A_84, %div3A_86 : vector<128x1xf32>
    %sub3A_88 = vector.broadcast %div3A_76 : vector<128x1xf32> to vector<128x128xf32>
    %sub3A_89 = arith.subf %add3A_64, %sub3A_88 : vector<128x128xf32>
    %add3A_90 = arith.constant 9.99999974E-6 : f32
    %add3A_91 = vector.broadcast %add3A_90 : f32 to vector<128x1xf32>
    %add3A_92 = arith.addf %div3A_87, %add3A_91 : vector<128x1xf32>
    %rsqrt3A_93 = math.rsqrt %add3A_92 : vector<128x1xf32>
    %mul3A_94 = vector.broadcast %rsqrt3A_93 : vector<128x1xf32> to vector<128x128xf32>
    %mul3A_95 = arith.mulf %sub3A_89, %mul3A_94 : vector<128x128xf32>
    %mul3A_96 = vector.broadcast %get3A_67 : vector<1x128xf32> to vector<128x128xf32>
    %mul3A_97 = arith.mulf %mul3A_95, %mul3A_96 : vector<128x128xf32>
    %add3A_98 = vector.broadcast %get3A_70 : vector<1x128xf32> to vector<128x128xf32>
    %add3A_99 = arith.addf %mul3A_97, %add3A_98 : vector<128x128xf32>
    %get3A_100 = arith.constant 0 : index
    %get3A_101 = arith.constant 0 : index
    %get3A_102 = vector.load %arg11[%get3A_100, %get3A_101] : memref<128x384xf32, #tpu.memory_space<vmem>>, vector<128x384xf32>
    %dot_general3A_103 = arith.constant dense<0.000000e+00> : vector<128x384xf32>
    %dot_general3A_104 = tpu.matmul %add3A_99, %get3A_102, %dot_general3A_103 {dimension_numbers = #tpu.dot_dimension_numbers<[1], [0], [0], [1], [0, 0, 1, 1], [], []>, transpose_lhs_hint = false} : vector<128x128xf32>, vector<128x384xf32>, vector<128x384xf32> -> vector<128x384xf32>
    %get3A_105 = arith.constant 0 : index
    %get3A_106 = arith.constant 0 : index
    %get3A_107 = vector.load %arg12[%get3A_105, %get3A_106] : memref<1x384xf32, #tpu.memory_space<vmem>>, vector<1x384xf32>
    %add3A_108 = vector.broadcast %get3A_107 : vector<1x384xf32> to vector<128x384xf32>
    %add3A_109 = arith.addf %dot_general3A_104, %add3A_108 : vector<128x384xf32>
    %slice3A = vector.extract_strided_slice %add3A_109 {offsets = [0, 0], sizes = [128, 128], strides = [1, 1]} : vector<128x384xf32> to vector<128x128xf32>
    %slice3A_110 = vector.extract_strided_slice %add3A_109 {offsets = [0, 128], sizes = [128, 128], strides = [1, 1]} : vector<128x384xf32> to vector<128x128xf32>
    %slice3A_111 = vector.extract_strided_slice %add3A_109 {offsets = [0, 256], sizes = [128, 128], strides = [1, 1]} : vector<128x384xf32> to vector<128x128xf32>
    %slice3A_112 = vector.extract_strided_slice %slice3A {offsets = [0, 0], sizes = [16, 128], strides = [1, 1]} : vector<128x128xf32> to vector<16x128xf32>
    %slice3A_113 = vector.extract_strided_slice %slice3A_110 {offsets = [0, 0], sizes = [16, 128], strides = [1, 1]} : vector<128x128xf32> to vector<16x128xf32>
    %slice3A_114 = vector.extract_strided_slice %slice3A_111 {offsets = [0, 0], sizes = [16, 128], strides = [1, 1]} : vector<128x128xf32> to vector<16x128xf32>
    %slice3A_115 = vector.extract_strided_slice %slice3A_112 {offsets = [0, 0], sizes = [16, 32], strides = [1, 1]} : vector<16x128xf32> to vector<16x32xf32>
    %slice3A_116 = vector.extract_strided_slice %slice3A_113 {offsets = [0, 0], sizes = [16, 32], strides = [1, 1]} : vector<16x128xf32> to vector<16x32xf32>
    %slice3A_117 = vector.extract_strided_slice %slice3A_114 {offsets = [0, 0], sizes = [16, 32], strides = [1, 1]} : vector<16x128xf32> to vector<16x32xf32>
    %dot_general3A_118 = arith.constant dense<0.000000e+00> : vector<16x16xf32>
    %dot_general3A_119 = tpu.matmul %slice3A_115, %slice3A_116, %dot_general3A_118 {dimension_numbers = #tpu.dot_dimension_numbers<[1], [1], [0], [0], [0, 0, 1, 0], [], []>, transpose_lhs_hint = false} : vector<16x32xf32>, vector<16x32xf32>, vector<16x16xf32> -> vector<16x16xf32>
    %mul3A_120 = arith.constant 0.176776692 : f32
    %mul3A_121 = vector.broadcast %mul3A_120 : f32 to vector<16x16xf32>
    %mul3A_122 = arith.mulf %dot_general3A_119, %mul3A_121 : vector<16x16xf32>
    %reduce_max3A = arith.constant dense<0xFF800000> : vector<16xf32>
    %reduce_max3A_123 = vector.multi_reduction <maximumf>, %mul3A_122, %reduce_max3A [1] : vector<16x16xf32> to vector<16xf32>
    %broadcast_in_dim3A_124 = vector.shape_cast %reduce_max3A_123 : vector<16xf32> to vector<16x1xf32>
    %sub3A_125 = vector.broadcast %broadcast_in_dim3A_124 : vector<16x1xf32> to vector<16x16xf32>
    %sub3A_126 = arith.subf %mul3A_122, %sub3A_125 : vector<16x16xf32>
    %exp3A = math.exp %sub3A_126 : vector<16x16xf32>
    %reduce_sum3A_127 = arith.constant dense<0.000000e+00> : vector<16xf32>
    %reduce_sum3A_128 = vector.multi_reduction <add>, %exp3A, %reduce_sum3A_127 [1] : vector<16x16xf32> to vector<16xf32>
    %broadcast_in_dim3A_129 = vector.shape_cast %reduce_sum3A_128 : vector<16xf32> to vector<16x1xf32>
    %div3A_130 = vector.broadcast %broadcast_in_dim3A_129 : vector<16x1xf32> to vector<16x16xf32>
    %div3A_131 = arith.divf %exp3A, %div3A_130 : vector<16x16xf32>
    %dot_general3A_132 = arith.constant dense<0.000000e+00> : vector<16x32xf32>
    %dot_general3A_133 = tpu.matmul %div3A_131, %slice3A_117, %dot_general3A_132 {dimension_numbers = #tpu.dot_dimension_numbers<[1], [0], [0], [1], [0, 0, 1, 1], [], []>, transpose_lhs_hint = false} : vector<16x16xf32>, vector<16x32xf32>, vector<16x32xf32> -> vector<16x32xf32>
    %slice3A_134 = vector.extract_strided_slice %slice3A_112 {offsets = [0, 32], sizes = [16, 32], strides = [1, 1]} : vector<16x128xf32> to vector<16x32xf32>
    %slice3A_135 = vector.extract_strided_slice %slice3A_113 {offsets = [0, 32], sizes = [16, 32], strides = [1, 1]} : vector<16x128xf32> to vector<16x32xf32>
    %slice3A_136 = vector.extract_strided_slice %slice3A_114 {offsets = [0, 32], sizes = [16, 32], strides = [1, 1]} : vector<16x128xf32> to vector<16x32xf32>
    %dot_general3A_137 = arith.constant dense<0.000000e+00> : vector<16x16xf32>
    %dot_general3A_138 = tpu.matmul %slice3A_134, %slice3A_135, %dot_general3A_137 {dimension_numbers = #tpu.dot_dimension_numbers<[1], [1], [0], [0], [0, 0, 1, 0], [], []>, transpose_lhs_hint = false} : vector<16x32xf32>, vector<16x32xf32>, vector<16x16xf32> -> vector<16x16xf32>
    %mul3A_139 = arith.constant 0.176776692 : f32
    %mul3A_140 = vector.broadcast %mul3A_139 : f32 to vector<16x16xf32>
    %mul3A_141 = arith.mulf %dot_general3A_138, %mul3A_140 : vector<16x16xf32>
    %reduce_max3A_142 = arith.constant dense<0xFF800000> : vector<16xf32>
    %reduce_max3A_143 = vector.multi_reduction <maximumf>, %mul3A_141, %reduce_max3A_142 [1] : vector<16x16xf32> to vector<16xf32>
    %broadcast_in_dim3A_144 = vector.shape_cast %reduce_max3A_143 : vector<16xf32> to vector<16x1xf32>
    %sub3A_145 = vector.broadcast %broadcast_in_dim3A_144 : vector<16x1xf32> to vector<16x16xf32>
    %sub3A_146 = arith.subf %mul3A_141, %sub3A_145 : vector<16x16xf32>
    %exp3A_147 = math.exp %sub3A_146 : vector<16x16xf32>
    %reduce_sum3A_148 = arith.constant dense<0.000000e+00> : vector<16xf32>
    %reduce_sum3A_149 = vector.multi_reduction <add>, %exp3A_147, %reduce_sum3A_148 [1] : vector<16x16xf32> to vector<16xf32>
    %broadcast_in_dim3A_150 = vector.shape_cast %reduce_sum3A_149 : vector<16xf32> to vector<16x1xf32>
    %div3A_151 = vector.broadcast %broadcast_in_dim3A_150 : vector<16x1xf32> to vector<16x16xf32>
    %div3A_152 = arith.divf %exp3A_147, %div3A_151 : vector<16x16xf32>
    %dot_general3A_153 = arith.constant dense<0.000000e+00> : vector<16x32xf32>
    %dot_general3A_154 = tpu.matmul %div3A_152, %slice3A_136, %dot_general3A_153 {dimension_numbers = #tpu.dot_dimension_numbers<[1], [0], [0], [1], [0, 0, 1, 1], [], []>, transpose_lhs_hint = false} : vector<16x16xf32>, vector<16x32xf32>, vector<16x32xf32> -> vector<16x32xf32>
    %slice3A_155 = vector.extract_strided_slice %slice3A_112 {offsets = [0, 64], sizes = [16, 32], strides = [1, 1]} : vector<16x128xf32> to vector<16x32xf32>
    %slice3A_156 = vector.extract_strided_slice %slice3A_113 {offsets = [0, 64], sizes = [16, 32], strides = [1, 1]} : vector<16x128xf32> to vector<16x32xf32>
    %slice3A_157 = vector.extract_strided_slice %slice3A_114 {offsets = [0, 64], sizes = [16, 32], strides = [1, 1]} : vector<16x128xf32> to vector<16x32xf32>
    %dot_general3A_158 = arith.constant dense<0.000000e+00> : vector<16x16xf32>
    %dot_general3A_159 = tpu.matmul %slice3A_155, %slice3A_156, %dot_general3A_158 {dimension_numbers = #tpu.dot_dimension_numbers<[1], [1], [0], [0], [0, 0, 1, 0], [], []>, transpose_lhs_hint = false} : vector<16x32xf32>, vector<16x32xf32>, vector<16x16xf32> -> vector<16x16xf32>
    %mul3A_160 = arith.constant 0.176776692 : f32
    %mul3A_161 = vector.broadcast %mul3A_160 : f32 to vector<16x16xf32>
    %mul3A_162 = arith.mulf %dot_general3A_159, %mul3A_161 : vector<16x16xf32>
    %reduce_max3A_163 = arith.constant dense<0xFF800000> : vector<16xf32>
    %reduce_max3A_164 = vector.multi_reduction <maximumf>, %mul3A_162, %reduce_max3A_163 [1] : vector<16x16xf32> to vector<16xf32>
    %broadcast_in_dim3A_165 = vector.shape_cast %reduce_max3A_164 : vector<16xf32> to vector<16x1xf32>
    %sub3A_166 = vector.broadcast %broadcast_in_dim3A_165 : vector<16x1xf32> to vector<16x16xf32>
    %sub3A_167 = arith.subf %mul3A_162, %sub3A_166 : vector<16x16xf32>
    %exp3A_168 = math.exp %sub3A_167 : vector<16x16xf32>
    %reduce_sum3A_169 = arith.constant dense<0.000000e+00> : vector<16xf32>
    %reduce_sum3A_170 = vector.multi_reduction <add>, %exp3A_168, %reduce_sum3A_169 [1] : vector<16x16xf32> to vector<16xf32>
    %broadcast_in_dim3A_171 = vector.shape_cast %reduce_sum3A_170 : vector<16xf32> to vector<16x1xf32>
    %div3A_172 = vector.broadcast %broadcast_in_dim3A_171 : vector<16x1xf32> to vector<16x16xf32>
    %div3A_173 = arith.divf %exp3A_168, %div3A_172 : vector<16x16xf32>
    %dot_general3A_174 = arith.constant dense<0.000000e+00> : vector<16x32xf32>
    %dot_general3A_175 = tpu.matmul %div3A_173, %slice3A_157, %dot_general3A_174 {dimension_numbers = #tpu.dot_dimension_numbers<[1], [0], [0], [1], [0, 0, 1, 1], [], []>, transpose_lhs_hint = false} : vector<16x16xf32>, vector<16x32xf32>, vector<16x32xf32> -> vector<16x32xf32>
    %slice3A_176 = vector.extract_strided_slice %slice3A_112 {offsets = [0, 96], sizes = [16, 32], strides = [1, 1]} : vector<16x128xf32> to vector<16x32xf32>
    %slice3A_177 = vector.extract_strided_slice %slice3A_113 {offsets = [0, 96], sizes = [16, 32], strides = [1, 1]} : vector<16x128xf32> to vector<16x32xf32>
    %slice3A_178 = vector.extract_strided_slice %slice3A_114 {offsets = [0, 96], sizes = [16, 32], strides = [1, 1]} : vector<16x128xf32> to vector<16x32xf32>
    %dot_general3A_179 = arith.constant dense<0.000000e+00> : vector<16x16xf32>
    %dot_general3A_180 = tpu.matmul %slice3A_176, %slice3A_177, %dot_general3A_179 {dimension_numbers = #tpu.dot_dimension_numbers<[1], [1], [0], [0], [0, 0, 1, 0], [], []>, transpose_lhs_hint = false} : vector<16x32xf32>, vector<16x32xf32>, vector<16x16xf32> -> vector<16x16xf32>
    %mul3A_181 = arith.constant 0.176776692 : f32
    %mul3A_182 = vector.broadcast %mul3A_181 : f32 to vector<16x16xf32>
    %mul3A_183 = arith.mulf %dot_general3A_180, %mul3A_182 : vector<16x16xf32>
    %reduce_max3A_184 = arith.constant dense<0xFF800000> : vector<16xf32>
    %reduce_max3A_185 = vector.multi_reduction <maximumf>, %mul3A_183, %reduce_max3A_184 [1] : vector<16x16xf32> to vector<16xf32>
    %broadcast_in_dim3A_186 = vector.shape_cast %reduce_max3A_185 : vector<16xf32> to vector<16x1xf32>
    %sub3A_187 = vector.broadcast %broadcast_in_dim3A_186 : vector<16x1xf32> to vector<16x16xf32>
    %sub3A_188 = arith.subf %mul3A_183, %sub3A_187 : vector<16x16xf32>
    %exp3A_189 = math.exp %sub3A_188 : vector<16x16xf32>
    %reduce_sum3A_190 = arith.constant dense<0.000000e+00> : vector<16xf32>
    %reduce_sum3A_191 = vector.multi_reduction <add>, %exp3A_189, %reduce_sum3A_190 [1] : vector<16x16xf32> to vector<16xf32>
    %broadcast_in_dim3A_192 = vector.shape_cast %reduce_sum3A_191 : vector<16xf32> to vector<16x1xf32>
    %div3A_193 = vector.broadcast %broadcast_in_dim3A_192 : vector<16x1xf32> to vector<16x16xf32>
    %div3A_194 = arith.divf %exp3A_189, %div3A_193 : vector<16x16xf32>
    %dot_general3A_195 = arith.constant dense<0.000000e+00> : vector<16x32xf32>
    %dot_general3A_196 = tpu.matmul %div3A_194, %slice3A_178, %dot_general3A_195 {dimension_numbers = #tpu.dot_dimension_numbers<[1], [0], [0], [1], [0, 0, 1, 1], [], []>, transpose_lhs_hint = false} : vector<16x16xf32>, vector<16x32xf32>, vector<16x32xf32> -> vector<16x32xf32>
    %concatenate3A_197 = tpu.concatenate %dot_general3A_133, %dot_general3A_154, %dot_general3A_175, %dot_general3A_196 in 1 : vector<16x32xf32>, vector<16x32xf32>, vector<16x32xf32>, vector<16x32xf32> -> vector<16x128xf32>
    %slice3A_198 = vector.extract_strided_slice %slice3A {offsets = [16, 0], sizes = [16, 128], strides = [1, 1]} : vector<128x128xf32> to vector<16x128xf32>
    %slice3A_199 = vector.extract_strided_slice %slice3A_110 {offsets = [16, 0], sizes = [16, 128], strides = [1, 1]} : vector<128x128xf32> to vector<16x128xf32>
    %slice3A_200 = vector.extract_strided_slice %slice3A_111 {offsets = [16, 0], sizes = [16, 128], strides = [1, 1]} : vector<128x128xf32> to vector<16x128xf32>
    %slice3A_201 = vector.extract_strided_slice %slice3A_198 {offsets = [0, 0], sizes = [16, 32], strides = [1, 1]} : vector<16x128xf32> to vector<16x32xf32>
    %slice3A_202 = vector.extract_strided_slice %slice3A_199 {offsets = [0, 0], sizes = [16, 32], strides = [1, 1]} : vector<16x128xf32> to vector<16x32xf32>
    %slice3A_203 = vector.extract_strided_slice %slice3A_200 {offsets = [0, 0], sizes = [16, 32], strides = [1, 1]} : vector<16x128xf32> to vector<16x32xf32>
    %dot_general3A_204 = arith.constant dense<0.000000e+00> : vector<16x16xf32>
    %dot_general3A_205 = tpu.matmul %slice3A_201, %slice3A_202, %dot_general3A_204 {dimension_numbers = #tpu.dot_dimension_numbers<[1], [1], [0], [0], [0, 0, 1, 0], [], []>, transpose_lhs_hint = false} : vector<16x32xf32>, vector<16x32xf32>, vector<16x16xf32> -> vector<16x16xf32>
    %mul3A_206 = arith.constant 0.176776692 : f32
    %mul3A_207 = vector.broadcast %mul3A_206 : f32 to vector<16x16xf32>
    %mul3A_208 = arith.mulf %dot_general3A_205, %mul3A_207 : vector<16x16xf32>
    %reduce_max3A_209 = arith.constant dense<0xFF800000> : vector<16xf32>
    %reduce_max3A_210 = vector.multi_reduction <maximumf>, %mul3A_208, %reduce_max3A_209 [1] : vector<16x16xf32> to vector<16xf32>
    %broadcast_in_dim3A_211 = vector.shape_cast %reduce_max3A_210 : vector<16xf32> to vector<16x1xf32>
    %sub3A_212 = vector.broadcast %broadcast_in_dim3A_211 : vector<16x1xf32> to vector<16x16xf32>
    %sub3A_213 = arith.subf %mul3A_208, %sub3A_212 : vector<16x16xf32>
    %exp3A_214 = math.exp %sub3A_213 : vector<16x16xf32>
    %reduce_sum3A_215 = arith.constant dense<0.000000e+00> : vector<16xf32>
    %reduce_sum3A_216 = vector.multi_reduction <add>, %exp3A_214, %reduce_sum3A_215 [1] : vector<16x16xf32> to vector<16xf32>
    %broadcast_in_dim3A_217 = vector.shape_cast %reduce_sum3A_216 : vector<16xf32> to vector<16x1xf32>
    %div3A_218 = vector.broadcast %broadcast_in_dim3A_217 : vector<16x1xf32> to vector<16x16xf32>
    %div3A_219 = arith.divf %exp3A_214, %div3A_218 : vector<16x16xf32>
    %dot_general3A_220 = arith.constant dense<0.000000e+00> : vector<16x32xf32>
    %dot_general3A_221 = tpu.matmul %div3A_219, %slice3A_203, %dot_general3A_220 {dimension_numbers = #tpu.dot_dimension_numbers<[1], [0], [0], [1], [0, 0, 1, 1], [], []>, transpose_lhs_hint = false} : vector<16x16xf32>, vector<16x32xf32>, vector<16x32xf32> -> vector<16x32xf32>
    %slice3A_222 = vector.extract_strided_slice %slice3A_198 {offsets = [0, 32], sizes = [16, 32], strides = [1, 1]} : vector<16x128xf32> to vector<16x32xf32>
    %slice3A_223 = vector.extract_strided_slice %slice3A_199 {offsets = [0, 32], sizes = [16, 32], strides = [1, 1]} : vector<16x128xf32> to vector<16x32xf32>
    %slice3A_224 = vector.extract_strided_slice %slice3A_200 {offsets = [0, 32], sizes = [16, 32], strides = [1, 1]} : vector<16x128xf32> to vector<16x32xf32>
    %dot_general3A_225 = arith.constant dense<0.000000e+00> : vector<16x16xf32>
    %dot_general3A_226 = tpu.matmul %slice3A_222, %slice3A_223, %dot_general3A_225 {dimension_numbers = #tpu.dot_dimension_numbers<[1], [1], [0], [0], [0, 0, 1, 0], [], []>, transpose_lhs_hint = false} : vector<16x32xf32>, vector<16x32xf32>, vector<16x16xf32> -> vector<16x16xf32>
    %mul3A_227 = arith.constant 0.176776692 : f32
    %mul3A_228 = vector.broadcast %mul3A_227 : f32 to vector<16x16xf32>
    %mul3A_229 = arith.mulf %dot_general3A_226, %mul3A_228 : vector<16x16xf32>
    %reduce_max3A_230 = arith.constant dense<0xFF800000> : vector<16xf32>
    %reduce_max3A_231 = vector.multi_reduction <maximumf>, %mul3A_229, %reduce_max3A_230 [1] : vector<16x16xf32> to vector<16xf32>
    %broadcast_in_dim3A_232 = vector.shape_cast %reduce_max3A_231 : vector<16xf32> to vector<16x1xf32>
    %sub3A_233 = vector.broadcast %broadcast_in_dim3A_232 : vector<16x1xf32> to vector<16x16xf32>
    %sub3A_234 = arith.subf %mul3A_229, %sub3A_233 : vector<16x16xf32>
    %exp3A_235 = math.exp %sub3A_234 : vector<16x16xf32>
    %reduce_sum3A_236 = arith.constant dense<0.000000e+00> : vector<16xf32>
    %reduce_sum3A_237 = vector.multi_reduction <add>, %exp3A_235, %reduce_sum3A_236 [1] : vector<16x16xf32> to vector<16xf32>
    %broadcast_in_dim3A_238 = vector.shape_cast %reduce_sum3A_237 : vector<16xf32> to vector<16x1xf32>
    %div3A_239 = vector.broadcast %broadcast_in_dim3A_238 : vector<16x1xf32> to vector<16x16xf32>
    %div3A_240 = arith.divf %exp3A_235, %div3A_239 : vector<16x16xf32>
    %dot_general3A_241 = arith.constant dense<0.000000e+00> : vector<16x32xf32>
    %dot_general3A_242 = tpu.matmul %div3A_240, %slice3A_224, %dot_general3A_241 {dimension_numbers = #tpu.dot_dimension_numbers<[1], [0], [0], [1], [0, 0, 1, 1], [], []>, transpose_lhs_hint = false} : vector<16x16xf32>, vector<16x32xf32>, vector<16x32xf32> -> vector<16x32xf32>
    %slice3A_243 = vector.extract_strided_slice %slice3A_198 {offsets = [0, 64], sizes = [16, 32], strides = [1, 1]} : vector<16x128xf32> to vector<16x32xf32>
    %slice3A_244 = vector.extract_strided_slice %slice3A_199 {offsets = [0, 64], sizes = [16, 32], strides = [1, 1]} : vector<16x128xf32> to vector<16x32xf32>
    %slice3A_245 = vector.extract_strided_slice %slice3A_200 {offsets = [0, 64], sizes = [16, 32], strides = [1, 1]} : vector<16x128xf32> to vector<16x32xf32>
    %dot_general3A_246 = arith.constant dense<0.000000e+00> : vector<16x16xf32>
    %dot_general3A_247 = tpu.matmul %slice3A_243, %slice3A_244, %dot_general3A_246 {dimension_numbers = #tpu.dot_dimension_numbers<[1], [1], [0], [0], [0, 0, 1, 0], [], []>, transpose_lhs_hint = false} : vector<16x32xf32>, vector<16x32xf32>, vector<16x16xf32> -> vector<16x16xf32>
    %mul3A_248 = arith.constant 0.176776692 : f32
    %mul3A_249 = vector.broadcast %mul3A_248 : f32 to vector<16x16xf32>
    %mul3A_250 = arith.mulf %dot_general3A_247, %mul3A_249 : vector<16x16xf32>
    %reduce_max3A_251 = arith.constant dense<0xFF800000> : vector<16xf32>
    %reduce_max3A_252 = vector.multi_reduction <maximumf>, %mul3A_250, %reduce_max3A_251 [1] : vector<16x16xf32> to vector<16xf32>
    %broadcast_in_dim3A_253 = vector.shape_cast %reduce_max3A_252 : vector<16xf32> to vector<16x1xf32>
    %sub3A_254 = vector.broadcast %broadcast_in_dim3A_253 : vector<16x1xf32> to vector<16x16xf32>
    %sub3A_255 = arith.subf %mul3A_250, %sub3A_254 : vector<16x16xf32>
    %exp3A_256 = math.exp %sub3A_255 : vector<16x16xf32>
    %reduce_sum3A_257 = arith.constant dense<0.000000e+00> : vector<16xf32>
    %reduce_sum3A_258 = vector.multi_reduction <add>, %exp3A_256, %reduce_sum3A_257 [1] : vector<16x16xf32> to vector<16xf32>
    %broadcast_in_dim3A_259 = vector.shape_cast %reduce_sum3A_258 : vector<16xf32> to vector<16x1xf32>
    %div3A_260 = vector.broadcast %broadcast_in_dim3A_259 : vector<16x1xf32> to vector<16x16xf32>
    %div3A_261 = arith.divf %exp3A_256, %div3A_260 : vector<16x16xf32>
    %dot_general3A_262 = arith.constant dense<0.000000e+00> : vector<16x32xf32>
    %dot_general3A_263 = tpu.matmul %div3A_261, %slice3A_245, %dot_general3A_262 {dimension_numbers = #tpu.dot_dimension_numbers<[1], [0], [0], [1], [0, 0, 1, 1], [], []>, transpose_lhs_hint = false} : vector<16x16xf32>, vector<16x32xf32>, vector<16x32xf32> -> vector<16x32xf32>
    %slice3A_264 = vector.extract_strided_slice %slice3A_198 {offsets = [0, 96], sizes = [16, 32], strides = [1, 1]} : vector<16x128xf32> to vector<16x32xf32>
    %slice3A_265 = vector.extract_strided_slice %slice3A_199 {offsets = [0, 96], sizes = [16, 32], strides = [1, 1]} : vector<16x128xf32> to vector<16x32xf32>
    %slice3A_266 = vector.extract_strided_slice %slice3A_200 {offsets = [0, 96], sizes = [16, 32], strides = [1, 1]} : vector<16x128xf32> to vector<16x32xf32>
    %dot_general3A_267 = arith.constant dense<0.000000e+00> : vector<16x16xf32>
    %dot_general3A_268 = tpu.matmul %slice3A_264, %slice3A_265, %dot_general3A_267 {dimension_numbers = #tpu.dot_dimension_numbers<[1], [1], [0], [0], [0, 0, 1, 0], [], []>, transpose_lhs_hint = false} : vector<16x32xf32>, vector<16x32xf32>, vector<16x16xf32> -> vector<16x16xf32>
    %mul3A_269 = arith.constant 0.176776692 : f32
    %mul3A_270 = vector.broadcast %mul3A_269 : f32 to vector<16x16xf32>
    %mul3A_271 = arith.mulf %dot_general3A_268, %mul3A_270 : vector<16x16xf32>
    %reduce_max3A_272 = arith.constant dense<0xFF800000> : vector<16xf32>
    %reduce_max3A_273 = vector.multi_reduction <maximumf>, %mul3A_271, %reduce_max3A_272 [1] : vector<16x16xf32> to vector<16xf32>
    %broadcast_in_dim3A_274 = vector.shape_cast %reduce_max3A_273 : vector<16xf32> to vector<16x1xf32>
    %sub3A_275 = vector.broadcast %broadcast_in_dim3A_274 : vector<16x1xf32> to vector<16x16xf32>
    %sub3A_276 = arith.subf %mul3A_271, %sub3A_275 : vector<16x16xf32>
    %exp3A_277 = math.exp %sub3A_276 : vector<16x16xf32>
    %reduce_sum3A_278 = arith.constant dense<0.000000e+00> : vector<16xf32>
    %reduce_sum3A_279 = vector.multi_reduction <add>, %exp3A_277, %reduce_sum3A_278 [1] : vector<16x16xf32> to vector<16xf32>
    %broadcast_in_dim3A_280 = vector.shape_cast %reduce_sum3A_279 : vector<16xf32> to vector<16x1xf32>
    %div3A_281 = vector.broadcast %broadcast_in_dim3A_280 : vector<16x1xf32> to vector<16x16xf32>
    %div3A_282 = arith.divf %exp3A_277, %div3A_281 : vector<16x16xf32>
    %dot_general3A_283 = arith.constant dense<0.000000e+00> : vector<16x32xf32>
    %dot_general3A_284 = tpu.matmul %div3A_282, %slice3A_266, %dot_general3A_283 {dimension_numbers = #tpu.dot_dimension_numbers<[1], [0], [0], [1], [0, 0, 1, 1], [], []>, transpose_lhs_hint = false} : vector<16x16xf32>, vector<16x32xf32>, vector<16x32xf32> -> vector<16x32xf32>
    %concatenate3A_285 = tpu.concatenate %dot_general3A_221, %dot_general3A_242, %dot_general3A_263, %dot_general3A_284 in 1 : vector<16x32xf32>, vector<16x32xf32>, vector<16x32xf32>, vector<16x32xf32> -> vector<16x128xf32>
    %slice3A_286 = vector.extract_strided_slice %slice3A {offsets = [32, 0], sizes = [16, 128], strides = [1, 1]} : vector<128x128xf32> to vector<16x128xf32>
    %slice3A_287 = vector.extract_strided_slice %slice3A_110 {offsets = [32, 0], sizes = [16, 128], strides = [1, 1]} : vector<128x128xf32> to vector<16x128xf32>
    %slice3A_288 = vector.extract_strided_slice %slice3A_111 {offsets = [32, 0], sizes = [16, 128], strides = [1, 1]} : vector<128x128xf32> to vector<16x128xf32>
    %slice3A_289 = vector.extract_strided_slice %slice3A_286 {offsets = [0, 0], sizes = [16, 32], strides = [1, 1]} : vector<16x128xf32> to vector<16x32xf32>
    %slice3A_290 = vector.extract_strided_slice %slice3A_287 {offsets = [0, 0], sizes = [16, 32], strides = [1, 1]} : vector<16x128xf32> to vector<16x32xf32>
    %slice3A_291 = vector.extract_strided_slice %slice3A_288 {offsets = [0, 0], sizes = [16, 32], strides = [1, 1]} : vector<16x128xf32> to vector<16x32xf32>
    %dot_general3A_292 = arith.constant dense<0.000000e+00> : vector<16x16xf32>
    %dot_general3A_293 = tpu.matmul %slice3A_289, %slice3A_290, %dot_general3A_292 {dimension_numbers = #tpu.dot_dimension_numbers<[1], [1], [0], [0], [0, 0, 1, 0], [], []>, transpose_lhs_hint = false} : vector<16x32xf32>, vector<16x32xf32>, vector<16x16xf32> -> vector<16x16xf32>
    %mul3A_294 = arith.constant 0.176776692 : f32
    %mul3A_295 = vector.broadcast %mul3A_294 : f32 to vector<16x16xf32>
    %mul3A_296 = arith.mulf %dot_general3A_293, %mul3A_295 : vector<16x16xf32>
    %reduce_max3A_297 = arith.constant dense<0xFF800000> : vector<16xf32>
    %reduce_max3A_298 = vector.multi_reduction <maximumf>, %mul3A_296, %reduce_max3A_297 [1] : vector<16x16xf32> to vector<16xf32>
    %broadcast_in_dim3A_299 = vector.shape_cast %reduce_max3A_298 : vector<16xf32> to vector<16x1xf32>
    %sub3A_300 = vector.broadcast %broadcast_in_dim3A_299 : vector<16x1xf32> to vector<16x16xf32>
    %sub3A_301 = arith.subf %mul3A_296, %sub3A_300 : vector<16x16xf32>
    %exp3A_302 = math.exp %sub3A_301 : vector<16x16xf32>
    %reduce_sum3A_303 = arith.constant dense<0.000000e+00> : vector<16xf32>
    %reduce_sum3A_304 = vector.multi_reduction <add>, %exp3A_302, %reduce_sum3A_303 [1] : vector<16x16xf32> to vector<16xf32>
    %broadcast_in_dim3A_305 = vector.shape_cast %reduce_sum3A_304 : vector<16xf32> to vector<16x1xf32>
    %div3A_306 = vector.broadcast %broadcast_in_dim3A_305 : vector<16x1xf32> to vector<16x16xf32>
    %div3A_307 = arith.divf %exp3A_302, %div3A_306 : vector<16x16xf32>
    %dot_general3A_308 = arith.constant dense<0.000000e+00> : vector<16x32xf32>
    %dot_general3A_309 = tpu.matmul %div3A_307, %slice3A_291, %dot_general3A_308 {dimension_numbers = #tpu.dot_dimension_numbers<[1], [0], [0], [1], [0, 0, 1, 1], [], []>, transpose_lhs_hint = false} : vector<16x16xf32>, vector<16x32xf32>, vector<16x32xf32> -> vector<16x32xf32>
    %slice3A_310 = vector.extract_strided_slice %slice3A_286 {offsets = [0, 32], sizes = [16, 32], strides = [1, 1]} : vector<16x128xf32> to vector<16x32xf32>
    %slice3A_311 = vector.extract_strided_slice %slice3A_287 {offsets = [0, 32], sizes = [16, 32], strides = [1, 1]} : vector<16x128xf32> to vector<16x32xf32>
    %slice3A_312 = vector.extract_strided_slice %slice3A_288 {offsets = [0, 32], sizes = [16, 32], strides = [1, 1]} : vector<16x128xf32> to vector<16x32xf32>
    %dot_general3A_313 = arith.constant dense<0.000000e+00> : vector<16x16xf32>
    %dot_general3A_314 = tpu.matmul %slice3A_310, %slice3A_311, %dot_general3A_313 {dimension_numbers = #tpu.dot_dimension_numbers<[1], [1], [0], [0], [0, 0, 1, 0], [], []>, transpose_lhs_hint = false} : vector<16x32xf32>, vector<16x32xf32>, vector<16x16xf32> -> vector<16x16xf32>
    %mul3A_315 = arith.constant 0.176776692 : f32
    %mul3A_316 = vector.broadcast %mul3A_315 : f32 to vector<16x16xf32>
    %mul3A_317 = arith.mulf %dot_general3A_314, %mul3A_316 : vector<16x16xf32>
    %reduce_max3A_318 = arith.constant dense<0xFF800000> : vector<16xf32>
    %reduce_max3A_319 = vector.multi_reduction <maximumf>, %mul3A_317, %reduce_max3A_318 [1] : vector<16x16xf32> to vector<16xf32>
    %broadcast_in_dim3A_320 = vector.shape_cast %reduce_max3A_319 : vector<16xf32> to vector<16x1xf32>
    %sub3A_321 = vector.broadcast %broadcast_in_dim3A_320 : vector<16x1xf32> to vector<16x16xf32>
    %sub3A_322 = arith.subf %mul3A_317, %sub3A_321 : vector<16x16xf32>
    %exp3A_323 = math.exp %sub3A_322 : vector<16x16xf32>
    %reduce_sum3A_324 = arith.constant dense<0.000000e+00> : vector<16xf32>
    %reduce_sum3A_325 = vector.multi_reduction <add>, %exp3A_323, %reduce_sum3A_324 [1] : vector<16x16xf32> to vector<16xf32>
    %broadcast_in_dim3A_326 = vector.shape_cast %reduce_sum3A_325 : vector<16xf32> to vector<16x1xf32>
    %div3A_327 = vector.broadcast %broadcast_in_dim3A_326 : vector<16x1xf32> to vector<16x16xf32>
    %div3A_328 = arith.divf %exp3A_323, %div3A_327 : vector<16x16xf32>
    %dot_general3A_329 = arith.constant dense<0.000000e+00> : vector<16x32xf32>
    %dot_general3A_330 = tpu.matmul %div3A_328, %slice3A_312, %dot_general3A_329 {dimension_numbers = #tpu.dot_dimension_numbers<[1], [0], [0], [1], [0, 0, 1, 1], [], []>, transpose_lhs_hint = false} : vector<16x16xf32>, vector<16x32xf32>, vector<16x32xf32> -> vector<16x32xf32>
    %slice3A_331 = vector.extract_strided_slice %slice3A_286 {offsets = [0, 64], sizes = [16, 32], strides = [1, 1]} : vector<16x128xf32> to vector<16x32xf32>
    %slice3A_332 = vector.extract_strided_slice %slice3A_287 {offsets = [0, 64], sizes = [16, 32], strides = [1, 1]} : vector<16x128xf32> to vector<16x32xf32>
    %slice3A_333 = vector.extract_strided_slice %slice3A_288 {offsets = [0, 64], sizes = [16, 32], strides = [1, 1]} : vector<16x128xf32> to vector<16x32xf32>
    %dot_general3A_334 = arith.constant dense<0.000000e+00> : vector<16x16xf32>
    %dot_general3A_335 = tpu.matmul %slice3A_331, %slice3A_332, %dot_general3A_334 {dimension_numbers = #tpu.dot_dimension_numbers<[1], [1], [0], [0], [0, 0, 1, 0], [], []>, transpose_lhs_hint = false} : vector<16x32xf32>, vector<16x32xf32>, vector<16x16xf32> -> vector<16x16xf32>
    %mul3A_336 = arith.constant 0.176776692 : f32
    %mul3A_337 = vector.broadcast %mul3A_336 : f32 to vector<16x16xf32>
    %mul3A_338 = arith.mulf %dot_general3A_335, %mul3A_337 : vector<16x16xf32>
    %reduce_max3A_339 = arith.constant dense<0xFF800000> : vector<16xf32>
    %reduce_max3A_340 = vector.multi_reduction <maximumf>, %mul3A_338, %reduce_max3A_339 [1] : vector<16x16xf32> to vector<16xf32>
    %broadcast_in_dim3A_341 = vector.shape_cast %reduce_max3A_340 : vector<16xf32> to vector<16x1xf32>
    %sub3A_342 = vector.broadcast %broadcast_in_dim3A_341 : vector<16x1xf32> to vector<16x16xf32>
    %sub3A_343 = arith.subf %mul3A_338, %sub3A_342 : vector<16x16xf32>
    %exp3A_344 = math.exp %sub3A_343 : vector<16x16xf32>
    %reduce_sum3A_345 = arith.constant dense<0.000000e+00> : vector<16xf32>
    %reduce_sum3A_346 = vector.multi_reduction <add>, %exp3A_344, %reduce_sum3A_345 [1] : vector<16x16xf32> to vector<16xf32>
    %broadcast_in_dim3A_347 = vector.shape_cast %reduce_sum3A_346 : vector<16xf32> to vector<16x1xf32>
    %div3A_348 = vector.broadcast %broadcast_in_dim3A_347 : vector<16x1xf32> to vector<16x16xf32>
    %div3A_349 = arith.divf %exp3A_344, %div3A_348 : vector<16x16xf32>
    %dot_general3A_350 = arith.constant dense<0.000000e+00> : vector<16x32xf32>
    %dot_general3A_351 = tpu.matmul %div3A_349, %slice3A_333, %dot_general3A_350 {dimension_numbers = #tpu.dot_dimension_numbers<[1], [0], [0], [1], [0, 0, 1, 1], [], []>, transpose_lhs_hint = false} : vector<16x16xf32>, vector<16x32xf32>, vector<16x32xf32> -> vector<16x32xf32>
    %slice3A_352 = vector.extract_strided_slice %slice3A_286 {offsets = [0, 96], sizes = [16, 32], strides = [1, 1]} : vector<16x128xf32> to vector<16x32xf32>
    %slice3A_353 = vector.extract_strided_slice %slice3A_287 {offsets = [0, 96], sizes = [16, 32], strides = [1, 1]} : vector<16x128xf32> to vector<16x32xf32>
    %slice3A_354 = vector.extract_strided_slice %slice3A_288 {offsets = [0, 96], sizes = [16, 32], strides = [1, 1]} : vector<16x128xf32> to vector<16x32xf32>
    %dot_general3A_355 = arith.constant dense<0.000000e+00> : vector<16x16xf32>
    %dot_general3A_356 = tpu.matmul %slice3A_352, %slice3A_353, %dot_general3A_355 {dimension_numbers = #tpu.dot_dimension_numbers<[1], [1], [0], [0], [0, 0, 1, 0], [], []>, transpose_lhs_hint = false} : vector<16x32xf32>, vector<16x32xf32>, vector<16x16xf32> -> vector<16x16xf32>
    %mul3A_357 = arith.constant 0.176776692 : f32
    %mul3A_358 = vector.broadcast %mul3A_357 : f32 to vector<16x16xf32>
    %mul3A_359 = arith.mulf %dot_general3A_356, %mul3A_358 : vector<16x16xf32>
    %reduce_max3A_360 = arith.constant dense<0xFF800000> : vector<16xf32>
    %reduce_max3A_361 = vector.multi_reduction <maximumf>, %mul3A_359, %reduce_max3A_360 [1] : vector<16x16xf32> to vector<16xf32>
    %broadcast_in_dim3A_362 = vector.shape_cast %reduce_max3A_361 : vector<16xf32> to vector<16x1xf32>
    %sub3A_363 = vector.broadcast %broadcast_in_dim3A_362 : vector<16x1xf32> to vector<16x16xf32>
    %sub3A_364 = arith.subf %mul3A_359, %sub3A_363 : vector<16x16xf32>
    %exp3A_365 = math.exp %sub3A_364 : vector<16x16xf32>
    %reduce_sum3A_366 = arith.constant dense<0.000000e+00> : vector<16xf32>
    %reduce_sum3A_367 = vector.multi_reduction <add>, %exp3A_365, %reduce_sum3A_366 [1] : vector<16x16xf32> to vector<16xf32>
    %broadcast_in_dim3A_368 = vector.shape_cast %reduce_sum3A_367 : vector<16xf32> to vector<16x1xf32>
    %div3A_369 = vector.broadcast %broadcast_in_dim3A_368 : vector<16x1xf32> to vector<16x16xf32>
    %div3A_370 = arith.divf %exp3A_365, %div3A_369 : vector<16x16xf32>
    %dot_general3A_371 = arith.constant dense<0.000000e+00> : vector<16x32xf32>
    %dot_general3A_372 = tpu.matmul %div3A_370, %slice3A_354, %dot_general3A_371 {dimension_numbers = #tpu.dot_dimension_numbers<[1], [0], [0], [1], [0, 0, 1, 1], [], []>, transpose_lhs_hint = false} : vector<16x16xf32>, vector<16x32xf32>, vector<16x32xf32> -> vector<16x32xf32>
    %concatenate3A_373 = tpu.concatenate %dot_general3A_309, %dot_general3A_330, %dot_general3A_351, %dot_general3A_372 in 1 : vector<16x32xf32>, vector<16x32xf32>, vector<16x32xf32>, vector<16x32xf32> -> vector<16x128xf32>
    %slice3A_374 = vector.extract_strided_slice %slice3A {offsets = [48, 0], sizes = [16, 128], strides = [1, 1]} : vector<128x128xf32> to vector<16x128xf32>
    %slice3A_375 = vector.extract_strided_slice %slice3A_110 {offsets = [48, 0], sizes = [16, 128], strides = [1, 1]} : vector<128x128xf32> to vector<16x128xf32>
    %slice3A_376 = vector.extract_strided_slice %slice3A_111 {offsets = [48, 0], sizes = [16, 128], strides = [1, 1]} : vector<128x128xf32> to vector<16x128xf32>
    %slice3A_377 = vector.extract_strided_slice %slice3A_374 {offsets = [0, 0], sizes = [16, 32], strides = [1, 1]} : vector<16x128xf32> to vector<16x32xf32>
    %slice3A_378 = vector.extract_strided_slice %slice3A_375 {offsets = [0, 0], sizes = [16, 32], strides = [1, 1]} : vector<16x128xf32> to vector<16x32xf32>
    %slice3A_379 = vector.extract_strided_slice %slice3A_376 {offsets = [0, 0], sizes = [16, 32], strides = [1, 1]} : vector<16x128xf32> to vector<16x32xf32>
    %dot_general3A_380 = arith.constant dense<0.000000e+00> : vector<16x16xf32>
    %dot_general3A_381 = tpu.matmul %slice3A_377, %slice3A_378, %dot_general3A_380 {dimension_numbers = #tpu.dot_dimension_numbers<[1], [1], [0], [0], [0, 0, 1, 0], [], []>, transpose_lhs_hint = false} : vector<16x32xf32>, vector<16x32xf32>, vector<16x16xf32> -> vector<16x16xf32>
    %mul3A_382 = arith.constant 0.176776692 : f32
    %mul3A_383 = vector.broadcast %mul3A_382 : f32 to vector<16x16xf32>
    %mul3A_384 = arith.mulf %dot_general3A_381, %mul3A_383 : vector<16x16xf32>
    %reduce_max3A_385 = arith.constant dense<0xFF800000> : vector<16xf32>
    %reduce_max3A_386 = vector.multi_reduction <maximumf>, %mul3A_384, %reduce_max3A_385 [1] : vector<16x16xf32> to vector<16xf32>
    %broadcast_in_dim3A_387 = vector.shape_cast %reduce_max3A_386 : vector<16xf32> to vector<16x1xf32>
    %sub3A_388 = vector.broadcast %broadcast_in_dim3A_387 : vector<16x1xf32> to vector<16x16xf32>
    %sub3A_389 = arith.subf %mul3A_384, %sub3A_388 : vector<16x16xf32>
    %exp3A_390 = math.exp %sub3A_389 : vector<16x16xf32>
    %reduce_sum3A_391 = arith.constant dense<0.000000e+00> : vector<16xf32>
    %reduce_sum3A_392 = vector.multi_reduction <add>, %exp3A_390, %reduce_sum3A_391 [1] : vector<16x16xf32> to vector<16xf32>
    %broadcast_in_dim3A_393 = vector.shape_cast %reduce_sum3A_392 : vector<16xf32> to vector<16x1xf32>
    %div3A_394 = vector.broadcast %broadcast_in_dim3A_393 : vector<16x1xf32> to vector<16x16xf32>
    %div3A_395 = arith.divf %exp3A_390, %div3A_394 : vector<16x16xf32>
    %dot_general3A_396 = arith.constant dense<0.000000e+00> : vector<16x32xf32>
    %dot_general3A_397 = tpu.matmul %div3A_395, %slice3A_379, %dot_general3A_396 {dimension_numbers = #tpu.dot_dimension_numbers<[1], [0], [0], [1], [0, 0, 1, 1], [], []>, transpose_lhs_hint = false} : vector<16x16xf32>, vector<16x32xf32>, vector<16x32xf32> -> vector<16x32xf32>
    %slice3A_398 = vector.extract_strided_slice %slice3A_374 {offsets = [0, 32], sizes = [16, 32], strides = [1, 1]} : vector<16x128xf32> to vector<16x32xf32>
    %slice3A_399 = vector.extract_strided_slice %slice3A_375 {offsets = [0, 32], sizes = [16, 32], strides = [1, 1]} : vector<16x128xf32> to vector<16x32xf32>
    %slice3A_400 = vector.extract_strided_slice %slice3A_376 {offsets = [0, 32], sizes = [16, 32], strides = [1, 1]} : vector<16x128xf32> to vector<16x32xf32>
    %dot_general3A_401 = arith.constant dense<0.000000e+00> : vector<16x16xf32>
    %dot_general3A_402 = tpu.matmul %slice3A_398, %slice3A_399, %dot_general3A_401 {dimension_numbers = #tpu.dot_dimension_numbers<[1], [1], [0], [0], [0, 0, 1, 0], [], []>, transpose_lhs_hint = false} : vector<16x32xf32>, vector<16x32xf32>, vector<16x16xf32> -> vector<16x16xf32>
    %mul3A_403 = arith.constant 0.176776692 : f32
    %mul3A_404 = vector.broadcast %mul3A_403 : f32 to vector<16x16xf32>
    %mul3A_405 = arith.mulf %dot_general3A_402, %mul3A_404 : vector<16x16xf32>
    %reduce_max3A_406 = arith.constant dense<0xFF800000> : vector<16xf32>
    %reduce_max3A_407 = vector.multi_reduction <maximumf>, %mul3A_405, %reduce_max3A_406 [1] : vector<16x16xf32> to vector<16xf32>
    %broadcast_in_dim3A_408 = vector.shape_cast %reduce_max3A_407 : vector<16xf32> to vector<16x1xf32>
    %sub3A_409 = vector.broadcast %broadcast_in_dim3A_408 : vector<16x1xf32> to vector<16x16xf32>
    %sub3A_410 = arith.subf %mul3A_405, %sub3A_409 : vector<16x16xf32>
    %exp3A_411 = math.exp %sub3A_410 : vector<16x16xf32>
    %reduce_sum3A_412 = arith.constant dense<0.000000e+00> : vector<16xf32>
    %reduce_sum3A_413 = vector.multi_reduction <add>, %exp3A_411, %reduce_sum3A_412 [1] : vector<16x16xf32> to vector<16xf32>
    %broadcast_in_dim3A_414 = vector.shape_cast %reduce_sum3A_413 : vector<16xf32> to vector<16x1xf32>
    %div3A_415 = vector.broadcast %broadcast_in_dim3A_414 : vector<16x1xf32> to vector<16x16xf32>
    %div3A_416 = arith.divf %exp3A_411, %div3A_415 : vector<16x16xf32>
    %dot_general3A_417 = arith.constant dense<0.000000e+00> : vector<16x32xf32>
    %dot_general3A_418 = tpu.matmul %div3A_416, %slice3A_400, %dot_general3A_417 {dimension_numbers = #tpu.dot_dimension_numbers<[1], [0], [0], [1], [0, 0, 1, 1], [], []>, transpose_lhs_hint = false} : vector<16x16xf32>, vector<16x32xf32>, vector<16x32xf32> -> vector<16x32xf32>
    %slice3A_419 = vector.extract_strided_slice %slice3A_374 {offsets = [0, 64], sizes = [16, 32], strides = [1, 1]} : vector<16x128xf32> to vector<16x32xf32>
    %slice3A_420 = vector.extract_strided_slice %slice3A_375 {offsets = [0, 64], sizes = [16, 32], strides = [1, 1]} : vector<16x128xf32> to vector<16x32xf32>
    %slice3A_421 = vector.extract_strided_slice %slice3A_376 {offsets = [0, 64], sizes = [16, 32], strides = [1, 1]} : vector<16x128xf32> to vector<16x32xf32>
    %dot_general3A_422 = arith.constant dense<0.000000e+00> : vector<16x16xf32>
    %dot_general3A_423 = tpu.matmul %slice3A_419, %slice3A_420, %dot_general3A_422 {dimension_numbers = #tpu.dot_dimension_numbers<[1], [1], [0], [0], [0, 0, 1, 0], [], []>, transpose_lhs_hint = false} : vector<16x32xf32>, vector<16x32xf32>, vector<16x16xf32> -> vector<16x16xf32>
    %mul3A_424 = arith.constant 0.176776692 : f32
    %mul3A_425 = vector.broadcast %mul3A_424 : f32 to vector<16x16xf32>
    %mul3A_426 = arith.mulf %dot_general3A_423, %mul3A_425 : vector<16x16xf32>
    %reduce_max3A_427 = arith.constant dense<0xFF800000> : vector<16xf32>
    %reduce_max3A_428 = vector.multi_reduction <maximumf>, %mul3A_426, %reduce_max3A_427 [1] : vector<16x16xf32> to vector<16xf32>
    %broadcast_in_dim3A_429 = vector.shape_cast %reduce_max3A_428 : vector<16xf32> to vector<16x1xf32>
    %sub3A_430 = vector.broadcast %broadcast_in_dim3A_429 : vector<16x1xf32> to vector<16x16xf32>
    %sub3A_431 = arith.subf %mul3A_426, %sub3A_430 : vector<16x16xf32>
    %exp3A_432 = math.exp %sub3A_431 : vector<16x16xf32>
    %reduce_sum3A_433 = arith.constant dense<0.000000e+00> : vector<16xf32>
    %reduce_sum3A_434 = vector.multi_reduction <add>, %exp3A_432, %reduce_sum3A_433 [1] : vector<16x16xf32> to vector<16xf32>
    %broadcast_in_dim3A_435 = vector.shape_cast %reduce_sum3A_434 : vector<16xf32> to vector<16x1xf32>
    %div3A_436 = vector.broadcast %broadcast_in_dim3A_435 : vector<16x1xf32> to vector<16x16xf32>
    %div3A_437 = arith.divf %exp3A_432, %div3A_436 : vector<16x16xf32>
    %dot_general3A_438 = arith.constant dense<0.000000e+00> : vector<16x32xf32>
    %dot_general3A_439 = tpu.matmul %div3A_437, %slice3A_421, %dot_general3A_438 {dimension_numbers = #tpu.dot_dimension_numbers<[1], [0], [0], [1], [0, 0, 1, 1], [], []>, transpose_lhs_hint = false} : vector<16x16xf32>, vector<16x32xf32>, vector<16x32xf32> -> vector<16x32xf32>
    %slice3A_440 = vector.extract_strided_slice %slice3A_374 {offsets = [0, 96], sizes = [16, 32], strides = [1, 1]} : vector<16x128xf32> to vector<16x32xf32>
    %slice3A_441 = vector.extract_strided_slice %slice3A_375 {offsets = [0, 96], sizes = [16, 32], strides = [1, 1]} : vector<16x128xf32> to vector<16x32xf32>
    %slice3A_442 = vector.extract_strided_slice %slice3A_376 {offsets = [0, 96], sizes = [16, 32], strides = [1, 1]} : vector<16x128xf32> to vector<16x32xf32>
    %dot_general3A_443 = arith.constant dense<0.000000e+00> : vector<16x16xf32>
    %dot_general3A_444 = tpu.matmul %slice3A_440, %slice3A_441, %dot_general3A_443 {dimension_numbers = #tpu.dot_dimension_numbers<[1], [1], [0], [0], [0, 0, 1, 0], [], []>, transpose_lhs_hint = false} : vector<16x32xf32>, vector<16x32xf32>, vector<16x16xf32> -> vector<16x16xf32>
    %mul3A_445 = arith.constant 0.176776692 : f32
    %mul3A_446 = vector.broadcast %mul3A_445 : f32 to vector<16x16xf32>
    %mul3A_447 = arith.mulf %dot_general3A_444, %mul3A_446 : vector<16x16xf32>
    %reduce_max3A_448 = arith.constant dense<0xFF800000> : vector<16xf32>
    %reduce_max3A_449 = vector.multi_reduction <maximumf>, %mul3A_447, %reduce_max3A_448 [1] : vector<16x16xf32> to vector<16xf32>
    %broadcast_in_dim3A_450 = vector.shape_cast %reduce_max3A_449 : vector<16xf32> to vector<16x1xf32>
    %sub3A_451 = vector.broadcast %broadcast_in_dim3A_450 : vector<16x1xf32> to vector<16x16xf32>
    %sub3A_452 = arith.subf %mul3A_447, %sub3A_451 : vector<16x16xf32>
    %exp3A_453 = math.exp %sub3A_452 : vector<16x16xf32>
    %reduce_sum3A_454 = arith.constant dense<0.000000e+00> : vector<16xf32>
    %reduce_sum3A_455 = vector.multi_reduction <add>, %exp3A_453, %reduce_sum3A_454 [1] : vector<16x16xf32> to vector<16xf32>
    %broadcast_in_dim3A_456 = vector.shape_cast %reduce_sum3A_455 : vector<16xf32> to vector<16x1xf32>
    %div3A_457 = vector.broadcast %broadcast_in_dim3A_456 : vector<16x1xf32> to vector<16x16xf32>
    %div3A_458 = arith.divf %exp3A_453, %div3A_457 : vector<16x16xf32>
    %dot_general3A_459 = arith.constant dense<0.000000e+00> : vector<16x32xf32>
    %dot_general3A_460 = tpu.matmul %div3A_458, %slice3A_442, %dot_general3A_459 {dimension_numbers = #tpu.dot_dimension_numbers<[1], [0], [0], [1], [0, 0, 1, 1], [], []>, transpose_lhs_hint = false} : vector<16x16xf32>, vector<16x32xf32>, vector<16x32xf32> -> vector<16x32xf32>
    %concatenate3A_461 = tpu.concatenate %dot_general3A_397, %dot_general3A_418, %dot_general3A_439, %dot_general3A_460 in 1 : vector<16x32xf32>, vector<16x32xf32>, vector<16x32xf32>, vector<16x32xf32> -> vector<16x128xf32>
    %slice3A_462 = vector.extract_strided_slice %slice3A {offsets = [64, 0], sizes = [16, 128], strides = [1, 1]} : vector<128x128xf32> to vector<16x128xf32>
    %slice3A_463 = vector.extract_strided_slice %slice3A_110 {offsets = [64, 0], sizes = [16, 128], strides = [1, 1]} : vector<128x128xf32> to vector<16x128xf32>
    %slice3A_464 = vector.extract_strided_slice %slice3A_111 {offsets = [64, 0], sizes = [16, 128], strides = [1, 1]} : vector<128x128xf32> to vector<16x128xf32>
    %slice3A_465 = vector.extract_strided_slice %slice3A_462 {offsets = [0, 0], sizes = [16, 32], strides = [1, 1]} : vector<16x128xf32> to vector<16x32xf32>
    %slice3A_466 = vector.extract_strided_slice %slice3A_463 {offsets = [0, 0], sizes = [16, 32], strides = [1, 1]} : vector<16x128xf32> to vector<16x32xf32>
    %slice3A_467 = vector.extract_strided_slice %slice3A_464 {offsets = [0, 0], sizes = [16, 32], strides = [1, 1]} : vector<16x128xf32> to vector<16x32xf32>
    %dot_general3A_468 = arith.constant dense<0.000000e+00> : vector<16x16xf32>
    %dot_general3A_469 = tpu.matmul %slice3A_465, %slice3A_466, %dot_general3A_468 {dimension_numbers = #tpu.dot_dimension_numbers<[1], [1], [0], [0], [0, 0, 1, 0], [], []>, transpose_lhs_hint = false} : vector<16x32xf32>, vector<16x32xf32>, vector<16x16xf32> -> vector<16x16xf32>
    %mul3A_470 = arith.constant 0.176776692 : f32
    %mul3A_471 = vector.broadcast %mul3A_470 : f32 to vector<16x16xf32>
    %mul3A_472 = arith.mulf %dot_general3A_469, %mul3A_471 : vector<16x16xf32>
    %reduce_max3A_473 = arith.constant dense<0xFF800000> : vector<16xf32>
    %reduce_max3A_474 = vector.multi_reduction <maximumf>, %mul3A_472, %reduce_max3A_473 [1] : vector<16x16xf32> to vector<16xf32>
    %broadcast_in_dim3A_475 = vector.shape_cast %reduce_max3A_474 : vector<16xf32> to vector<16x1xf32>
    %sub3A_476 = vector.broadcast %broadcast_in_dim3A_475 : vector<16x1xf32> to vector<16x16xf32>
    %sub3A_477 = arith.subf %mul3A_472, %sub3A_476 : vector<16x16xf32>
    %exp3A_478 = math.exp %sub3A_477 : vector<16x16xf32>
    %reduce_sum3A_479 = arith.constant dense<0.000000e+00> : vector<16xf32>
    %reduce_sum3A_480 = vector.multi_reduction <add>, %exp3A_478, %reduce_sum3A_479 [1] : vector<16x16xf32> to vector<16xf32>
    %broadcast_in_dim3A_481 = vector.shape_cast %reduce_sum3A_480 : vector<16xf32> to vector<16x1xf32>
    %div3A_482 = vector.broadcast %broadcast_in_dim3A_481 : vector<16x1xf32> to vector<16x16xf32>
    %div3A_483 = arith.divf %exp3A_478, %div3A_482 : vector<16x16xf32>
    %dot_general3A_484 = arith.constant dense<0.000000e+00> : vector<16x32xf32>
    %dot_general3A_485 = tpu.matmul %div3A_483, %slice3A_467, %dot_general3A_484 {dimension_numbers = #tpu.dot_dimension_numbers<[1], [0], [0], [1], [0, 0, 1, 1], [], []>, transpose_lhs_hint = false} : vector<16x16xf32>, vector<16x32xf32>, vector<16x32xf32> -> vector<16x32xf32>
    %slice3A_486 = vector.extract_strided_slice %slice3A_462 {offsets = [0, 32], sizes = [16, 32], strides = [1, 1]} : vector<16x128xf32> to vector<16x32xf32>
    %slice3A_487 = vector.extract_strided_slice %slice3A_463 {offsets = [0, 32], sizes = [16, 32], strides = [1, 1]} : vector<16x128xf32> to vector<16x32xf32>
    %slice3A_488 = vector.extract_strided_slice %slice3A_464 {offsets = [0, 32], sizes = [16, 32], strides = [1, 1]} : vector<16x128xf32> to vector<16x32xf32>
    %dot_general3A_489 = arith.constant dense<0.000000e+00> : vector<16x16xf32>
    %dot_general3A_490 = tpu.matmul %slice3A_486, %slice3A_487, %dot_general3A_489 {dimension_numbers = #tpu.dot_dimension_numbers<[1], [1], [0], [0], [0, 0, 1, 0], [], []>, transpose_lhs_hint = false} : vector<16x32xf32>, vector<16x32xf32>, vector<16x16xf32> -> vector<16x16xf32>
    %mul3A_491 = arith.constant 0.176776692 : f32
    %mul3A_492 = vector.broadcast %mul3A_491 : f32 to vector<16x16xf32>
    %mul3A_493 = arith.mulf %dot_general3A_490, %mul3A_492 : vector<16x16xf32>
    %reduce_max3A_494 = arith.constant dense<0xFF800000> : vector<16xf32>
    %reduce_max3A_495 = vector.multi_reduction <maximumf>, %mul3A_493, %reduce_max3A_494 [1] : vector<16x16xf32> to vector<16xf32>
    %broadcast_in_dim3A_496 = vector.shape_cast %reduce_max3A_495 : vector<16xf32> to vector<16x1xf32>
    %sub3A_497 = vector.broadcast %broadcast_in_dim3A_496 : vector<16x1xf32> to vector<16x16xf32>
    %sub3A_498 = arith.subf %mul3A_493, %sub3A_497 : vector<16x16xf32>
    %exp3A_499 = math.exp %sub3A_498 : vector<16x16xf32>
    %reduce_sum3A_500 = arith.constant dense<0.000000e+00> : vector<16xf32>
    %reduce_sum3A_501 = vector.multi_reduction <add>, %exp3A_499, %reduce_sum3A_500 [1] : vector<16x16xf32> to vector<16xf32>
    %broadcast_in_dim3A_502 = vector.shape_cast %reduce_sum3A_501 : vector<16xf32> to vector<16x1xf32>
    %div3A_503 = vector.broadcast %broadcast_in_dim3A_502 : vector<16x1xf32> to vector<16x16xf32>
    %div3A_504 = arith.divf %exp3A_499, %div3A_503 : vector<16x16xf32>
    %dot_general3A_505 = arith.constant dense<0.000000e+00> : vector<16x32xf32>
    %dot_general3A_506 = tpu.matmul %div3A_504, %slice3A_488, %dot_general3A_505 {dimension_numbers = #tpu.dot_dimension_numbers<[1], [0], [0], [1], [0, 0, 1, 1], [], []>, transpose_lhs_hint = false} : vector<16x16xf32>, vector<16x32xf32>, vector<16x32xf32> -> vector<16x32xf32>
    %slice3A_507 = vector.extract_strided_slice %slice3A_462 {offsets = [0, 64], sizes = [16, 32], strides = [1, 1]} : vector<16x128xf32> to vector<16x32xf32>
    %slice3A_508 = vector.extract_strided_slice %slice3A_463 {offsets = [0, 64], sizes = [16, 32], strides = [1, 1]} : vector<16x128xf32> to vector<16x32xf32>
    %slice3A_509 = vector.extract_strided_slice %slice3A_464 {offsets = [0, 64], sizes = [16, 32], strides = [1, 1]} : vector<16x128xf32> to vector<16x32xf32>
    %dot_general3A_510 = arith.constant dense<0.000000e+00> : vector<16x16xf32>
    %dot_general3A_511 = tpu.matmul %slice3A_507, %slice3A_508, %dot_general3A_510 {dimension_numbers = #tpu.dot_dimension_numbers<[1], [1], [0], [0], [0, 0, 1, 0], [], []>, transpose_lhs_hint = false} : vector<16x32xf32>, vector<16x32xf32>, vector<16x16xf32> -> vector<16x16xf32>
    %mul3A_512 = arith.constant 0.176776692 : f32
    %mul3A_513 = vector.broadcast %mul3A_512 : f32 to vector<16x16xf32>
    %mul3A_514 = arith.mulf %dot_general3A_511, %mul3A_513 : vector<16x16xf32>
    %reduce_max3A_515 = arith.constant dense<0xFF800000> : vector<16xf32>
    %reduce_max3A_516 = vector.multi_reduction <maximumf>, %mul3A_514, %reduce_max3A_515 [1] : vector<16x16xf32> to vector<16xf32>
    %broadcast_in_dim3A_517 = vector.shape_cast %reduce_max3A_516 : vector<16xf32> to vector<16x1xf32>
    %sub3A_518 = vector.broadcast %broadcast_in_dim3A_517 : vector<16x1xf32> to vector<16x16xf32>
    %sub3A_519 = arith.subf %mul3A_514, %sub3A_518 : vector<16x16xf32>
    %exp3A_520 = math.exp %sub3A_519 : vector<16x16xf32>
    %reduce_sum3A_521 = arith.constant dense<0.000000e+00> : vector<16xf32>
    %reduce_sum3A_522 = vector.multi_reduction <add>, %exp3A_520, %reduce_sum3A_521 [1] : vector<16x16xf32> to vector<16xf32>
    %broadcast_in_dim3A_523 = vector.shape_cast %reduce_sum3A_522 : vector<16xf32> to vector<16x1xf32>
    %div3A_524 = vector.broadcast %broadcast_in_dim3A_523 : vector<16x1xf32> to vector<16x16xf32>
    %div3A_525 = arith.divf %exp3A_520, %div3A_524 : vector<16x16xf32>
    %dot_general3A_526 = arith.constant dense<0.000000e+00> : vector<16x32xf32>
    %dot_general3A_527 = tpu.matmul %div3A_525, %slice3A_509, %dot_general3A_526 {dimension_numbers = #tpu.dot_dimension_numbers<[1], [0], [0], [1], [0, 0, 1, 1], [], []>, transpose_lhs_hint = false} : vector<16x16xf32>, vector<16x32xf32>, vector<16x32xf32> -> vector<16x32xf32>
    %slice3A_528 = vector.extract_strided_slice %slice3A_462 {offsets = [0, 96], sizes = [16, 32], strides = [1, 1]} : vector<16x128xf32> to vector<16x32xf32>
    %slice3A_529 = vector.extract_strided_slice %slice3A_463 {offsets = [0, 96], sizes = [16, 32], strides = [1, 1]} : vector<16x128xf32> to vector<16x32xf32>
    %slice3A_530 = vector.extract_strided_slice %slice3A_464 {offsets = [0, 96], sizes = [16, 32], strides = [1, 1]} : vector<16x128xf32> to vector<16x32xf32>
    %dot_general3A_531 = arith.constant dense<0.000000e+00> : vector<16x16xf32>
    %dot_general3A_532 = tpu.matmul %slice3A_528, %slice3A_529, %dot_general3A_531 {dimension_numbers = #tpu.dot_dimension_numbers<[1], [1], [0], [0], [0, 0, 1, 0], [], []>, transpose_lhs_hint = false} : vector<16x32xf32>, vector<16x32xf32>, vector<16x16xf32> -> vector<16x16xf32>
    %mul3A_533 = arith.constant 0.176776692 : f32
    %mul3A_534 = vector.broadcast %mul3A_533 : f32 to vector<16x16xf32>
    %mul3A_535 = arith.mulf %dot_general3A_532, %mul3A_534 : vector<16x16xf32>
    %reduce_max3A_536 = arith.constant dense<0xFF800000> : vector<16xf32>
    %reduce_max3A_537 = vector.multi_reduction <maximumf>, %mul3A_535, %reduce_max3A_536 [1] : vector<16x16xf32> to vector<16xf32>
    %broadcast_in_dim3A_538 = vector.shape_cast %reduce_max3A_537 : vector<16xf32> to vector<16x1xf32>
    %sub3A_539 = vector.broadcast %broadcast_in_dim3A_538 : vector<16x1xf32> to vector<16x16xf32>
    %sub3A_540 = arith.subf %mul3A_535, %sub3A_539 : vector<16x16xf32>
    %exp3A_541 = math.exp %sub3A_540 : vector<16x16xf32>
    %reduce_sum3A_542 = arith.constant dense<0.000000e+00> : vector<16xf32>
    %reduce_sum3A_543 = vector.multi_reduction <add>, %exp3A_541, %reduce_sum3A_542 [1] : vector<16x16xf32> to vector<16xf32>
    %broadcast_in_dim3A_544 = vector.shape_cast %reduce_sum3A_543 : vector<16xf32> to vector<16x1xf32>
    %div3A_545 = vector.broadcast %broadcast_in_dim3A_544 : vector<16x1xf32> to vector<16x16xf32>
    %div3A_546 = arith.divf %exp3A_541, %div3A_545 : vector<16x16xf32>
    %dot_general3A_547 = arith.constant dense<0.000000e+00> : vector<16x32xf32>
    %dot_general3A_548 = tpu.matmul %div3A_546, %slice3A_530, %dot_general3A_547 {dimension_numbers = #tpu.dot_dimension_numbers<[1], [0], [0], [1], [0, 0, 1, 1], [], []>, transpose_lhs_hint = false} : vector<16x16xf32>, vector<16x32xf32>, vector<16x32xf32> -> vector<16x32xf32>
    %concatenate3A_549 = tpu.concatenate %dot_general3A_485, %dot_general3A_506, %dot_general3A_527, %dot_general3A_548 in 1 : vector<16x32xf32>, vector<16x32xf32>, vector<16x32xf32>, vector<16x32xf32> -> vector<16x128xf32>
    %slice3A_550 = vector.extract_strided_slice %slice3A {offsets = [80, 0], sizes = [16, 128], strides = [1, 1]} : vector<128x128xf32> to vector<16x128xf32>
    %slice3A_551 = vector.extract_strided_slice %slice3A_110 {offsets = [80, 0], sizes = [16, 128], strides = [1, 1]} : vector<128x128xf32> to vector<16x128xf32>
    %slice3A_552 = vector.extract_strided_slice %slice3A_111 {offsets = [80, 0], sizes = [16, 128], strides = [1, 1]} : vector<128x128xf32> to vector<16x128xf32>
    %slice3A_553 = vector.extract_strided_slice %slice3A_550 {offsets = [0, 0], sizes = [16, 32], strides = [1, 1]} : vector<16x128xf32> to vector<16x32xf32>
    %slice3A_554 = vector.extract_strided_slice %slice3A_551 {offsets = [0, 0], sizes = [16, 32], strides = [1, 1]} : vector<16x128xf32> to vector<16x32xf32>
    %slice3A_555 = vector.extract_strided_slice %slice3A_552 {offsets = [0, 0], sizes = [16, 32], strides = [1, 1]} : vector<16x128xf32> to vector<16x32xf32>
    %dot_general3A_556 = arith.constant dense<0.000000e+00> : vector<16x16xf32>
    %dot_general3A_557 = tpu.matmul %slice3A_553, %slice3A_554, %dot_general3A_556 {dimension_numbers = #tpu.dot_dimension_numbers<[1], [1], [0], [0], [0, 0, 1, 0], [], []>, transpose_lhs_hint = false} : vector<16x32xf32>, vector<16x32xf32>, vector<16x16xf32> -> vector<16x16xf32>
    %mul3A_558 = arith.constant 0.176776692 : f32
    %mul3A_559 = vector.broadcast %mul3A_558 : f32 to vector<16x16xf32>
    %mul3A_560 = arith.mulf %dot_general3A_557, %mul3A_559 : vector<16x16xf32>
    %reduce_max3A_561 = arith.constant dense<0xFF800000> : vector<16xf32>
    %reduce_max3A_562 = vector.multi_reduction <maximumf>, %mul3A_560, %reduce_max3A_561 [1] : vector<16x16xf32> to vector<16xf32>
    %broadcast_in_dim3A_563 = vector.shape_cast %reduce_max3A_562 : vector<16xf32> to vector<16x1xf32>
    %sub3A_564 = vector.broadcast %broadcast_in_dim3A_563 : vector<16x1xf32> to vector<16x16xf32>
    %sub3A_565 = arith.subf %mul3A_560, %sub3A_564 : vector<16x16xf32>
    %exp3A_566 = math.exp %sub3A_565 : vector<16x16xf32>
    %reduce_sum3A_567 = arith.constant dense<0.000000e+00> : vector<16xf32>
    %reduce_sum3A_568 = vector.multi_reduction <add>, %exp3A_566, %reduce_sum3A_567 [1] : vector<16x16xf32> to vector<16xf32>
    %broadcast_in_dim3A_569 = vector.shape_cast %reduce_sum3A_568 : vector<16xf32> to vector<16x1xf32>
    %div3A_570 = vector.broadcast %broadcast_in_dim3A_569 : vector<16x1xf32> to vector<16x16xf32>
    %div3A_571 = arith.divf %exp3A_566, %div3A_570 : vector<16x16xf32>
    %dot_general3A_572 = arith.constant dense<0.000000e+00> : vector<16x32xf32>
    %dot_general3A_573 = tpu.matmul %div3A_571, %slice3A_555, %dot_general3A_572 {dimension_numbers = #tpu.dot_dimension_numbers<[1], [0], [0], [1], [0, 0, 1, 1], [], []>, transpose_lhs_hint = false} : vector<16x16xf32>, vector<16x32xf32>, vector<16x32xf32> -> vector<16x32xf32>
    %slice3A_574 = vector.extract_strided_slice %slice3A_550 {offsets = [0, 32], sizes = [16, 32], strides = [1, 1]} : vector<16x128xf32> to vector<16x32xf32>
    %slice3A_575 = vector.extract_strided_slice %slice3A_551 {offsets = [0, 32], sizes = [16, 32], strides = [1, 1]} : vector<16x128xf32> to vector<16x32xf32>
    %slice3A_576 = vector.extract_strided_slice %slice3A_552 {offsets = [0, 32], sizes = [16, 32], strides = [1, 1]} : vector<16x128xf32> to vector<16x32xf32>
    %dot_general3A_577 = arith.constant dense<0.000000e+00> : vector<16x16xf32>
    %dot_general3A_578 = tpu.matmul %slice3A_574, %slice3A_575, %dot_general3A_577 {dimension_numbers = #tpu.dot_dimension_numbers<[1], [1], [0], [0], [0, 0, 1, 0], [], []>, transpose_lhs_hint = false} : vector<16x32xf32>, vector<16x32xf32>, vector<16x16xf32> -> vector<16x16xf32>
    %mul3A_579 = arith.constant 0.176776692 : f32
    %mul3A_580 = vector.broadcast %mul3A_579 : f32 to vector<16x16xf32>
    %mul3A_581 = arith.mulf %dot_general3A_578, %mul3A_580 : vector<16x16xf32>
    %reduce_max3A_582 = arith.constant dense<0xFF800000> : vector<16xf32>
    %reduce_max3A_583 = vector.multi_reduction <maximumf>, %mul3A_581, %reduce_max3A_582 [1] : vector<16x16xf32> to vector<16xf32>
    %broadcast_in_dim3A_584 = vector.shape_cast %reduce_max3A_583 : vector<16xf32> to vector<16x1xf32>
    %sub3A_585 = vector.broadcast %broadcast_in_dim3A_584 : vector<16x1xf32> to vector<16x16xf32>
    %sub3A_586 = arith.subf %mul3A_581, %sub3A_585 : vector<16x16xf32>
    %exp3A_587 = math.exp %sub3A_586 : vector<16x16xf32>
    %reduce_sum3A_588 = arith.constant dense<0.000000e+00> : vector<16xf32>
    %reduce_sum3A_589 = vector.multi_reduction <add>, %exp3A_587, %reduce_sum3A_588 [1] : vector<16x16xf32> to vector<16xf32>
    %broadcast_in_dim3A_590 = vector.shape_cast %reduce_sum3A_589 : vector<16xf32> to vector<16x1xf32>
    %div3A_591 = vector.broadcast %broadcast_in_dim3A_590 : vector<16x1xf32> to vector<16x16xf32>
    %div3A_592 = arith.divf %exp3A_587, %div3A_591 : vector<16x16xf32>
    %dot_general3A_593 = arith.constant dense<0.000000e+00> : vector<16x32xf32>
    %dot_general3A_594 = tpu.matmul %div3A_592, %slice3A_576, %dot_general3A_593 {dimension_numbers = #tpu.dot_dimension_numbers<[1], [0], [0], [1], [0, 0, 1, 1], [], []>, transpose_lhs_hint = false} : vector<16x16xf32>, vector<16x32xf32>, vector<16x32xf32> -> vector<16x32xf32>
    %slice3A_595 = vector.extract_strided_slice %slice3A_550 {offsets = [0, 64], sizes = [16, 32], strides = [1, 1]} : vector<16x128xf32> to vector<16x32xf32>
    %slice3A_596 = vector.extract_strided_slice %slice3A_551 {offsets = [0, 64], sizes = [16, 32], strides = [1, 1]} : vector<16x128xf32> to vector<16x32xf32>
    %slice3A_597 = vector.extract_strided_slice %slice3A_552 {offsets = [0, 64], sizes = [16, 32], strides = [1, 1]} : vector<16x128xf32> to vector<16x32xf32>
    %dot_general3A_598 = arith.constant dense<0.000000e+00> : vector<16x16xf32>
    %dot_general3A_599 = tpu.matmul %slice3A_595, %slice3A_596, %dot_general3A_598 {dimension_numbers = #tpu.dot_dimension_numbers<[1], [1], [0], [0], [0, 0, 1, 0], [], []>, transpose_lhs_hint = false} : vector<16x32xf32>, vector<16x32xf32>, vector<16x16xf32> -> vector<16x16xf32>
    %mul3A_600 = arith.constant 0.176776692 : f32
    %mul3A_601 = vector.broadcast %mul3A_600 : f32 to vector<16x16xf32>
    %mul3A_602 = arith.mulf %dot_general3A_599, %mul3A_601 : vector<16x16xf32>
    %reduce_max3A_603 = arith.constant dense<0xFF800000> : vector<16xf32>
    %reduce_max3A_604 = vector.multi_reduction <maximumf>, %mul3A_602, %reduce_max3A_603 [1] : vector<16x16xf32> to vector<16xf32>
    %broadcast_in_dim3A_605 = vector.shape_cast %reduce_max3A_604 : vector<16xf32> to vector<16x1xf32>
    %sub3A_606 = vector.broadcast %broadcast_in_dim3A_605 : vector<16x1xf32> to vector<16x16xf32>
    %sub3A_607 = arith.subf %mul3A_602, %sub3A_606 : vector<16x16xf32>
    %exp3A_608 = math.exp %sub3A_607 : vector<16x16xf32>
    %reduce_sum3A_609 = arith.constant dense<0.000000e+00> : vector<16xf32>
    %reduce_sum3A_610 = vector.multi_reduction <add>, %exp3A_608, %reduce_sum3A_609 [1] : vector<16x16xf32> to vector<16xf32>
    %broadcast_in_dim3A_611 = vector.shape_cast %reduce_sum3A_610 : vector<16xf32> to vector<16x1xf32>
    %div3A_612 = vector.broadcast %broadcast_in_dim3A_611 : vector<16x1xf32> to vector<16x16xf32>
    %div3A_613 = arith.divf %exp3A_608, %div3A_612 : vector<16x16xf32>
    %dot_general3A_614 = arith.constant dense<0.000000e+00> : vector<16x32xf32>
    %dot_general3A_615 = tpu.matmul %div3A_613, %slice3A_597, %dot_general3A_614 {dimension_numbers = #tpu.dot_dimension_numbers<[1], [0], [0], [1], [0, 0, 1, 1], [], []>, transpose_lhs_hint = false} : vector<16x16xf32>, vector<16x32xf32>, vector<16x32xf32> -> vector<16x32xf32>
    %slice3A_616 = vector.extract_strided_slice %slice3A_550 {offsets = [0, 96], sizes = [16, 32], strides = [1, 1]} : vector<16x128xf32> to vector<16x32xf32>
    %slice3A_617 = vector.extract_strided_slice %slice3A_551 {offsets = [0, 96], sizes = [16, 32], strides = [1, 1]} : vector<16x128xf32> to vector<16x32xf32>
    %slice3A_618 = vector.extract_strided_slice %slice3A_552 {offsets = [0, 96], sizes = [16, 32], strides = [1, 1]} : vector<16x128xf32> to vector<16x32xf32>
    %dot_general3A_619 = arith.constant dense<0.000000e+00> : vector<16x16xf32>
    %dot_general3A_620 = tpu.matmul %slice3A_616, %slice3A_617, %dot_general3A_619 {dimension_numbers = #tpu.dot_dimension_numbers<[1], [1], [0], [0], [0, 0, 1, 0], [], []>, transpose_lhs_hint = false} : vector<16x32xf32>, vector<16x32xf32>, vector<16x16xf32> -> vector<16x16xf32>
    %mul3A_621 = arith.constant 0.176776692 : f32
    %mul3A_622 = vector.broadcast %mul3A_621 : f32 to vector<16x16xf32>
    %mul3A_623 = arith.mulf %dot_general3A_620, %mul3A_622 : vector<16x16xf32>
    %reduce_max3A_624 = arith.constant dense<0xFF800000> : vector<16xf32>
    %reduce_max3A_625 = vector.multi_reduction <maximumf>, %mul3A_623, %reduce_max3A_624 [1] : vector<16x16xf32> to vector<16xf32>
    %broadcast_in_dim3A_626 = vector.shape_cast %reduce_max3A_625 : vector<16xf32> to vector<16x1xf32>
    %sub3A_627 = vector.broadcast %broadcast_in_dim3A_626 : vector<16x1xf32> to vector<16x16xf32>
    %sub3A_628 = arith.subf %mul3A_623, %sub3A_627 : vector<16x16xf32>
    %exp3A_629 = math.exp %sub3A_628 : vector<16x16xf32>
    %reduce_sum3A_630 = arith.constant dense<0.000000e+00> : vector<16xf32>
    %reduce_sum3A_631 = vector.multi_reduction <add>, %exp3A_629, %reduce_sum3A_630 [1] : vector<16x16xf32> to vector<16xf32>
    %broadcast_in_dim3A_632 = vector.shape_cast %reduce_sum3A_631 : vector<16xf32> to vector<16x1xf32>
    %div3A_633 = vector.broadcast %broadcast_in_dim3A_632 : vector<16x1xf32> to vector<16x16xf32>
    %div3A_634 = arith.divf %exp3A_629, %div3A_633 : vector<16x16xf32>
    %dot_general3A_635 = arith.constant dense<0.000000e+00> : vector<16x32xf32>
    %dot_general3A_636 = tpu.matmul %div3A_634, %slice3A_618, %dot_general3A_635 {dimension_numbers = #tpu.dot_dimension_numbers<[1], [0], [0], [1], [0, 0, 1, 1], [], []>, transpose_lhs_hint = false} : vector<16x16xf32>, vector<16x32xf32>, vector<16x32xf32> -> vector<16x32xf32>
    %concatenate3A_637 = tpu.concatenate %dot_general3A_573, %dot_general3A_594, %dot_general3A_615, %dot_general3A_636 in 1 : vector<16x32xf32>, vector<16x32xf32>, vector<16x32xf32>, vector<16x32xf32> -> vector<16x128xf32>
    %slice3A_638 = vector.extract_strided_slice %slice3A {offsets = [96, 0], sizes = [16, 128], strides = [1, 1]} : vector<128x128xf32> to vector<16x128xf32>
    %slice3A_639 = vector.extract_strided_slice %slice3A_110 {offsets = [96, 0], sizes = [16, 128], strides = [1, 1]} : vector<128x128xf32> to vector<16x128xf32>
    %slice3A_640 = vector.extract_strided_slice %slice3A_111 {offsets = [96, 0], sizes = [16, 128], strides = [1, 1]} : vector<128x128xf32> to vector<16x128xf32>
    %slice3A_641 = vector.extract_strided_slice %slice3A_638 {offsets = [0, 0], sizes = [16, 32], strides = [1, 1]} : vector<16x128xf32> to vector<16x32xf32>
    %slice3A_642 = vector.extract_strided_slice %slice3A_639 {offsets = [0, 0], sizes = [16, 32], strides = [1, 1]} : vector<16x128xf32> to vector<16x32xf32>
    %slice3A_643 = vector.extract_strided_slice %slice3A_640 {offsets = [0, 0], sizes = [16, 32], strides = [1, 1]} : vector<16x128xf32> to vector<16x32xf32>
    %dot_general3A_644 = arith.constant dense<0.000000e+00> : vector<16x16xf32>
    %dot_general3A_645 = tpu.matmul %slice3A_641, %slice3A_642, %dot_general3A_644 {dimension_numbers = #tpu.dot_dimension_numbers<[1], [1], [0], [0], [0, 0, 1, 0], [], []>, transpose_lhs_hint = false} : vector<16x32xf32>, vector<16x32xf32>, vector<16x16xf32> -> vector<16x16xf32>
    %mul3A_646 = arith.constant 0.176776692 : f32
    %mul3A_647 = vector.broadcast %mul3A_646 : f32 to vector<16x16xf32>
    %mul3A_648 = arith.mulf %dot_general3A_645, %mul3A_647 : vector<16x16xf32>
    %reduce_max3A_649 = arith.constant dense<0xFF800000> : vector<16xf32>
    %reduce_max3A_650 = vector.multi_reduction <maximumf>, %mul3A_648, %reduce_max3A_649 [1] : vector<16x16xf32> to vector<16xf32>
    %broadcast_in_dim3A_651 = vector.shape_cast %reduce_max3A_650 : vector<16xf32> to vector<16x1xf32>
    %sub3A_652 = vector.broadcast %broadcast_in_dim3A_651 : vector<16x1xf32> to vector<16x16xf32>
    %sub3A_653 = arith.subf %mul3A_648, %sub3A_652 : vector<16x16xf32>
    %exp3A_654 = math.exp %sub3A_653 : vector<16x16xf32>
    %reduce_sum3A_655 = arith.constant dense<0.000000e+00> : vector<16xf32>
    %reduce_sum3A_656 = vector.multi_reduction <add>, %exp3A_654, %reduce_sum3A_655 [1] : vector<16x16xf32> to vector<16xf32>
    %broadcast_in_dim3A_657 = vector.shape_cast %reduce_sum3A_656 : vector<16xf32> to vector<16x1xf32>
    %div3A_658 = vector.broadcast %broadcast_in_dim3A_657 : vector<16x1xf32> to vector<16x16xf32>
    %div3A_659 = arith.divf %exp3A_654, %div3A_658 : vector<16x16xf32>
    %dot_general3A_660 = arith.constant dense<0.000000e+00> : vector<16x32xf32>
    %dot_general3A_661 = tpu.matmul %div3A_659, %slice3A_643, %dot_general3A_660 {dimension_numbers = #tpu.dot_dimension_numbers<[1], [0], [0], [1], [0, 0, 1, 1], [], []>, transpose_lhs_hint = false} : vector<16x16xf32>, vector<16x32xf32>, vector<16x32xf32> -> vector<16x32xf32>
    %slice3A_662 = vector.extract_strided_slice %slice3A_638 {offsets = [0, 32], sizes = [16, 32], strides = [1, 1]} : vector<16x128xf32> to vector<16x32xf32>
    %slice3A_663 = vector.extract_strided_slice %slice3A_639 {offsets = [0, 32], sizes = [16, 32], strides = [1, 1]} : vector<16x128xf32> to vector<16x32xf32>
    %slice3A_664 = vector.extract_strided_slice %slice3A_640 {offsets = [0, 32], sizes = [16, 32], strides = [1, 1]} : vector<16x128xf32> to vector<16x32xf32>
    %dot_general3A_665 = arith.constant dense<0.000000e+00> : vector<16x16xf32>
    %dot_general3A_666 = tpu.matmul %slice3A_662, %slice3A_663, %dot_general3A_665 {dimension_numbers = #tpu.dot_dimension_numbers<[1], [1], [0], [0], [0, 0, 1, 0], [], []>, transpose_lhs_hint = false} : vector<16x32xf32>, vector<16x32xf32>, vector<16x16xf32> -> vector<16x16xf32>
    %mul3A_667 = arith.constant 0.176776692 : f32
    %mul3A_668 = vector.broadcast %mul3A_667 : f32 to vector<16x16xf32>
    %mul3A_669 = arith.mulf %dot_general3A_666, %mul3A_668 : vector<16x16xf32>
    %reduce_max3A_670 = arith.constant dense<0xFF800000> : vector<16xf32>
    %reduce_max3A_671 = vector.multi_reduction <maximumf>, %mul3A_669, %reduce_max3A_670 [1] : vector<16x16xf32> to vector<16xf32>
    %broadcast_in_dim3A_672 = vector.shape_cast %reduce_max3A_671 : vector<16xf32> to vector<16x1xf32>
    %sub3A_673 = vector.broadcast %broadcast_in_dim3A_672 : vector<16x1xf32> to vector<16x16xf32>
    %sub3A_674 = arith.subf %mul3A_669, %sub3A_673 : vector<16x16xf32>
    %exp3A_675 = math.exp %sub3A_674 : vector<16x16xf32>
    %reduce_sum3A_676 = arith.constant dense<0.000000e+00> : vector<16xf32>
    %reduce_sum3A_677 = vector.multi_reduction <add>, %exp3A_675, %reduce_sum3A_676 [1] : vector<16x16xf32> to vector<16xf32>
    %broadcast_in_dim3A_678 = vector.shape_cast %reduce_sum3A_677 : vector<16xf32> to vector<16x1xf32>
    %div3A_679 = vector.broadcast %broadcast_in_dim3A_678 : vector<16x1xf32> to vector<16x16xf32>
    %div3A_680 = arith.divf %exp3A_675, %div3A_679 : vector<16x16xf32>
    %dot_general3A_681 = arith.constant dense<0.000000e+00> : vector<16x32xf32>
    %dot_general3A_682 = tpu.matmul %div3A_680, %slice3A_664, %dot_general3A_681 {dimension_numbers = #tpu.dot_dimension_numbers<[1], [0], [0], [1], [0, 0, 1, 1], [], []>, transpose_lhs_hint = false} : vector<16x16xf32>, vector<16x32xf32>, vector<16x32xf32> -> vector<16x32xf32>
    %slice3A_683 = vector.extract_strided_slice %slice3A_638 {offsets = [0, 64], sizes = [16, 32], strides = [1, 1]} : vector<16x128xf32> to vector<16x32xf32>
    %slice3A_684 = vector.extract_strided_slice %slice3A_639 {offsets = [0, 64], sizes = [16, 32], strides = [1, 1]} : vector<16x128xf32> to vector<16x32xf32>
    %slice3A_685 = vector.extract_strided_slice %slice3A_640 {offsets = [0, 64], sizes = [16, 32], strides = [1, 1]} : vector<16x128xf32> to vector<16x32xf32>
    %dot_general3A_686 = arith.constant dense<0.000000e+00> : vector<16x16xf32>
    %dot_general3A_687 = tpu.matmul %slice3A_683, %slice3A_684, %dot_general3A_686 {dimension_numbers = #tpu.dot_dimension_numbers<[1], [1], [0], [0], [0, 0, 1, 0], [], []>, transpose_lhs_hint = false} : vector<16x32xf32>, vector<16x32xf32>, vector<16x16xf32> -> vector<16x16xf32>
    %mul3A_688 = arith.constant 0.176776692 : f32
    %mul3A_689 = vector.broadcast %mul3A_688 : f32 to vector<16x16xf32>
    %mul3A_690 = arith.mulf %dot_general3A_687, %mul3A_689 : vector<16x16xf32>
    %reduce_max3A_691 = arith.constant dense<0xFF800000> : vector<16xf32>
    %reduce_max3A_692 = vector.multi_reduction <maximumf>, %mul3A_690, %reduce_max3A_691 [1] : vector<16x16xf32> to vector<16xf32>
    %broadcast_in_dim3A_693 = vector.shape_cast %reduce_max3A_692 : vector<16xf32> to vector<16x1xf32>
    %sub3A_694 = vector.broadcast %broadcast_in_dim3A_693 : vector<16x1xf32> to vector<16x16xf32>
    %sub3A_695 = arith.subf %mul3A_690, %sub3A_694 : vector<16x16xf32>
    %exp3A_696 = math.exp %sub3A_695 : vector<16x16xf32>
    %reduce_sum3A_697 = arith.constant dense<0.000000e+00> : vector<16xf32>
    %reduce_sum3A_698 = vector.multi_reduction <add>, %exp3A_696, %reduce_sum3A_697 [1] : vector<16x16xf32> to vector<16xf32>
    %broadcast_in_dim3A_699 = vector.shape_cast %reduce_sum3A_698 : vector<16xf32> to vector<16x1xf32>
    %div3A_700 = vector.broadcast %broadcast_in_dim3A_699 : vector<16x1xf32> to vector<16x16xf32>
    %div3A_701 = arith.divf %exp3A_696, %div3A_700 : vector<16x16xf32>
    %dot_general3A_702 = arith.constant dense<0.000000e+00> : vector<16x32xf32>
    %dot_general3A_703 = tpu.matmul %div3A_701, %slice3A_685, %dot_general3A_702 {dimension_numbers = #tpu.dot_dimension_numbers<[1], [0], [0], [1], [0, 0, 1, 1], [], []>, transpose_lhs_hint = false} : vector<16x16xf32>, vector<16x32xf32>, vector<16x32xf32> -> vector<16x32xf32>
    %slice3A_704 = vector.extract_strided_slice %slice3A_638 {offsets = [0, 96], sizes = [16, 32], strides = [1, 1]} : vector<16x128xf32> to vector<16x32xf32>
    %slice3A_705 = vector.extract_strided_slice %slice3A_639 {offsets = [0, 96], sizes = [16, 32], strides = [1, 1]} : vector<16x128xf32> to vector<16x32xf32>
    %slice3A_706 = vector.extract_strided_slice %slice3A_640 {offsets = [0, 96], sizes = [16, 32], strides = [1, 1]} : vector<16x128xf32> to vector<16x32xf32>
    %dot_general3A_707 = arith.constant dense<0.000000e+00> : vector<16x16xf32>
    %dot_general3A_708 = tpu.matmul %slice3A_704, %slice3A_705, %dot_general3A_707 {dimension_numbers = #tpu.dot_dimension_numbers<[1], [1], [0], [0], [0, 0, 1, 0], [], []>, transpose_lhs_hint = false} : vector<16x32xf32>, vector<16x32xf32>, vector<16x16xf32> -> vector<16x16xf32>
    %mul3A_709 = arith.constant 0.176776692 : f32
    %mul3A_710 = vector.broadcast %mul3A_709 : f32 to vector<16x16xf32>
    %mul3A_711 = arith.mulf %dot_general3A_708, %mul3A_710 : vector<16x16xf32>
    %reduce_max3A_712 = arith.constant dense<0xFF800000> : vector<16xf32>
    %reduce_max3A_713 = vector.multi_reduction <maximumf>, %mul3A_711, %reduce_max3A_712 [1] : vector<16x16xf32> to vector<16xf32>
    %broadcast_in_dim3A_714 = vector.shape_cast %reduce_max3A_713 : vector<16xf32> to vector<16x1xf32>
    %sub3A_715 = vector.broadcast %broadcast_in_dim3A_714 : vector<16x1xf32> to vector<16x16xf32>
    %sub3A_716 = arith.subf %mul3A_711, %sub3A_715 : vector<16x16xf32>
    %exp3A_717 = math.exp %sub3A_716 : vector<16x16xf32>
    %reduce_sum3A_718 = arith.constant dense<0.000000e+00> : vector<16xf32>
    %reduce_sum3A_719 = vector.multi_reduction <add>, %exp3A_717, %reduce_sum3A_718 [1] : vector<16x16xf32> to vector<16xf32>
    %broadcast_in_dim3A_720 = vector.shape_cast %reduce_sum3A_719 : vector<16xf32> to vector<16x1xf32>
    %div3A_721 = vector.broadcast %broadcast_in_dim3A_720 : vector<16x1xf32> to vector<16x16xf32>
    %div3A_722 = arith.divf %exp3A_717, %div3A_721 : vector<16x16xf32>
    %dot_general3A_723 = arith.constant dense<0.000000e+00> : vector<16x32xf32>
    %dot_general3A_724 = tpu.matmul %div3A_722, %slice3A_706, %dot_general3A_723 {dimension_numbers = #tpu.dot_dimension_numbers<[1], [0], [0], [1], [0, 0, 1, 1], [], []>, transpose_lhs_hint = false} : vector<16x16xf32>, vector<16x32xf32>, vector<16x32xf32> -> vector<16x32xf32>
    %concatenate3A_725 = tpu.concatenate %dot_general3A_661, %dot_general3A_682, %dot_general3A_703, %dot_general3A_724 in 1 : vector<16x32xf32>, vector<16x32xf32>, vector<16x32xf32>, vector<16x32xf32> -> vector<16x128xf32>
    %slice3A_726 = vector.extract_strided_slice %slice3A {offsets = [112, 0], sizes = [16, 128], strides = [1, 1]} : vector<128x128xf32> to vector<16x128xf32>
    %slice3A_727 = vector.extract_strided_slice %slice3A_110 {offsets = [112, 0], sizes = [16, 128], strides = [1, 1]} : vector<128x128xf32> to vector<16x128xf32>
    %slice3A_728 = vector.extract_strided_slice %slice3A_111 {offsets = [112, 0], sizes = [16, 128], strides = [1, 1]} : vector<128x128xf32> to vector<16x128xf32>
    %slice3A_729 = vector.extract_strided_slice %slice3A_726 {offsets = [0, 0], sizes = [16, 32], strides = [1, 1]} : vector<16x128xf32> to vector<16x32xf32>
    %slice3A_730 = vector.extract_strided_slice %slice3A_727 {offsets = [0, 0], sizes = [16, 32], strides = [1, 1]} : vector<16x128xf32> to vector<16x32xf32>
    %slice3A_731 = vector.extract_strided_slice %slice3A_728 {offsets = [0, 0], sizes = [16, 32], strides = [1, 1]} : vector<16x128xf32> to vector<16x32xf32>
    %dot_general3A_732 = arith.constant dense<0.000000e+00> : vector<16x16xf32>
    %dot_general3A_733 = tpu.matmul %slice3A_729, %slice3A_730, %dot_general3A_732 {dimension_numbers = #tpu.dot_dimension_numbers<[1], [1], [0], [0], [0, 0, 1, 0], [], []>, transpose_lhs_hint = false} : vector<16x32xf32>, vector<16x32xf32>, vector<16x16xf32> -> vector<16x16xf32>
    %mul3A_734 = arith.constant 0.176776692 : f32
    %mul3A_735 = vector.broadcast %mul3A_734 : f32 to vector<16x16xf32>
    %mul3A_736 = arith.mulf %dot_general3A_733, %mul3A_735 : vector<16x16xf32>
    %reduce_max3A_737 = arith.constant dense<0xFF800000> : vector<16xf32>
    %reduce_max3A_738 = vector.multi_reduction <maximumf>, %mul3A_736, %reduce_max3A_737 [1] : vector<16x16xf32> to vector<16xf32>
    %broadcast_in_dim3A_739 = vector.shape_cast %reduce_max3A_738 : vector<16xf32> to vector<16x1xf32>
    %sub3A_740 = vector.broadcast %broadcast_in_dim3A_739 : vector<16x1xf32> to vector<16x16xf32>
    %sub3A_741 = arith.subf %mul3A_736, %sub3A_740 : vector<16x16xf32>
    %exp3A_742 = math.exp %sub3A_741 : vector<16x16xf32>
    %reduce_sum3A_743 = arith.constant dense<0.000000e+00> : vector<16xf32>
    %reduce_sum3A_744 = vector.multi_reduction <add>, %exp3A_742, %reduce_sum3A_743 [1] : vector<16x16xf32> to vector<16xf32>
    %broadcast_in_dim3A_745 = vector.shape_cast %reduce_sum3A_744 : vector<16xf32> to vector<16x1xf32>
    %div3A_746 = vector.broadcast %broadcast_in_dim3A_745 : vector<16x1xf32> to vector<16x16xf32>
    %div3A_747 = arith.divf %exp3A_742, %div3A_746 : vector<16x16xf32>
    %dot_general3A_748 = arith.constant dense<0.000000e+00> : vector<16x32xf32>
    %dot_general3A_749 = tpu.matmul %div3A_747, %slice3A_731, %dot_general3A_748 {dimension_numbers = #tpu.dot_dimension_numbers<[1], [0], [0], [1], [0, 0, 1, 1], [], []>, transpose_lhs_hint = false} : vector<16x16xf32>, vector<16x32xf32>, vector<16x32xf32> -> vector<16x32xf32>
    %slice3A_750 = vector.extract_strided_slice %slice3A_726 {offsets = [0, 32], sizes = [16, 32], strides = [1, 1]} : vector<16x128xf32> to vector<16x32xf32>
    %slice3A_751 = vector.extract_strided_slice %slice3A_727 {offsets = [0, 32], sizes = [16, 32], strides = [1, 1]} : vector<16x128xf32> to vector<16x32xf32>
    %slice3A_752 = vector.extract_strided_slice %slice3A_728 {offsets = [0, 32], sizes = [16, 32], strides = [1, 1]} : vector<16x128xf32> to vector<16x32xf32>
    %dot_general3A_753 = arith.constant dense<0.000000e+00> : vector<16x16xf32>
    %dot_general3A_754 = tpu.matmul %slice3A_750, %slice3A_751, %dot_general3A_753 {dimension_numbers = #tpu.dot_dimension_numbers<[1], [1], [0], [0], [0, 0, 1, 0], [], []>, transpose_lhs_hint = false} : vector<16x32xf32>, vector<16x32xf32>, vector<16x16xf32> -> vector<16x16xf32>
    %mul3A_755 = arith.constant 0.176776692 : f32
    %mul3A_756 = vector.broadcast %mul3A_755 : f32 to vector<16x16xf32>
    %mul3A_757 = arith.mulf %dot_general3A_754, %mul3A_756 : vector<16x16xf32>
    %reduce_max3A_758 = arith.constant dense<0xFF800000> : vector<16xf32>
    %reduce_max3A_759 = vector.multi_reduction <maximumf>, %mul3A_757, %reduce_max3A_758 [1] : vector<16x16xf32> to vector<16xf32>
    %broadcast_in_dim3A_760 = vector.shape_cast %reduce_max3A_759 : vector<16xf32> to vector<16x1xf32>
    %sub3A_761 = vector.broadcast %broadcast_in_dim3A_760 : vector<16x1xf32> to vector<16x16xf32>
    %sub3A_762 = arith.subf %mul3A_757, %sub3A_761 : vector<16x16xf32>
    %exp3A_763 = math.exp %sub3A_762 : vector<16x16xf32>
    %reduce_sum3A_764 = arith.constant dense<0.000000e+00> : vector<16xf32>
    %reduce_sum3A_765 = vector.multi_reduction <add>, %exp3A_763, %reduce_sum3A_764 [1] : vector<16x16xf32> to vector<16xf32>
    %broadcast_in_dim3A_766 = vector.shape_cast %reduce_sum3A_765 : vector<16xf32> to vector<16x1xf32>
    %div3A_767 = vector.broadcast %broadcast_in_dim3A_766 : vector<16x1xf32> to vector<16x16xf32>
    %div3A_768 = arith.divf %exp3A_763, %div3A_767 : vector<16x16xf32>
    %dot_general3A_769 = arith.constant dense<0.000000e+00> : vector<16x32xf32>
    %dot_general3A_770 = tpu.matmul %div3A_768, %slice3A_752, %dot_general3A_769 {dimension_numbers = #tpu.dot_dimension_numbers<[1], [0], [0], [1], [0, 0, 1, 1], [], []>, transpose_lhs_hint = false} : vector<16x16xf32>, vector<16x32xf32>, vector<16x32xf32> -> vector<16x32xf32>
    %slice3A_771 = vector.extract_strided_slice %slice3A_726 {offsets = [0, 64], sizes = [16, 32], strides = [1, 1]} : vector<16x128xf32> to vector<16x32xf32>
    %slice3A_772 = vector.extract_strided_slice %slice3A_727 {offsets = [0, 64], sizes = [16, 32], strides = [1, 1]} : vector<16x128xf32> to vector<16x32xf32>
    %slice3A_773 = vector.extract_strided_slice %slice3A_728 {offsets = [0, 64], sizes = [16, 32], strides = [1, 1]} : vector<16x128xf32> to vector<16x32xf32>
    %dot_general3A_774 = arith.constant dense<0.000000e+00> : vector<16x16xf32>
    %dot_general3A_775 = tpu.matmul %slice3A_771, %slice3A_772, %dot_general3A_774 {dimension_numbers = #tpu.dot_dimension_numbers<[1], [1], [0], [0], [0, 0, 1, 0], [], []>, transpose_lhs_hint = false} : vector<16x32xf32>, vector<16x32xf32>, vector<16x16xf32> -> vector<16x16xf32>
    %mul3A_776 = arith.constant 0.176776692 : f32
    %mul3A_777 = vector.broadcast %mul3A_776 : f32 to vector<16x16xf32>
    %mul3A_778 = arith.mulf %dot_general3A_775, %mul3A_777 : vector<16x16xf32>
    %reduce_max3A_779 = arith.constant dense<0xFF800000> : vector<16xf32>
    %reduce_max3A_780 = vector.multi_reduction <maximumf>, %mul3A_778, %reduce_max3A_779 [1] : vector<16x16xf32> to vector<16xf32>
    %broadcast_in_dim3A_781 = vector.shape_cast %reduce_max3A_780 : vector<16xf32> to vector<16x1xf32>
    %sub3A_782 = vector.broadcast %broadcast_in_dim3A_781 : vector<16x1xf32> to vector<16x16xf32>
    %sub3A_783 = arith.subf %mul3A_778, %sub3A_782 : vector<16x16xf32>
    %exp3A_784 = math.exp %sub3A_783 : vector<16x16xf32>
    %reduce_sum3A_785 = arith.constant dense<0.000000e+00> : vector<16xf32>
    %reduce_sum3A_786 = vector.multi_reduction <add>, %exp3A_784, %reduce_sum3A_785 [1] : vector<16x16xf32> to vector<16xf32>
    %broadcast_in_dim3A_787 = vector.shape_cast %reduce_sum3A_786 : vector<16xf32> to vector<16x1xf32>
    %div3A_788 = vector.broadcast %broadcast_in_dim3A_787 : vector<16x1xf32> to vector<16x16xf32>
    %div3A_789 = arith.divf %exp3A_784, %div3A_788 : vector<16x16xf32>
    %dot_general3A_790 = arith.constant dense<0.000000e+00> : vector<16x32xf32>
    %dot_general3A_791 = tpu.matmul %div3A_789, %slice3A_773, %dot_general3A_790 {dimension_numbers = #tpu.dot_dimension_numbers<[1], [0], [0], [1], [0, 0, 1, 1], [], []>, transpose_lhs_hint = false} : vector<16x16xf32>, vector<16x32xf32>, vector<16x32xf32> -> vector<16x32xf32>
    %slice3A_792 = vector.extract_strided_slice %slice3A_726 {offsets = [0, 96], sizes = [16, 32], strides = [1, 1]} : vector<16x128xf32> to vector<16x32xf32>
    %slice3A_793 = vector.extract_strided_slice %slice3A_727 {offsets = [0, 96], sizes = [16, 32], strides = [1, 1]} : vector<16x128xf32> to vector<16x32xf32>
    %slice3A_794 = vector.extract_strided_slice %slice3A_728 {offsets = [0, 96], sizes = [16, 32], strides = [1, 1]} : vector<16x128xf32> to vector<16x32xf32>
    %dot_general3A_795 = arith.constant dense<0.000000e+00> : vector<16x16xf32>
    %dot_general3A_796 = tpu.matmul %slice3A_792, %slice3A_793, %dot_general3A_795 {dimension_numbers = #tpu.dot_dimension_numbers<[1], [1], [0], [0], [0, 0, 1, 0], [], []>, transpose_lhs_hint = false} : vector<16x32xf32>, vector<16x32xf32>, vector<16x16xf32> -> vector<16x16xf32>
    %mul3A_797 = arith.constant 0.176776692 : f32
    %mul3A_798 = vector.broadcast %mul3A_797 : f32 to vector<16x16xf32>
    %mul3A_799 = arith.mulf %dot_general3A_796, %mul3A_798 : vector<16x16xf32>
    %reduce_max3A_800 = arith.constant dense<0xFF800000> : vector<16xf32>
    %reduce_max3A_801 = vector.multi_reduction <maximumf>, %mul3A_799, %reduce_max3A_800 [1] : vector<16x16xf32> to vector<16xf32>
    %broadcast_in_dim3A_802 = vector.shape_cast %reduce_max3A_801 : vector<16xf32> to vector<16x1xf32>
    %sub3A_803 = vector.broadcast %broadcast_in_dim3A_802 : vector<16x1xf32> to vector<16x16xf32>
    %sub3A_804 = arith.subf %mul3A_799, %sub3A_803 : vector<16x16xf32>
    %exp3A_805 = math.exp %sub3A_804 : vector<16x16xf32>
    %reduce_sum3A_806 = arith.constant dense<0.000000e+00> : vector<16xf32>
    %reduce_sum3A_807 = vector.multi_reduction <add>, %exp3A_805, %reduce_sum3A_806 [1] : vector<16x16xf32> to vector<16xf32>
    %broadcast_in_dim3A_808 = vector.shape_cast %reduce_sum3A_807 : vector<16xf32> to vector<16x1xf32>
    %div3A_809 = vector.broadcast %broadcast_in_dim3A_808 : vector<16x1xf32> to vector<16x16xf32>
    %div3A_810 = arith.divf %exp3A_805, %div3A_809 : vector<16x16xf32>
    %dot_general3A_811 = arith.constant dense<0.000000e+00> : vector<16x32xf32>
    %dot_general3A_812 = tpu.matmul %div3A_810, %slice3A_794, %dot_general3A_811 {dimension_numbers = #tpu.dot_dimension_numbers<[1], [0], [0], [1], [0, 0, 1, 1], [], []>, transpose_lhs_hint = false} : vector<16x16xf32>, vector<16x32xf32>, vector<16x32xf32> -> vector<16x32xf32>
    %concatenate3A_813 = tpu.concatenate %dot_general3A_749, %dot_general3A_770, %dot_general3A_791, %dot_general3A_812 in 1 : vector<16x32xf32>, vector<16x32xf32>, vector<16x32xf32>, vector<16x32xf32> -> vector<16x128xf32>
    %concatenate3A_814 = tpu.concatenate %concatenate3A_197, %concatenate3A_285, %concatenate3A_373, %concatenate3A_461, %concatenate3A_549, %concatenate3A_637, %concatenate3A_725, %concatenate3A_813 in 0 : vector<16x128xf32>, vector<16x128xf32>, vector<16x128xf32>, vector<16x128xf32>, vector<16x128xf32>, vector<16x128xf32>, vector<16x128xf32>, vector<16x128xf32> -> vector<128x128xf32>
    %get3A_815 = arith.constant 0 : index
    %get3A_816 = arith.constant 0 : index
    %get3A_817 = vector.load %arg13[%get3A_815, %get3A_816] : memref<128x128xf32, #tpu.memory_space<vmem>>, vector<128x128xf32>
    %dot_general3A_818 = arith.constant dense<0.000000e+00> : vector<128x128xf32>
    %dot_general3A_819 = tpu.matmul %concatenate3A_814, %get3A_817, %dot_general3A_818 {dimension_numbers = #tpu.dot_dimension_numbers<[1], [0], [0], [1], [0, 0, 1, 1], [], []>, transpose_lhs_hint = false} : vector<128x128xf32>, vector<128x128xf32>, vector<128x128xf32> -> vector<128x128xf32>
    %add3A_820 = arith.addf %add3A_64, %dot_general3A_819 : vector<128x128xf32>
    %get3A_821 = arith.constant 0 : index
    %get3A_822 = arith.constant 0 : index
    %get3A_823 = vector.load %arg14[%get3A_821, %get3A_822] : memref<1x128xf32, #tpu.memory_space<vmem>>, vector<1x128xf32>
    %add3A_824 = vector.broadcast %get3A_823 : vector<1x128xf32> to vector<128x128xf32>
    %add3A_825 = arith.addf %add3A_820, %add3A_824 : vector<128x128xf32>
    %get3A_826 = arith.constant 0 : index
    %get3A_827 = arith.constant 0 : index
    %get3A_828 = vector.load %arg15[%get3A_826, %get3A_827] : memref<1x128xf32, #tpu.memory_space<vmem>>, vector<1x128xf32>
    %get3A_829 = arith.constant 0 : index
    %get3A_830 = arith.constant 0 : index
    %get3A_831 = vector.load %arg16[%get3A_829, %get3A_830] : memref<1x128xf32, #tpu.memory_space<vmem>>, vector<1x128xf32>
    %reduce_sum3A_832 = arith.constant dense<0.000000e+00> : vector<128xf32>
    %reduce_sum3A_833 = vector.multi_reduction <add>, %add3A_825, %reduce_sum3A_832 [1] : vector<128x128xf32> to vector<128xf32>
    %broadcast_in_dim3A_834 = vector.shape_cast %reduce_sum3A_833 : vector<128xf32> to vector<128x1xf32>
    %div3A_835 = arith.constant 1.280000e+02 : f32
    %div3A_836 = vector.broadcast %div3A_835 : f32 to vector<128x1xf32>
    %div3A_837 = arith.divf %broadcast_in_dim3A_834, %div3A_836 : vector<128x1xf32>
    %sub3A_838 = vector.broadcast %div3A_837 : vector<128x1xf32> to vector<128x128xf32>
    %sub3A_839 = arith.subf %add3A_825, %sub3A_838 : vector<128x128xf32>
    %sub3A_840 = vector.broadcast %div3A_837 : vector<128x1xf32> to vector<128x128xf32>
    %sub3A_841 = arith.subf %add3A_825, %sub3A_840 : vector<128x128xf32>
    %mul3A_842 = arith.mulf %sub3A_839, %sub3A_841 : vector<128x128xf32>
    %reduce_sum3A_843 = arith.constant dense<0.000000e+00> : vector<128xf32>
    %reduce_sum3A_844 = vector.multi_reduction <add>, %mul3A_842, %reduce_sum3A_843 [1] : vector<128x128xf32> to vector<128xf32>
    %broadcast_in_dim3A_845 = vector.shape_cast %reduce_sum3A_844 : vector<128xf32> to vector<128x1xf32>
    %div3A_846 = arith.constant 1.280000e+02 : f32
    %div3A_847 = vector.broadcast %div3A_846 : f32 to vector<128x1xf32>
    %div3A_848 = arith.divf %broadcast_in_dim3A_845, %div3A_847 : vector<128x1xf32>
    %sub3A_849 = vector.broadcast %div3A_837 : vector<128x1xf32> to vector<128x128xf32>
    %sub3A_850 = arith.subf %add3A_825, %sub3A_849 : vector<128x128xf32>
    %add3A_851 = arith.constant 9.99999974E-6 : f32
    %add3A_852 = vector.broadcast %add3A_851 : f32 to vector<128x1xf32>
    %add3A_853 = arith.addf %div3A_848, %add3A_852 : vector<128x1xf32>
    %rsqrt3A_854 = math.rsqrt %add3A_853 : vector<128x1xf32>
    %mul3A_855 = vector.broadcast %rsqrt3A_854 : vector<128x1xf32> to vector<128x128xf32>
    %mul3A_856 = arith.mulf %sub3A_850, %mul3A_855 : vector<128x128xf32>
    %mul3A_857 = vector.broadcast %get3A_828 : vector<1x128xf32> to vector<128x128xf32>
    %mul3A_858 = arith.mulf %mul3A_856, %mul3A_857 : vector<128x128xf32>
    %add3A_859 = vector.broadcast %get3A_831 : vector<1x128xf32> to vector<128x128xf32>
    %add3A_860 = arith.addf %mul3A_858, %add3A_859 : vector<128x128xf32>
    %get3A_861 = arith.constant 0 : index
    %get3A_862 = arith.constant 0 : index
    %get3A_863 = vector.load %arg17[%get3A_861, %get3A_862] : memref<128x512xf32, #tpu.memory_space<vmem>>, vector<128x512xf32>
    %dot_general3A_864 = arith.constant dense<0.000000e+00> : vector<128x512xf32>
    %dot_general3A_865 = tpu.matmul %add3A_860, %get3A_863, %dot_general3A_864 {dimension_numbers = #tpu.dot_dimension_numbers<[1], [0], [0], [1], [0, 0, 1, 1], [], []>, transpose_lhs_hint = false} : vector<128x128xf32>, vector<128x512xf32>, vector<128x512xf32> -> vector<128x512xf32>
    %get3A_866 = arith.constant 0 : index
    %get3A_867 = arith.constant 0 : index
    %get3A_868 = vector.load %arg18[%get3A_866, %get3A_867] : memref<1x512xf32, #tpu.memory_space<vmem>>, vector<1x512xf32>
    %add3A_869 = vector.broadcast %get3A_868 : vector<1x512xf32> to vector<128x512xf32>
    %add3A_870 = arith.addf %dot_general3A_865, %add3A_869 : vector<128x512xf32>
    %max3A_871 = arith.constant 0.000000e+00 : f32
    %max3A_872 = vector.broadcast %max3A_871 : f32 to vector<128x512xf32>
    %max3A_873 = arith.maximumf %add3A_870, %max3A_872 : vector<128x512xf32>
    %get3A_874 = arith.constant 0 : index
    %get3A_875 = arith.constant 0 : index
    %get3A_876 = vector.load %arg19[%get3A_874, %get3A_875] : memref<512x128xf32, #tpu.memory_space<vmem>>, vector<512x128xf32>
    %dot_general3A_877 = arith.constant dense<0.000000e+00> : vector<128x128xf32>
    %dot_general3A_878 = tpu.matmul %max3A_873, %get3A_876, %dot_general3A_877 {dimension_numbers = #tpu.dot_dimension_numbers<[1], [0], [0], [1], [0, 0, 1, 1], [], []>, transpose_lhs_hint = false} : vector<128x512xf32>, vector<512x128xf32>, vector<128x128xf32> -> vector<128x128xf32>
    %get3A_879 = arith.constant 0 : index
    %get3A_880 = arith.constant 0 : index
    %get3A_881 = vector.load %arg20[%get3A_879, %get3A_880] : memref<1x128xf32, #tpu.memory_space<vmem>>, vector<1x128xf32>
    %add3A_882 = vector.broadcast %get3A_881 : vector<1x128xf32> to vector<128x128xf32>
    %add3A_883 = arith.addf %dot_general3A_878, %add3A_882 : vector<128x128xf32>
    %add3A_884 = arith.addf %add3A_825, %add3A_883 : vector<128x128xf32>
    %get3A_885 = arith.constant 0 : index
    %get3A_886 = arith.constant 0 : index
    %get3A_887 = vector.load %arg21[%get3A_885, %get3A_886] : memref<1x128xf32, #tpu.memory_space<vmem>>, vector<1x128xf32>
    %get3A_888 = arith.constant 0 : index
    %get3A_889 = arith.constant 0 : index
    %get3A_890 = vector.load %arg22[%get3A_888, %get3A_889] : memref<1x128xf32, #tpu.memory_space<vmem>>, vector<1x128xf32>
    %reduce_sum3A_891 = arith.constant dense<0.000000e+00> : vector<128xf32>
    %reduce_sum3A_892 = vector.multi_reduction <add>, %add3A_884, %reduce_sum3A_891 [1] : vector<128x128xf32> to vector<128xf32>
    %broadcast_in_dim3A_893 = vector.shape_cast %reduce_sum3A_892 : vector<128xf32> to vector<128x1xf32>
    %div3A_894 = arith.constant 1.280000e+02 : f32
    %div3A_895 = vector.broadcast %div3A_894 : f32 to vector<128x1xf32>
    %div3A_896 = arith.divf %broadcast_in_dim3A_893, %div3A_895 : vector<128x1xf32>
    %sub3A_897 = vector.broadcast %div3A_896 : vector<128x1xf32> to vector<128x128xf32>
    %sub3A_898 = arith.subf %add3A_884, %sub3A_897 : vector<128x128xf32>
    %sub3A_899 = vector.broadcast %div3A_896 : vector<128x1xf32> to vector<128x128xf32>
    %sub3A_900 = arith.subf %add3A_884, %sub3A_899 : vector<128x128xf32>
    %mul3A_901 = arith.mulf %sub3A_898, %sub3A_900 : vector<128x128xf32>
    %reduce_sum3A_902 = arith.constant dense<0.000000e+00> : vector<128xf32>
    %reduce_sum3A_903 = vector.multi_reduction <add>, %mul3A_901, %reduce_sum3A_902 [1] : vector<128x128xf32> to vector<128xf32>
    %broadcast_in_dim3A_904 = vector.shape_cast %reduce_sum3A_903 : vector<128xf32> to vector<128x1xf32>
    %div3A_905 = arith.constant 1.280000e+02 : f32
    %div3A_906 = vector.broadcast %div3A_905 : f32 to vector<128x1xf32>
    %div3A_907 = arith.divf %broadcast_in_dim3A_904, %div3A_906 : vector<128x1xf32>
    %sub3A_908 = vector.broadcast %div3A_896 : vector<128x1xf32> to vector<128x128xf32>
    %sub3A_909 = arith.subf %add3A_884, %sub3A_908 : vector<128x128xf32>
    %add3A_910 = arith.constant 9.99999974E-6 : f32
    %add3A_911 = vector.broadcast %add3A_910 : f32 to vector<128x1xf32>
    %add3A_912 = arith.addf %div3A_907, %add3A_911 : vector<128x1xf32>
    %rsqrt3A_913 = math.rsqrt %add3A_912 : vector<128x1xf32>
    %mul3A_914 = vector.broadcast %rsqrt3A_913 : vector<128x1xf32> to vector<128x128xf32>
    %mul3A_915 = arith.mulf %sub3A_909, %mul3A_914 : vector<128x128xf32>
    %mul3A_916 = vector.broadcast %get3A_887 : vector<1x128xf32> to vector<128x128xf32>
    %mul3A_917 = arith.mulf %mul3A_915, %mul3A_916 : vector<128x128xf32>
    %add3A_918 = vector.broadcast %get3A_890 : vector<1x128xf32> to vector<128x128xf32>
    %add3A_919 = arith.addf %mul3A_917, %add3A_918 : vector<128x128xf32>
    %get3A_920 = arith.constant 0 : index
    %get3A_921 = arith.constant 0 : index
    %get3A_922 = vector.load %arg23[%get3A_920, %get3A_921] : memref<128x384xf32, #tpu.memory_space<vmem>>, vector<128x384xf32>
    %dot_general3A_923 = arith.constant dense<0.000000e+00> : vector<128x384xf32>
    %dot_general3A_924 = tpu.matmul %add3A_919, %get3A_922, %dot_general3A_923 {dimension_numbers = #tpu.dot_dimension_numbers<[1], [0], [0], [1], [0, 0, 1, 1], [], []>, transpose_lhs_hint = false} : vector<128x128xf32>, vector<128x384xf32>, vector<128x384xf32> -> vector<128x384xf32>
    %get3A_925 = arith.constant 0 : index
    %get3A_926 = arith.constant 0 : index
    %get3A_927 = vector.load %arg24[%get3A_925, %get3A_926] : memref<1x384xf32, #tpu.memory_space<vmem>>, vector<1x384xf32>
    %add3A_928 = vector.broadcast %get3A_927 : vector<1x384xf32> to vector<128x384xf32>
    %add3A_929 = arith.addf %dot_general3A_924, %add3A_928 : vector<128x384xf32>
    %slice3A_930 = vector.extract_strided_slice %add3A_929 {offsets = [0, 0], sizes = [128, 128], strides = [1, 1]} : vector<128x384xf32> to vector<128x128xf32>
    %slice3A_931 = vector.extract_strided_slice %add3A_929 {offsets = [0, 128], sizes = [128, 128], strides = [1, 1]} : vector<128x384xf32> to vector<128x128xf32>
    %slice3A_932 = vector.extract_strided_slice %add3A_929 {offsets = [0, 256], sizes = [128, 128], strides = [1, 1]} : vector<128x384xf32> to vector<128x128xf32>
    %slice3A_933 = vector.extract_strided_slice %slice3A_930 {offsets = [0, 0], sizes = [16, 128], strides = [1, 1]} : vector<128x128xf32> to vector<16x128xf32>
    %slice3A_934 = vector.extract_strided_slice %slice3A_931 {offsets = [0, 0], sizes = [16, 128], strides = [1, 1]} : vector<128x128xf32> to vector<16x128xf32>
    %slice3A_935 = vector.extract_strided_slice %slice3A_932 {offsets = [0, 0], sizes = [16, 128], strides = [1, 1]} : vector<128x128xf32> to vector<16x128xf32>
    %slice3A_936 = vector.extract_strided_slice %slice3A_933 {offsets = [0, 0], sizes = [16, 32], strides = [1, 1]} : vector<16x128xf32> to vector<16x32xf32>
    %slice3A_937 = vector.extract_strided_slice %slice3A_934 {offsets = [0, 0], sizes = [16, 32], strides = [1, 1]} : vector<16x128xf32> to vector<16x32xf32>
    %slice3A_938 = vector.extract_strided_slice %slice3A_935 {offsets = [0, 0], sizes = [16, 32], strides = [1, 1]} : vector<16x128xf32> to vector<16x32xf32>
    %dot_general3A_939 = arith.constant dense<0.000000e+00> : vector<16x16xf32>
    %dot_general3A_940 = tpu.matmul %slice3A_936, %slice3A_937, %dot_general3A_939 {dimension_numbers = #tpu.dot_dimension_numbers<[1], [1], [0], [0], [0, 0, 1, 0], [], []>, transpose_lhs_hint = false} : vector<16x32xf32>, vector<16x32xf32>, vector<16x16xf32> -> vector<16x16xf32>
    %mul3A_941 = arith.constant 0.176776692 : f32
    %mul3A_942 = vector.broadcast %mul3A_941 : f32 to vector<16x16xf32>
    %mul3A_943 = arith.mulf %dot_general3A_940, %mul3A_942 : vector<16x16xf32>
    %reduce_max3A_944 = arith.constant dense<0xFF800000> : vector<16xf32>
    %reduce_max3A_945 = vector.multi_reduction <maximumf>, %mul3A_943, %reduce_max3A_944 [1] : vector<16x16xf32> to vector<16xf32>
    %broadcast_in_dim3A_946 = vector.shape_cast %reduce_max3A_945 : vector<16xf32> to vector<16x1xf32>
    %sub3A_947 = vector.broadcast %broadcast_in_dim3A_946 : vector<16x1xf32> to vector<16x16xf32>
    %sub3A_948 = arith.subf %mul3A_943, %sub3A_947 : vector<16x16xf32>
    %exp3A_949 = math.exp %sub3A_948 : vector<16x16xf32>
    %reduce_sum3A_950 = arith.constant dense<0.000000e+00> : vector<16xf32>
    %reduce_sum3A_951 = vector.multi_reduction <add>, %exp3A_949, %reduce_sum3A_950 [1] : vector<16x16xf32> to vector<16xf32>
    %broadcast_in_dim3A_952 = vector.shape_cast %reduce_sum3A_951 : vector<16xf32> to vector<16x1xf32>
    %div3A_953 = vector.broadcast %broadcast_in_dim3A_952 : vector<16x1xf32> to vector<16x16xf32>
    %div3A_954 = arith.divf %exp3A_949, %div3A_953 : vector<16x16xf32>
    %dot_general3A_955 = arith.constant dense<0.000000e+00> : vector<16x32xf32>
    %dot_general3A_956 = tpu.matmul %div3A_954, %slice3A_938, %dot_general3A_955 {dimension_numbers = #tpu.dot_dimension_numbers<[1], [0], [0], [1], [0, 0, 1, 1], [], []>, transpose_lhs_hint = false} : vector<16x16xf32>, vector<16x32xf32>, vector<16x32xf32> -> vector<16x32xf32>
    %slice3A_957 = vector.extract_strided_slice %slice3A_933 {offsets = [0, 32], sizes = [16, 32], strides = [1, 1]} : vector<16x128xf32> to vector<16x32xf32>
    %slice3A_958 = vector.extract_strided_slice %slice3A_934 {offsets = [0, 32], sizes = [16, 32], strides = [1, 1]} : vector<16x128xf32> to vector<16x32xf32>
    %slice3A_959 = vector.extract_strided_slice %slice3A_935 {offsets = [0, 32], sizes = [16, 32], strides = [1, 1]} : vector<16x128xf32> to vector<16x32xf32>
    %dot_general3A_960 = arith.constant dense<0.000000e+00> : vector<16x16xf32>
    %dot_general3A_961 = tpu.matmul %slice3A_957, %slice3A_958, %dot_general3A_960 {dimension_numbers = #tpu.dot_dimension_numbers<[1], [1], [0], [0], [0, 0, 1, 0], [], []>, transpose_lhs_hint = false} : vector<16x32xf32>, vector<16x32xf32>, vector<16x16xf32> -> vector<16x16xf32>
    %mul3A_962 = arith.constant 0.176776692 : f32
    %mul3A_963 = vector.broadcast %mul3A_962 : f32 to vector<16x16xf32>
    %mul3A_964 = arith.mulf %dot_general3A_961, %mul3A_963 : vector<16x16xf32>
    %reduce_max3A_965 = arith.constant dense<0xFF800000> : vector<16xf32>
    %reduce_max3A_966 = vector.multi_reduction <maximumf>, %mul3A_964, %reduce_max3A_965 [1] : vector<16x16xf32> to vector<16xf32>
    %broadcast_in_dim3A_967 = vector.shape_cast %reduce_max3A_966 : vector<16xf32> to vector<16x1xf32>
    %sub3A_968 = vector.broadcast %broadcast_in_dim3A_967 : vector<16x1xf32> to vector<16x16xf32>
    %sub3A_969 = arith.subf %mul3A_964, %sub3A_968 : vector<16x16xf32>
    %exp3A_970 = math.exp %sub3A_969 : vector<16x16xf32>
    %reduce_sum3A_971 = arith.constant dense<0.000000e+00> : vector<16xf32>
    %reduce_sum3A_972 = vector.multi_reduction <add>, %exp3A_970, %reduce_sum3A_971 [1] : vector<16x16xf32> to vector<16xf32>
    %broadcast_in_dim3A_973 = vector.shape_cast %reduce_sum3A_972 : vector<16xf32> to vector<16x1xf32>
    %div3A_974 = vector.broadcast %broadcast_in_dim3A_973 : vector<16x1xf32> to vector<16x16xf32>
    %div3A_975 = arith.divf %exp3A_970, %div3A_974 : vector<16x16xf32>
    %dot_general3A_976 = arith.constant dense<0.000000e+00> : vector<16x32xf32>
    %dot_general3A_977 = tpu.matmul %div3A_975, %slice3A_959, %dot_general3A_976 {dimension_numbers = #tpu.dot_dimension_numbers<[1], [0], [0], [1], [0, 0, 1, 1], [], []>, transpose_lhs_hint = false} : vector<16x16xf32>, vector<16x32xf32>, vector<16x32xf32> -> vector<16x32xf32>
    %slice3A_978 = vector.extract_strided_slice %slice3A_933 {offsets = [0, 64], sizes = [16, 32], strides = [1, 1]} : vector<16x128xf32> to vector<16x32xf32>
    %slice3A_979 = vector.extract_strided_slice %slice3A_934 {offsets = [0, 64], sizes = [16, 32], strides = [1, 1]} : vector<16x128xf32> to vector<16x32xf32>
    %slice3A_980 = vector.extract_strided_slice %slice3A_935 {offsets = [0, 64], sizes = [16, 32], strides = [1, 1]} : vector<16x128xf32> to vector<16x32xf32>
    %dot_general3A_981 = arith.constant dense<0.000000e+00> : vector<16x16xf32>
    %dot_general3A_982 = tpu.matmul %slice3A_978, %slice3A_979, %dot_general3A_981 {dimension_numbers = #tpu.dot_dimension_numbers<[1], [1], [0], [0], [0, 0, 1, 0], [], []>, transpose_lhs_hint = false} : vector<16x32xf32>, vector<16x32xf32>, vector<16x16xf32> -> vector<16x16xf32>
    %mul3A_983 = arith.constant 0.176776692 : f32
    %mul3A_984 = vector.broadcast %mul3A_983 : f32 to vector<16x16xf32>
    %mul3A_985 = arith.mulf %dot_general3A_982, %mul3A_984 : vector<16x16xf32>
    %reduce_max3A_986 = arith.constant dense<0xFF800000> : vector<16xf32>
    %reduce_max3A_987 = vector.multi_reduction <maximumf>, %mul3A_985, %reduce_max3A_986 [1] : vector<16x16xf32> to vector<16xf32>
    %broadcast_in_dim3A_988 = vector.shape_cast %reduce_max3A_987 : vector<16xf32> to vector<16x1xf32>
    %sub3A_989 = vector.broadcast %broadcast_in_dim3A_988 : vector<16x1xf32> to vector<16x16xf32>
    %sub3A_990 = arith.subf %mul3A_985, %sub3A_989 : vector<16x16xf32>
    %exp3A_991 = math.exp %sub3A_990 : vector<16x16xf32>
    %reduce_sum3A_992 = arith.constant dense<0.000000e+00> : vector<16xf32>
    %reduce_sum3A_993 = vector.multi_reduction <add>, %exp3A_991, %reduce_sum3A_992 [1] : vector<16x16xf32> to vector<16xf32>
    %broadcast_in_dim3A_994 = vector.shape_cast %reduce_sum3A_993 : vector<16xf32> to vector<16x1xf32>
    %div3A_995 = vector.broadcast %broadcast_in_dim3A_994 : vector<16x1xf32> to vector<16x16xf32>
    %div3A_996 = arith.divf %exp3A_991, %div3A_995 : vector<16x16xf32>
    %dot_general3A_997 = arith.constant dense<0.000000e+00> : vector<16x32xf32>
    %dot_general3A_998 = tpu.matmul %div3A_996, %slice3A_980, %dot_general3A_997 {dimension_numbers = #tpu.dot_dimension_numbers<[1], [0], [0], [1], [0, 0, 1, 1], [], []>, transpose_lhs_hint = false} : vector<16x16xf32>, vector<16x32xf32>, vector<16x32xf32> -> vector<16x32xf32>
    %slice3A_999 = vector.extract_strided_slice %slice3A_933 {offsets = [0, 96], sizes = [16, 32], strides = [1, 1]} : vector<16x128xf32> to vector<16x32xf32>
    %slice3A_1000 = vector.extract_strided_slice %slice3A_934 {offsets = [0, 96], sizes = [16, 32], strides = [1, 1]} : vector<16x128xf32> to vector<16x32xf32>
    %slice3A_1001 = vector.extract_strided_slice %slice3A_935 {offsets = [0, 96], sizes = [16, 32], strides = [1, 1]} : vector<16x128xf32> to vector<16x32xf32>
    %dot_general3A_1002 = arith.constant dense<0.000000e+00> : vector<16x16xf32>
    %dot_general3A_1003 = tpu.matmul %slice3A_999, %slice3A_1000, %dot_general3A_1002 {dimension_numbers = #tpu.dot_dimension_numbers<[1], [1], [0], [0], [0, 0, 1, 0], [], []>, transpose_lhs_hint = false} : vector<16x32xf32>, vector<16x32xf32>, vector<16x16xf32> -> vector<16x16xf32>
    %mul3A_1004 = arith.constant 0.176776692 : f32
    %mul3A_1005 = vector.broadcast %mul3A_1004 : f32 to vector<16x16xf32>
    %mul3A_1006 = arith.mulf %dot_general3A_1003, %mul3A_1005 : vector<16x16xf32>
    %reduce_max3A_1007 = arith.constant dense<0xFF800000> : vector<16xf32>
    %reduce_max3A_1008 = vector.multi_reduction <maximumf>, %mul3A_1006, %reduce_max3A_1007 [1] : vector<16x16xf32> to vector<16xf32>
    %broadcast_in_dim3A_1009 = vector.shape_cast %reduce_max3A_1008 : vector<16xf32> to vector<16x1xf32>
    %sub3A_1010 = vector.broadcast %broadcast_in_dim3A_1009 : vector<16x1xf32> to vector<16x16xf32>
    %sub3A_1011 = arith.subf %mul3A_1006, %sub3A_1010 : vector<16x16xf32>
    %exp3A_1012 = math.exp %sub3A_1011 : vector<16x16xf32>
    %reduce_sum3A_1013 = arith.constant dense<0.000000e+00> : vector<16xf32>
    %reduce_sum3A_1014 = vector.multi_reduction <add>, %exp3A_1012, %reduce_sum3A_1013 [1] : vector<16x16xf32> to vector<16xf32>
    %broadcast_in_dim3A_1015 = vector.shape_cast %reduce_sum3A_1014 : vector<16xf32> to vector<16x1xf32>
    %div3A_1016 = vector.broadcast %broadcast_in_dim3A_1015 : vector<16x1xf32> to vector<16x16xf32>
    %div3A_1017 = arith.divf %exp3A_1012, %div3A_1016 : vector<16x16xf32>
    %dot_general3A_1018 = arith.constant dense<0.000000e+00> : vector<16x32xf32>
    %dot_general3A_1019 = tpu.matmul %div3A_1017, %slice3A_1001, %dot_general3A_1018 {dimension_numbers = #tpu.dot_dimension_numbers<[1], [0], [0], [1], [0, 0, 1, 1], [], []>, transpose_lhs_hint = false} : vector<16x16xf32>, vector<16x32xf32>, vector<16x32xf32> -> vector<16x32xf32>
    %concatenate3A_1020 = tpu.concatenate %dot_general3A_956, %dot_general3A_977, %dot_general3A_998, %dot_general3A_1019 in 1 : vector<16x32xf32>, vector<16x32xf32>, vector<16x32xf32>, vector<16x32xf32> -> vector<16x128xf32>
    %slice3A_1021 = vector.extract_strided_slice %slice3A_930 {offsets = [16, 0], sizes = [16, 128], strides = [1, 1]} : vector<128x128xf32> to vector<16x128xf32>
    %slice3A_1022 = vector.extract_strided_slice %slice3A_931 {offsets = [16, 0], sizes = [16, 128], strides = [1, 1]} : vector<128x128xf32> to vector<16x128xf32>
    %slice3A_1023 = vector.extract_strided_slice %slice3A_932 {offsets = [16, 0], sizes = [16, 128], strides = [1, 1]} : vector<128x128xf32> to vector<16x128xf32>
    %slice3A_1024 = vector.extract_strided_slice %slice3A_1021 {offsets = [0, 0], sizes = [16, 32], strides = [1, 1]} : vector<16x128xf32> to vector<16x32xf32>
    %slice3A_1025 = vector.extract_strided_slice %slice3A_1022 {offsets = [0, 0], sizes = [16, 32], strides = [1, 1]} : vector<16x128xf32> to vector<16x32xf32>
    %slice3A_1026 = vector.extract_strided_slice %slice3A_1023 {offsets = [0, 0], sizes = [16, 32], strides = [1, 1]} : vector<16x128xf32> to vector<16x32xf32>
    %dot_general3A_1027 = arith.constant dense<0.000000e+00> : vector<16x16xf32>
    %dot_general3A_1028 = tpu.matmul %slice3A_1024, %slice3A_1025, %dot_general3A_1027 {dimension_numbers = #tpu.dot_dimension_numbers<[1], [1], [0], [0], [0, 0, 1, 0], [], []>, transpose_lhs_hint = false} : vector<16x32xf32>, vector<16x32xf32>, vector<16x16xf32> -> vector<16x16xf32>
    %mul3A_1029 = arith.constant 0.176776692 : f32
    %mul3A_1030 = vector.broadcast %mul3A_1029 : f32 to vector<16x16xf32>
    %mul3A_1031 = arith.mulf %dot_general3A_1028, %mul3A_1030 : vector<16x16xf32>
    %reduce_max3A_1032 = arith.constant dense<0xFF800000> : vector<16xf32>
    %reduce_max3A_1033 = vector.multi_reduction <maximumf>, %mul3A_1031, %reduce_max3A_1032 [1] : vector<16x16xf32> to vector<16xf32>
    %broadcast_in_dim3A_1034 = vector.shape_cast %reduce_max3A_1033 : vector<16xf32> to vector<16x1xf32>
    %sub3A_1035 = vector.broadcast %broadcast_in_dim3A_1034 : vector<16x1xf32> to vector<16x16xf32>
    %sub3A_1036 = arith.subf %mul3A_1031, %sub3A_1035 : vector<16x16xf32>
    %exp3A_1037 = math.exp %sub3A_1036 : vector<16x16xf32>
    %reduce_sum3A_1038 = arith.constant dense<0.000000e+00> : vector<16xf32>
    %reduce_sum3A_1039 = vector.multi_reduction <add>, %exp3A_1037, %reduce_sum3A_1038 [1] : vector<16x16xf32> to vector<16xf32>
    %broadcast_in_dim3A_1040 = vector.shape_cast %reduce_sum3A_1039 : vector<16xf32> to vector<16x1xf32>
    %div3A_1041 = vector.broadcast %broadcast_in_dim3A_1040 : vector<16x1xf32> to vector<16x16xf32>
    %div3A_1042 = arith.divf %exp3A_1037, %div3A_1041 : vector<16x16xf32>
    %dot_general3A_1043 = arith.constant dense<0.000000e+00> : vector<16x32xf32>
    %dot_general3A_1044 = tpu.matmul %div3A_1042, %slice3A_1026, %dot_general3A_1043 {dimension_numbers = #tpu.dot_dimension_numbers<[1], [0], [0], [1], [0, 0, 1, 1], [], []>, transpose_lhs_hint = false} : vector<16x16xf32>, vector<16x32xf32>, vector<16x32xf32> -> vector<16x32xf32>
    %slice3A_1045 = vector.extract_strided_slice %slice3A_1021 {offsets = [0, 32], sizes = [16, 32], strides = [1, 1]} : vector<16x128xf32> to vector<16x32xf32>
    %slice3A_1046 = vector.extract_strided_slice %slice3A_1022 {offsets = [0, 32], sizes = [16, 32], strides = [1, 1]} : vector<16x128xf32> to vector<16x32xf32>
    %slice3A_1047 = vector.extract_strided_slice %slice3A_1023 {offsets = [0, 32], sizes = [16, 32], strides = [1, 1]} : vector<16x128xf32> to vector<16x32xf32>
    %dot_general3A_1048 = arith.constant dense<0.000000e+00> : vector<16x16xf32>
    %dot_general3A_1049 = tpu.matmul %slice3A_1045, %slice3A_1046, %dot_general3A_1048 {dimension_numbers = #tpu.dot_dimension_numbers<[1], [1], [0], [0], [0, 0, 1, 0], [], []>, transpose_lhs_hint = false} : vector<16x32xf32>, vector<16x32xf32>, vector<16x16xf32> -> vector<16x16xf32>
    %mul3A_1050 = arith.constant 0.176776692 : f32
    %mul3A_1051 = vector.broadcast %mul3A_1050 : f32 to vector<16x16xf32>
    %mul3A_1052 = arith.mulf %dot_general3A_1049, %mul3A_1051 : vector<16x16xf32>
    %reduce_max3A_1053 = arith.constant dense<0xFF800000> : vector<16xf32>
    %reduce_max3A_1054 = vector.multi_reduction <maximumf>, %mul3A_1052, %reduce_max3A_1053 [1] : vector<16x16xf32> to vector<16xf32>
    %broadcast_in_dim3A_1055 = vector.shape_cast %reduce_max3A_1054 : vector<16xf32> to vector<16x1xf32>
    %sub3A_1056 = vector.broadcast %broadcast_in_dim3A_1055 : vector<16x1xf32> to vector<16x16xf32>
    %sub3A_1057 = arith.subf %mul3A_1052, %sub3A_1056 : vector<16x16xf32>
    %exp3A_1058 = math.exp %sub3A_1057 : vector<16x16xf32>
    %reduce_sum3A_1059 = arith.constant dense<0.000000e+00> : vector<16xf32>
    %reduce_sum3A_1060 = vector.multi_reduction <add>, %exp3A_1058, %reduce_sum3A_1059 [1] : vector<16x16xf32> to vector<16xf32>
    %broadcast_in_dim3A_1061 = vector.shape_cast %reduce_sum3A_1060 : vector<16xf32> to vector<16x1xf32>
    %div3A_1062 = vector.broadcast %broadcast_in_dim3A_1061 : vector<16x1xf32> to vector<16x16xf32>
    %div3A_1063 = arith.divf %exp3A_1058, %div3A_1062 : vector<16x16xf32>
    %dot_general3A_1064 = arith.constant dense<0.000000e+00> : vector<16x32xf32>
    %dot_general3A_1065 = tpu.matmul %div3A_1063, %slice3A_1047, %dot_general3A_1064 {dimension_numbers = #tpu.dot_dimension_numbers<[1], [0], [0], [1], [0, 0, 1, 1], [], []>, transpose_lhs_hint = false} : vector<16x16xf32>, vector<16x32xf32>, vector<16x32xf32> -> vector<16x32xf32>
    %slice3A_1066 = vector.extract_strided_slice %slice3A_1021 {offsets = [0, 64], sizes = [16, 32], strides = [1, 1]} : vector<16x128xf32> to vector<16x32xf32>
    %slice3A_1067 = vector.extract_strided_slice %slice3A_1022 {offsets = [0, 64], sizes = [16, 32], strides = [1, 1]} : vector<16x128xf32> to vector<16x32xf32>
    %slice3A_1068 = vector.extract_strided_slice %slice3A_1023 {offsets = [0, 64], sizes = [16, 32], strides = [1, 1]} : vector<16x128xf32> to vector<16x32xf32>
    %dot_general3A_1069 = arith.constant dense<0.000000e+00> : vector<16x16xf32>
    %dot_general3A_1070 = tpu.matmul %slice3A_1066, %slice3A_1067, %dot_general3A_1069 {dimension_numbers = #tpu.dot_dimension_numbers<[1], [1], [0], [0], [0, 0, 1, 0], [], []>, transpose_lhs_hint = false} : vector<16x32xf32>, vector<16x32xf32>, vector<16x16xf32> -> vector<16x16xf32>
    %mul3A_1071 = arith.constant 0.176776692 : f32
    %mul3A_1072 = vector.broadcast %mul3A_1071 : f32 to vector<16x16xf32>
    %mul3A_1073 = arith.mulf %dot_general3A_1070, %mul3A_1072 : vector<16x16xf32>
    %reduce_max3A_1074 = arith.constant dense<0xFF800000> : vector<16xf32>
    %reduce_max3A_1075 = vector.multi_reduction <maximumf>, %mul3A_1073, %reduce_max3A_1074 [1] : vector<16x16xf32> to vector<16xf32>
    %broadcast_in_dim3A_1076 = vector.shape_cast %reduce_max3A_1075 : vector<16xf32> to vector<16x1xf32>
    %sub3A_1077 = vector.broadcast %broadcast_in_dim3A_1076 : vector<16x1xf32> to vector<16x16xf32>
    %sub3A_1078 = arith.subf %mul3A_1073, %sub3A_1077 : vector<16x16xf32>
    %exp3A_1079 = math.exp %sub3A_1078 : vector<16x16xf32>
    %reduce_sum3A_1080 = arith.constant dense<0.000000e+00> : vector<16xf32>
    %reduce_sum3A_1081 = vector.multi_reduction <add>, %exp3A_1079, %reduce_sum3A_1080 [1] : vector<16x16xf32> to vector<16xf32>
    %broadcast_in_dim3A_1082 = vector.shape_cast %reduce_sum3A_1081 : vector<16xf32> to vector<16x1xf32>
    %div3A_1083 = vector.broadcast %broadcast_in_dim3A_1082 : vector<16x1xf32> to vector<16x16xf32>
    %div3A_1084 = arith.divf %exp3A_1079, %div3A_1083 : vector<16x16xf32>
    %dot_general3A_1085 = arith.constant dense<0.000000e+00> : vector<16x32xf32>
    %dot_general3A_1086 = tpu.matmul %div3A_1084, %slice3A_1068, %dot_general3A_1085 {dimension_numbers = #tpu.dot_dimension_numbers<[1], [0], [0], [1], [0, 0, 1, 1], [], []>, transpose_lhs_hint = false} : vector<16x16xf32>, vector<16x32xf32>, vector<16x32xf32> -> vector<16x32xf32>
    %slice3A_1087 = vector.extract_strided_slice %slice3A_1021 {offsets = [0, 96], sizes = [16, 32], strides = [1, 1]} : vector<16x128xf32> to vector<16x32xf32>
    %slice3A_1088 = vector.extract_strided_slice %slice3A_1022 {offsets = [0, 96], sizes = [16, 32], strides = [1, 1]} : vector<16x128xf32> to vector<16x32xf32>
    %slice3A_1089 = vector.extract_strided_slice %slice3A_1023 {offsets = [0, 96], sizes = [16, 32], strides = [1, 1]} : vector<16x128xf32> to vector<16x32xf32>
    %dot_general3A_1090 = arith.constant dense<0.000000e+00> : vector<16x16xf32>
    %dot_general3A_1091 = tpu.matmul %slice3A_1087, %slice3A_1088, %dot_general3A_1090 {dimension_numbers = #tpu.dot_dimension_numbers<[1], [1], [0], [0], [0, 0, 1, 0], [], []>, transpose_lhs_hint = false} : vector<16x32xf32>, vector<16x32xf32>, vector<16x16xf32> -> vector<16x16xf32>
    %mul3A_1092 = arith.constant 0.176776692 : f32
    %mul3A_1093 = vector.broadcast %mul3A_1092 : f32 to vector<16x16xf32>
    %mul3A_1094 = arith.mulf %dot_general3A_1091, %mul3A_1093 : vector<16x16xf32>
    %reduce_max3A_1095 = arith.constant dense<0xFF800000> : vector<16xf32>
    %reduce_max3A_1096 = vector.multi_reduction <maximumf>, %mul3A_1094, %reduce_max3A_1095 [1] : vector<16x16xf32> to vector<16xf32>
    %broadcast_in_dim3A_1097 = vector.shape_cast %reduce_max3A_1096 : vector<16xf32> to vector<16x1xf32>
    %sub3A_1098 = vector.broadcast %broadcast_in_dim3A_1097 : vector<16x1xf32> to vector<16x16xf32>
    %sub3A_1099 = arith.subf %mul3A_1094, %sub3A_1098 : vector<16x16xf32>
    %exp3A_1100 = math.exp %sub3A_1099 : vector<16x16xf32>
    %reduce_sum3A_1101 = arith.constant dense<0.000000e+00> : vector<16xf32>
    %reduce_sum3A_1102 = vector.multi_reduction <add>, %exp3A_1100, %reduce_sum3A_1101 [1] : vector<16x16xf32> to vector<16xf32>
    %broadcast_in_dim3A_1103 = vector.shape_cast %reduce_sum3A_1102 : vector<16xf32> to vector<16x1xf32>
    %div3A_1104 = vector.broadcast %broadcast_in_dim3A_1103 : vector<16x1xf32> to vector<16x16xf32>
    %div3A_1105 = arith.divf %exp3A_1100, %div3A_1104 : vector<16x16xf32>
    %dot_general3A_1106 = arith.constant dense<0.000000e+00> : vector<16x32xf32>
    %dot_general3A_1107 = tpu.matmul %div3A_1105, %slice3A_1089, %dot_general3A_1106 {dimension_numbers = #tpu.dot_dimension_numbers<[1], [0], [0], [1], [0, 0, 1, 1], [], []>, transpose_lhs_hint = false} : vector<16x16xf32>, vector<16x32xf32>, vector<16x32xf32> -> vector<16x32xf32>
    %concatenate3A_1108 = tpu.concatenate %dot_general3A_1044, %dot_general3A_1065, %dot_general3A_1086, %dot_general3A_1107 in 1 : vector<16x32xf32>, vector<16x32xf32>, vector<16x32xf32>, vector<16x32xf32> -> vector<16x128xf32>
    %slice3A_1109 = vector.extract_strided_slice %slice3A_930 {offsets = [32, 0], sizes = [16, 128], strides = [1, 1]} : vector<128x128xf32> to vector<16x128xf32>
    %slice3A_1110 = vector.extract_strided_slice %slice3A_931 {offsets = [32, 0], sizes = [16, 128], strides = [1, 1]} : vector<128x128xf32> to vector<16x128xf32>
    %slice3A_1111 = vector.extract_strided_slice %slice3A_932 {offsets = [32, 0], sizes = [16, 128], strides = [1, 1]} : vector<128x128xf32> to vector<16x128xf32>
    %slice3A_1112 = vector.extract_strided_slice %slice3A_1109 {offsets = [0, 0], sizes = [16, 32], strides = [1, 1]} : vector<16x128xf32> to vector<16x32xf32>
    %slice3A_1113 = vector.extract_strided_slice %slice3A_1110 {offsets = [0, 0], sizes = [16, 32], strides = [1, 1]} : vector<16x128xf32> to vector<16x32xf32>
    %slice3A_1114 = vector.extract_strided_slice %slice3A_1111 {offsets = [0, 0], sizes = [16, 32], strides = [1, 1]} : vector<16x128xf32> to vector<16x32xf32>
    %dot_general3A_1115 = arith.constant dense<0.000000e+00> : vector<16x16xf32>
    %dot_general3A_1116 = tpu.matmul %slice3A_1112, %slice3A_1113, %dot_general3A_1115 {dimension_numbers = #tpu.dot_dimension_numbers<[1], [1], [0], [0], [0, 0, 1, 0], [], []>, transpose_lhs_hint = false} : vector<16x32xf32>, vector<16x32xf32>, vector<16x16xf32> -> vector<16x16xf32>
    %mul3A_1117 = arith.constant 0.176776692 : f32
    %mul3A_1118 = vector.broadcast %mul3A_1117 : f32 to vector<16x16xf32>
    %mul3A_1119 = arith.mulf %dot_general3A_1116, %mul3A_1118 : vector<16x16xf32>
    %reduce_max3A_1120 = arith.constant dense<0xFF800000> : vector<16xf32>
    %reduce_max3A_1121 = vector.multi_reduction <maximumf>, %mul3A_1119, %reduce_max3A_1120 [1] : vector<16x16xf32> to vector<16xf32>
    %broadcast_in_dim3A_1122 = vector.shape_cast %reduce_max3A_1121 : vector<16xf32> to vector<16x1xf32>
    %sub3A_1123 = vector.broadcast %broadcast_in_dim3A_1122 : vector<16x1xf32> to vector<16x16xf32>
    %sub3A_1124 = arith.subf %mul3A_1119, %sub3A_1123 : vector<16x16xf32>
    %exp3A_1125 = math.exp %sub3A_1124 : vector<16x16xf32>
    %reduce_sum3A_1126 = arith.constant dense<0.000000e+00> : vector<16xf32>
    %reduce_sum3A_1127 = vector.multi_reduction <add>, %exp3A_1125, %reduce_sum3A_1126 [1] : vector<16x16xf32> to vector<16xf32>
    %broadcast_in_dim3A_1128 = vector.shape_cast %reduce_sum3A_1127 : vector<16xf32> to vector<16x1xf32>
    %div3A_1129 = vector.broadcast %broadcast_in_dim3A_1128 : vector<16x1xf32> to vector<16x16xf32>
    %div3A_1130 = arith.divf %exp3A_1125, %div3A_1129 : vector<16x16xf32>
    %dot_general3A_1131 = arith.constant dense<0.000000e+00> : vector<16x32xf32>
    %dot_general3A_1132 = tpu.matmul %div3A_1130, %slice3A_1114, %dot_general3A_1131 {dimension_numbers = #tpu.dot_dimension_numbers<[1], [0], [0], [1], [0, 0, 1, 1], [], []>, transpose_lhs_hint = false} : vector<16x16xf32>, vector<16x32xf32>, vector<16x32xf32> -> vector<16x32xf32>
    %slice3A_1133 = vector.extract_strided_slice %slice3A_1109 {offsets = [0, 32], sizes = [16, 32], strides = [1, 1]} : vector<16x128xf32> to vector<16x32xf32>
    %slice3A_1134 = vector.extract_strided_slice %slice3A_1110 {offsets = [0, 32], sizes = [16, 32], strides = [1, 1]} : vector<16x128xf32> to vector<16x32xf32>
    %slice3A_1135 = vector.extract_strided_slice %slice3A_1111 {offsets = [0, 32], sizes = [16, 32], strides = [1, 1]} : vector<16x128xf32> to vector<16x32xf32>
    %dot_general3A_1136 = arith.constant dense<0.000000e+00> : vector<16x16xf32>
    %dot_general3A_1137 = tpu.matmul %slice3A_1133, %slice3A_1134, %dot_general3A_1136 {dimension_numbers = #tpu.dot_dimension_numbers<[1], [1], [0], [0], [0, 0, 1, 0], [], []>, transpose_lhs_hint = false} : vector<16x32xf32>, vector<16x32xf32>, vector<16x16xf32> -> vector<16x16xf32>
    %mul3A_1138 = arith.constant 0.176776692 : f32
    %mul3A_1139 = vector.broadcast %mul3A_1138 : f32 to vector<16x16xf32>
    %mul3A_1140 = arith.mulf %dot_general3A_1137, %mul3A_1139 : vector<16x16xf32>
    %reduce_max3A_1141 = arith.constant dense<0xFF800000> : vector<16xf32>
    %reduce_max3A_1142 = vector.multi_reduction <maximumf>, %mul3A_1140, %reduce_max3A_1141 [1] : vector<16x16xf32> to vector<16xf32>
    %broadcast_in_dim3A_1143 = vector.shape_cast %reduce_max3A_1142 : vector<16xf32> to vector<16x1xf32>
    %sub3A_1144 = vector.broadcast %broadcast_in_dim3A_1143 : vector<16x1xf32> to vector<16x16xf32>
    %sub3A_1145 = arith.subf %mul3A_1140, %sub3A_1144 : vector<16x16xf32>
    %exp3A_1146 = math.exp %sub3A_1145 : vector<16x16xf32>
    %reduce_sum3A_1147 = arith.constant dense<0.000000e+00> : vector<16xf32>
    %reduce_sum3A_1148 = vector.multi_reduction <add>, %exp3A_1146, %reduce_sum3A_1147 [1] : vector<16x16xf32> to vector<16xf32>
    %broadcast_in_dim3A_1149 = vector.shape_cast %reduce_sum3A_1148 : vector<16xf32> to vector<16x1xf32>
    %div3A_1150 = vector.broadcast %broadcast_in_dim3A_1149 : vector<16x1xf32> to vector<16x16xf32>
    %div3A_1151 = arith.divf %exp3A_1146, %div3A_1150 : vector<16x16xf32>
    %dot_general3A_1152 = arith.constant dense<0.000000e+00> : vector<16x32xf32>
    %dot_general3A_1153 = tpu.matmul %div3A_1151, %slice3A_1135, %dot_general3A_1152 {dimension_numbers = #tpu.dot_dimension_numbers<[1], [0], [0], [1], [0, 0, 1, 1], [], []>, transpose_lhs_hint = false} : vector<16x16xf32>, vector<16x32xf32>, vector<16x32xf32> -> vector<16x32xf32>
    %slice3A_1154 = vector.extract_strided_slice %slice3A_1109 {offsets = [0, 64], sizes = [16, 32], strides = [1, 1]} : vector<16x128xf32> to vector<16x32xf32>
    %slice3A_1155 = vector.extract_strided_slice %slice3A_1110 {offsets = [0, 64], sizes = [16, 32], strides = [1, 1]} : vector<16x128xf32> to vector<16x32xf32>
    %slice3A_1156 = vector.extract_strided_slice %slice3A_1111 {offsets = [0, 64], sizes = [16, 32], strides = [1, 1]} : vector<16x128xf32> to vector<16x32xf32>
    %dot_general3A_1157 = arith.constant dense<0.000000e+00> : vector<16x16xf32>
    %dot_general3A_1158 = tpu.matmul %slice3A_1154, %slice3A_1155, %dot_general3A_1157 {dimension_numbers = #tpu.dot_dimension_numbers<[1], [1], [0], [0], [0, 0, 1, 0], [], []>, transpose_lhs_hint = false} : vector<16x32xf32>, vector<16x32xf32>, vector<16x16xf32> -> vector<16x16xf32>
    %mul3A_1159 = arith.constant 0.176776692 : f32
    %mul3A_1160 = vector.broadcast %mul3A_1159 : f32 to vector<16x16xf32>
    %mul3A_1161 = arith.mulf %dot_general3A_1158, %mul3A_1160 : vector<16x16xf32>
    %reduce_max3A_1162 = arith.constant dense<0xFF800000> : vector<16xf32>
    %reduce_max3A_1163 = vector.multi_reduction <maximumf>, %mul3A_1161, %reduce_max3A_1162 [1] : vector<16x16xf32> to vector<16xf32>
    %broadcast_in_dim3A_1164 = vector.shape_cast %reduce_max3A_1163 : vector<16xf32> to vector<16x1xf32>
    %sub3A_1165 = vector.broadcast %broadcast_in_dim3A_1164 : vector<16x1xf32> to vector<16x16xf32>
    %sub3A_1166 = arith.subf %mul3A_1161, %sub3A_1165 : vector<16x16xf32>
    %exp3A_1167 = math.exp %sub3A_1166 : vector<16x16xf32>
    %reduce_sum3A_1168 = arith.constant dense<0.000000e+00> : vector<16xf32>
    %reduce_sum3A_1169 = vector.multi_reduction <add>, %exp3A_1167, %reduce_sum3A_1168 [1] : vector<16x16xf32> to vector<16xf32>
    %broadcast_in_dim3A_1170 = vector.shape_cast %reduce_sum3A_1169 : vector<16xf32> to vector<16x1xf32>
    %div3A_1171 = vector.broadcast %broadcast_in_dim3A_1170 : vector<16x1xf32> to vector<16x16xf32>
    %div3A_1172 = arith.divf %exp3A_1167, %div3A_1171 : vector<16x16xf32>
    %dot_general3A_1173 = arith.constant dense<0.000000e+00> : vector<16x32xf32>
    %dot_general3A_1174 = tpu.matmul %div3A_1172, %slice3A_1156, %dot_general3A_1173 {dimension_numbers = #tpu.dot_dimension_numbers<[1], [0], [0], [1], [0, 0, 1, 1], [], []>, transpose_lhs_hint = false} : vector<16x16xf32>, vector<16x32xf32>, vector<16x32xf32> -> vector<16x32xf32>
    %slice3A_1175 = vector.extract_strided_slice %slice3A_1109 {offsets = [0, 96], sizes = [16, 32], strides = [1, 1]} : vector<16x128xf32> to vector<16x32xf32>
    %slice3A_1176 = vector.extract_strided_slice %slice3A_1110 {offsets = [0, 96], sizes = [16, 32], strides = [1, 1]} : vector<16x128xf32> to vector<16x32xf32>
    %slice3A_1177 = vector.extract_strided_slice %slice3A_1111 {offsets = [0, 96], sizes = [16, 32], strides = [1, 1]} : vector<16x128xf32> to vector<16x32xf32>
    %dot_general3A_1178 = arith.constant dense<0.000000e+00> : vector<16x16xf32>
    %dot_general3A_1179 = tpu.matmul %slice3A_1175, %slice3A_1176, %dot_general3A_1178 {dimension_numbers = #tpu.dot_dimension_numbers<[1], [1], [0], [0], [0, 0, 1, 0], [], []>, transpose_lhs_hint = false} : vector<16x32xf32>, vector<16x32xf32>, vector<16x16xf32> -> vector<16x16xf32>
    %mul3A_1180 = arith.constant 0.176776692 : f32
    %mul3A_1181 = vector.broadcast %mul3A_1180 : f32 to vector<16x16xf32>
    %mul3A_1182 = arith.mulf %dot_general3A_1179, %mul3A_1181 : vector<16x16xf32>
    %reduce_max3A_1183 = arith.constant dense<0xFF800000> : vector<16xf32>
    %reduce_max3A_1184 = vector.multi_reduction <maximumf>, %mul3A_1182, %reduce_max3A_1183 [1] : vector<16x16xf32> to vector<16xf32>
    %broadcast_in_dim3A_1185 = vector.shape_cast %reduce_max3A_1184 : vector<16xf32> to vector<16x1xf32>
    %sub3A_1186 = vector.broadcast %broadcast_in_dim3A_1185 : vector<16x1xf32> to vector<16x16xf32>
    %sub3A_1187 = arith.subf %mul3A_1182, %sub3A_1186 : vector<16x16xf32>
    %exp3A_1188 = math.exp %sub3A_1187 : vector<16x16xf32>
    %reduce_sum3A_1189 = arith.constant dense<0.000000e+00> : vector<16xf32>
    %reduce_sum3A_1190 = vector.multi_reduction <add>, %exp3A_1188, %reduce_sum3A_1189 [1] : vector<16x16xf32> to vector<16xf32>
    %broadcast_in_dim3A_1191 = vector.shape_cast %reduce_sum3A_1190 : vector<16xf32> to vector<16x1xf32>
    %div3A_1192 = vector.broadcast %broadcast_in_dim3A_1191 : vector<16x1xf32> to vector<16x16xf32>
    %div3A_1193 = arith.divf %exp3A_1188, %div3A_1192 : vector<16x16xf32>
    %dot_general3A_1194 = arith.constant dense<0.000000e+00> : vector<16x32xf32>
    %dot_general3A_1195 = tpu.matmul %div3A_1193, %slice3A_1177, %dot_general3A_1194 {dimension_numbers = #tpu.dot_dimension_numbers<[1], [0], [0], [1], [0, 0, 1, 1], [], []>, transpose_lhs_hint = false} : vector<16x16xf32>, vector<16x32xf32>, vector<16x32xf32> -> vector<16x32xf32>
    %concatenate3A_1196 = tpu.concatenate %dot_general3A_1132, %dot_general3A_1153, %dot_general3A_1174, %dot_general3A_1195 in 1 : vector<16x32xf32>, vector<16x32xf32>, vector<16x32xf32>, vector<16x32xf32> -> vector<16x128xf32>
    %slice3A_1197 = vector.extract_strided_slice %slice3A_930 {offsets = [48, 0], sizes = [16, 128], strides = [1, 1]} : vector<128x128xf32> to vector<16x128xf32>
    %slice3A_1198 = vector.extract_strided_slice %slice3A_931 {offsets = [48, 0], sizes = [16, 128], strides = [1, 1]} : vector<128x128xf32> to vector<16x128xf32>
    %slice3A_1199 = vector.extract_strided_slice %slice3A_932 {offsets = [48, 0], sizes = [16, 128], strides = [1, 1]} : vector<128x128xf32> to vector<16x128xf32>
    %slice3A_1200 = vector.extract_strided_slice %slice3A_1197 {offsets = [0, 0], sizes = [16, 32], strides = [1, 1]} : vector<16x128xf32> to vector<16x32xf32>
    %slice3A_1201 = vector.extract_strided_slice %slice3A_1198 {offsets = [0, 0], sizes = [16, 32], strides = [1, 1]} : vector<16x128xf32> to vector<16x32xf32>
    %slice3A_1202 = vector.extract_strided_slice %slice3A_1199 {offsets = [0, 0], sizes = [16, 32], strides = [1, 1]} : vector<16x128xf32> to vector<16x32xf32>
    %dot_general3A_1203 = arith.constant dense<0.000000e+00> : vector<16x16xf32>
    %dot_general3A_1204 = tpu.matmul %slice3A_1200, %slice3A_1201, %dot_general3A_1203 {dimension_numbers = #tpu.dot_dimension_numbers<[1], [1], [0], [0], [0, 0, 1, 0], [], []>, transpose_lhs_hint = false} : vector<16x32xf32>, vector<16x32xf32>, vector<16x16xf32> -> vector<16x16xf32>
    %mul3A_1205 = arith.constant 0.176776692 : f32
    %mul3A_1206 = vector.broadcast %mul3A_1205 : f32 to vector<16x16xf32>
    %mul3A_1207 = arith.mulf %dot_general3A_1204, %mul3A_1206 : vector<16x16xf32>
    %reduce_max3A_1208 = arith.constant dense<0xFF800000> : vector<16xf32>
    %reduce_max3A_1209 = vector.multi_reduction <maximumf>, %mul3A_1207, %reduce_max3A_1208 [1] : vector<16x16xf32> to vector<16xf32>
    %broadcast_in_dim3A_1210 = vector.shape_cast %reduce_max3A_1209 : vector<16xf32> to vector<16x1xf32>
    %sub3A_1211 = vector.broadcast %broadcast_in_dim3A_1210 : vector<16x1xf32> to vector<16x16xf32>
    %sub3A_1212 = arith.subf %mul3A_1207, %sub3A_1211 : vector<16x16xf32>
    %exp3A_1213 = math.exp %sub3A_1212 : vector<16x16xf32>
    %reduce_sum3A_1214 = arith.constant dense<0.000000e+00> : vector<16xf32>
    %reduce_sum3A_1215 = vector.multi_reduction <add>, %exp3A_1213, %reduce_sum3A_1214 [1] : vector<16x16xf32> to vector<16xf32>
    %broadcast_in_dim3A_1216 = vector.shape_cast %reduce_sum3A_1215 : vector<16xf32> to vector<16x1xf32>
    %div3A_1217 = vector.broadcast %broadcast_in_dim3A_1216 : vector<16x1xf32> to vector<16x16xf32>
    %div3A_1218 = arith.divf %exp3A_1213, %div3A_1217 : vector<16x16xf32>
    %dot_general3A_1219 = arith.constant dense<0.000000e+00> : vector<16x32xf32>
    %dot_general3A_1220 = tpu.matmul %div3A_1218, %slice3A_1202, %dot_general3A_1219 {dimension_numbers = #tpu.dot_dimension_numbers<[1], [0], [0], [1], [0, 0, 1, 1], [], []>, transpose_lhs_hint = false} : vector<16x16xf32>, vector<16x32xf32>, vector<16x32xf32> -> vector<16x32xf32>
    %slice3A_1221 = vector.extract_strided_slice %slice3A_1197 {offsets = [0, 32], sizes = [16, 32], strides = [1, 1]} : vector<16x128xf32> to vector<16x32xf32>
    %slice3A_1222 = vector.extract_strided_slice %slice3A_1198 {offsets = [0, 32], sizes = [16, 32], strides = [1, 1]} : vector<16x128xf32> to vector<16x32xf32>
    %slice3A_1223 = vector.extract_strided_slice %slice3A_1199 {offsets = [0, 32], sizes = [16, 32], strides = [1, 1]} : vector<16x128xf32> to vector<16x32xf32>
    %dot_general3A_1224 = arith.constant dense<0.000000e+00> : vector<16x16xf32>
    %dot_general3A_1225 = tpu.matmul %slice3A_1221, %slice3A_1222, %dot_general3A_1224 {dimension_numbers = #tpu.dot_dimension_numbers<[1], [1], [0], [0], [0, 0, 1, 0], [], []>, transpose_lhs_hint = false} : vector<16x32xf32>, vector<16x32xf32>, vector<16x16xf32> -> vector<16x16xf32>
    %mul3A_1226 = arith.constant 0.176776692 : f32
    %mul3A_1227 = vector.broadcast %mul3A_1226 : f32 to vector<16x16xf32>
    %mul3A_1228 = arith.mulf %dot_general3A_1225, %mul3A_1227 : vector<16x16xf32>
    %reduce_max3A_1229 = arith.constant dense<0xFF800000> : vector<16xf32>
    %reduce_max3A_1230 = vector.multi_reduction <maximumf>, %mul3A_1228, %reduce_max3A_1229 [1] : vector<16x16xf32> to vector<16xf32>
    %broadcast_in_dim3A_1231 = vector.shape_cast %reduce_max3A_1230 : vector<16xf32> to vector<16x1xf32>
    %sub3A_1232 = vector.broadcast %broadcast_in_dim3A_1231 : vector<16x1xf32> to vector<16x16xf32>
    %sub3A_1233 = arith.subf %mul3A_1228, %sub3A_1232 : vector<16x16xf32>
    %exp3A_1234 = math.exp %sub3A_1233 : vector<16x16xf32>
    %reduce_sum3A_1235 = arith.constant dense<0.000000e+00> : vector<16xf32>
    %reduce_sum3A_1236 = vector.multi_reduction <add>, %exp3A_1234, %reduce_sum3A_1235 [1] : vector<16x16xf32> to vector<16xf32>
    %broadcast_in_dim3A_1237 = vector.shape_cast %reduce_sum3A_1236 : vector<16xf32> to vector<16x1xf32>
    %div3A_1238 = vector.broadcast %broadcast_in_dim3A_1237 : vector<16x1xf32> to vector<16x16xf32>
    %div3A_1239 = arith.divf %exp3A_1234, %div3A_1238 : vector<16x16xf32>
    %dot_general3A_1240 = arith.constant dense<0.000000e+00> : vector<16x32xf32>
    %dot_general3A_1241 = tpu.matmul %div3A_1239, %slice3A_1223, %dot_general3A_1240 {dimension_numbers = #tpu.dot_dimension_numbers<[1], [0], [0], [1], [0, 0, 1, 1], [], []>, transpose_lhs_hint = false} : vector<16x16xf32>, vector<16x32xf32>, vector<16x32xf32> -> vector<16x32xf32>
    %slice3A_1242 = vector.extract_strided_slice %slice3A_1197 {offsets = [0, 64], sizes = [16, 32], strides = [1, 1]} : vector<16x128xf32> to vector<16x32xf32>
    %slice3A_1243 = vector.extract_strided_slice %slice3A_1198 {offsets = [0, 64], sizes = [16, 32], strides = [1, 1]} : vector<16x128xf32> to vector<16x32xf32>
    %slice3A_1244 = vector.extract_strided_slice %slice3A_1199 {offsets = [0, 64], sizes = [16, 32], strides = [1, 1]} : vector<16x128xf32> to vector<16x32xf32>
    %dot_general3A_1245 = arith.constant dense<0.000000e+00> : vector<16x16xf32>
    %dot_general3A_1246 = tpu.matmul %slice3A_1242, %slice3A_1243, %dot_general3A_1245 {dimension_numbers = #tpu.dot_dimension_numbers<[1], [1], [0], [0], [0, 0, 1, 0], [], []>, transpose_lhs_hint = false} : vector<16x32xf32>, vector<16x32xf32>, vector<16x16xf32> -> vector<16x16xf32>
    %mul3A_1247 = arith.constant 0.176776692 : f32
    %mul3A_1248 = vector.broadcast %mul3A_1247 : f32 to vector<16x16xf32>
    %mul3A_1249 = arith.mulf %dot_general3A_1246, %mul3A_1248 : vector<16x16xf32>
    %reduce_max3A_1250 = arith.constant dense<0xFF800000> : vector<16xf32>
    %reduce_max3A_1251 = vector.multi_reduction <maximumf>, %mul3A_1249, %reduce_max3A_1250 [1] : vector<16x16xf32> to vector<16xf32>
    %broadcast_in_dim3A_1252 = vector.shape_cast %reduce_max3A_1251 : vector<16xf32> to vector<16x1xf32>
    %sub3A_1253 = vector.broadcast %broadcast_in_dim3A_1252 : vector<16x1xf32> to vector<16x16xf32>
    %sub3A_1254 = arith.subf %mul3A_1249, %sub3A_1253 : vector<16x16xf32>
    %exp3A_1255 = math.exp %sub3A_1254 : vector<16x16xf32>
    %reduce_sum3A_1256 = arith.constant dense<0.000000e+00> : vector<16xf32>
    %reduce_sum3A_1257 = vector.multi_reduction <add>, %exp3A_1255, %reduce_sum3A_1256 [1] : vector<16x16xf32> to vector<16xf32>
    %broadcast_in_dim3A_1258 = vector.shape_cast %reduce_sum3A_1257 : vector<16xf32> to vector<16x1xf32>
    %div3A_1259 = vector.broadcast %broadcast_in_dim3A_1258 : vector<16x1xf32> to vector<16x16xf32>
    %div3A_1260 = arith.divf %exp3A_1255, %div3A_1259 : vector<16x16xf32>
    %dot_general3A_1261 = arith.constant dense<0.000000e+00> : vector<16x32xf32>
    %dot_general3A_1262 = tpu.matmul %div3A_1260, %slice3A_1244, %dot_general3A_1261 {dimension_numbers = #tpu.dot_dimension_numbers<[1], [0], [0], [1], [0, 0, 1, 1], [], []>, transpose_lhs_hint = false} : vector<16x16xf32>, vector<16x32xf32>, vector<16x32xf32> -> vector<16x32xf32>
    %slice3A_1263 = vector.extract_strided_slice %slice3A_1197 {offsets = [0, 96], sizes = [16, 32], strides = [1, 1]} : vector<16x128xf32> to vector<16x32xf32>
    %slice3A_1264 = vector.extract_strided_slice %slice3A_1198 {offsets = [0, 96], sizes = [16, 32], strides = [1, 1]} : vector<16x128xf32> to vector<16x32xf32>
    %slice3A_1265 = vector.extract_strided_slice %slice3A_1199 {offsets = [0, 96], sizes = [16, 32], strides = [1, 1]} : vector<16x128xf32> to vector<16x32xf32>
    %dot_general3A_1266 = arith.constant dense<0.000000e+00> : vector<16x16xf32>
    %dot_general3A_1267 = tpu.matmul %slice3A_1263, %slice3A_1264, %dot_general3A_1266 {dimension_numbers = #tpu.dot_dimension_numbers<[1], [1], [0], [0], [0, 0, 1, 0], [], []>, transpose_lhs_hint = false} : vector<16x32xf32>, vector<16x32xf32>, vector<16x16xf32> -> vector<16x16xf32>
    %mul3A_1268 = arith.constant 0.176776692 : f32
    %mul3A_1269 = vector.broadcast %mul3A_1268 : f32 to vector<16x16xf32>
    %mul3A_1270 = arith.mulf %dot_general3A_1267, %mul3A_1269 : vector<16x16xf32>
    %reduce_max3A_1271 = arith.constant dense<0xFF800000> : vector<16xf32>
    %reduce_max3A_1272 = vector.multi_reduction <maximumf>, %mul3A_1270, %reduce_max3A_1271 [1] : vector<16x16xf32> to vector<16xf32>
    %broadcast_in_dim3A_1273 = vector.shape_cast %reduce_max3A_1272 : vector<16xf32> to vector<16x1xf32>
    %sub3A_1274 = vector.broadcast %broadcast_in_dim3A_1273 : vector<16x1xf32> to vector<16x16xf32>
    %sub3A_1275 = arith.subf %mul3A_1270, %sub3A_1274 : vector<16x16xf32>
    %exp3A_1276 = math.exp %sub3A_1275 : vector<16x16xf32>
    %reduce_sum3A_1277 = arith.constant dense<0.000000e+00> : vector<16xf32>
    %reduce_sum3A_1278 = vector.multi_reduction <add>, %exp3A_1276, %reduce_sum3A_1277 [1] : vector<16x16xf32> to vector<16xf32>
    %broadcast_in_dim3A_1279 = vector.shape_cast %reduce_sum3A_1278 : vector<16xf32> to vector<16x1xf32>
    %div3A_1280 = vector.broadcast %broadcast_in_dim3A_1279 : vector<16x1xf32> to vector<16x16xf32>
    %div3A_1281 = arith.divf %exp3A_1276, %div3A_1280 : vector<16x16xf32>
    %dot_general3A_1282 = arith.constant dense<0.000000e+00> : vector<16x32xf32>
    %dot_general3A_1283 = tpu.matmul %div3A_1281, %slice3A_1265, %dot_general3A_1282 {dimension_numbers = #tpu.dot_dimension_numbers<[1], [0], [0], [1], [0, 0, 1, 1], [], []>, transpose_lhs_hint = false} : vector<16x16xf32>, vector<16x32xf32>, vector<16x32xf32> -> vector<16x32xf32>
    %concatenate3A_1284 = tpu.concatenate %dot_general3A_1220, %dot_general3A_1241, %dot_general3A_1262, %dot_general3A_1283 in 1 : vector<16x32xf32>, vector<16x32xf32>, vector<16x32xf32>, vector<16x32xf32> -> vector<16x128xf32>
    %slice3A_1285 = vector.extract_strided_slice %slice3A_930 {offsets = [64, 0], sizes = [16, 128], strides = [1, 1]} : vector<128x128xf32> to vector<16x128xf32>
    %slice3A_1286 = vector.extract_strided_slice %slice3A_931 {offsets = [64, 0], sizes = [16, 128], strides = [1, 1]} : vector<128x128xf32> to vector<16x128xf32>
    %slice3A_1287 = vector.extract_strided_slice %slice3A_932 {offsets = [64, 0], sizes = [16, 128], strides = [1, 1]} : vector<128x128xf32> to vector<16x128xf32>
    %slice3A_1288 = vector.extract_strided_slice %slice3A_1285 {offsets = [0, 0], sizes = [16, 32], strides = [1, 1]} : vector<16x128xf32> to vector<16x32xf32>
    %slice3A_1289 = vector.extract_strided_slice %slice3A_1286 {offsets = [0, 0], sizes = [16, 32], strides = [1, 1]} : vector<16x128xf32> to vector<16x32xf32>
    %slice3A_1290 = vector.extract_strided_slice %slice3A_1287 {offsets = [0, 0], sizes = [16, 32], strides = [1, 1]} : vector<16x128xf32> to vector<16x32xf32>
    %dot_general3A_1291 = arith.constant dense<0.000000e+00> : vector<16x16xf32>
    %dot_general3A_1292 = tpu.matmul %slice3A_1288, %slice3A_1289, %dot_general3A_1291 {dimension_numbers = #tpu.dot_dimension_numbers<[1], [1], [0], [0], [0, 0, 1, 0], [], []>, transpose_lhs_hint = false} : vector<16x32xf32>, vector<16x32xf32>, vector<16x16xf32> -> vector<16x16xf32>
    %mul3A_1293 = arith.constant 0.176776692 : f32
    %mul3A_1294 = vector.broadcast %mul3A_1293 : f32 to vector<16x16xf32>
    %mul3A_1295 = arith.mulf %dot_general3A_1292, %mul3A_1294 : vector<16x16xf32>
    %reduce_max3A_1296 = arith.constant dense<0xFF800000> : vector<16xf32>
    %reduce_max3A_1297 = vector.multi_reduction <maximumf>, %mul3A_1295, %reduce_max3A_1296 [1] : vector<16x16xf32> to vector<16xf32>
    %broadcast_in_dim3A_1298 = vector.shape_cast %reduce_max3A_1297 : vector<16xf32> to vector<16x1xf32>
    %sub3A_1299 = vector.broadcast %broadcast_in_dim3A_1298 : vector<16x1xf32> to vector<16x16xf32>
    %sub3A_1300 = arith.subf %mul3A_1295, %sub3A_1299 : vector<16x16xf32>
    %exp3A_1301 = math.exp %sub3A_1300 : vector<16x16xf32>
    %reduce_sum3A_1302 = arith.constant dense<0.000000e+00> : vector<16xf32>
    %reduce_sum3A_1303 = vector.multi_reduction <add>, %exp3A_1301, %reduce_sum3A_1302 [1] : vector<16x16xf32> to vector<16xf32>
    %broadcast_in_dim3A_1304 = vector.shape_cast %reduce_sum3A_1303 : vector<16xf32> to vector<16x1xf32>
    %div3A_1305 = vector.broadcast %broadcast_in_dim3A_1304 : vector<16x1xf32> to vector<16x16xf32>
    %div3A_1306 = arith.divf %exp3A_1301, %div3A_1305 : vector<16x16xf32>
    %dot_general3A_1307 = arith.constant dense<0.000000e+00> : vector<16x32xf32>
    %dot_general3A_1308 = tpu.matmul %div3A_1306, %slice3A_1290, %dot_general3A_1307 {dimension_numbers = #tpu.dot_dimension_numbers<[1], [0], [0], [1], [0, 0, 1, 1], [], []>, transpose_lhs_hint = false} : vector<16x16xf32>, vector<16x32xf32>, vector<16x32xf32> -> vector<16x32xf32>
    %slice3A_1309 = vector.extract_strided_slice %slice3A_1285 {offsets = [0, 32], sizes = [16, 32], strides = [1, 1]} : vector<16x128xf32> to vector<16x32xf32>
    %slice3A_1310 = vector.extract_strided_slice %slice3A_1286 {offsets = [0, 32], sizes = [16, 32], strides = [1, 1]} : vector<16x128xf32> to vector<16x32xf32>
    %slice3A_1311 = vector.extract_strided_slice %slice3A_1287 {offsets = [0, 32], sizes = [16, 32], strides = [1, 1]} : vector<16x128xf32> to vector<16x32xf32>
    %dot_general3A_1312 = arith.constant dense<0.000000e+00> : vector<16x16xf32>
    %dot_general3A_1313 = tpu.matmul %slice3A_1309, %slice3A_1310, %dot_general3A_1312 {dimension_numbers = #tpu.dot_dimension_numbers<[1], [1], [0], [0], [0, 0, 1, 0], [], []>, transpose_lhs_hint = false} : vector<16x32xf32>, vector<16x32xf32>, vector<16x16xf32> -> vector<16x16xf32>
    %mul3A_1314 = arith.constant 0.176776692 : f32
    %mul3A_1315 = vector.broadcast %mul3A_1314 : f32 to vector<16x16xf32>
    %mul3A_1316 = arith.mulf %dot_general3A_1313, %mul3A_1315 : vector<16x16xf32>
    %reduce_max3A_1317 = arith.constant dense<0xFF800000> : vector<16xf32>
    %reduce_max3A_1318 = vector.multi_reduction <maximumf>, %mul3A_1316, %reduce_max3A_1317 [1] : vector<16x16xf32> to vector<16xf32>
    %broadcast_in_dim3A_1319 = vector.shape_cast %reduce_max3A_1318 : vector<16xf32> to vector<16x1xf32>
    %sub3A_1320 = vector.broadcast %broadcast_in_dim3A_1319 : vector<16x1xf32> to vector<16x16xf32>
    %sub3A_1321 = arith.subf %mul3A_1316, %sub3A_1320 : vector<16x16xf32>
    %exp3A_1322 = math.exp %sub3A_1321 : vector<16x16xf32>
    %reduce_sum3A_1323 = arith.constant dense<0.000000e+00> : vector<16xf32>
    %reduce_sum3A_1324 = vector.multi_reduction <add>, %exp3A_1322, %reduce_sum3A_1323 [1] : vector<16x16xf32> to vector<16xf32>
    %broadcast_in_dim3A_1325 = vector.shape_cast %reduce_sum3A_1324 : vector<16xf32> to vector<16x1xf32>
    %div3A_1326 = vector.broadcast %broadcast_in_dim3A_1325 : vector<16x1xf32> to vector<16x16xf32>
    %div3A_1327 = arith.divf %exp3A_1322, %div3A_1326 : vector<16x16xf32>
    %dot_general3A_1328 = arith.constant dense<0.000000e+00> : vector<16x32xf32>
    %dot_general3A_1329 = tpu.matmul %div3A_1327, %slice3A_1311, %dot_general3A_1328 {dimension_numbers = #tpu.dot_dimension_numbers<[1], [0], [0], [1], [0, 0, 1, 1], [], []>, transpose_lhs_hint = false} : vector<16x16xf32>, vector<16x32xf32>, vector<16x32xf32> -> vector<16x32xf32>
    %slice3A_1330 = vector.extract_strided_slice %slice3A_1285 {offsets = [0, 64], sizes = [16, 32], strides = [1, 1]} : vector<16x128xf32> to vector<16x32xf32>
    %slice3A_1331 = vector.extract_strided_slice %slice3A_1286 {offsets = [0, 64], sizes = [16, 32], strides = [1, 1]} : vector<16x128xf32> to vector<16x32xf32>
    %slice3A_1332 = vector.extract_strided_slice %slice3A_1287 {offsets = [0, 64], sizes = [16, 32], strides = [1, 1]} : vector<16x128xf32> to vector<16x32xf32>
    %dot_general3A_1333 = arith.constant dense<0.000000e+00> : vector<16x16xf32>
    %dot_general3A_1334 = tpu.matmul %slice3A_1330, %slice3A_1331, %dot_general3A_1333 {dimension_numbers = #tpu.dot_dimension_numbers<[1], [1], [0], [0], [0, 0, 1, 0], [], []>, transpose_lhs_hint = false} : vector<16x32xf32>, vector<16x32xf32>, vector<16x16xf32> -> vector<16x16xf32>
    %mul3A_1335 = arith.constant 0.176776692 : f32
    %mul3A_1336 = vector.broadcast %mul3A_1335 : f32 to vector<16x16xf32>
    %mul3A_1337 = arith.mulf %dot_general3A_1334, %mul3A_1336 : vector<16x16xf32>
    %reduce_max3A_1338 = arith.constant dense<0xFF800000> : vector<16xf32>
    %reduce_max3A_1339 = vector.multi_reduction <maximumf>, %mul3A_1337, %reduce_max3A_1338 [1] : vector<16x16xf32> to vector<16xf32>
    %broadcast_in_dim3A_1340 = vector.shape_cast %reduce_max3A_1339 : vector<16xf32> to vector<16x1xf32>
    %sub3A_1341 = vector.broadcast %broadcast_in_dim3A_1340 : vector<16x1xf32> to vector<16x16xf32>
    %sub3A_1342 = arith.subf %mul3A_1337, %sub3A_1341 : vector<16x16xf32>
    %exp3A_1343 = math.exp %sub3A_1342 : vector<16x16xf32>
    %reduce_sum3A_1344 = arith.constant dense<0.000000e+00> : vector<16xf32>
    %reduce_sum3A_1345 = vector.multi_reduction <add>, %exp3A_1343, %reduce_sum3A_1344 [1] : vector<16x16xf32> to vector<16xf32>
    %broadcast_in_dim3A_1346 = vector.shape_cast %reduce_sum3A_1345 : vector<16xf32> to vector<16x1xf32>
    %div3A_1347 = vector.broadcast %broadcast_in_dim3A_1346 : vector<16x1xf32> to vector<16x16xf32>
    %div3A_1348 = arith.divf %exp3A_1343, %div3A_1347 : vector<16x16xf32>
    %dot_general3A_1349 = arith.constant dense<0.000000e+00> : vector<16x32xf32>
    %dot_general3A_1350 = tpu.matmul %div3A_1348, %slice3A_1332, %dot_general3A_1349 {dimension_numbers = #tpu.dot_dimension_numbers<[1], [0], [0], [1], [0, 0, 1, 1], [], []>, transpose_lhs_hint = false} : vector<16x16xf32>, vector<16x32xf32>, vector<16x32xf32> -> vector<16x32xf32>
    %slice3A_1351 = vector.extract_strided_slice %slice3A_1285 {offsets = [0, 96], sizes = [16, 32], strides = [1, 1]} : vector<16x128xf32> to vector<16x32xf32>
    %slice3A_1352 = vector.extract_strided_slice %slice3A_1286 {offsets = [0, 96], sizes = [16, 32], strides = [1, 1]} : vector<16x128xf32> to vector<16x32xf32>
    %slice3A_1353 = vector.extract_strided_slice %slice3A_1287 {offsets = [0, 96], sizes = [16, 32], strides = [1, 1]} : vector<16x128xf32> to vector<16x32xf32>
    %dot_general3A_1354 = arith.constant dense<0.000000e+00> : vector<16x16xf32>
    %dot_general3A_1355 = tpu.matmul %slice3A_1351, %slice3A_1352, %dot_general3A_1354 {dimension_numbers = #tpu.dot_dimension_numbers<[1], [1], [0], [0], [0, 0, 1, 0], [], []>, transpose_lhs_hint = false} : vector<16x32xf32>, vector<16x32xf32>, vector<16x16xf32> -> vector<16x16xf32>
    %mul3A_1356 = arith.constant 0.176776692 : f32
    %mul3A_1357 = vector.broadcast %mul3A_1356 : f32 to vector<16x16xf32>
    %mul3A_1358 = arith.mulf %dot_general3A_1355, %mul3A_1357 : vector<16x16xf32>
    %reduce_max3A_1359 = arith.constant dense<0xFF800000> : vector<16xf32>
    %reduce_max3A_1360 = vector.multi_reduction <maximumf>, %mul3A_1358, %reduce_max3A_1359 [1] : vector<16x16xf32> to vector<16xf32>
    %broadcast_in_dim3A_1361 = vector.shape_cast %reduce_max3A_1360 : vector<16xf32> to vector<16x1xf32>
    %sub3A_1362 = vector.broadcast %broadcast_in_dim3A_1361 : vector<16x1xf32> to vector<16x16xf32>
    %sub3A_1363 = arith.subf %mul3A_1358, %sub3A_1362 : vector<16x16xf32>
    %exp3A_1364 = math.exp %sub3A_1363 : vector<16x16xf32>
    %reduce_sum3A_1365 = arith.constant dense<0.000000e+00> : vector<16xf32>
    %reduce_sum3A_1366 = vector.multi_reduction <add>, %exp3A_1364, %reduce_sum3A_1365 [1] : vector<16x16xf32> to vector<16xf32>
    %broadcast_in_dim3A_1367 = vector.shape_cast %reduce_sum3A_1366 : vector<16xf32> to vector<16x1xf32>
    %div3A_1368 = vector.broadcast %broadcast_in_dim3A_1367 : vector<16x1xf32> to vector<16x16xf32>
    %div3A_1369 = arith.divf %exp3A_1364, %div3A_1368 : vector<16x16xf32>
    %dot_general3A_1370 = arith.constant dense<0.000000e+00> : vector<16x32xf32>
    %dot_general3A_1371 = tpu.matmul %div3A_1369, %slice3A_1353, %dot_general3A_1370 {dimension_numbers = #tpu.dot_dimension_numbers<[1], [0], [0], [1], [0, 0, 1, 1], [], []>, transpose_lhs_hint = false} : vector<16x16xf32>, vector<16x32xf32>, vector<16x32xf32> -> vector<16x32xf32>
    %concatenate3A_1372 = tpu.concatenate %dot_general3A_1308, %dot_general3A_1329, %dot_general3A_1350, %dot_general3A_1371 in 1 : vector<16x32xf32>, vector<16x32xf32>, vector<16x32xf32>, vector<16x32xf32> -> vector<16x128xf32>
    %slice3A_1373 = vector.extract_strided_slice %slice3A_930 {offsets = [80, 0], sizes = [16, 128], strides = [1, 1]} : vector<128x128xf32> to vector<16x128xf32>
    %slice3A_1374 = vector.extract_strided_slice %slice3A_931 {offsets = [80, 0], sizes = [16, 128], strides = [1, 1]} : vector<128x128xf32> to vector<16x128xf32>
    %slice3A_1375 = vector.extract_strided_slice %slice3A_932 {offsets = [80, 0], sizes = [16, 128], strides = [1, 1]} : vector<128x128xf32> to vector<16x128xf32>
    %slice3A_1376 = vector.extract_strided_slice %slice3A_1373 {offsets = [0, 0], sizes = [16, 32], strides = [1, 1]} : vector<16x128xf32> to vector<16x32xf32>
    %slice3A_1377 = vector.extract_strided_slice %slice3A_1374 {offsets = [0, 0], sizes = [16, 32], strides = [1, 1]} : vector<16x128xf32> to vector<16x32xf32>
    %slice3A_1378 = vector.extract_strided_slice %slice3A_1375 {offsets = [0, 0], sizes = [16, 32], strides = [1, 1]} : vector<16x128xf32> to vector<16x32xf32>
    %dot_general3A_1379 = arith.constant dense<0.000000e+00> : vector<16x16xf32>
    %dot_general3A_1380 = tpu.matmul %slice3A_1376, %slice3A_1377, %dot_general3A_1379 {dimension_numbers = #tpu.dot_dimension_numbers<[1], [1], [0], [0], [0, 0, 1, 0], [], []>, transpose_lhs_hint = false} : vector<16x32xf32>, vector<16x32xf32>, vector<16x16xf32> -> vector<16x16xf32>
    %mul3A_1381 = arith.constant 0.176776692 : f32
    %mul3A_1382 = vector.broadcast %mul3A_1381 : f32 to vector<16x16xf32>
    %mul3A_1383 = arith.mulf %dot_general3A_1380, %mul3A_1382 : vector<16x16xf32>
    %reduce_max3A_1384 = arith.constant dense<0xFF800000> : vector<16xf32>
    %reduce_max3A_1385 = vector.multi_reduction <maximumf>, %mul3A_1383, %reduce_max3A_1384 [1] : vector<16x16xf32> to vector<16xf32>
    %broadcast_in_dim3A_1386 = vector.shape_cast %reduce_max3A_1385 : vector<16xf32> to vector<16x1xf32>
    %sub3A_1387 = vector.broadcast %broadcast_in_dim3A_1386 : vector<16x1xf32> to vector<16x16xf32>
    %sub3A_1388 = arith.subf %mul3A_1383, %sub3A_1387 : vector<16x16xf32>
    %exp3A_1389 = math.exp %sub3A_1388 : vector<16x16xf32>
    %reduce_sum3A_1390 = arith.constant dense<0.000000e+00> : vector<16xf32>
    %reduce_sum3A_1391 = vector.multi_reduction <add>, %exp3A_1389, %reduce_sum3A_1390 [1] : vector<16x16xf32> to vector<16xf32>
    %broadcast_in_dim3A_1392 = vector.shape_cast %reduce_sum3A_1391 : vector<16xf32> to vector<16x1xf32>
    %div3A_1393 = vector.broadcast %broadcast_in_dim3A_1392 : vector<16x1xf32> to vector<16x16xf32>
    %div3A_1394 = arith.divf %exp3A_1389, %div3A_1393 : vector<16x16xf32>
    %dot_general3A_1395 = arith.constant dense<0.000000e+00> : vector<16x32xf32>
    %dot_general3A_1396 = tpu.matmul %div3A_1394, %slice3A_1378, %dot_general3A_1395 {dimension_numbers = #tpu.dot_dimension_numbers<[1], [0], [0], [1], [0, 0, 1, 1], [], []>, transpose_lhs_hint = false} : vector<16x16xf32>, vector<16x32xf32>, vector<16x32xf32> -> vector<16x32xf32>
    %slice3A_1397 = vector.extract_strided_slice %slice3A_1373 {offsets = [0, 32], sizes = [16, 32], strides = [1, 1]} : vector<16x128xf32> to vector<16x32xf32>
    %slice3A_1398 = vector.extract_strided_slice %slice3A_1374 {offsets = [0, 32], sizes = [16, 32], strides = [1, 1]} : vector<16x128xf32> to vector<16x32xf32>
    %slice3A_1399 = vector.extract_strided_slice %slice3A_1375 {offsets = [0, 32], sizes = [16, 32], strides = [1, 1]} : vector<16x128xf32> to vector<16x32xf32>
    %dot_general3A_1400 = arith.constant dense<0.000000e+00> : vector<16x16xf32>
    %dot_general3A_1401 = tpu.matmul %slice3A_1397, %slice3A_1398, %dot_general3A_1400 {dimension_numbers = #tpu.dot_dimension_numbers<[1], [1], [0], [0], [0, 0, 1, 0], [], []>, transpose_lhs_hint = false} : vector<16x32xf32>, vector<16x32xf32>, vector<16x16xf32> -> vector<16x16xf32>
    %mul3A_1402 = arith.constant 0.176776692 : f32
    %mul3A_1403 = vector.broadcast %mul3A_1402 : f32 to vector<16x16xf32>
    %mul3A_1404 = arith.mulf %dot_general3A_1401, %mul3A_1403 : vector<16x16xf32>
    %reduce_max3A_1405 = arith.constant dense<0xFF800000> : vector<16xf32>
    %reduce_max3A_1406 = vector.multi_reduction <maximumf>, %mul3A_1404, %reduce_max3A_1405 [1] : vector<16x16xf32> to vector<16xf32>
    %broadcast_in_dim3A_1407 = vector.shape_cast %reduce_max3A_1406 : vector<16xf32> to vector<16x1xf32>
    %sub3A_1408 = vector.broadcast %broadcast_in_dim3A_1407 : vector<16x1xf32> to vector<16x16xf32>
    %sub3A_1409 = arith.subf %mul3A_1404, %sub3A_1408 : vector<16x16xf32>
    %exp3A_1410 = math.exp %sub3A_1409 : vector<16x16xf32>
    %reduce_sum3A_1411 = arith.constant dense<0.000000e+00> : vector<16xf32>
    %reduce_sum3A_1412 = vector.multi_reduction <add>, %exp3A_1410, %reduce_sum3A_1411 [1] : vector<16x16xf32> to vector<16xf32>
    %broadcast_in_dim3A_1413 = vector.shape_cast %reduce_sum3A_1412 : vector<16xf32> to vector<16x1xf32>
    %div3A_1414 = vector.broadcast %broadcast_in_dim3A_1413 : vector<16x1xf32> to vector<16x16xf32>
    %div3A_1415 = arith.divf %exp3A_1410, %div3A_1414 : vector<16x16xf32>
    %dot_general3A_1416 = arith.constant dense<0.000000e+00> : vector<16x32xf32>
    %dot_general3A_1417 = tpu.matmul %div3A_1415, %slice3A_1399, %dot_general3A_1416 {dimension_numbers = #tpu.dot_dimension_numbers<[1], [0], [0], [1], [0, 0, 1, 1], [], []>, transpose_lhs_hint = false} : vector<16x16xf32>, vector<16x32xf32>, vector<16x32xf32> -> vector<16x32xf32>
    %slice3A_1418 = vector.extract_strided_slice %slice3A_1373 {offsets = [0, 64], sizes = [16, 32], strides = [1, 1]} : vector<16x128xf32> to vector<16x32xf32>
    %slice3A_1419 = vector.extract_strided_slice %slice3A_1374 {offsets = [0, 64], sizes = [16, 32], strides = [1, 1]} : vector<16x128xf32> to vector<16x32xf32>
    %slice3A_1420 = vector.extract_strided_slice %slice3A_1375 {offsets = [0, 64], sizes = [16, 32], strides = [1, 1]} : vector<16x128xf32> to vector<16x32xf32>
    %dot_general3A_1421 = arith.constant dense<0.000000e+00> : vector<16x16xf32>
    %dot_general3A_1422 = tpu.matmul %slice3A_1418, %slice3A_1419, %dot_general3A_1421 {dimension_numbers = #tpu.dot_dimension_numbers<[1], [1], [0], [0], [0, 0, 1, 0], [], []>, transpose_lhs_hint = false} : vector<16x32xf32>, vector<16x32xf32>, vector<16x16xf32> -> vector<16x16xf32>
    %mul3A_1423 = arith.constant 0.176776692 : f32
    %mul3A_1424 = vector.broadcast %mul3A_1423 : f32 to vector<16x16xf32>
    %mul3A_1425 = arith.mulf %dot_general3A_1422, %mul3A_1424 : vector<16x16xf32>
    %reduce_max3A_1426 = arith.constant dense<0xFF800000> : vector<16xf32>
    %reduce_max3A_1427 = vector.multi_reduction <maximumf>, %mul3A_1425, %reduce_max3A_1426 [1] : vector<16x16xf32> to vector<16xf32>
    %broadcast_in_dim3A_1428 = vector.shape_cast %reduce_max3A_1427 : vector<16xf32> to vector<16x1xf32>
    %sub3A_1429 = vector.broadcast %broadcast_in_dim3A_1428 : vector<16x1xf32> to vector<16x16xf32>
    %sub3A_1430 = arith.subf %mul3A_1425, %sub3A_1429 : vector<16x16xf32>
    %exp3A_1431 = math.exp %sub3A_1430 : vector<16x16xf32>
    %reduce_sum3A_1432 = arith.constant dense<0.000000e+00> : vector<16xf32>
    %reduce_sum3A_1433 = vector.multi_reduction <add>, %exp3A_1431, %reduce_sum3A_1432 [1] : vector<16x16xf32> to vector<16xf32>
    %broadcast_in_dim3A_1434 = vector.shape_cast %reduce_sum3A_1433 : vector<16xf32> to vector<16x1xf32>
    %div3A_1435 = vector.broadcast %broadcast_in_dim3A_1434 : vector<16x1xf32> to vector<16x16xf32>
    %div3A_1436 = arith.divf %exp3A_1431, %div3A_1435 : vector<16x16xf32>
    %dot_general3A_1437 = arith.constant dense<0.000000e+00> : vector<16x32xf32>
    %dot_general3A_1438 = tpu.matmul %div3A_1436, %slice3A_1420, %dot_general3A_1437 {dimension_numbers = #tpu.dot_dimension_numbers<[1], [0], [0], [1], [0, 0, 1, 1], [], []>, transpose_lhs_hint = false} : vector<16x16xf32>, vector<16x32xf32>, vector<16x32xf32> -> vector<16x32xf32>
    %slice3A_1439 = vector.extract_strided_slice %slice3A_1373 {offsets = [0, 96], sizes = [16, 32], strides = [1, 1]} : vector<16x128xf32> to vector<16x32xf32>
    %slice3A_1440 = vector.extract_strided_slice %slice3A_1374 {offsets = [0, 96], sizes = [16, 32], strides = [1, 1]} : vector<16x128xf32> to vector<16x32xf32>
    %slice3A_1441 = vector.extract_strided_slice %slice3A_1375 {offsets = [0, 96], sizes = [16, 32], strides = [1, 1]} : vector<16x128xf32> to vector<16x32xf32>
    %dot_general3A_1442 = arith.constant dense<0.000000e+00> : vector<16x16xf32>
    %dot_general3A_1443 = tpu.matmul %slice3A_1439, %slice3A_1440, %dot_general3A_1442 {dimension_numbers = #tpu.dot_dimension_numbers<[1], [1], [0], [0], [0, 0, 1, 0], [], []>, transpose_lhs_hint = false} : vector<16x32xf32>, vector<16x32xf32>, vector<16x16xf32> -> vector<16x16xf32>
    %mul3A_1444 = arith.constant 0.176776692 : f32
    %mul3A_1445 = vector.broadcast %mul3A_1444 : f32 to vector<16x16xf32>
    %mul3A_1446 = arith.mulf %dot_general3A_1443, %mul3A_1445 : vector<16x16xf32>
    %reduce_max3A_1447 = arith.constant dense<0xFF800000> : vector<16xf32>
    %reduce_max3A_1448 = vector.multi_reduction <maximumf>, %mul3A_1446, %reduce_max3A_1447 [1] : vector<16x16xf32> to vector<16xf32>
    %broadcast_in_dim3A_1449 = vector.shape_cast %reduce_max3A_1448 : vector<16xf32> to vector<16x1xf32>
    %sub3A_1450 = vector.broadcast %broadcast_in_dim3A_1449 : vector<16x1xf32> to vector<16x16xf32>
    %sub3A_1451 = arith.subf %mul3A_1446, %sub3A_1450 : vector<16x16xf32>
    %exp3A_1452 = math.exp %sub3A_1451 : vector<16x16xf32>
    %reduce_sum3A_1453 = arith.constant dense<0.000000e+00> : vector<16xf32>
    %reduce_sum3A_1454 = vector.multi_reduction <add>, %exp3A_1452, %reduce_sum3A_1453 [1] : vector<16x16xf32> to vector<16xf32>
    %broadcast_in_dim3A_1455 = vector.shape_cast %reduce_sum3A_1454 : vector<16xf32> to vector<16x1xf32>
    %div3A_1456 = vector.broadcast %broadcast_in_dim3A_1455 : vector<16x1xf32> to vector<16x16xf32>
    %div3A_1457 = arith.divf %exp3A_1452, %div3A_1456 : vector<16x16xf32>
    %dot_general3A_1458 = arith.constant dense<0.000000e+00> : vector<16x32xf32>
    %dot_general3A_1459 = tpu.matmul %div3A_1457, %slice3A_1441, %dot_general3A_1458 {dimension_numbers = #tpu.dot_dimension_numbers<[1], [0], [0], [1], [0, 0, 1, 1], [], []>, transpose_lhs_hint = false} : vector<16x16xf32>, vector<16x32xf32>, vector<16x32xf32> -> vector<16x32xf32>
    %concatenate3A_1460 = tpu.concatenate %dot_general3A_1396, %dot_general3A_1417, %dot_general3A_1438, %dot_general3A_1459 in 1 : vector<16x32xf32>, vector<16x32xf32>, vector<16x32xf32>, vector<16x32xf32> -> vector<16x128xf32>
    %slice3A_1461 = vector.extract_strided_slice %slice3A_930 {offsets = [96, 0], sizes = [16, 128], strides = [1, 1]} : vector<128x128xf32> to vector<16x128xf32>
    %slice3A_1462 = vector.extract_strided_slice %slice3A_931 {offsets = [96, 0], sizes = [16, 128], strides = [1, 1]} : vector<128x128xf32> to vector<16x128xf32>
    %slice3A_1463 = vector.extract_strided_slice %slice3A_932 {offsets = [96, 0], sizes = [16, 128], strides = [1, 1]} : vector<128x128xf32> to vector<16x128xf32>
    %slice3A_1464 = vector.extract_strided_slice %slice3A_1461 {offsets = [0, 0], sizes = [16, 32], strides = [1, 1]} : vector<16x128xf32> to vector<16x32xf32>
    %slice3A_1465 = vector.extract_strided_slice %slice3A_1462 {offsets = [0, 0], sizes = [16, 32], strides = [1, 1]} : vector<16x128xf32> to vector<16x32xf32>
    %slice3A_1466 = vector.extract_strided_slice %slice3A_1463 {offsets = [0, 0], sizes = [16, 32], strides = [1, 1]} : vector<16x128xf32> to vector<16x32xf32>
    %dot_general3A_1467 = arith.constant dense<0.000000e+00> : vector<16x16xf32>
    %dot_general3A_1468 = tpu.matmul %slice3A_1464, %slice3A_1465, %dot_general3A_1467 {dimension_numbers = #tpu.dot_dimension_numbers<[1], [1], [0], [0], [0, 0, 1, 0], [], []>, transpose_lhs_hint = false} : vector<16x32xf32>, vector<16x32xf32>, vector<16x16xf32> -> vector<16x16xf32>
    %mul3A_1469 = arith.constant 0.176776692 : f32
    %mul3A_1470 = vector.broadcast %mul3A_1469 : f32 to vector<16x16xf32>
    %mul3A_1471 = arith.mulf %dot_general3A_1468, %mul3A_1470 : vector<16x16xf32>
    %reduce_max3A_1472 = arith.constant dense<0xFF800000> : vector<16xf32>
    %reduce_max3A_1473 = vector.multi_reduction <maximumf>, %mul3A_1471, %reduce_max3A_1472 [1] : vector<16x16xf32> to vector<16xf32>
    %broadcast_in_dim3A_1474 = vector.shape_cast %reduce_max3A_1473 : vector<16xf32> to vector<16x1xf32>
    %sub3A_1475 = vector.broadcast %broadcast_in_dim3A_1474 : vector<16x1xf32> to vector<16x16xf32>
    %sub3A_1476 = arith.subf %mul3A_1471, %sub3A_1475 : vector<16x16xf32>
    %exp3A_1477 = math.exp %sub3A_1476 : vector<16x16xf32>
    %reduce_sum3A_1478 = arith.constant dense<0.000000e+00> : vector<16xf32>
    %reduce_sum3A_1479 = vector.multi_reduction <add>, %exp3A_1477, %reduce_sum3A_1478 [1] : vector<16x16xf32> to vector<16xf32>
    %broadcast_in_dim3A_1480 = vector.shape_cast %reduce_sum3A_1479 : vector<16xf32> to vector<16x1xf32>
    %div3A_1481 = vector.broadcast %broadcast_in_dim3A_1480 : vector<16x1xf32> to vector<16x16xf32>
    %div3A_1482 = arith.divf %exp3A_1477, %div3A_1481 : vector<16x16xf32>
    %dot_general3A_1483 = arith.constant dense<0.000000e+00> : vector<16x32xf32>
    %dot_general3A_1484 = tpu.matmul %div3A_1482, %slice3A_1466, %dot_general3A_1483 {dimension_numbers = #tpu.dot_dimension_numbers<[1], [0], [0], [1], [0, 0, 1, 1], [], []>, transpose_lhs_hint = false} : vector<16x16xf32>, vector<16x32xf32>, vector<16x32xf32> -> vector<16x32xf32>
    %slice3A_1485 = vector.extract_strided_slice %slice3A_1461 {offsets = [0, 32], sizes = [16, 32], strides = [1, 1]} : vector<16x128xf32> to vector<16x32xf32>
    %slice3A_1486 = vector.extract_strided_slice %slice3A_1462 {offsets = [0, 32], sizes = [16, 32], strides = [1, 1]} : vector<16x128xf32> to vector<16x32xf32>
    %slice3A_1487 = vector.extract_strided_slice %slice3A_1463 {offsets = [0, 32], sizes = [16, 32], strides = [1, 1]} : vector<16x128xf32> to vector<16x32xf32>
    %dot_general3A_1488 = arith.constant dense<0.000000e+00> : vector<16x16xf32>
    %dot_general3A_1489 = tpu.matmul %slice3A_1485, %slice3A_1486, %dot_general3A_1488 {dimension_numbers = #tpu.dot_dimension_numbers<[1], [1], [0], [0], [0, 0, 1, 0], [], []>, transpose_lhs_hint = false} : vector<16x32xf32>, vector<16x32xf32>, vector<16x16xf32> -> vector<16x16xf32>
    %mul3A_1490 = arith.constant 0.176776692 : f32
    %mul3A_1491 = vector.broadcast %mul3A_1490 : f32 to vector<16x16xf32>
    %mul3A_1492 = arith.mulf %dot_general3A_1489, %mul3A_1491 : vector<16x16xf32>
    %reduce_max3A_1493 = arith.constant dense<0xFF800000> : vector<16xf32>
    %reduce_max3A_1494 = vector.multi_reduction <maximumf>, %mul3A_1492, %reduce_max3A_1493 [1] : vector<16x16xf32> to vector<16xf32>
    %broadcast_in_dim3A_1495 = vector.shape_cast %reduce_max3A_1494 : vector<16xf32> to vector<16x1xf32>
    %sub3A_1496 = vector.broadcast %broadcast_in_dim3A_1495 : vector<16x1xf32> to vector<16x16xf32>
    %sub3A_1497 = arith.subf %mul3A_1492, %sub3A_1496 : vector<16x16xf32>
    %exp3A_1498 = math.exp %sub3A_1497 : vector<16x16xf32>
    %reduce_sum3A_1499 = arith.constant dense<0.000000e+00> : vector<16xf32>
    %reduce_sum3A_1500 = vector.multi_reduction <add>, %exp3A_1498, %reduce_sum3A_1499 [1] : vector<16x16xf32> to vector<16xf32>
    %broadcast_in_dim3A_1501 = vector.shape_cast %reduce_sum3A_1500 : vector<16xf32> to vector<16x1xf32>
    %div3A_1502 = vector.broadcast %broadcast_in_dim3A_1501 : vector<16x1xf32> to vector<16x16xf32>
    %div3A_1503 = arith.divf %exp3A_1498, %div3A_1502 : vector<16x16xf32>
    %dot_general3A_1504 = arith.constant dense<0.000000e+00> : vector<16x32xf32>
    %dot_general3A_1505 = tpu.matmul %div3A_1503, %slice3A_1487, %dot_general3A_1504 {dimension_numbers = #tpu.dot_dimension_numbers<[1], [0], [0], [1], [0, 0, 1, 1], [], []>, transpose_lhs_hint = false} : vector<16x16xf32>, vector<16x32xf32>, vector<16x32xf32> -> vector<16x32xf32>
    %slice3A_1506 = vector.extract_strided_slice %slice3A_1461 {offsets = [0, 64], sizes = [16, 32], strides = [1, 1]} : vector<16x128xf32> to vector<16x32xf32>
    %slice3A_1507 = vector.extract_strided_slice %slice3A_1462 {offsets = [0, 64], sizes = [16, 32], strides = [1, 1]} : vector<16x128xf32> to vector<16x32xf32>
    %slice3A_1508 = vector.extract_strided_slice %slice3A_1463 {offsets = [0, 64], sizes = [16, 32], strides = [1, 1]} : vector<16x128xf32> to vector<16x32xf32>
    %dot_general3A_1509 = arith.constant dense<0.000000e+00> : vector<16x16xf32>
    %dot_general3A_1510 = tpu.matmul %slice3A_1506, %slice3A_1507, %dot_general3A_1509 {dimension_numbers = #tpu.dot_dimension_numbers<[1], [1], [0], [0], [0, 0, 1, 0], [], []>, transpose_lhs_hint = false} : vector<16x32xf32>, vector<16x32xf32>, vector<16x16xf32> -> vector<16x16xf32>
    %mul3A_1511 = arith.constant 0.176776692 : f32
    %mul3A_1512 = vector.broadcast %mul3A_1511 : f32 to vector<16x16xf32>
    %mul3A_1513 = arith.mulf %dot_general3A_1510, %mul3A_1512 : vector<16x16xf32>
    %reduce_max3A_1514 = arith.constant dense<0xFF800000> : vector<16xf32>
    %reduce_max3A_1515 = vector.multi_reduction <maximumf>, %mul3A_1513, %reduce_max3A_1514 [1] : vector<16x16xf32> to vector<16xf32>
    %broadcast_in_dim3A_1516 = vector.shape_cast %reduce_max3A_1515 : vector<16xf32> to vector<16x1xf32>
    %sub3A_1517 = vector.broadcast %broadcast_in_dim3A_1516 : vector<16x1xf32> to vector<16x16xf32>
    %sub3A_1518 = arith.subf %mul3A_1513, %sub3A_1517 : vector<16x16xf32>
    %exp3A_1519 = math.exp %sub3A_1518 : vector<16x16xf32>
    %reduce_sum3A_1520 = arith.constant dense<0.000000e+00> : vector<16xf32>
    %reduce_sum3A_1521 = vector.multi_reduction <add>, %exp3A_1519, %reduce_sum3A_1520 [1] : vector<16x16xf32> to vector<16xf32>
    %broadcast_in_dim3A_1522 = vector.shape_cast %reduce_sum3A_1521 : vector<16xf32> to vector<16x1xf32>
    %div3A_1523 = vector.broadcast %broadcast_in_dim3A_1522 : vector<16x1xf32> to vector<16x16xf32>
    %div3A_1524 = arith.divf %exp3A_1519, %div3A_1523 : vector<16x16xf32>
    %dot_general3A_1525 = arith.constant dense<0.000000e+00> : vector<16x32xf32>
    %dot_general3A_1526 = tpu.matmul %div3A_1524, %slice3A_1508, %dot_general3A_1525 {dimension_numbers = #tpu.dot_dimension_numbers<[1], [0], [0], [1], [0, 0, 1, 1], [], []>, transpose_lhs_hint = false} : vector<16x16xf32>, vector<16x32xf32>, vector<16x32xf32> -> vector<16x32xf32>
    %slice3A_1527 = vector.extract_strided_slice %slice3A_1461 {offsets = [0, 96], sizes = [16, 32], strides = [1, 1]} : vector<16x128xf32> to vector<16x32xf32>
    %slice3A_1528 = vector.extract_strided_slice %slice3A_1462 {offsets = [0, 96], sizes = [16, 32], strides = [1, 1]} : vector<16x128xf32> to vector<16x32xf32>
    %slice3A_1529 = vector.extract_strided_slice %slice3A_1463 {offsets = [0, 96], sizes = [16, 32], strides = [1, 1]} : vector<16x128xf32> to vector<16x32xf32>
    %dot_general3A_1530 = arith.constant dense<0.000000e+00> : vector<16x16xf32>
    %dot_general3A_1531 = tpu.matmul %slice3A_1527, %slice3A_1528, %dot_general3A_1530 {dimension_numbers = #tpu.dot_dimension_numbers<[1], [1], [0], [0], [0, 0, 1, 0], [], []>, transpose_lhs_hint = false} : vector<16x32xf32>, vector<16x32xf32>, vector<16x16xf32> -> vector<16x16xf32>
    %mul3A_1532 = arith.constant 0.176776692 : f32
    %mul3A_1533 = vector.broadcast %mul3A_1532 : f32 to vector<16x16xf32>
    %mul3A_1534 = arith.mulf %dot_general3A_1531, %mul3A_1533 : vector<16x16xf32>
    %reduce_max3A_1535 = arith.constant dense<0xFF800000> : vector<16xf32>
    %reduce_max3A_1536 = vector.multi_reduction <maximumf>, %mul3A_1534, %reduce_max3A_1535 [1] : vector<16x16xf32> to vector<16xf32>
    %broadcast_in_dim3A_1537 = vector.shape_cast %reduce_max3A_1536 : vector<16xf32> to vector<16x1xf32>
    %sub3A_1538 = vector.broadcast %broadcast_in_dim3A_1537 : vector<16x1xf32> to vector<16x16xf32>
    %sub3A_1539 = arith.subf %mul3A_1534, %sub3A_1538 : vector<16x16xf32>
    %exp3A_1540 = math.exp %sub3A_1539 : vector<16x16xf32>
    %reduce_sum3A_1541 = arith.constant dense<0.000000e+00> : vector<16xf32>
    %reduce_sum3A_1542 = vector.multi_reduction <add>, %exp3A_1540, %reduce_sum3A_1541 [1] : vector<16x16xf32> to vector<16xf32>
    %broadcast_in_dim3A_1543 = vector.shape_cast %reduce_sum3A_1542 : vector<16xf32> to vector<16x1xf32>
    %div3A_1544 = vector.broadcast %broadcast_in_dim3A_1543 : vector<16x1xf32> to vector<16x16xf32>
    %div3A_1545 = arith.divf %exp3A_1540, %div3A_1544 : vector<16x16xf32>
    %dot_general3A_1546 = arith.constant dense<0.000000e+00> : vector<16x32xf32>
    %dot_general3A_1547 = tpu.matmul %div3A_1545, %slice3A_1529, %dot_general3A_1546 {dimension_numbers = #tpu.dot_dimension_numbers<[1], [0], [0], [1], [0, 0, 1, 1], [], []>, transpose_lhs_hint = false} : vector<16x16xf32>, vector<16x32xf32>, vector<16x32xf32> -> vector<16x32xf32>
    %concatenate3A_1548 = tpu.concatenate %dot_general3A_1484, %dot_general3A_1505, %dot_general3A_1526, %dot_general3A_1547 in 1 : vector<16x32xf32>, vector<16x32xf32>, vector<16x32xf32>, vector<16x32xf32> -> vector<16x128xf32>
    %slice3A_1549 = vector.extract_strided_slice %slice3A_930 {offsets = [112, 0], sizes = [16, 128], strides = [1, 1]} : vector<128x128xf32> to vector<16x128xf32>
    %slice3A_1550 = vector.extract_strided_slice %slice3A_931 {offsets = [112, 0], sizes = [16, 128], strides = [1, 1]} : vector<128x128xf32> to vector<16x128xf32>
    %slice3A_1551 = vector.extract_strided_slice %slice3A_932 {offsets = [112, 0], sizes = [16, 128], strides = [1, 1]} : vector<128x128xf32> to vector<16x128xf32>
    %slice3A_1552 = vector.extract_strided_slice %slice3A_1549 {offsets = [0, 0], sizes = [16, 32], strides = [1, 1]} : vector<16x128xf32> to vector<16x32xf32>
    %slice3A_1553 = vector.extract_strided_slice %slice3A_1550 {offsets = [0, 0], sizes = [16, 32], strides = [1, 1]} : vector<16x128xf32> to vector<16x32xf32>
    %slice3A_1554 = vector.extract_strided_slice %slice3A_1551 {offsets = [0, 0], sizes = [16, 32], strides = [1, 1]} : vector<16x128xf32> to vector<16x32xf32>
    %dot_general3A_1555 = arith.constant dense<0.000000e+00> : vector<16x16xf32>
    %dot_general3A_1556 = tpu.matmul %slice3A_1552, %slice3A_1553, %dot_general3A_1555 {dimension_numbers = #tpu.dot_dimension_numbers<[1], [1], [0], [0], [0, 0, 1, 0], [], []>, transpose_lhs_hint = false} : vector<16x32xf32>, vector<16x32xf32>, vector<16x16xf32> -> vector<16x16xf32>
    %mul3A_1557 = arith.constant 0.176776692 : f32
    %mul3A_1558 = vector.broadcast %mul3A_1557 : f32 to vector<16x16xf32>
    %mul3A_1559 = arith.mulf %dot_general3A_1556, %mul3A_1558 : vector<16x16xf32>
    %reduce_max3A_1560 = arith.constant dense<0xFF800000> : vector<16xf32>
    %reduce_max3A_1561 = vector.multi_reduction <maximumf>, %mul3A_1559, %reduce_max3A_1560 [1] : vector<16x16xf32> to vector<16xf32>
    %broadcast_in_dim3A_1562 = vector.shape_cast %reduce_max3A_1561 : vector<16xf32> to vector<16x1xf32>
    %sub3A_1563 = vector.broadcast %broadcast_in_dim3A_1562 : vector<16x1xf32> to vector<16x16xf32>
    %sub3A_1564 = arith.subf %mul3A_1559, %sub3A_1563 : vector<16x16xf32>
    %exp3A_1565 = math.exp %sub3A_1564 : vector<16x16xf32>
    %reduce_sum3A_1566 = arith.constant dense<0.000000e+00> : vector<16xf32>
    %reduce_sum3A_1567 = vector.multi_reduction <add>, %exp3A_1565, %reduce_sum3A_1566 [1] : vector<16x16xf32> to vector<16xf32>
    %broadcast_in_dim3A_1568 = vector.shape_cast %reduce_sum3A_1567 : vector<16xf32> to vector<16x1xf32>
    %div3A_1569 = vector.broadcast %broadcast_in_dim3A_1568 : vector<16x1xf32> to vector<16x16xf32>
    %div3A_1570 = arith.divf %exp3A_1565, %div3A_1569 : vector<16x16xf32>
    %dot_general3A_1571 = arith.constant dense<0.000000e+00> : vector<16x32xf32>
    %dot_general3A_1572 = tpu.matmul %div3A_1570, %slice3A_1554, %dot_general3A_1571 {dimension_numbers = #tpu.dot_dimension_numbers<[1], [0], [0], [1], [0, 0, 1, 1], [], []>, transpose_lhs_hint = false} : vector<16x16xf32>, vector<16x32xf32>, vector<16x32xf32> -> vector<16x32xf32>
    %slice3A_1573 = vector.extract_strided_slice %slice3A_1549 {offsets = [0, 32], sizes = [16, 32], strides = [1, 1]} : vector<16x128xf32> to vector<16x32xf32>
    %slice3A_1574 = vector.extract_strided_slice %slice3A_1550 {offsets = [0, 32], sizes = [16, 32], strides = [1, 1]} : vector<16x128xf32> to vector<16x32xf32>
    %slice3A_1575 = vector.extract_strided_slice %slice3A_1551 {offsets = [0, 32], sizes = [16, 32], strides = [1, 1]} : vector<16x128xf32> to vector<16x32xf32>
    %dot_general3A_1576 = arith.constant dense<0.000000e+00> : vector<16x16xf32>
    %dot_general3A_1577 = tpu.matmul %slice3A_1573, %slice3A_1574, %dot_general3A_1576 {dimension_numbers = #tpu.dot_dimension_numbers<[1], [1], [0], [0], [0, 0, 1, 0], [], []>, transpose_lhs_hint = false} : vector<16x32xf32>, vector<16x32xf32>, vector<16x16xf32> -> vector<16x16xf32>
    %mul3A_1578 = arith.constant 0.176776692 : f32
    %mul3A_1579 = vector.broadcast %mul3A_1578 : f32 to vector<16x16xf32>
    %mul3A_1580 = arith.mulf %dot_general3A_1577, %mul3A_1579 : vector<16x16xf32>
    %reduce_max3A_1581 = arith.constant dense<0xFF800000> : vector<16xf32>
    %reduce_max3A_1582 = vector.multi_reduction <maximumf>, %mul3A_1580, %reduce_max3A_1581 [1] : vector<16x16xf32> to vector<16xf32>
    %broadcast_in_dim3A_1583 = vector.shape_cast %reduce_max3A_1582 : vector<16xf32> to vector<16x1xf32>
    %sub3A_1584 = vector.broadcast %broadcast_in_dim3A_1583 : vector<16x1xf32> to vector<16x16xf32>
    %sub3A_1585 = arith.subf %mul3A_1580, %sub3A_1584 : vector<16x16xf32>
    %exp3A_1586 = math.exp %sub3A_1585 : vector<16x16xf32>
    %reduce_sum3A_1587 = arith.constant dense<0.000000e+00> : vector<16xf32>
    %reduce_sum3A_1588 = vector.multi_reduction <add>, %exp3A_1586, %reduce_sum3A_1587 [1] : vector<16x16xf32> to vector<16xf32>
    %broadcast_in_dim3A_1589 = vector.shape_cast %reduce_sum3A_1588 : vector<16xf32> to vector<16x1xf32>
    %div3A_1590 = vector.broadcast %broadcast_in_dim3A_1589 : vector<16x1xf32> to vector<16x16xf32>
    %div3A_1591 = arith.divf %exp3A_1586, %div3A_1590 : vector<16x16xf32>
    %dot_general3A_1592 = arith.constant dense<0.000000e+00> : vector<16x32xf32>
    %dot_general3A_1593 = tpu.matmul %div3A_1591, %slice3A_1575, %dot_general3A_1592 {dimension_numbers = #tpu.dot_dimension_numbers<[1], [0], [0], [1], [0, 0, 1, 1], [], []>, transpose_lhs_hint = false} : vector<16x16xf32>, vector<16x32xf32>, vector<16x32xf32> -> vector<16x32xf32>
    %slice3A_1594 = vector.extract_strided_slice %slice3A_1549 {offsets = [0, 64], sizes = [16, 32], strides = [1, 1]} : vector<16x128xf32> to vector<16x32xf32>
    %slice3A_1595 = vector.extract_strided_slice %slice3A_1550 {offsets = [0, 64], sizes = [16, 32], strides = [1, 1]} : vector<16x128xf32> to vector<16x32xf32>
    %slice3A_1596 = vector.extract_strided_slice %slice3A_1551 {offsets = [0, 64], sizes = [16, 32], strides = [1, 1]} : vector<16x128xf32> to vector<16x32xf32>
    %dot_general3A_1597 = arith.constant dense<0.000000e+00> : vector<16x16xf32>
    %dot_general3A_1598 = tpu.matmul %slice3A_1594, %slice3A_1595, %dot_general3A_1597 {dimension_numbers = #tpu.dot_dimension_numbers<[1], [1], [0], [0], [0, 0, 1, 0], [], []>, transpose_lhs_hint = false} : vector<16x32xf32>, vector<16x32xf32>, vector<16x16xf32> -> vector<16x16xf32>
    %mul3A_1599 = arith.constant 0.176776692 : f32
    %mul3A_1600 = vector.broadcast %mul3A_1599 : f32 to vector<16x16xf32>
    %mul3A_1601 = arith.mulf %dot_general3A_1598, %mul3A_1600 : vector<16x16xf32>
    %reduce_max3A_1602 = arith.constant dense<0xFF800000> : vector<16xf32>
    %reduce_max3A_1603 = vector.multi_reduction <maximumf>, %mul3A_1601, %reduce_max3A_1602 [1] : vector<16x16xf32> to vector<16xf32>
    %broadcast_in_dim3A_1604 = vector.shape_cast %reduce_max3A_1603 : vector<16xf32> to vector<16x1xf32>
    %sub3A_1605 = vector.broadcast %broadcast_in_dim3A_1604 : vector<16x1xf32> to vector<16x16xf32>
    %sub3A_1606 = arith.subf %mul3A_1601, %sub3A_1605 : vector<16x16xf32>
    %exp3A_1607 = math.exp %sub3A_1606 : vector<16x16xf32>
    %reduce_sum3A_1608 = arith.constant dense<0.000000e+00> : vector<16xf32>
    %reduce_sum3A_1609 = vector.multi_reduction <add>, %exp3A_1607, %reduce_sum3A_1608 [1] : vector<16x16xf32> to vector<16xf32>
    %broadcast_in_dim3A_1610 = vector.shape_cast %reduce_sum3A_1609 : vector<16xf32> to vector<16x1xf32>
    %div3A_1611 = vector.broadcast %broadcast_in_dim3A_1610 : vector<16x1xf32> to vector<16x16xf32>
    %div3A_1612 = arith.divf %exp3A_1607, %div3A_1611 : vector<16x16xf32>
    %dot_general3A_1613 = arith.constant dense<0.000000e+00> : vector<16x32xf32>
    %dot_general3A_1614 = tpu.matmul %div3A_1612, %slice3A_1596, %dot_general3A_1613 {dimension_numbers = #tpu.dot_dimension_numbers<[1], [0], [0], [1], [0, 0, 1, 1], [], []>, transpose_lhs_hint = false} : vector<16x16xf32>, vector<16x32xf32>, vector<16x32xf32> -> vector<16x32xf32>
    %slice3A_1615 = vector.extract_strided_slice %slice3A_1549 {offsets = [0, 96], sizes = [16, 32], strides = [1, 1]} : vector<16x128xf32> to vector<16x32xf32>
    %slice3A_1616 = vector.extract_strided_slice %slice3A_1550 {offsets = [0, 96], sizes = [16, 32], strides = [1, 1]} : vector<16x128xf32> to vector<16x32xf32>
    %slice3A_1617 = vector.extract_strided_slice %slice3A_1551 {offsets = [0, 96], sizes = [16, 32], strides = [1, 1]} : vector<16x128xf32> to vector<16x32xf32>
    %dot_general3A_1618 = arith.constant dense<0.000000e+00> : vector<16x16xf32>
    %dot_general3A_1619 = tpu.matmul %slice3A_1615, %slice3A_1616, %dot_general3A_1618 {dimension_numbers = #tpu.dot_dimension_numbers<[1], [1], [0], [0], [0, 0, 1, 0], [], []>, transpose_lhs_hint = false} : vector<16x32xf32>, vector<16x32xf32>, vector<16x16xf32> -> vector<16x16xf32>
    %mul3A_1620 = arith.constant 0.176776692 : f32
    %mul3A_1621 = vector.broadcast %mul3A_1620 : f32 to vector<16x16xf32>
    %mul3A_1622 = arith.mulf %dot_general3A_1619, %mul3A_1621 : vector<16x16xf32>
    %reduce_max3A_1623 = arith.constant dense<0xFF800000> : vector<16xf32>
    %reduce_max3A_1624 = vector.multi_reduction <maximumf>, %mul3A_1622, %reduce_max3A_1623 [1] : vector<16x16xf32> to vector<16xf32>
    %broadcast_in_dim3A_1625 = vector.shape_cast %reduce_max3A_1624 : vector<16xf32> to vector<16x1xf32>
    %sub3A_1626 = vector.broadcast %broadcast_in_dim3A_1625 : vector<16x1xf32> to vector<16x16xf32>
    %sub3A_1627 = arith.subf %mul3A_1622, %sub3A_1626 : vector<16x16xf32>
    %exp3A_1628 = math.exp %sub3A_1627 : vector<16x16xf32>
    %reduce_sum3A_1629 = arith.constant dense<0.000000e+00> : vector<16xf32>
    %reduce_sum3A_1630 = vector.multi_reduction <add>, %exp3A_1628, %reduce_sum3A_1629 [1] : vector<16x16xf32> to vector<16xf32>
    %broadcast_in_dim3A_1631 = vector.shape_cast %reduce_sum3A_1630 : vector<16xf32> to vector<16x1xf32>
    %div3A_1632 = vector.broadcast %broadcast_in_dim3A_1631 : vector<16x1xf32> to vector<16x16xf32>
    %div3A_1633 = arith.divf %exp3A_1628, %div3A_1632 : vector<16x16xf32>
    %dot_general3A_1634 = arith.constant dense<0.000000e+00> : vector<16x32xf32>
    %dot_general3A_1635 = tpu.matmul %div3A_1633, %slice3A_1617, %dot_general3A_1634 {dimension_numbers = #tpu.dot_dimension_numbers<[1], [0], [0], [1], [0, 0, 1, 1], [], []>, transpose_lhs_hint = false} : vector<16x16xf32>, vector<16x32xf32>, vector<16x32xf32> -> vector<16x32xf32>
    %concatenate3A_1636 = tpu.concatenate %dot_general3A_1572, %dot_general3A_1593, %dot_general3A_1614, %dot_general3A_1635 in 1 : vector<16x32xf32>, vector<16x32xf32>, vector<16x32xf32>, vector<16x32xf32> -> vector<16x128xf32>
    %concatenate3A_1637 = tpu.concatenate %concatenate3A_1020, %concatenate3A_1108, %concatenate3A_1196, %concatenate3A_1284, %concatenate3A_1372, %concatenate3A_1460, %concatenate3A_1548, %concatenate3A_1636 in 0 : vector<16x128xf32>, vector<16x128xf32>, vector<16x128xf32>, vector<16x128xf32>, vector<16x128xf32>, vector<16x128xf32>, vector<16x128xf32>, vector<16x128xf32> -> vector<128x128xf32>
    %get3A_1638 = arith.constant 0 : index
    %get3A_1639 = arith.constant 0 : index
    %get3A_1640 = vector.load %arg25[%get3A_1638, %get3A_1639] : memref<128x128xf32, #tpu.memory_space<vmem>>, vector<128x128xf32>
    %dot_general3A_1641 = arith.constant dense<0.000000e+00> : vector<128x128xf32>
    %dot_general3A_1642 = tpu.matmul %concatenate3A_1637, %get3A_1640, %dot_general3A_1641 {dimension_numbers = #tpu.dot_dimension_numbers<[1], [0], [0], [1], [0, 0, 1, 1], [], []>, transpose_lhs_hint = false} : vector<128x128xf32>, vector<128x128xf32>, vector<128x128xf32> -> vector<128x128xf32>
    %add3A_1643 = arith.addf %add3A_884, %dot_general3A_1642 : vector<128x128xf32>
    %get3A_1644 = arith.constant 0 : index
    %get3A_1645 = arith.constant 0 : index
    %get3A_1646 = vector.load %arg26[%get3A_1644, %get3A_1645] : memref<1x128xf32, #tpu.memory_space<vmem>>, vector<1x128xf32>
    %add3A_1647 = vector.broadcast %get3A_1646 : vector<1x128xf32> to vector<128x128xf32>
    %add3A_1648 = arith.addf %add3A_1643, %add3A_1647 : vector<128x128xf32>
    %get3A_1649 = arith.constant 0 : index
    %get3A_1650 = arith.constant 0 : index
    %get3A_1651 = vector.load %arg27[%get3A_1649, %get3A_1650] : memref<1x128xf32, #tpu.memory_space<vmem>>, vector<1x128xf32>
    %get3A_1652 = arith.constant 0 : index
    %get3A_1653 = arith.constant 0 : index
    %get3A_1654 = vector.load %arg28[%get3A_1652, %get3A_1653] : memref<1x128xf32, #tpu.memory_space<vmem>>, vector<1x128xf32>
    %reduce_sum3A_1655 = arith.constant dense<0.000000e+00> : vector<128xf32>
    %reduce_sum3A_1656 = vector.multi_reduction <add>, %add3A_1648, %reduce_sum3A_1655 [1] : vector<128x128xf32> to vector<128xf32>
    %broadcast_in_dim3A_1657 = vector.shape_cast %reduce_sum3A_1656 : vector<128xf32> to vector<128x1xf32>
    %div3A_1658 = arith.constant 1.280000e+02 : f32
    %div3A_1659 = vector.broadcast %div3A_1658 : f32 to vector<128x1xf32>
    %div3A_1660 = arith.divf %broadcast_in_dim3A_1657, %div3A_1659 : vector<128x1xf32>
    %sub3A_1661 = vector.broadcast %div3A_1660 : vector<128x1xf32> to vector<128x128xf32>
    %sub3A_1662 = arith.subf %add3A_1648, %sub3A_1661 : vector<128x128xf32>
    %sub3A_1663 = vector.broadcast %div3A_1660 : vector<128x1xf32> to vector<128x128xf32>
    %sub3A_1664 = arith.subf %add3A_1648, %sub3A_1663 : vector<128x128xf32>
    %mul3A_1665 = arith.mulf %sub3A_1662, %sub3A_1664 : vector<128x128xf32>
    %reduce_sum3A_1666 = arith.constant dense<0.000000e+00> : vector<128xf32>
    %reduce_sum3A_1667 = vector.multi_reduction <add>, %mul3A_1665, %reduce_sum3A_1666 [1] : vector<128x128xf32> to vector<128xf32>
    %broadcast_in_dim3A_1668 = vector.shape_cast %reduce_sum3A_1667 : vector<128xf32> to vector<128x1xf32>
    %div3A_1669 = arith.constant 1.280000e+02 : f32
    %div3A_1670 = vector.broadcast %div3A_1669 : f32 to vector<128x1xf32>
    %div3A_1671 = arith.divf %broadcast_in_dim3A_1668, %div3A_1670 : vector<128x1xf32>
    %sub3A_1672 = vector.broadcast %div3A_1660 : vector<128x1xf32> to vector<128x128xf32>
    %sub3A_1673 = arith.subf %add3A_1648, %sub3A_1672 : vector<128x128xf32>
    %add3A_1674 = arith.constant 9.99999974E-6 : f32
    %add3A_1675 = vector.broadcast %add3A_1674 : f32 to vector<128x1xf32>
    %add3A_1676 = arith.addf %div3A_1671, %add3A_1675 : vector<128x1xf32>
    %rsqrt3A_1677 = math.rsqrt %add3A_1676 : vector<128x1xf32>
    %mul3A_1678 = vector.broadcast %rsqrt3A_1677 : vector<128x1xf32> to vector<128x128xf32>
    %mul3A_1679 = arith.mulf %sub3A_1673, %mul3A_1678 : vector<128x128xf32>
    %mul3A_1680 = vector.broadcast %get3A_1651 : vector<1x128xf32> to vector<128x128xf32>
    %mul3A_1681 = arith.mulf %mul3A_1679, %mul3A_1680 : vector<128x128xf32>
    %add3A_1682 = vector.broadcast %get3A_1654 : vector<1x128xf32> to vector<128x128xf32>
    %add3A_1683 = arith.addf %mul3A_1681, %add3A_1682 : vector<128x128xf32>
    %get3A_1684 = arith.constant 0 : index
    %get3A_1685 = arith.constant 0 : index
    %get3A_1686 = vector.load %arg29[%get3A_1684, %get3A_1685] : memref<128x512xf32, #tpu.memory_space<vmem>>, vector<128x512xf32>
    %dot_general3A_1687 = arith.constant dense<0.000000e+00> : vector<128x512xf32>
    %dot_general3A_1688 = tpu.matmul %add3A_1683, %get3A_1686, %dot_general3A_1687 {dimension_numbers = #tpu.dot_dimension_numbers<[1], [0], [0], [1], [0, 0, 1, 1], [], []>, transpose_lhs_hint = false} : vector<128x128xf32>, vector<128x512xf32>, vector<128x512xf32> -> vector<128x512xf32>
    %get3A_1689 = arith.constant 0 : index
    %get3A_1690 = arith.constant 0 : index
    %get3A_1691 = vector.load %arg30[%get3A_1689, %get3A_1690] : memref<1x512xf32, #tpu.memory_space<vmem>>, vector<1x512xf32>
    %add3A_1692 = vector.broadcast %get3A_1691 : vector<1x512xf32> to vector<128x512xf32>
    %add3A_1693 = arith.addf %dot_general3A_1688, %add3A_1692 : vector<128x512xf32>
    %max3A_1694 = arith.constant 0.000000e+00 : f32
    %max3A_1695 = vector.broadcast %max3A_1694 : f32 to vector<128x512xf32>
    %max3A_1696 = arith.maximumf %add3A_1693, %max3A_1695 : vector<128x512xf32>
    %get3A_1697 = arith.constant 0 : index
    %get3A_1698 = arith.constant 0 : index
    %get3A_1699 = vector.load %arg31[%get3A_1697, %get3A_1698] : memref<512x128xf32, #tpu.memory_space<vmem>>, vector<512x128xf32>
    %dot_general3A_1700 = arith.constant dense<0.000000e+00> : vector<128x128xf32>
    %dot_general3A_1701 = tpu.matmul %max3A_1696, %get3A_1699, %dot_general3A_1700 {dimension_numbers = #tpu.dot_dimension_numbers<[1], [0], [0], [1], [0, 0, 1, 1], [], []>, transpose_lhs_hint = false} : vector<128x512xf32>, vector<512x128xf32>, vector<128x128xf32> -> vector<128x128xf32>
    %get3A_1702 = arith.constant 0 : index
    %get3A_1703 = arith.constant 0 : index
    %get3A_1704 = vector.load %arg32[%get3A_1702, %get3A_1703] : memref<1x128xf32, #tpu.memory_space<vmem>>, vector<1x128xf32>
    %add3A_1705 = vector.broadcast %get3A_1704 : vector<1x128xf32> to vector<128x128xf32>
    %add3A_1706 = arith.addf %dot_general3A_1701, %add3A_1705 : vector<128x128xf32>
    %add3A_1707 = arith.addf %add3A_1648, %add3A_1706 : vector<128x128xf32>
    %slice3A_1708 = vector.extract_strided_slice %add3A_1707 {offsets = [15, 0], sizes = [1, 128], strides = [1, 1]} : vector<128x128xf32> to vector<1x128xf32>
    %slice3A_1709 = vector.extract_strided_slice %add3A_1707 {offsets = [31, 0], sizes = [1, 128], strides = [1, 1]} : vector<128x128xf32> to vector<1x128xf32>
    %slice3A_1710 = vector.extract_strided_slice %add3A_1707 {offsets = [47, 0], sizes = [1, 128], strides = [1, 1]} : vector<128x128xf32> to vector<1x128xf32>
    %slice3A_1711 = vector.extract_strided_slice %add3A_1707 {offsets = [63, 0], sizes = [1, 128], strides = [1, 1]} : vector<128x128xf32> to vector<1x128xf32>
    %slice3A_1712 = vector.extract_strided_slice %add3A_1707 {offsets = [79, 0], sizes = [1, 128], strides = [1, 1]} : vector<128x128xf32> to vector<1x128xf32>
    %slice3A_1713 = vector.extract_strided_slice %add3A_1707 {offsets = [95, 0], sizes = [1, 128], strides = [1, 1]} : vector<128x128xf32> to vector<1x128xf32>
    %slice3A_1714 = vector.extract_strided_slice %add3A_1707 {offsets = [111, 0], sizes = [1, 128], strides = [1, 1]} : vector<128x128xf32> to vector<1x128xf32>
    %slice3A_1715 = vector.extract_strided_slice %add3A_1707 {offsets = [127, 0], sizes = [1, 128], strides = [1, 1]} : vector<128x128xf32> to vector<1x128xf32>
    %concatenate3A_1716 = tpu.concatenate %slice3A_1708, %slice3A_1709, %slice3A_1710, %slice3A_1711, %slice3A_1712, %slice3A_1713, %slice3A_1714, %slice3A_1715 in 0 : vector<1x128xf32>, vector<1x128xf32>, vector<1x128xf32>, vector<1x128xf32>, vector<1x128xf32>, vector<1x128xf32>, vector<1x128xf32>, vector<1x128xf32> -> vector<8x128xf32>
    %swap3A = arith.constant 0 : index
    %swap3A_1717 = arith.constant 0 : index
    %swap3A_1718 = vector.load %arg33[%swap3A, %swap3A_1717] : memref<8x128xf32, #tpu.memory_space<vmem>>, vector<8x128xf32>
    tpu.vector_store %arg33[%swap3A, %swap3A_1717], %concatenate3A_1716 {strides = array<i32>} : memref<8x128xf32, #tpu.memory_space<vmem>>, vector<8x128xf32>,
    return
  }
}

</mosaic_0001>

<sc_bundles>
// kernel: kernel.12.cloned.1.call-start
scs
__scs_entry_jumppad:
0x0: {  	(pc) =	sbr.rel $0x88, $3  }
0x1: {  	(tag) =	ssettag $0x0;
	lr =	simm.s32 $0x1  }
0x2: {  	[smem:$0x3F7A] =	sst lr;
	_ =	strace $0xD0000000  }
0x3: {  	_ = 	snop  }
0x4: {  	_ = 	snop  }
0x5: {  	_ = 	snop  }
0x6: {  	_ = 	snop  }
0x7: {  	_ = 	snop  }
__scs_overlays_trampoline_lowered:
0x8: {  	[smem:$0x3F89] =	sst s0  }
0x9: {  	[smem:$0x3F8A] =	sst s1  }
0xa: {  	[smem:$0x3F8B] =	sst s2  }
0xb: {  	[smem:$0x3F8C] =	sst s3  }
0xc: {  	[smem:$0x3F8D] =	sst s4  }
0xd: {  	[smem:$0x3F8E] =	sst s5  }
0xe: {  	[smem:$0x3F8F] =	sst s6  }
0xf: {  	[smem:$0x3F90] =	sst s7  }
0x10: {  	[smem:$0x3F91] =	sst s8  }
0x11: {  	[smem:$0x3F92] =	sst s9;
	s0 =	simm.s32 @!p0 $0x0  }
0x12: {  	s1 =	sld [smem:$0x3F78];
	s0 =	simm.s32 @p0 $0x1  }
0x13: {  	[smem:$0x3F93] =	sst s0;
	s0 =	simm.s32 @!p1 $0x0  }
0x14: {  	s2 =	sld [smem:$0x3F77];
	s0 =	simm.s32 @p1 $0x1  }
0x15: {  	[smem:$0x3F94] =	sst s0;
	s0 =	simm.s32 @!p2 $0x0  }
0x16: {  	s3 =	sld [smem:$0x3FDB];
	s0 =	simm.s32 @p2 $0x1  }
0x17: {  	s4 =	simm.s32 $0x1BF5;
	[smem:$0x3F96] =	sst s0  }
0x18: {  	s0 =	sld [smem:$0x3F79];
	_ =	swait.ge [sflag:s4], $0x0  }
0x19: {  	s7 =	sld [smem:$0x3F7A]  }
0x1a: {  	s8 =	sadd.s32 $0xFFFFE003, lr  }
0x1b: {  	s9 =	sadd.s32 $0xFFFFFEF7, lr;
	s5 =	simm.s32 $0xFFFFFFFF;
	p2 =	slt.u32 s8, $0xFFFFF086  }
0x1c: {  	p1 =	slt.u32 s9, $0xF7A;
	s5 =	simm.s32 @!p2 $0x0  }
0x1d: {  	s5 =	simm.s32 @p1 $0x1;
	p0 =	seq.s32 s7, s2  }
0x1e: {  	s7 =	smul.u32 @!p0 $0xF7A, s2;
	p2 =	seq.s32 @!p0 s5, $0x0  }
0x1f: {  	s9 =	smul.u32 $0xF7A, s1;
	s8 =	simm.s32 @!p0 $0x1BF5;
	p2 =	por !p2, p0  }
0x20: {  	[sflag:s8] =	ssyncset.s32 @!p0 $0xFFFFF086;
	s6 =	sadd.s32 @!p0 s3, s7;
	s7 =	simm.s32 @!p0 $0x108  }
0x21: {  	s3 =	sadd.s32 s3, s9;
	s6 =	sadd.s32 @!p0 $0x88, s6;
	s7 =	simm.s32 @p2 $0x1082  }
0x22: {  	[simem:s7], [sflag:s8] =	dma.local @!p0 [hbm:s6], $0xF7A  }
0x23: {  	s9 =	sor.u32 $0xD0000000, s2;
	s6 =	simm.s32 $0x108;
	_ =	swait.ge @!p0 [sflag:s8], $0x0  }
0x24: {  	s3 =	sadd.s32 $0x88, s3;
	s6 =	simm.s32 @!p1 $0x1082;
	[sflag:s4] =	ssyncset.s32 $0xFFFFF086  }
0x25: {  	[simem:s6], [sflag:s4] =	dma.local [hbm:s3], $0xF7A  }
0x26: {  	[smem:$0x3F7A] =	sst s1;
	(tag) =	ssettag s2;
	_ =	strace s9  }
0x27: {  	s1 =	sld [smem:$0x3F8A]  }
0x28: {  	s2 =	sld [smem:$0x3F8B]  }
0x29: {  	s4 =	sld [smem:$0x3F8D]  }
0x2a: {  	p0 =	seq.s32 s5, $0x0;
	s5 =	sld [smem:$0x3F8E]  }
0x2b: {  	s6 =	sld [smem:$0x3F8F]  }
0x2c: {  	s7 =	sld [smem:$0x3F90]  }
0x2d: {  	s3 =	simm.s32 $0x108;
	s8 =	sld [smem:$0x3F91]  }
0x2e: {  	s3 =	simm.s32 @!p0 $0x1082;
	s9 =	sld [smem:$0x3F92]  }
0x2f: {  	lr =	sadd.s32 s0, s3;
	s0 =	sld [smem:$0x3F89]  }
0x30: {  	s3 =	sld [smem:$0x3F8C]  }
0x31: {  	[smem:$0x3F95] =	sst s10  }
0x32: {  	s10 =	sld [smem:$0x3F93];
	_ =	sdelay $0x3  }
0x33: {  	p0 =	seq.s32 s10, $0x1;
	s10 =	sld [smem:$0x3F95];
	_ =	sdelay $0x3  }
0x34: {  	[smem:$0x3F95] =	sst s10  }
0x35: {  	s10 =	sld [smem:$0x3F94];
	_ =	sdelay $0x3  }
0x36: {  	p1 =	seq.s32 s10, $0x1;
	s10 =	sld [smem:$0x3F95];
	_ =	sdelay $0x3  }
0x37: {  	[smem:$0x3F95] =	sst s10  }
0x38: {  	s10 =	sld [smem:$0x3F96]  }
0x39: {  	_ = 	snop;
	(pc) =	sbr.ind lr, $3  }
0x3a: {  	_ = 	snop  }
0x3b: {  	_ = 	snop  }
0x3c: {  	p2 =	seq.s32 s10, $0x1;
	s10 =	sld [smem:$0x3F95]  }
0x3d: {  	_ =	shalt  }
0x3e: {  	_ =	shalt  }
0x3f: {  	_ =	shalt  }
0x40: {  	_ =	shalt  }
0x41: {  	_ =	shalt  }
0x42: {  	_ =	shalt  }
0x43: {  	_ =	shalt  }
0x44: {  	_ =	shalt  }
0x45: {  	_ =	shalt  }
0x46: {  	_ =	shalt  }
0x47: {  	_ =	shalt  }
0x48: {  	_ =	shalt  }
0x49: {  	_ =	shalt  }
0x4a: {  	_ =	shalt  }
0x4b: {  	_ =	shalt  }
0x4c: {  	_ =	shalt  }
0x4d: {  	_ =	shalt  }
0x4e: {  	_ =	shalt  }
0x4f: {  	_ =	shalt  }
0x50: {  	_ =	shalt  }
0x51: {  	_ =	shalt  }
0x52: {  	_ =	shalt  }
0x53: {  	_ =	shalt  }
0x54: {  	_ =	shalt  }
0x55: {  	_ =	shalt  }
0x56: {  	_ =	shalt  }
0x57: {  	_ =	shalt  }
0x58: {  	_ =	shalt  }
0x59: {  	_ =	shalt  }
0x5a: {  	_ =	shalt  }
0x5b: {  	_ =	shalt  }
0x5c: {  	_ =	shalt  }
0x5d: {  	_ =	shalt  }
0x5e: {  	_ =	shalt  }
0x5f: {  	_ =	shalt  }
0x60: {  	_ =	shalt  }
0x61: {  	_ =	shalt  }
0x62: {  	_ =	shalt  }
0x63: {  	_ =	shalt  }
0x64: {  	_ =	shalt  }
0x65: {  	_ =	shalt  }
0x66: {  	_ =	shalt  }
0x67: {  	_ =	shalt  }
0x68: {  	_ =	shalt  }
0x69: {  	_ =	shalt  }
0x6a: {  	_ =	shalt  }
0x6b: {  	_ =	shalt  }
0x6c: {  	_ =	shalt  }
0x6d: {  	_ =	shalt  }
0x6e: {  	_ =	shalt  }
0x6f: {  	_ =	shalt  }
0x70: {  	_ =	shalt  }
0x71: {  	_ =	shalt  }
0x72: {  	_ =	shalt  }
0x73: {  	_ =	shalt  }
0x74: {  	_ =	shalt  }
0x75: {  	_ =	shalt  }
0x76: {  	_ =	shalt  }
0x77: {  	_ =	shalt  }
0x78: {  	_ =	shalt  }
0x79: {  	_ =	shalt  }
0x7a: {  	_ =	shalt  }
0x7b: {  	_ =	shalt  }
0x7c: {  	_ =	shalt  }
0x7d: {  	_ =	shalt  }
0x7e: {  	_ =	shalt  }
0x7f: {  	_ =	shalt  }
0x80: {  	_ =	shalt  }
0x81: {  	_ =	shalt  }
0x82: {  	_ =	shalt  }
0x83: {  	_ =	shalt  }
0x84: {  	_ =	shalt  }
0x85: {  	_ =	shalt  }
0x86: {  	_ =	shalt  }
0x87: {  	_ =	shalt  }
.Lfunc_end0:
.L_simem_size_0:
called_computation.1_lowered:
.L_overlay_start_0:
0x88: {  	s2 =	sld [smem:$0x3FD9]  }
0x89: {  	s3 =	sld [smem:$0x3FFE];
	_ =	sdelay $0x1  }
0x8a: {  	s1 =	srdreg.scid  }
0x8b: {  	s0 =	sand.u32 $0x1, s1  }
0x8c: {  	s14 =	sshll.u32 s0, $0xA;
	s2 =	sadd.s32 s3, s2  }
0x8d: {  	s2 =	sadd.s32 s2, s14  }
0x8e: {  	[smem:$0x3FA1] =	sst s2  }
0x8f: {  	_ = 	snop  }
0x90: {  	s2 =	sld [smem:$0x3FD0];
	_ =	sdelay $0x2  }
0x91: {  	s15 =	simm.s32 $0xB;
	s4 =	simm.s32 $0x10  }
0x92: {  	[smem:s4], [sflag:s15] =	dma.local [hbm:s2], $0x1  }
0x93: {  	_ =	swait.eq [sflag:s15], $0x1  }
0x94: {  	[sflag:s15] =	ssyncset.done $0x0  }
0x95: {  	[sflag:s15] =	ssyncadd.s32 $0xFFFFFFFF  }
0x96: {  	s16 =	sld [smem:$0x11];
	(tm) =	ssettm $0x1  }
0x97: {  	s17 =	sld [smem:$0x3FFB];
	_ =	sdelay $0x3  }
0x98: {  	_ =	strace s17  }
0x99: {  	s3 =	sld [smem:$0x3FFC];
	_ =	sdelay $0x3  }
0x9a: {  	_ =	strace s3  }
0x9b: {  	s3 =	sld [smem:$0x3FFD];
	_ =	sdelay $0x3  }
0x9c: {  	_ =	strace s3  }
0x9d: {  	_ =	strace $0x8FFFFFFF  }
0x9e: {  	s18 =	sld [smem:$0x3FDB];
	_ =	sdelay $0x1  }
0x9f: {  	s19 =	simm.s32 $_scs_section_size  }
0xa0: {  	s5 =	simm.s32 $_size__tile_overlayer_lowered;
	s6 =	simm.s32 $_tile_overlayer_lowered  }
0xa1: {  	s22 =	simm.s32 $0x1BFF;
	s21 =	sshll.u32 s6, $0x1;
	s3 =	sadd.s32 s19, s18  }
0xa2: {  	s7 =	simm.s32 $0x0;
	s20 =	sshll.u32 s5, $0x1;
	s5 =	sadd.s32 s21, s3  }
0xa3: {  	[timem:s7], [sflag:s22] =	dma.local [hbm:s5], s20  }
0xa4: {  	_ =	swait.ge [sflag:s22], s20  }
0xa5: {  	s4 =	ssub.s32 $0x0, s20;
	[sflag:s22] =	ssyncset.done $0x0  }
0xa6: {  	[sflag:s22] =	ssyncadd.s32 s4;
	_ =	sdelay $0x1  }
0xa7: {  	s23 =	simm.s32 $0x1B8B  }
0xa8: {  	_ =	swait.ge [sflag:s23], $0x1  }
0xa9: {  	[sflag:s23] =	ssyncset.done $0x0  }
0xaa: {  	s25 =	simm.s32 $0x1B8E;
	s24 =	sld [smem:$0x3FFE];
	[sflag:s23] =	ssyncadd.s32 $0xFFFFFFFF  }
0xab: {  	s26 =	simm.s32 $execute0_lowered;
	[smem:$0x3FD2] =	sst s25  }
0xac: {  	s5 =	sshll.u32 s26, $0x1;
	_ =	strace $0x80000046;
	[dreg:$0x1] =	wrdreg $0xFFFFFFFF  }
0xad: {  	s28 =	simm.s32 $_size_execute0_lowered;
	s3 =	sadd.s32 s3, s5;
	[dreg:$0x0] =	wrdreg $0x0  }
0xae: {  	s5 =	sshll.u32 s28, $0x1;
	[dreg:$0x2] =	wrdreg s3  }
0xaf: {  	[dreg:$0x3] =	wrdreg s5  }
0xb0: {  	[dreg:$0x4] =	wrdreg $0xC0  }
0xb1: {  	_ =	task [dreg:s7], $0x5FFFF  }
0xb2: {  	[dreg:$0x1] =	wrdreg $0xFFFFFFFF  }
0xb3: {  	[dreg:$0x0] =	wrdreg $0x60  }
0xb4: {  	[dreg:$0x2] =	wrdreg s24  }
0xb5: {  	[dreg:$0x3] =	wrdreg s16  }
0xb6: {  	[dreg:$0x4] =	wrdreg $0x82000  }
0xb7: {  	[dreg:$0x5] =	wrdreg $0xA  }
0xb8: {  	_ =	task.clear_ibuf [dreg:s7], $0x6FFFF;
	_ =	strace $0x90000046  }
0xb9: {  	s29 =	simm.s32 $0xA;
	_ =	strace $0x80000048  }
0xba: {  	_ =	swait.ge [sflag:s29], $0x1  }
0xbb: {  	[sflag:s29] =	ssyncadd.s32 $0xFFFFFFFF  }
0xbc: {  	_ =	strace $0x90000048  }
0xbd: {  	_ =	sfence  }
0xbe: {  	s30 =	sld [smem:$0x0];
	_ =	sdelay $0x2  }
0xbf: {  	s31 =	sshll.u32 s1, $0xD;
	s1 =	sshrl.u32 s1, $0x2  }
0xc0: {  	s3 =	sand.u32 $0x4000, s31;
	s1 =	sadd.s32 s1, s30  }
0xc1: {  	s0 =	sor.u32 s3, s0;
	s1 =	sshll.u32 s1, $0x11  }
0xc2: {  	s0 =	sor.u32 s1, s0  }
0xc3: {  	s0 =	sadd.s32 $0x8F2B, s0  }
0xc4: {  	[sflag:s0] =	ssyncadd.remote.s32 $0x1  }
0xc5: {  	_ =	sfence.sel $0xFFFF  }
0xc6: {  	[dreg:$0x0] =	wrdreg $0xFFFFFFFF;
	(pc) =	sbr.abs _section_cstart, $3  }
0xc7: {  	[dreg:$0x1] =	wrdreg $0xFFFFFFFF  }
0xc8: {  	_ =	task.clear_ibuf [dreg:s7], $0x2FFFF;
	_ =	strace $0x9FFFFFFF  }
0xc9: {  	(tm) =	ssettm $0x7FFFFFFF  }
tec
execute0_lowered:
.L_overlay_start_1:
0x0: {  	(tag) =	ssettag $0x1  }
0x1: {  	s0 =	rddreg [dreg:$0x0];
	s1 =	srdreg.scid  }
0x2: {  	s7 =	stileid.u32;
	s3 =	rddreg [dreg:$0x2];
	s4 =	simm.s32 $0x0  }
0x3: {  	s28 =	simm.s32 $0x2;
	s29 =	simm.s32 $0x4200;
	s2 =	smul.u32 $0x2800, s7  }
0x4: {  	s30 =	simm.s32 $0x3;
	s31 =	simm.s32 $0x4;
	s6 =	smul.u32 $0x4F000, s7  }
0x5: {  	s1 =	sand.u32 $0x1, s1;
	[smem:$0x7FF] =	sst s4;
	s9 =	smul.u32 $0x13C00, s7  }
0x6: {  	s7 =	sadd.s32 $0x31FC00, s0;
	s5 =	smul.u32 $0x1400, s1;
	s8 =	ssub.s32 $0x2, s1  }
0x7: {  	_ =	strace $0x80000047;
	s1 =	smul.u32 $0x13C000, s1;
	s21 =	sshrl.u32 s8, $0x1  }
0x8: {  	s6 =	sshrl.u32 s6, $0x2;
	s22 =	sadd.s32 $0x4000, s9;
	s23 =	sadd.s32 $0x8000, s9  }
0x9: {  	s11 =	sadd.s32 $0xC000, s9;
	s15 =	smov.u32 s9;
	s24 =	sadd.s32 $0x10000, s9  }
0xa: {  	s2 =	sadd.s32 s5, s2;
	s5 =	sadd.s32 $0xA7C00, s0;
	[dreg:$0x4] =	wrdreg s22  }
0xb: {  	s10 =	sadd.s32 s22, s3;
	[dreg:$0x5] =	wrdreg s23;
	s13 =	sadd.s32 s23, s3  }
0xc: {  	[dreg:$0x6] =	wrdreg s11;
	s14 =	sadd.s32 s11, s3;
	s17 =	smov.u32 s24  }
0xd: {  	s16 =	sadd.s32 s24, s3;
	[dreg:$0x7] =	wrdreg s1;
	s2 =	sshrl.u32 s2, $0x3  }
0xe: {  	s22 =	simm.s32 $0x7;
	s2 =	sadd.s32 s2, s0;
	s0 =	ssub.s32 s8, s21  }
0xf: {  	s23 =	simm.s32 $0x80;
	s24 =	simm.s32 $0x100;
	s0 =	smax.u32 s0, $0x1  }
0x10: {  	s1 =	simm.s32 $0x5;
	s25 =	sadd.s32 $0x57C00, s2;
	[dreg:$0x8] =	wrdreg s0  }
0x11: {  	s8 =	sadd.s32 s6, s3;
	s26 =	sadd.s32 $0x7C00, s2;
	[dreg:$0x9] =	wrdreg s25  }
0x12: {  	s21 =	simm.s32 $0x200;
	s6 =	simm.s32 $0x0;
	[dreg:$0xa] =	wrdreg s26  }
0x13: {  	s25 =	simm.s32 $0x180;
	s26 =	simm.s32 $0x1;
	s0 =	simm.s32 $0x6  }
.LBB2_1:
0x14: {  	[dreg:$0xb] =	wrdreg s6  }
0x15: {  	s2 =	rddreg [dreg:$0x1]  }
0x16: {  	[tilespmem:s21], [sflag:$0x7] =	stream.linear.gather [hbm4b:s2+s4], $0x4000, $0x38;
	[tilespmem:$0x1BE00] =	vst v63  }
0x17: {  	_ =	swait.ge [sflag:s22], $0x4000  }
0x18: {  	[sflag:s22] =	ssyncset.done $0x0  }
0x19: {  	[sflag:s22] =	ssyncadd.s32 $0xFFFFC000  }
0x1a: {  	[spmem:s8] =	stream.linear.scatter [tilespmem:s21], [sflag:$0x7], $0x4000, $0x38;
	[tilespmem:$0x1BE00] =	vst v63  }
0x1b: {  	_ =	swait.ge [sflag:s22], $0x4000  }
0x1c: {  	[sflag:s22] =	ssyncset.done $0x0  }
0x1d: {  	[sflag:s22] =	ssyncadd.s32 $0xFFFFC000  }
0x1e: {  	[spmem:s10] =	stream.linear.scatter [tilespmem:s21], [sflag:$0x7], $0x4000, $0x38;
	[tilespmem:$0x1BE00] =	vst v63  }
0x1f: {  	_ =	swait.ge [sflag:s22], $0x4000  }
0x20: {  	[sflag:s22] =	ssyncset.done $0x0  }
0x21: {  	[sflag:s22] =	ssyncadd.s32 $0xFFFFC000  }
0x22: {  	[spmem:s13] =	stream.linear.scatter [tilespmem:s21], [sflag:$0x7], $0x4000, $0x38;
	[tilespmem:$0x1BE00] =	vst v63  }
0x23: {  	_ =	swait.ge [sflag:s22], $0x4000  }
0x24: {  	[sflag:s22] =	ssyncset.done $0x0  }
0x25: {  	[sflag:s22] =	ssyncadd.s32 $0xFFFFC000  }
0x26: {  	[spmem:s14] =	stream.linear.scatter [tilespmem:s21], [sflag:$0x7], $0x4000, $0x38;
	[tilespmem:$0x1BE00] =	vst v63  }
0x27: {  	_ =	swait.ge [sflag:s22], $0x4000  }
0x28: {  	[sflag:s22] =	ssyncset.done $0x0  }
0x29: {  	[sflag:s22] =	ssyncadd.s32 $0xFFFFC000  }
0x2a: {  	[spmem:s16] =	stream.linear.scatter [tilespmem:s21], [sflag:$0x7], $0x3C00, $0x38;
	[tilespmem:$0x1BE00] =	vst v63  }
0x2b: {  	_ =	swait.ge [sflag:s22], $0x3C00  }
0x2c: {  	[sflag:s22] =	ssyncset.done $0x0;
	s20 =	rddreg [dreg:$0xa]  }
0x2d: {  	s18 =	simm.s32 $0x0;
	s19 =	rddreg [dreg:$0x9];
	[sflag:s22] =	ssyncadd.s32 $0xFFFFC400  }
.LBB2_2:
0x2e: {  	[bflag:$0x0] =	sbarrier.arrive $0xFFFF;
	s2 =	sadd.s32 $0x0, s19  }
0x2f: {  	[tilespmem:s4], [sflag:$0x1] =	stream.linear.gather [hbm4b:s2+s4], $0x80, $0x38;
	[tilespmem:$0x1BE00] =	vst v63  }
0x30: {  	s6 =	sadd.s32 $0x0, s20  }
0x31: {  	[tilespmem:s23], [sflag:$0x1] =	stream.linear.gather [hbm4b:s6+s4], $0x80, $0x38;
	[tilespmem:$0x1BE00] =	vst v63  }
0x32: {  	s2 =	sadd.s32 $0x10, s2  }
0x33: {  	[tilespmem:s24], [sflag:$0x2] =	stream.linear.gather [hbm4b:s2+s4], $0x80, $0x38;
	[tilespmem:$0x1BE00] =	vst v63  }
0x34: {  	s12 =	sadd.s32 $0x10, s6  }
0x35: {  	[tilespmem:s25], [sflag:$0x2] =	stream.linear.gather [hbm4b:s12+s4], $0x80, $0x38;
	[tilespmem:$0x1BE00] =	vst v63  }
0x36: {  	_ =	swait.ge [sflag:s26], $0x80  }
0x37: {  	[sflag:s26] =	ssyncset.done $0x0  }
0x38: {  	[sflag:s26] =	ssyncadd.s32 $0xFFFFFF80  }
0x39: {  	_ =	swait.ge [sflag:s26], $0x80  }
0x3a: {  	[sflag:s26] =	ssyncset.done $0x0  }
0x3b: {  	[sflag:s26] =	ssyncadd.s32 $0xFFFFFF80  }
0x3c: {  	[tilespmem:s21], [sflag:$0x3] =	stream.indirect.gather [hbm4b:s5+s23], $0x80, s4, s23, $0xb8;
	[tilespmem:$0x1BE00] =	vst v63  }
0x3d: {  	_ =	swait.ge [sflag:s28], $0x80  }
0x3e: {  	[sflag:s28] =	ssyncset.done $0x0  }
0x3f: {  	[sflag:s28] =	ssyncadd.s32 $0xFFFFFF80  }
0x40: {  	_ =	swait.ge [sflag:s28], $0x80  }
0x41: {  	[sflag:s28] =	ssyncset.done $0x0  }
0x42: {  	[sflag:s28] =	ssyncadd.s32 $0xFFFFFF80  }
0x43: {  	[tilespmem:s29], [sflag:$0x4] =	stream.indirect.gather [hbm4b:s5+s23], $0x80, s24, s23, $0xb8;
	[tilespmem:$0x1BE00] =	vst v63  }
0x44: {  	_ =	swait.ge [sflag:s30], $0x4000  }
0x45: {  	[sflag:s30] =	ssyncset.done $0x0  }
0x46: {  	[sflag:s30] =	ssyncadd.s32 $0xFFFFC000  }
0x47: {  	[spmem:s3] =	stream.indirect.scatter.add.f32 [tilespmem:s21], [sflag:$0x5], $0x80, s23, s23, $0xb8;
	[tilespmem:$0x1BE00] =	vst v63  }
0x48: {  	_ =	swait.ge [sflag:s31], $0x4000  }
0x49: {  	[sflag:s31] =	ssyncset.done $0x0  }
0x4a: {  	[sflag:s31] =	ssyncadd.s32 $0xFFFFC000  }
0x4b: {  	[spmem:s3] =	stream.indirect.scatter.add.f32 [tilespmem:s29], [sflag:$0x6], $0x80, s25, s23, $0xb8;
	[tilespmem:$0x1BE00] =	vst v63  }
0x4c: {  	_ =	swait.ge [sflag:s1], $0x4000  }
0x4d: {  	[sflag:s1] =	ssyncset.done $0x0  }
0x4e: {  	[sflag:s1] =	ssyncadd.s32 $0xFFFFC000  }
0x4f: {  	_ =	swait.ge [sflag:s0], $0x4000  }
0x50: {  	s6 =	simm.s32 $0x40;
	s2 =	simm.s32 $0x20;
	[sflag:s0] =	ssyncset.done $0x0  }
.LBB2_3:
0x51: {  	s11 =	sadd.s32 s2, s19  }
0x52: {  	[sflag:s0] =	ssyncadd.s32 $0xFFFFC000;
	s12 =	smov.u32 s6;
	s9 =	sadd.s32 $0x20, s6  }
0x53: {  	[tilespmem:s4], [sflag:$0x1] =	stream.linear.gather [hbm4b:s11+s4], $0x80, $0x38;
	[tilespmem:$0x1BE00] =	vst v63  }
0x54: {  	p0 =	sne.s32 s6, $0x260;
	s6 =	sadd.s32 s2, s20;
	s2 =	smov.u32 s12  }
0x55: {  	[tilespmem:s23], [sflag:$0x1] =	stream.linear.gather [hbm4b:s6+s4], $0x80, $0x38;
	[tilespmem:$0x1BE00] =	vst v63  }
0x56: {  	s11 =	sadd.s32 $0x10, s11  }
0x57: {  	[tilespmem:s24], [sflag:$0x2] =	stream.linear.gather [hbm4b:s11+s4], $0x80, $0x38;
	[tilespmem:$0x1BE00] =	vst v63  }
0x58: {  	s6 =	sadd.s32 $0x10, s6  }
0x59: {  	[tilespmem:s25], [sflag:$0x2] =	stream.linear.gather [hbm4b:s6+s4], $0x80, $0x38;
	[tilespmem:$0x1BE00] =	vst v63  }
0x5a: {  	_ =	swait.ge [sflag:s26], $0x80  }
0x5b: {  	[sflag:s26] =	ssyncset.done $0x0  }
0x5c: {  	[sflag:s26] =	ssyncadd.s32 $0xFFFFFF80  }
0x5d: {  	_ =	swait.ge [sflag:s26], $0x80  }
0x5e: {  	[sflag:s26] =	ssyncset.done $0x0  }
0x5f: {  	[sflag:s26] =	ssyncadd.s32 $0xFFFFFF80  }
0x60: {  	[tilespmem:s21], [sflag:$0x3] =	stream.indirect.gather [hbm4b:s5+s23], $0x80, s4, s23, $0xb8;
	[tilespmem:$0x1BE00] =	vst v63  }
0x61: {  	_ =	swait.ge [sflag:s28], $0x80  }
0x62: {  	[sflag:s28] =	ssyncset.done $0x0  }
0x63: {  	[sflag:s28] =	ssyncadd.s32 $0xFFFFFF80  }
0x64: {  	_ =	swait.ge [sflag:s28], $0x80  }
0x65: {  	[sflag:s28] =	ssyncset.done $0x0  }
0x66: {  	[sflag:s28] =	ssyncadd.s32 $0xFFFFFF80  }
0x67: {  	[tilespmem:s29], [sflag:$0x4] =	stream.indirect.gather [hbm4b:s5+s23], $0x80, s24, s23, $0xb8;
	[tilespmem:$0x1BE00] =	vst v63  }
0x68: {  	_ =	swait.ge [sflag:s30], $0x4000  }
0x69: {  	[sflag:s30] =	ssyncset.done $0x0  }
0x6a: {  	[sflag:s30] =	ssyncadd.s32 $0xFFFFC000  }
0x6b: {  	[spmem:s3] =	stream.indirect.scatter.add.f32 [tilespmem:s21], [sflag:$0x5], $0x80, s23, s23, $0xb8;
	[tilespmem:$0x1BE00] =	vst v63  }
0x6c: {  	_ =	swait.ge [sflag:s31], $0x4000  }
0x6d: {  	[sflag:s31] =	ssyncset.done $0x0  }
0x6e: {  	[sflag:s31] =	ssyncadd.s32 $0xFFFFC000  }
0x6f: {  	[spmem:s3] =	stream.indirect.scatter.add.f32 [tilespmem:s29], [sflag:$0x6], $0x80, s25, s23, $0xb8;
	[tilespmem:$0x1BE00] =	vst v63  }
.Ltmp0:
0x70: {  	_ =	swait.ge [sflag:s1], $0x4000;
	(pc) =	sbr.rel @p0 .LBB2_3-.Ltmp0, $4  }
0x71: {  	[sflag:s1] =	ssyncset.done $0x0  }
0x72: {  	[sflag:s1] =	ssyncadd.s32 $0xFFFFC000  }
0x73: {  	_ =	swait.ge [sflag:s0], $0x4000  }
0x74: {  	s6 =	smov.u32 s9;
	[sflag:s0] =	ssyncset.done $0x0  }
0x75: {  	s6 =	sadd.s32 s2, s19;
	[sflag:s0] =	ssyncadd.s32 $0xFFFFC000  }
0x76: {  	[tilespmem:s4], [sflag:$0x1] =	stream.linear.gather [hbm4b:s6+s4], $0x80, $0x38;
	[tilespmem:$0x1BE00] =	vst v63  }
0x77: {  	s9 =	sadd.s32 s2, s20  }
0x78: {  	[tilespmem:s23], [sflag:$0x1] =	stream.linear.gather [hbm4b:s9+s4], $0x80, $0x38;
	[tilespmem:$0x1BE00] =	vst v63  }
0x79: {  	s6 =	sadd.s32 $0x10, s6  }
0x7a: {  	[tilespmem:s24], [sflag:$0x2] =	stream.linear.gather [hbm4b:s6+s4], $0x80, $0x38;
	[tilespmem:$0x1BE00] =	vst v63  }
0x7b: {  	s2 =	sadd.s32 $0x10, s9  }
0x7c: {  	[tilespmem:s25], [sflag:$0x2] =	stream.linear.gather [hbm4b:s2+s4], $0x80, $0x38;
	[tilespmem:$0x1BE00] =	vst v63  }
0x7d: {  	_ =	swait.ge [sflag:s26], $0x80  }
0x7e: {  	[sflag:s26] =	ssyncset.done $0x0  }
0x7f: {  	[sflag:s26] =	ssyncadd.s32 $0xFFFFFF80  }
0x80: {  	_ =	swait.ge [sflag:s26], $0x80  }
0x81: {  	[sflag:s26] =	ssyncset.done $0x0  }
0x82: {  	[sflag:s26] =	ssyncadd.s32 $0xFFFFFF80  }
0x83: {  	[tilespmem:s21], [sflag:$0x3] =	stream.indirect.gather [hbm4b:s5+s23], $0x80, s4, s23, $0xb8;
	[tilespmem:$0x1BE00] =	vst v63  }
0x84: {  	_ =	swait.ge [sflag:s28], $0x80  }
0x85: {  	[sflag:s28] =	ssyncset.done $0x0  }
0x86: {  	[sflag:s28] =	ssyncadd.s32 $0xFFFFFF80  }
0x87: {  	_ =	swait.ge [sflag:s28], $0x80  }
0x88: {  	[sflag:s28] =	ssyncset.done $0x0  }
0x89: {  	[sflag:s28] =	ssyncadd.s32 $0xFFFFFF80  }
0x8a: {  	[tilespmem:s29], [sflag:$0x4] =	stream.indirect.gather [hbm4b:s5+s23], $0x80, s24, s23, $0xb8;
	[tilespmem:$0x1BE00] =	vst v63  }
0x8b: {  	_ =	swait.ge [sflag:s30], $0x4000  }
0x8c: {  	[sflag:s30] =	ssyncset.done $0x0  }
0x8d: {  	[sflag:s30] =	ssyncadd.s32 $0xFFFFC000  }
0x8e: {  	[spmem:s3] =	stream.indirect.scatter.add.f32 [tilespmem:s21], [sflag:$0x5], $0x80, s23, s23, $0xb8;
	[tilespmem:$0x1BE00] =	vst v63  }
0x8f: {  	_ =	swait.ge [sflag:s31], $0x4000  }
0x90: {  	[sflag:s31] =	ssyncset.done $0x0  }
0x91: {  	[sflag:s31] =	ssyncadd.s32 $0xFFFFC000  }
0x92: {  	[spmem:s3] =	stream.indirect.scatter.add.f32 [tilespmem:s29], [sflag:$0x6], $0x80, s25, s23, $0xb8;
	[tilespmem:$0x1BE00] =	vst v63  }
0x93: {  	_ =	swait.ge [sflag:s1], $0x4000  }
0x94: {  	[sflag:s1] =	ssyncset.done $0x0  }
0x95: {  	[sflag:s1] =	ssyncadd.s32 $0xFFFFC000  }
0x96: {  	_ =	swait.ge [sflag:s0], $0x4000  }
0x97: {  	[sflag:s0] =	ssyncset.done $0x0  }
0x98: {  	[sflag:s0] =	ssyncadd.s32 $0xFFFFC000  }
0x99: {  	s11 =	smul.u32 $0x278000, s18;
	[bflag:$0x0] =	sbarrier.arrive $0xFFFF  }
0x9a: {  	[tilespmem:s21], [sflag:$0x7] =	stream.linear.gather [spmem:s8], $0x4000, $0x38;
	[tilespmem:$0x1BE00] =	vst v63  }
0x9b: {  	s12 =	rddreg [dreg:$0x7]  }
0x9c: {  	s2 =	sadd.s32 s12, s11  }
0x9d: {  	_ =	swait.ge [sflag:s22], $0x4000;
	s6 =	sadd.s32 s15, s2  }
0x9e: {  	[sflag:s22] =	ssyncset.done $0x0;
	s6 =	sshrl.u32 s6, $0x3  }
0x9f: {  	[sflag:s22] =	ssyncadd.s32 $0xFFFFC000;
	s6 =	sadd.s32 s7, s6  }
0xa0: {  	[hbm4b:s6+s4] =	stream.linear.scatter [tilespmem:s21], [sflag:$0x7], $0x4000, $0x38;
	[tilespmem:$0x1BE00] =	vst v63  }
0xa1: {  	_ =	swait.ge [sflag:s22], $0x4000  }
0xa2: {  	[sflag:s22] =	ssyncset.done $0x0  }
0xa3: {  	[sflag:s22] =	ssyncadd.s32 $0xFFFFC000  }
0xa4: {  	[tilespmem:s21], [sflag:$0x7] =	stream.linear.gather [spmem:s10], $0x4000, $0x38;
	[tilespmem:$0x1BE00] =	vst v63  }
0xa5: {  	_ =	swait.ge [sflag:s22], $0x4000  }
0xa6: {  	s9 =	rddreg [dreg:$0x4]  }
0xa7: {  	s6 =	sadd.s32 s9, s2  }
0xa8: {  	[sflag:s22] =	ssyncset.done $0x0;
	s6 =	sshrl.u32 s6, $0x3  }
0xa9: {  	[sflag:s22] =	ssyncadd.s32 $0xFFFFC000;
	s6 =	sadd.s32 s7, s6  }
0xaa: {  	[hbm4b:s6+s4] =	stream.linear.scatter [tilespmem:s21], [sflag:$0x7], $0x4000, $0x38;
	[tilespmem:$0x1BE00] =	vst v63  }
0xab: {  	_ =	swait.ge [sflag:s22], $0x4000  }
0xac: {  	[sflag:s22] =	ssyncset.done $0x0  }
0xad: {  	[sflag:s22] =	ssyncadd.s32 $0xFFFFC000  }
0xae: {  	[tilespmem:s21], [sflag:$0x7] =	stream.linear.gather [spmem:s13], $0x4000, $0x38;
	[tilespmem:$0x1BE00] =	vst v63  }
0xaf: {  	_ =	swait.ge [sflag:s22], $0x4000  }
0xb0: {  	s11 =	rddreg [dreg:$0x5]  }
0xb1: {  	s6 =	sadd.s32 s11, s2  }
0xb2: {  	[sflag:s22] =	ssyncset.done $0x0;
	s6 =	sshrl.u32 s6, $0x3  }
0xb3: {  	[sflag:s22] =	ssyncadd.s32 $0xFFFFC000;
	s6 =	sadd.s32 s7, s6  }
0xb4: {  	[hbm4b:s6+s4] =	stream.linear.scatter [tilespmem:s21], [sflag:$0x7], $0x4000, $0x38;
	[tilespmem:$0x1BE00] =	vst v63  }
0xb5: {  	_ =	swait.ge [sflag:s22], $0x4000  }
0xb6: {  	[sflag:s22] =	ssyncset.done $0x0  }
0xb7: {  	[sflag:s22] =	ssyncadd.s32 $0xFFFFC000  }
0xb8: {  	[tilespmem:s21], [sflag:$0x7] =	stream.linear.gather [spmem:s14], $0x4000, $0x38;
	[tilespmem:$0x1BE00] =	vst v63  }
0xb9: {  	_ =	swait.ge [sflag:s22], $0x4000  }
0xba: {  	s12 =	rddreg [dreg:$0x6]  }
0xbb: {  	s6 =	sadd.s32 s12, s2  }
0xbc: {  	[sflag:s22] =	ssyncset.done $0x0;
	s6 =	sshrl.u32 s6, $0x3  }
0xbd: {  	[sflag:s22] =	ssyncadd.s32 $0xFFFFC000;
	s6 =	sadd.s32 s7, s6  }
0xbe: {  	[hbm4b:s6+s4] =	stream.linear.scatter [tilespmem:s21], [sflag:$0x7], $0x4000, $0x38;
	[tilespmem:$0x1BE00] =	vst v63  }
0xbf: {  	_ =	swait.ge [sflag:s22], $0x4000  }
0xc0: {  	[sflag:s22] =	ssyncset.done $0x0  }
0xc1: {  	[sflag:s22] =	ssyncadd.s32 $0xFFFFC000  }
0xc2: {  	[tilespmem:s21], [sflag:$0x7] =	stream.linear.gather [spmem:s16], $0x3C00, $0x38;
	[tilespmem:$0x1BE00] =	vst v63  }
0xc3: {  	s18 =	sadd.s32 $0x1, s18;
	s2 =	sadd.s32 s17, s2;
	_ =	swait.ge [sflag:s22], $0x3C00  }
0xc4: {  	p0 =	sne.s32 s18, $0x10;
	s2 =	sshrl.u32 s2, $0x3;
	[sflag:s22] =	ssyncset.done $0x0  }
.Ltmp1:
0xc5: {  	s2 =	sadd.s32 s7, s2;
	[sflag:s22] =	ssyncadd.s32 $0xFFFFC400;
	(pc) =	sbr.rel @p0 .LBB2_2-.Ltmp1, $4  }
0xc6: {  	[hbm4b:s2+s4] =	stream.linear.scatter [tilespmem:s21], [sflag:$0x7], $0x3C00, $0x38;
	[tilespmem:$0x1BE00] =	vst v63  }
0xc7: {  	_ =	swait.ge [sflag:s22], $0x3C00  }
0xc8: {  	[sflag:s22] =	ssyncset.done $0x0  }
0xc9: {  	s19 =	sadd.s32 $0x5000, s19;
	s20 =	sadd.s32 $0x5000, s20;
	[sflag:s22] =	ssyncadd.s32 $0xFFFFC400  }
0xca: {  	s6 =	rddreg [dreg:$0xb]  }
0xcb: {  	s2 =	rddreg [dreg:$0x8];
	s6 =	sadd.s32 $0x1, s6  }
0xcc: {  	p0 =	sne.s32 s6, s2  }
.Ltmp2:
0xcd: {  	_ = 	snop;
	(pc) =	sbr.rel @p0 .LBB2_1-.Ltmp2, $1  }
0xce: {  	_ =	sdelay $0x3  }
0xcf: {  	_ =	sfence.sel $0x180000  }
0xd0: {  	[bflag:$0x0] =	sbarrier.arrive $0xFFFF  }
0xd1: {  	_ =	strace $0x90000047  }
0xd2: {  	s0 =	stileid.u32;
	[bflag:$0x2] =	sbarrier.arrive $0xFFFF  }
0xd3: {  	p0 =	sne.s32 s0, $0x0;
	s0 =	rddreg [dreg:$0x3]  }
0xd4: {  	s0 =	sadd.s32 @!p0 $0x100000, s0  }
0xd5: {  	[sflag:s0] =	ssyncadd.tile.s32 @!p0 $0x1;
	_ =	shalt  }
.Lfunc_end2:
_tile_overlayer_lowered:
.L_overlay_start_2:
0xd6: {  	(tag) =	ssettag $0x2  }
0xd7: {  	s0 =	rddreg [dreg:$0x0];
	s2 =	stileid.u32  }
0xd8: {  	s1 =	rddreg [dreg:$0x1];
	p0 =	sne.s32 s2, $0x0  }
0xd9: {  	s3 =	rddreg [dreg:$0x2];
	[bflag:$0x3] =	sbarrier.arrive $0xFFFF;
	s2 =	simm.s32 @!p0 $0x1C07  }
0xda: {  	[timem:s3], [sflag:s2] =	dma.local @!p0 [hbm:s0], s1  }
0xdb: {  	s0 =	simm.s32 @!p0 $0x7  }
0xdc: {  	_ =	swait.ge @!p0 [sflag:s0], s1  }
0xdd: {  	s1 =	ssub.s32 @!p0 $0x0, s1;
	[sflag:s0] =	ssyncset.done @!p0 $0x0  }
0xde: {  	[sflag:s0] =	ssyncadd.s32 @!p0 s1  }
0xdf: {  	[bflag:$0x3] =	sbarrier.arrive $0xFFFF  }
0xe0: {  	_ =	shalt  }

// kernel: kernel.15.cloned.1.call-start
scs
__scs_entry_jumppad:
0x0: {  	(pc) =	sbr.rel $0x88, $3  }
0x1: {  	(tag) =	ssettag $0x0;
	lr =	simm.s32 $0x1  }
0x2: {  	[smem:$0x3F7A] =	sst lr;
	_ =	strace $0xD0000000  }
0x3: {  	_ = 	snop  }
0x4: {  	_ = 	snop  }
0x5: {  	_ = 	snop  }
0x6: {  	_ = 	snop  }
0x7: {  	_ = 	snop  }
__scs_overlays_trampoline_lowered:
0x8: {  	[smem:$0x3F89] =	sst s0  }
0x9: {  	[smem:$0x3F8A] =	sst s1  }
0xa: {  	[smem:$0x3F8B] =	sst s2  }
0xb: {  	[smem:$0x3F8C] =	sst s3  }
0xc: {  	[smem:$0x3F8D] =	sst s4  }
0xd: {  	[smem:$0x3F8E] =	sst s5  }
0xe: {  	[smem:$0x3F8F] =	sst s6  }
0xf: {  	[smem:$0x3F90] =	sst s7  }
0x10: {  	[smem:$0x3F91] =	sst s8  }
0x11: {  	[smem:$0x3F92] =	sst s9;
	s0 =	simm.s32 @!p0 $0x0  }
0x12: {  	s1 =	sld [smem:$0x3F78];
	s0 =	simm.s32 @p0 $0x1  }
0x13: {  	[smem:$0x3F93] =	sst s0;
	s0 =	simm.s32 @!p1 $0x0  }
0x14: {  	s2 =	sld [smem:$0x3F77];
	s0 =	simm.s32 @p1 $0x1  }
0x15: {  	[smem:$0x3F94] =	sst s0;
	s0 =	simm.s32 @!p2 $0x0  }
0x16: {  	s3 =	sld [smem:$0x3FDB];
	s0 =	simm.s32 @p2 $0x1  }
0x17: {  	s4 =	simm.s32 $0x1BF5;
	[smem:$0x3F96] =	sst s0  }
0x18: {  	s0 =	sld [smem:$0x3F79];
	_ =	swait.ge [sflag:s4], $0x0  }
0x19: {  	s7 =	sld [smem:$0x3F7A]  }
0x1a: {  	s8 =	sadd.s32 $0xFFFFE003, lr  }
0x1b: {  	s9 =	sadd.s32 $0xFFFFFEF7, lr;
	s5 =	simm.s32 $0xFFFFFFFF;
	p2 =	slt.u32 s8, $0xFFFFF086  }
0x1c: {  	p1 =	slt.u32 s9, $0xF7A;
	s5 =	simm.s32 @!p2 $0x0  }
0x1d: {  	s5 =	simm.s32 @p1 $0x1;
	p0 =	seq.s32 s7, s2  }
0x1e: {  	s7 =	smul.u32 @!p0 $0xF7A, s2;
	p2 =	seq.s32 @!p0 s5, $0x0  }
0x1f: {  	s9 =	smul.u32 $0xF7A, s1;
	s8 =	simm.s32 @!p0 $0x1BF5;
	p2 =	por !p2, p0  }
0x20: {  	[sflag:s8] =	ssyncset.s32 @!p0 $0xFFFFF086;
	s6 =	sadd.s32 @!p0 s3, s7;
	s7 =	simm.s32 @!p0 $0x108  }
0x21: {  	s3 =	sadd.s32 s3, s9;
	s6 =	sadd.s32 @!p0 $0x88, s6;
	s7 =	simm.s32 @p2 $0x1082  }
0x22: {  	[simem:s7], [sflag:s8] =	dma.local @!p0 [hbm:s6], $0xF7A  }
0x23: {  	s9 =	sor.u32 $0xD0000000, s2;
	s6 =	simm.s32 $0x108;
	_ =	swait.ge @!p0 [sflag:s8], $0x0  }
0x24: {  	s3 =	sadd.s32 $0x88, s3;
	s6 =	simm.s32 @!p1 $0x1082;
	[sflag:s4] =	ssyncset.s32 $0xFFFFF086  }
0x25: {  	[simem:s6], [sflag:s4] =	dma.local [hbm:s3], $0xF7A  }
0x26: {  	[smem:$0x3F7A] =	sst s1;
	(tag) =	ssettag s2;
	_ =	strace s9  }
0x27: {  	s1 =	sld [smem:$0x3F8A]  }
0x28: {  	s2 =	sld [smem:$0x3F8B]  }
0x29: {  	s4 =	sld [smem:$0x3F8D]  }
0x2a: {  	p0 =	seq.s32 s5, $0x0;
	s5 =	sld [smem:$0x3F8E]  }
0x2b: {  	s6 =	sld [smem:$0x3F8F]  }
0x2c: {  	s7 =	sld [smem:$0x3F90]  }
0x2d: {  	s3 =	simm.s32 $0x108;
	s8 =	sld [smem:$0x3F91]  }
0x2e: {  	s3 =	simm.s32 @!p0 $0x1082;
	s9 =	sld [smem:$0x3F92]  }
0x2f: {  	lr =	sadd.s32 s0, s3;
	s0 =	sld [smem:$0x3F89]  }
0x30: {  	s3 =	sld [smem:$0x3F8C]  }
0x31: {  	[smem:$0x3F95] =	sst s10  }
0x32: {  	s10 =	sld [smem:$0x3F93];
	_ =	sdelay $0x3  }
0x33: {  	p0 =	seq.s32 s10, $0x1;
	s10 =	sld [smem:$0x3F95];
	_ =	sdelay $0x3  }
0x34: {  	[smem:$0x3F95] =	sst s10  }
0x35: {  	s10 =	sld [smem:$0x3F94];
	_ =	sdelay $0x3  }
0x36: {  	p1 =	seq.s32 s10, $0x1;
	s10 =	sld [smem:$0x3F95];
	_ =	sdelay $0x3  }
0x37: {  	[smem:$0x3F95] =	sst s10  }
0x38: {  	s10 =	sld [smem:$0x3F96]  }
0x39: {  	_ = 	snop;
	(pc) =	sbr.ind lr, $3  }
0x3a: {  	_ = 	snop  }
0x3b: {  	_ = 	snop  }
0x3c: {  	p2 =	seq.s32 s10, $0x1;
	s10 =	sld [smem:$0x3F95]  }
0x3d: {  	_ =	shalt  }
0x3e: {  	_ =	shalt  }
0x3f: {  	_ =	shalt  }
0x40: {  	_ =	shalt  }
0x41: {  	_ =	shalt  }
0x42: {  	_ =	shalt  }
0x43: {  	_ =	shalt  }
0x44: {  	_ =	shalt  }
0x45: {  	_ =	shalt  }
0x46: {  	_ =	shalt  }
0x47: {  	_ =	shalt  }
0x48: {  	_ =	shalt  }
0x49: {  	_ =	shalt  }
0x4a: {  	_ =	shalt  }
0x4b: {  	_ =	shalt  }
0x4c: {  	_ =	shalt  }
0x4d: {  	_ =	shalt  }
0x4e: {  	_ =	shalt  }
0x4f: {  	_ =	shalt  }
0x50: {  	_ =	shalt  }
0x51: {  	_ =	shalt  }
0x52: {  	_ =	shalt  }
0x53: {  	_ =	shalt  }
0x54: {  	_ =	shalt  }
0x55: {  	_ =	shalt  }
0x56: {  	_ =	shalt  }
0x57: {  	_ =	shalt  }
0x58: {  	_ =	shalt  }
0x59: {  	_ =	shalt  }
0x5a: {  	_ =	shalt  }
0x5b: {  	_ =	shalt  }
0x5c: {  	_ =	shalt  }
0x5d: {  	_ =	shalt  }
0x5e: {  	_ =	shalt  }
0x5f: {  	_ =	shalt  }
0x60: {  	_ =	shalt  }
0x61: {  	_ =	shalt  }
0x62: {  	_ =	shalt  }
0x63: {  	_ =	shalt  }
0x64: {  	_ =	shalt  }
0x65: {  	_ =	shalt  }
0x66: {  	_ =	shalt  }
0x67: {  	_ =	shalt  }
0x68: {  	_ =	shalt  }
0x69: {  	_ =	shalt  }
0x6a: {  	_ =	shalt  }
0x6b: {  	_ =	shalt  }
0x6c: {  	_ =	shalt  }
0x6d: {  	_ =	shalt  }
0x6e: {  	_ =	shalt  }
0x6f: {  	_ =	shalt  }
0x70: {  	_ =	shalt  }
0x71: {  	_ =	shalt  }
0x72: {  	_ =	shalt  }
0x73: {  	_ =	shalt  }
0x74: {  	_ =	shalt  }
0x75: {  	_ =	shalt  }
0x76: {  	_ =	shalt  }
0x77: {  	_ =	shalt  }
0x78: {  	_ =	shalt  }
0x79: {  	_ =	shalt  }
0x7a: {  	_ =	shalt  }
0x7b: {  	_ =	shalt  }
0x7c: {  	_ =	shalt  }
0x7d: {  	_ =	shalt  }
0x7e: {  	_ =	shalt  }
0x7f: {  	_ =	shalt  }
0x80: {  	_ =	shalt  }
0x81: {  	_ =	shalt  }
0x82: {  	_ =	shalt  }
0x83: {  	_ =	shalt  }
0x84: {  	_ =	shalt  }
0x85: {  	_ =	shalt  }
0x86: {  	_ =	shalt  }
0x87: {  	_ =	shalt  }
.Lfunc_end0:
.L_simem_size_0:
called_computation.2_lowered:
.L_overlay_start_0:
0x88: {  	s2 =	sld [smem:$0x3FD9]  }
0x89: {  	s3 =	sld [smem:$0x3FFE];
	_ =	sdelay $0x1  }
0x8a: {  	s1 =	srdreg.scid  }
0x8b: {  	s0 =	sand.u32 $0x1, s1  }
0x8c: {  	s14 =	sshll.u32 s0, $0xA;
	s2 =	sadd.s32 s3, s2  }
0x8d: {  	s2 =	sadd.s32 s2, s14  }
0x8e: {  	[smem:$0x3FA1] =	sst s2  }
0x8f: {  	_ = 	snop  }
0x90: {  	s2 =	sld [smem:$0x3FD0];
	_ =	sdelay $0x2  }
0x91: {  	s15 =	simm.s32 $0xB;
	s4 =	simm.s32 $0x10  }
0x92: {  	[smem:s4], [sflag:s15] =	dma.local [hbm:s2], $0x1  }
0x93: {  	_ =	swait.eq [sflag:s15], $0x1  }
0x94: {  	[sflag:s15] =	ssyncset.done $0x0  }
0x95: {  	[sflag:s15] =	ssyncadd.s32 $0xFFFFFFFF  }
0x96: {  	s16 =	sld [smem:$0x11];
	(tm) =	ssettm $0x1  }
0x97: {  	s17 =	sld [smem:$0x3FFB];
	_ =	sdelay $0x3  }
0x98: {  	_ =	strace s17  }
0x99: {  	s3 =	sld [smem:$0x3FFC];
	_ =	sdelay $0x3  }
0x9a: {  	_ =	strace s3  }
0x9b: {  	s3 =	sld [smem:$0x3FFD];
	_ =	sdelay $0x3  }
0x9c: {  	_ =	strace s3  }
0x9d: {  	_ =	strace $0x8FFFFFFF  }
0x9e: {  	s18 =	sld [smem:$0x3FDB];
	_ =	sdelay $0x1  }
0x9f: {  	s19 =	simm.s32 $_scs_section_size  }
0xa0: {  	s5 =	simm.s32 $_size__tile_overlayer_lowered;
	s6 =	simm.s32 $_tile_overlayer_lowered  }
0xa1: {  	s22 =	simm.s32 $0x1BFF;
	s21 =	sshll.u32 s6, $0x1;
	s3 =	sadd.s32 s19, s18  }
0xa2: {  	s7 =	simm.s32 $0x0;
	s20 =	sshll.u32 s5, $0x1;
	s5 =	sadd.s32 s21, s3  }
0xa3: {  	[timem:s7], [sflag:s22] =	dma.local [hbm:s5], s20  }
0xa4: {  	_ =	swait.ge [sflag:s22], s20  }
0xa5: {  	s4 =	ssub.s32 $0x0, s20;
	[sflag:s22] =	ssyncset.done $0x0  }
0xa6: {  	[sflag:s22] =	ssyncadd.s32 s4;
	_ =	sdelay $0x1  }
0xa7: {  	s23 =	simm.s32 $0x1B8B  }
0xa8: {  	_ =	swait.ge [sflag:s23], $0x1  }
0xa9: {  	[sflag:s23] =	ssyncset.done $0x0  }
0xaa: {  	s25 =	simm.s32 $0x1B8E;
	s24 =	sld [smem:$0x3FFE];
	[sflag:s23] =	ssyncadd.s32 $0xFFFFFFFF  }
0xab: {  	s26 =	simm.s32 $execute0_lowered;
	[smem:$0x3FD2] =	sst s25  }
0xac: {  	s5 =	sshll.u32 s26, $0x1;
	_ =	strace $0x8000004C;
	[dreg:$0x1] =	wrdreg $0xFFFFFFFF  }
0xad: {  	s28 =	simm.s32 $_size_execute0_lowered;
	s3 =	sadd.s32 s3, s5;
	[dreg:$0x0] =	wrdreg $0x0  }
0xae: {  	s5 =	sshll.u32 s28, $0x1;
	[dreg:$0x2] =	wrdreg s3  }
0xaf: {  	[dreg:$0x3] =	wrdreg s5  }
0xb0: {  	[dreg:$0x4] =	wrdreg $0xC0  }
0xb1: {  	_ =	task [dreg:s7], $0x5FFFF  }
0xb2: {  	[dreg:$0x1] =	wrdreg $0xFFFFFFFF  }
0xb3: {  	[dreg:$0x0] =	wrdreg $0x60  }
0xb4: {  	[dreg:$0x2] =	wrdreg s24  }
0xb5: {  	[dreg:$0x3] =	wrdreg s16  }
0xb6: {  	[dreg:$0x4] =	wrdreg $0x82000  }
0xb7: {  	[dreg:$0x5] =	wrdreg $0x9  }
0xb8: {  	_ =	task.clear_ibuf [dreg:s7], $0x6FFFF;
	_ =	strace $0x9000004C  }
0xb9: {  	s29 =	simm.s32 $0x9;
	_ =	strace $0x8000004E  }
0xba: {  	_ =	swait.ge [sflag:s29], $0x1  }
0xbb: {  	[sflag:s29] =	ssyncadd.s32 $0xFFFFFFFF  }
0xbc: {  	_ =	strace $0x9000004E  }
0xbd: {  	_ =	sfence  }
0xbe: {  	s30 =	sld [smem:$0x0];
	_ =	sdelay $0x2  }
0xbf: {  	s31 =	sshll.u32 s1, $0xD;
	s1 =	sshrl.u32 s1, $0x2  }
0xc0: {  	s3 =	sand.u32 $0x4000, s31;
	s1 =	sadd.s32 s1, s30  }
0xc1: {  	s0 =	sor.u32 s3, s0;
	s1 =	sshll.u32 s1, $0x11  }
0xc2: {  	s0 =	sor.u32 s1, s0  }
0xc3: {  	s0 =	sadd.s32 $0x8F2B, s0  }
0xc4: {  	[sflag:s0] =	ssyncadd.remote.s32 $0x1  }
0xc5: {  	_ =	sfence.sel $0xFFFF  }
0xc6: {  	[dreg:$0x0] =	wrdreg $0xFFFFFFFF;
	(pc) =	sbr.abs _section_cstart, $3  }
0xc7: {  	[dreg:$0x1] =	wrdreg $0xFFFFFFFF  }
0xc8: {  	_ =	task.clear_ibuf [dreg:s7], $0x2FFFF;
	_ =	strace $0x9FFFFFFF  }
0xc9: {  	(tm) =	ssettm $0x7FFFFFFF  }
tec
execute0_lowered:
.L_overlay_start_1:
0x0: {  	(tag) =	ssettag $0x1  }
0x1: {  	s0 =	rddreg [dreg:$0x0];
	s1 =	srdreg.scid  }
0x2: {  	s7 =	stileid.u32;
	s3 =	rddreg [dreg:$0x2];
	s4 =	simm.s32 $0x0  }
0x3: {  	s28 =	simm.s32 $0x2;
	s29 =	simm.s32 $0x4200;
	s2 =	smul.u32 $0x2800, s7  }
0x4: {  	s30 =	simm.s32 $0x3;
	s31 =	simm.s32 $0x4;
	s6 =	smul.u32 $0x4F000, s7  }
0x5: {  	s1 =	sand.u32 $0x1, s1;
	[smem:$0x7FF] =	sst s4;
	s9 =	smul.u32 $0x13C00, s7  }
0x6: {  	s7 =	sadd.s32 $0x80FC00, s0;
	s5 =	smul.u32 $0x1400, s1;
	s8 =	ssub.s32 $0x2, s1  }
0x7: {  	_ =	strace $0x8000004D;
	s1 =	smul.u32 $0x13C000, s1;
	s21 =	sshrl.u32 s8, $0x1  }
0x8: {  	s6 =	sshrl.u32 s6, $0x2;
	s22 =	sadd.s32 $0x4000, s9;
	s23 =	sadd.s32 $0x8000, s9  }
0x9: {  	s11 =	sadd.s32 $0xC000, s9;
	s15 =	smov.u32 s9;
	s24 =	sadd.s32 $0x10000, s9  }
0xa: {  	s2 =	sadd.s32 s5, s2;
	s5 =	sadd.s32 $0x597C00, s0;
	[dreg:$0x4] =	wrdreg s22  }
0xb: {  	s10 =	sadd.s32 s22, s3;
	[dreg:$0x5] =	wrdreg s23;
	s13 =	sadd.s32 s23, s3  }
0xc: {  	[dreg:$0x6] =	wrdreg s11;
	s14 =	sadd.s32 s11, s3;
	s17 =	smov.u32 s24  }
0xd: {  	s16 =	sadd.s32 s24, s3;
	[dreg:$0x7] =	wrdreg s1;
	s2 =	sshrl.u32 s2, $0x3  }
0xe: {  	s22 =	simm.s32 $0x7;
	s2 =	sadd.s32 s2, s0;
	s0 =	ssub.s32 s8, s21  }
0xf: {  	s23 =	simm.s32 $0x80;
	s24 =	simm.s32 $0x100;
	s0 =	smax.u32 s0, $0x1  }
0x10: {  	s1 =	simm.s32 $0x5;
	s25 =	sadd.s32 $0x57C00, s2;
	[dreg:$0x8] =	wrdreg s0  }
0x11: {  	s8 =	sadd.s32 s6, s3;
	s26 =	sadd.s32 $0x7C00, s2;
	[dreg:$0x9] =	wrdreg s25  }
0x12: {  	s21 =	simm.s32 $0x200;
	s6 =	simm.s32 $0x0;
	[dreg:$0xa] =	wrdreg s26  }
0x13: {  	s25 =	simm.s32 $0x180;
	s26 =	simm.s32 $0x1;
	s0 =	simm.s32 $0x6  }
.LBB2_1:
0x14: {  	[dreg:$0xb] =	wrdreg s6  }
0x15: {  	s2 =	rddreg [dreg:$0x1]  }
0x16: {  	[tilespmem:s21], [sflag:$0x7] =	stream.linear.gather [hbm4b:s2+s4], $0x4000, $0x38;
	[tilespmem:$0x1BE00] =	vst v63  }
0x17: {  	_ =	swait.ge [sflag:s22], $0x4000  }
0x18: {  	[sflag:s22] =	ssyncset.done $0x0  }
0x19: {  	[sflag:s22] =	ssyncadd.s32 $0xFFFFC000  }
0x1a: {  	[spmem:s8] =	stream.linear.scatter [tilespmem:s21], [sflag:$0x7], $0x4000, $0x38;
	[tilespmem:$0x1BE00] =	vst v63  }
0x1b: {  	_ =	swait.ge [sflag:s22], $0x4000  }
0x1c: {  	[sflag:s22] =	ssyncset.done $0x0  }
0x1d: {  	[sflag:s22] =	ssyncadd.s32 $0xFFFFC000  }
0x1e: {  	[spmem:s10] =	stream.linear.scatter [tilespmem:s21], [sflag:$0x7], $0x4000, $0x38;
	[tilespmem:$0x1BE00] =	vst v63  }
0x1f: {  	_ =	swait.ge [sflag:s22], $0x4000  }
0x20: {  	[sflag:s22] =	ssyncset.done $0x0  }
0x21: {  	[sflag:s22] =	ssyncadd.s32 $0xFFFFC000  }
0x22: {  	[spmem:s13] =	stream.linear.scatter [tilespmem:s21], [sflag:$0x7], $0x4000, $0x38;
	[tilespmem:$0x1BE00] =	vst v63  }
0x23: {  	_ =	swait.ge [sflag:s22], $0x4000  }
0x24: {  	[sflag:s22] =	ssyncset.done $0x0  }
0x25: {  	[sflag:s22] =	ssyncadd.s32 $0xFFFFC000  }
0x26: {  	[spmem:s14] =	stream.linear.scatter [tilespmem:s21], [sflag:$0x7], $0x4000, $0x38;
	[tilespmem:$0x1BE00] =	vst v63  }
0x27: {  	_ =	swait.ge [sflag:s22], $0x4000  }
0x28: {  	[sflag:s22] =	ssyncset.done $0x0  }
0x29: {  	[sflag:s22] =	ssyncadd.s32 $0xFFFFC000  }
0x2a: {  	[spmem:s16] =	stream.linear.scatter [tilespmem:s21], [sflag:$0x7], $0x3C00, $0x38;
	[tilespmem:$0x1BE00] =	vst v63  }
0x2b: {  	_ =	swait.ge [sflag:s22], $0x3C00  }
0x2c: {  	[sflag:s22] =	ssyncset.done $0x0;
	s20 =	rddreg [dreg:$0xa]  }
0x2d: {  	s18 =	simm.s32 $0x0;
	s19 =	rddreg [dreg:$0x9];
	[sflag:s22] =	ssyncadd.s32 $0xFFFFC400  }
.LBB2_2:
0x2e: {  	[bflag:$0x0] =	sbarrier.arrive $0xFFFF;
	s2 =	sadd.s32 $0x0, s19  }
0x2f: {  	[tilespmem:s4], [sflag:$0x1] =	stream.linear.gather [hbm4b:s2+s4], $0x80, $0x38;
	[tilespmem:$0x1BE00] =	vst v63  }
0x30: {  	s6 =	sadd.s32 $0x0, s20  }
0x31: {  	[tilespmem:s23], [sflag:$0x1] =	stream.linear.gather [hbm4b:s6+s4], $0x80, $0x38;
	[tilespmem:$0x1BE00] =	vst v63  }
0x32: {  	s2 =	sadd.s32 $0x10, s2  }
0x33: {  	[tilespmem:s24], [sflag:$0x2] =	stream.linear.gather [hbm4b:s2+s4], $0x80, $0x38;
	[tilespmem:$0x1BE00] =	vst v63  }
0x34: {  	s12 =	sadd.s32 $0x10, s6  }
0x35: {  	[tilespmem:s25], [sflag:$0x2] =	stream.linear.gather [hbm4b:s12+s4], $0x80, $0x38;
	[tilespmem:$0x1BE00] =	vst v63  }
0x36: {  	_ =	swait.ge [sflag:s26], $0x80  }
0x37: {  	[sflag:s26] =	ssyncset.done $0x0  }
0x38: {  	[sflag:s26] =	ssyncadd.s32 $0xFFFFFF80  }
0x39: {  	_ =	swait.ge [sflag:s26], $0x80  }
0x3a: {  	[sflag:s26] =	ssyncset.done $0x0  }
0x3b: {  	[sflag:s26] =	ssyncadd.s32 $0xFFFFFF80  }
0x3c: {  	[tilespmem:s21], [sflag:$0x3] =	stream.indirect.gather [hbm4b:s5+s23], $0x80, s4, s23, $0xb8;
	[tilespmem:$0x1BE00] =	vst v63  }
0x3d: {  	_ =	swait.ge [sflag:s28], $0x80  }
0x3e: {  	[sflag:s28] =	ssyncset.done $0x0  }
0x3f: {  	[sflag:s28] =	ssyncadd.s32 $0xFFFFFF80  }
0x40: {  	_ =	swait.ge [sflag:s28], $0x80  }
0x41: {  	[sflag:s28] =	ssyncset.done $0x0  }
0x42: {  	[sflag:s28] =	ssyncadd.s32 $0xFFFFFF80  }
0x43: {  	[tilespmem:s29], [sflag:$0x4] =	stream.indirect.gather [hbm4b:s5+s23], $0x80, s24, s23, $0xb8;
	[tilespmem:$0x1BE00] =	vst v63  }
0x44: {  	_ =	swait.ge [sflag:s30], $0x4000  }
0x45: {  	[sflag:s30] =	ssyncset.done $0x0  }
0x46: {  	[sflag:s30] =	ssyncadd.s32 $0xFFFFC000  }
0x47: {  	[spmem:s3] =	stream.indirect.scatter.add.f32 [tilespmem:s21], [sflag:$0x5], $0x80, s23, s23, $0xb8;
	[tilespmem:$0x1BE00] =	vst v63  }
0x48: {  	_ =	swait.ge [sflag:s31], $0x4000  }
0x49: {  	[sflag:s31] =	ssyncset.done $0x0  }
0x4a: {  	[sflag:s31] =	ssyncadd.s32 $0xFFFFC000  }
0x4b: {  	[spmem:s3] =	stream.indirect.scatter.add.f32 [tilespmem:s29], [sflag:$0x6], $0x80, s25, s23, $0xb8;
	[tilespmem:$0x1BE00] =	vst v63  }
0x4c: {  	_ =	swait.ge [sflag:s1], $0x4000  }
0x4d: {  	[sflag:s1] =	ssyncset.done $0x0  }
0x4e: {  	[sflag:s1] =	ssyncadd.s32 $0xFFFFC000  }
0x4f: {  	_ =	swait.ge [sflag:s0], $0x4000  }
0x50: {  	s6 =	simm.s32 $0x40;
	s2 =	simm.s32 $0x20;
	[sflag:s0] =	ssyncset.done $0x0  }
.LBB2_3:
0x51: {  	s11 =	sadd.s32 s2, s19  }
0x52: {  	[sflag:s0] =	ssyncadd.s32 $0xFFFFC000;
	s12 =	smov.u32 s6;
	s9 =	sadd.s32 $0x20, s6  }
0x53: {  	[tilespmem:s4], [sflag:$0x1] =	stream.linear.gather [hbm4b:s11+s4], $0x80, $0x38;
	[tilespmem:$0x1BE00] =	vst v63  }
0x54: {  	p0 =	sne.s32 s6, $0x260;
	s6 =	sadd.s32 s2, s20;
	s2 =	smov.u32 s12  }
0x55: {  	[tilespmem:s23], [sflag:$0x1] =	stream.linear.gather [hbm4b:s6+s4], $0x80, $0x38;
	[tilespmem:$0x1BE00] =	vst v63  }
0x56: {  	s11 =	sadd.s32 $0x10, s11  }
0x57: {  	[tilespmem:s24], [sflag:$0x2] =	stream.linear.gather [hbm4b:s11+s4], $0x80, $0x38;
	[tilespmem:$0x1BE00] =	vst v63  }
0x58: {  	s6 =	sadd.s32 $0x10, s6  }
0x59: {  	[tilespmem:s25], [sflag:$0x2] =	stream.linear.gather [hbm4b:s6+s4], $0x80, $0x38;
	[tilespmem:$0x1BE00] =	vst v63  }
0x5a: {  	_ =	swait.ge [sflag:s26], $0x80  }
0x5b: {  	[sflag:s26] =	ssyncset.done $0x0  }
0x5c: {  	[sflag:s26] =	ssyncadd.s32 $0xFFFFFF80  }
0x5d: {  	_ =	swait.ge [sflag:s26], $0x80  }
0x5e: {  	[sflag:s26] =	ssyncset.done $0x0  }
0x5f: {  	[sflag:s26] =	ssyncadd.s32 $0xFFFFFF80  }
0x60: {  	[tilespmem:s21], [sflag:$0x3] =	stream.indirect.gather [hbm4b:s5+s23], $0x80, s4, s23, $0xb8;
	[tilespmem:$0x1BE00] =	vst v63  }
0x61: {  	_ =	swait.ge [sflag:s28], $0x80  }
0x62: {  	[sflag:s28] =	ssyncset.done $0x0  }
0x63: {  	[sflag:s28] =	ssyncadd.s32 $0xFFFFFF80  }
0x64: {  	_ =	swait.ge [sflag:s28], $0x80  }
0x65: {  	[sflag:s28] =	ssyncset.done $0x0  }
0x66: {  	[sflag:s28] =	ssyncadd.s32 $0xFFFFFF80  }
0x67: {  	[tilespmem:s29], [sflag:$0x4] =	stream.indirect.gather [hbm4b:s5+s23], $0x80, s24, s23, $0xb8;
	[tilespmem:$0x1BE00] =	vst v63  }
0x68: {  	_ =	swait.ge [sflag:s30], $0x4000  }
0x69: {  	[sflag:s30] =	ssyncset.done $0x0  }
0x6a: {  	[sflag:s30] =	ssyncadd.s32 $0xFFFFC000  }
0x6b: {  	[spmem:s3] =	stream.indirect.scatter.add.f32 [tilespmem:s21], [sflag:$0x5], $0x80, s23, s23, $0xb8;
	[tilespmem:$0x1BE00] =	vst v63  }
0x6c: {  	_ =	swait.ge [sflag:s31], $0x4000  }
0x6d: {  	[sflag:s31] =	ssyncset.done $0x0  }
0x6e: {  	[sflag:s31] =	ssyncadd.s32 $0xFFFFC000  }
0x6f: {  	[spmem:s3] =	stream.indirect.scatter.add.f32 [tilespmem:s29], [sflag:$0x6], $0x80, s25, s23, $0xb8;
	[tilespmem:$0x1BE00] =	vst v63  }
.Ltmp0:
0x70: {  	_ =	swait.ge [sflag:s1], $0x4000;
	(pc) =	sbr.rel @p0 .LBB2_3-.Ltmp0, $4  }
0x71: {  	[sflag:s1] =	ssyncset.done $0x0  }
0x72: {  	[sflag:s1] =	ssyncadd.s32 $0xFFFFC000  }
0x73: {  	_ =	swait.ge [sflag:s0], $0x4000  }
0x74: {  	s6 =	smov.u32 s9;
	[sflag:s0] =	ssyncset.done $0x0  }
0x75: {  	s6 =	sadd.s32 s2, s19;
	[sflag:s0] =	ssyncadd.s32 $0xFFFFC000  }
0x76: {  	[tilespmem:s4], [sflag:$0x1] =	stream.linear.gather [hbm4b:s6+s4], $0x80, $0x38;
	[tilespmem:$0x1BE00] =	vst v63  }
0x77: {  	s9 =	sadd.s32 s2, s20  }
0x78: {  	[tilespmem:s23], [sflag:$0x1] =	stream.linear.gather [hbm4b:s9+s4], $0x80, $0x38;
	[tilespmem:$0x1BE00] =	vst v63  }
0x79: {  	s6 =	sadd.s32 $0x10, s6  }
0x7a: {  	[tilespmem:s24], [sflag:$0x2] =	stream.linear.gather [hbm4b:s6+s4], $0x80, $0x38;
	[tilespmem:$0x1BE00] =	vst v63  }
0x7b: {  	s2 =	sadd.s32 $0x10, s9  }
0x7c: {  	[tilespmem:s25], [sflag:$0x2] =	stream.linear.gather [hbm4b:s2+s4], $0x80, $0x38;
	[tilespmem:$0x1BE00] =	vst v63  }
0x7d: {  	_ =	swait.ge [sflag:s26], $0x80  }
0x7e: {  	[sflag:s26] =	ssyncset.done $0x0  }
0x7f: {  	[sflag:s26] =	ssyncadd.s32 $0xFFFFFF80  }
0x80: {  	_ =	swait.ge [sflag:s26], $0x80  }
0x81: {  	[sflag:s26] =	ssyncset.done $0x0  }
0x82: {  	[sflag:s26] =	ssyncadd.s32 $0xFFFFFF80  }
0x83: {  	[tilespmem:s21], [sflag:$0x3] =	stream.indirect.gather [hbm4b:s5+s23], $0x80, s4, s23, $0xb8;
	[tilespmem:$0x1BE00] =	vst v63  }
0x84: {  	_ =	swait.ge [sflag:s28], $0x80  }
0x85: {  	[sflag:s28] =	ssyncset.done $0x0  }
0x86: {  	[sflag:s28] =	ssyncadd.s32 $0xFFFFFF80  }
0x87: {  	_ =	swait.ge [sflag:s28], $0x80  }
0x88: {  	[sflag:s28] =	ssyncset.done $0x0  }
0x89: {  	[sflag:s28] =	ssyncadd.s32 $0xFFFFFF80  }
0x8a: {  	[tilespmem:s29], [sflag:$0x4] =	stream.indirect.gather [hbm4b:s5+s23], $0x80, s24, s23, $0xb8;
	[tilespmem:$0x1BE00] =	vst v63  }
0x8b: {  	_ =	swait.ge [sflag:s30], $0x4000  }
0x8c: {  	[sflag:s30] =	ssyncset.done $0x0  }
0x8d: {  	[sflag:s30] =	ssyncadd.s32 $0xFFFFC000  }
0x8e: {  	[spmem:s3] =	stream.indirect.scatter.add.f32 [tilespmem:s21], [sflag:$0x5], $0x80, s23, s23, $0xb8;
	[tilespmem:$0x1BE00] =	vst v63  }
0x8f: {  	_ =	swait.ge [sflag:s31], $0x4000  }
0x90: {  	[sflag:s31] =	ssyncset.done $0x0  }
0x91: {  	[sflag:s31] =	ssyncadd.s32 $0xFFFFC000  }
0x92: {  	[spmem:s3] =	stream.indirect.scatter.add.f32 [tilespmem:s29], [sflag:$0x6], $0x80, s25, s23, $0xb8;
	[tilespmem:$0x1BE00] =	vst v63  }
0x93: {  	_ =	swait.ge [sflag:s1], $0x4000  }
0x94: {  	[sflag:s1] =	ssyncset.done $0x0  }
0x95: {  	[sflag:s1] =	ssyncadd.s32 $0xFFFFC000  }
0x96: {  	_ =	swait.ge [sflag:s0], $0x4000  }
0x97: {  	[sflag:s0] =	ssyncset.done $0x0  }
0x98: {  	[sflag:s0] =	ssyncadd.s32 $0xFFFFC000  }
0x99: {  	s11 =	smul.u32 $0x278000, s18;
	[bflag:$0x0] =	sbarrier.arrive $0xFFFF  }
0x9a: {  	[tilespmem:s21], [sflag:$0x7] =	stream.linear.gather [spmem:s8], $0x4000, $0x38;
	[tilespmem:$0x1BE00] =	vst v63  }
0x9b: {  	s12 =	rddreg [dreg:$0x7]  }
0x9c: {  	s2 =	sadd.s32 s12, s11  }
0x9d: {  	_ =	swait.ge [sflag:s22], $0x4000;
	s6 =	sadd.s32 s15, s2  }
0x9e: {  	[sflag:s22] =	ssyncset.done $0x0;
	s6 =	sshrl.u32 s6, $0x3  }
0x9f: {  	[sflag:s22] =	ssyncadd.s32 $0xFFFFC000;
	s6 =	sadd.s32 s7, s6  }
0xa0: {  	[hbm4b:s6+s4] =	stream.linear.scatter [tilespmem:s21], [sflag:$0x7], $0x4000, $0x38;
	[tilespmem:$0x1BE00] =	vst v63  }
0xa1: {  	_ =	swait.ge [sflag:s22], $0x4000  }
0xa2: {  	[sflag:s22] =	ssyncset.done $0x0  }
0xa3: {  	[sflag:s22] =	ssyncadd.s32 $0xFFFFC000  }
0xa4: {  	[tilespmem:s21], [sflag:$0x7] =	stream.linear.gather [spmem:s10], $0x4000, $0x38;
	[tilespmem:$0x1BE00] =	vst v63  }
0xa5: {  	_ =	swait.ge [sflag:s22], $0x4000  }
0xa6: {  	s9 =	rddreg [dreg:$0x4]  }
0xa7: {  	s6 =	sadd.s32 s9, s2  }
0xa8: {  	[sflag:s22] =	ssyncset.done $0x0;
	s6 =	sshrl.u32 s6, $0x3  }
0xa9: {  	[sflag:s22] =	ssyncadd.s32 $0xFFFFC000;
	s6 =	sadd.s32 s7, s6  }
0xaa: {  	[hbm4b:s6+s4] =	stream.linear.scatter [tilespmem:s21], [sflag:$0x7], $0x4000, $0x38;
	[tilespmem:$0x1BE00] =	vst v63  }
0xab: {  	_ =	swait.ge [sflag:s22], $0x4000  }
0xac: {  	[sflag:s22] =	ssyncset.done $0x0  }
0xad: {  	[sflag:s22] =	ssyncadd.s32 $0xFFFFC000  }
0xae: {  	[tilespmem:s21], [sflag:$0x7] =	stream.linear.gather [spmem:s13], $0x4000, $0x38;
	[tilespmem:$0x1BE00] =	vst v63  }
0xaf: {  	_ =	swait.ge [sflag:s22], $0x4000  }
0xb0: {  	s11 =	rddreg [dreg:$0x5]  }
0xb1: {  	s6 =	sadd.s32 s11, s2  }
0xb2: {  	[sflag:s22] =	ssyncset.done $0x0;
	s6 =	sshrl.u32 s6, $0x3  }
0xb3: {  	[sflag:s22] =	ssyncadd.s32 $0xFFFFC000;
	s6 =	sadd.s32 s7, s6  }
0xb4: {  	[hbm4b:s6+s4] =	stream.linear.scatter [tilespmem:s21], [sflag:$0x7], $0x4000, $0x38;
	[tilespmem:$0x1BE00] =	vst v63  }
0xb5: {  	_ =	swait.ge [sflag:s22], $0x4000  }
0xb6: {  	[sflag:s22] =	ssyncset.done $0x0  }
0xb7: {  	[sflag:s22] =	ssyncadd.s32 $0xFFFFC000  }
0xb8: {  	[tilespmem:s21], [sflag:$0x7] =	stream.linear.gather [spmem:s14], $0x4000, $0x38;
	[tilespmem:$0x1BE00] =	vst v63  }
0xb9: {  	_ =	swait.ge [sflag:s22], $0x4000  }
0xba: {  	s12 =	rddreg [dreg:$0x6]  }
0xbb: {  	s6 =	sadd.s32 s12, s2  }
0xbc: {  	[sflag:s22] =	ssyncset.done $0x0;
	s6 =	sshrl.u32 s6, $0x3  }
0xbd: {  	[sflag:s22] =	ssyncadd.s32 $0xFFFFC000;
	s6 =	sadd.s32 s7, s6  }
0xbe: {  	[hbm4b:s6+s4] =	stream.linear.scatter [tilespmem:s21], [sflag:$0x7], $0x4000, $0x38;
	[tilespmem:$0x1BE00] =	vst v63  }
0xbf: {  	_ =	swait.ge [sflag:s22], $0x4000  }
0xc0: {  	[sflag:s22] =	ssyncset.done $0x0  }
0xc1: {  	[sflag:s22] =	ssyncadd.s32 $0xFFFFC000  }
0xc2: {  	[tilespmem:s21], [sflag:$0x7] =	stream.linear.gather [spmem:s16], $0x3C00, $0x38;
	[tilespmem:$0x1BE00] =	vst v63  }
0xc3: {  	s18 =	sadd.s32 $0x1, s18;
	s2 =	sadd.s32 s17, s2;
	_ =	swait.ge [sflag:s22], $0x3C00  }
0xc4: {  	p0 =	sne.s32 s18, $0x10;
	s2 =	sshrl.u32 s2, $0x3;
	[sflag:s22] =	ssyncset.done $0x0  }
.Ltmp1:
0xc5: {  	s2 =	sadd.s32 s7, s2;
	[sflag:s22] =	ssyncadd.s32 $0xFFFFC400;
	(pc) =	sbr.rel @p0 .LBB2_2-.Ltmp1, $4  }
0xc6: {  	[hbm4b:s2+s4] =	stream.linear.scatter [tilespmem:s21], [sflag:$0x7], $0x3C00, $0x38;
	[tilespmem:$0x1BE00] =	vst v63  }
0xc7: {  	_ =	swait.ge [sflag:s22], $0x3C00  }
0xc8: {  	[sflag:s22] =	ssyncset.done $0x0  }
0xc9: {  	s19 =	sadd.s32 $0x5000, s19;
	s20 =	sadd.s32 $0x5000, s20;
	[sflag:s22] =	ssyncadd.s32 $0xFFFFC400  }
0xca: {  	s6 =	rddreg [dreg:$0xb]  }
0xcb: {  	s2 =	rddreg [dreg:$0x8];
	s6 =	sadd.s32 $0x1, s6  }
0xcc: {  	p0 =	sne.s32 s6, s2  }
.Ltmp2:
0xcd: {  	_ = 	snop;
	(pc) =	sbr.rel @p0 .LBB2_1-.Ltmp2, $1  }
0xce: {  	_ =	sdelay $0x3  }
0xcf: {  	_ =	sfence.sel $0x180000  }
0xd0: {  	[bflag:$0x0] =	sbarrier.arrive $0xFFFF  }
0xd1: {  	_ =	strace $0x9000004D  }
0xd2: {  	s0 =	stileid.u32;
	[bflag:$0x2] =	sbarrier.arrive $0xFFFF  }
0xd3: {  	p0 =	sne.s32 s0, $0x0;
	s0 =	rddreg [dreg:$0x3]  }
0xd4: {  	s0 =	sadd.s32 @!p0 $0x100000, s0  }
0xd5: {  	[sflag:s0] =	ssyncadd.tile.s32 @!p0 $0x1;
	_ =	shalt  }
.Lfunc_end2:
_tile_overlayer_lowered:
.L_overlay_start_2:
0xd6: {  	(tag) =	ssettag $0x2  }
0xd7: {  	s0 =	rddreg [dreg:$0x0];
	s2 =	stileid.u32  }
0xd8: {  	s1 =	rddreg [dreg:$0x1];
	p0 =	sne.s32 s2, $0x0  }
0xd9: {  	s3 =	rddreg [dreg:$0x2];
	[bflag:$0x3] =	sbarrier.arrive $0xFFFF;
	s2 =	simm.s32 @!p0 $0x1C07  }
0xda: {  	[timem:s3], [sflag:s2] =	dma.local @!p0 [hbm:s0], s1  }
0xdb: {  	s0 =	simm.s32 @!p0 $0x7  }
0xdc: {  	_ =	swait.ge @!p0 [sflag:s0], s1  }
0xdd: {  	s1 =	ssub.s32 @!p0 $0x0, s1;
	[sflag:s0] =	ssyncset.done @!p0 $0x0  }
0xde: {  	[sflag:s0] =	ssyncadd.s32 @!p0 s1  }
0xdf: {  	[bflag:$0x3] =	sbarrier.arrive $0xFFFF  }
0xe0: {  	_ =	shalt  }

// kernel: kernel.9.cloned.1.call-start
scs
__scs_entry_jumppad:
0x0: {  	(pc) =	sbr.rel $0x88, $3  }
0x1: {  	(tag) =	ssettag $0x0;
	lr =	simm.s32 $0x1  }
0x2: {  	[smem:$0x3F7A] =	sst lr;
	_ =	strace $0xD0000000  }
0x3: {  	_ = 	snop  }
0x4: {  	_ = 	snop  }
0x5: {  	_ = 	snop  }
0x6: {  	_ = 	snop  }
0x7: {  	_ = 	snop  }
__scs_overlays_trampoline_lowered:
0x8: {  	[smem:$0x3F89] =	sst s0  }
0x9: {  	[smem:$0x3F8A] =	sst s1  }
0xa: {  	[smem:$0x3F8B] =	sst s2  }
0xb: {  	[smem:$0x3F8C] =	sst s3  }
0xc: {  	[smem:$0x3F8D] =	sst s4  }
0xd: {  	[smem:$0x3F8E] =	sst s5  }
0xe: {  	[smem:$0x3F8F] =	sst s6  }
0xf: {  	[smem:$0x3F90] =	sst s7  }
0x10: {  	[smem:$0x3F91] =	sst s8  }
0x11: {  	[smem:$0x3F92] =	sst s9;
	s0 =	simm.s32 @!p0 $0x0  }
0x12: {  	s1 =	sld [smem:$0x3F78];
	s0 =	simm.s32 @p0 $0x1  }
0x13: {  	[smem:$0x3F93] =	sst s0;
	s0 =	simm.s32 @!p1 $0x0  }
0x14: {  	s2 =	sld [smem:$0x3F77];
	s0 =	simm.s32 @p1 $0x1  }
0x15: {  	[smem:$0x3F94] =	sst s0;
	s0 =	simm.s32 @!p2 $0x0  }
0x16: {  	s3 =	sld [smem:$0x3FDB];
	s0 =	simm.s32 @p2 $0x1  }
0x17: {  	s4 =	simm.s32 $0x1BF5;
	[smem:$0x3F96] =	sst s0  }
0x18: {  	s0 =	sld [smem:$0x3F79];
	_ =	swait.ge [sflag:s4], $0x0  }
0x19: {  	s7 =	sld [smem:$0x3F7A]  }
0x1a: {  	s8 =	sadd.s32 $0xFFFFE003, lr  }
0x1b: {  	s9 =	sadd.s32 $0xFFFFFEF7, lr;
	s5 =	simm.s32 $0xFFFFFFFF;
	p2 =	slt.u32 s8, $0xFFFFF086  }
0x1c: {  	p1 =	slt.u32 s9, $0xF7A;
	s5 =	simm.s32 @!p2 $0x0  }
0x1d: {  	s5 =	simm.s32 @p1 $0x1;
	p0 =	seq.s32 s7, s2  }
0x1e: {  	s7 =	smul.u32 @!p0 $0xF7A, s2;
	p2 =	seq.s32 @!p0 s5, $0x0  }
0x1f: {  	s9 =	smul.u32 $0xF7A, s1;
	s8 =	simm.s32 @!p0 $0x1BF5;
	p2 =	por !p2, p0  }
0x20: {  	[sflag:s8] =	ssyncset.s32 @!p0 $0xFFFFF086;
	s6 =	sadd.s32 @!p0 s3, s7;
	s7 =	simm.s32 @!p0 $0x108  }
0x21: {  	s3 =	sadd.s32 s3, s9;
	s6 =	sadd.s32 @!p0 $0x88, s6;
	s7 =	simm.s32 @p2 $0x1082  }
0x22: {  	[simem:s7], [sflag:s8] =	dma.local @!p0 [hbm:s6], $0xF7A  }
0x23: {  	s9 =	sor.u32 $0xD0000000, s2;
	s6 =	simm.s32 $0x108;
	_ =	swait.ge @!p0 [sflag:s8], $0x0  }
0x24: {  	s3 =	sadd.s32 $0x88, s3;
	s6 =	simm.s32 @!p1 $0x1082;
	[sflag:s4] =	ssyncset.s32 $0xFFFFF086  }
0x25: {  	[simem:s6], [sflag:s4] =	dma.local [hbm:s3], $0xF7A  }
0x26: {  	[smem:$0x3F7A] =	sst s1;
	(tag) =	ssettag s2;
	_ =	strace s9  }
0x27: {  	s1 =	sld [smem:$0x3F8A]  }
0x28: {  	s2 =	sld [smem:$0x3F8B]  }
0x29: {  	s4 =	sld [smem:$0x3F8D]  }
0x2a: {  	p0 =	seq.s32 s5, $0x0;
	s5 =	sld [smem:$0x3F8E]  }
0x2b: {  	s6 =	sld [smem:$0x3F8F]  }
0x2c: {  	s7 =	sld [smem:$0x3F90]  }
0x2d: {  	s3 =	simm.s32 $0x108;
	s8 =	sld [smem:$0x3F91]  }
0x2e: {  	s3 =	simm.s32 @!p0 $0x1082;
	s9 =	sld [smem:$0x3F92]  }
0x2f: {  	lr =	sadd.s32 s0, s3;
	s0 =	sld [smem:$0x3F89]  }
0x30: {  	s3 =	sld [smem:$0x3F8C]  }
0x31: {  	[smem:$0x3F95] =	sst s10  }
0x32: {  	s10 =	sld [smem:$0x3F93];
	_ =	sdelay $0x3  }
0x33: {  	p0 =	seq.s32 s10, $0x1;
	s10 =	sld [smem:$0x3F95];
	_ =	sdelay $0x3  }
0x34: {  	[smem:$0x3F95] =	sst s10  }
0x35: {  	s10 =	sld [smem:$0x3F94];
	_ =	sdelay $0x3  }
0x36: {  	p1 =	seq.s32 s10, $0x1;
	s10 =	sld [smem:$0x3F95];
	_ =	sdelay $0x3  }
0x37: {  	[smem:$0x3F95] =	sst s10  }
0x38: {  	s10 =	sld [smem:$0x3F96]  }
0x39: {  	_ = 	snop;
	(pc) =	sbr.ind lr, $3  }
0x3a: {  	_ = 	snop  }
0x3b: {  	_ = 	snop  }
0x3c: {  	p2 =	seq.s32 s10, $0x1;
	s10 =	sld [smem:$0x3F95]  }
0x3d: {  	_ =	shalt  }
0x3e: {  	_ =	shalt  }
0x3f: {  	_ =	shalt  }
0x40: {  	_ =	shalt  }
0x41: {  	_ =	shalt  }
0x42: {  	_ =	shalt  }
0x43: {  	_ =	shalt  }
0x44: {  	_ =	shalt  }
0x45: {  	_ =	shalt  }
0x46: {  	_ =	shalt  }
0x47: {  	_ =	shalt  }
0x48: {  	_ =	shalt  }
0x49: {  	_ =	shalt  }
0x4a: {  	_ =	shalt  }
0x4b: {  	_ =	shalt  }
0x4c: {  	_ =	shalt  }
0x4d: {  	_ =	shalt  }
0x4e: {  	_ =	shalt  }
0x4f: {  	_ =	shalt  }
0x50: {  	_ =	shalt  }
0x51: {  	_ =	shalt  }
0x52: {  	_ =	shalt  }
0x53: {  	_ =	shalt  }
0x54: {  	_ =	shalt  }
0x55: {  	_ =	shalt  }
0x56: {  	_ =	shalt  }
0x57: {  	_ =	shalt  }
0x58: {  	_ =	shalt  }
0x59: {  	_ =	shalt  }
0x5a: {  	_ =	shalt  }
0x5b: {  	_ =	shalt  }
0x5c: {  	_ =	shalt  }
0x5d: {  	_ =	shalt  }
0x5e: {  	_ =	shalt  }
0x5f: {  	_ =	shalt  }
0x60: {  	_ =	shalt  }
0x61: {  	_ =	shalt  }
0x62: {  	_ =	shalt  }
0x63: {  	_ =	shalt  }
0x64: {  	_ =	shalt  }
0x65: {  	_ =	shalt  }
0x66: {  	_ =	shalt  }
0x67: {  	_ =	shalt  }
0x68: {  	_ =	shalt  }
0x69: {  	_ =	shalt  }
0x6a: {  	_ =	shalt  }
0x6b: {  	_ =	shalt  }
0x6c: {  	_ =	shalt  }
0x6d: {  	_ =	shalt  }
0x6e: {  	_ =	shalt  }
0x6f: {  	_ =	shalt  }
0x70: {  	_ =	shalt  }
0x71: {  	_ =	shalt  }
0x72: {  	_ =	shalt  }
0x73: {  	_ =	shalt  }
0x74: {  	_ =	shalt  }
0x75: {  	_ =	shalt  }
0x76: {  	_ =	shalt  }
0x77: {  	_ =	shalt  }
0x78: {  	_ =	shalt  }
0x79: {  	_ =	shalt  }
0x7a: {  	_ =	shalt  }
0x7b: {  	_ =	shalt  }
0x7c: {  	_ =	shalt  }
0x7d: {  	_ =	shalt  }
0x7e: {  	_ =	shalt  }
0x7f: {  	_ =	shalt  }
0x80: {  	_ =	shalt  }
0x81: {  	_ =	shalt  }
0x82: {  	_ =	shalt  }
0x83: {  	_ =	shalt  }
0x84: {  	_ =	shalt  }
0x85: {  	_ =	shalt  }
0x86: {  	_ =	shalt  }
0x87: {  	_ =	shalt  }
.Lfunc_end0:
.L_simem_size_0:
called_computation_lowered:
.L_overlay_start_0:
0x88: {  	s2 =	sld [smem:$0x3FD9]  }
0x89: {  	s3 =	sld [smem:$0x3FFE];
	_ =	sdelay $0x1  }
0x8a: {  	s1 =	srdreg.scid  }
0x8b: {  	s0 =	sand.u32 $0x1, s1  }
0x8c: {  	s15 =	sshll.u32 s0, $0xA;
	s2 =	sadd.s32 s3, s2  }
0x8d: {  	s2 =	sadd.s32 s2, s15  }
0x8e: {  	[smem:$0x3FA1] =	sst s2  }
0x8f: {  	_ = 	snop  }
0x90: {  	s2 =	sld [smem:$0x3FD0];
	_ =	sdelay $0x2  }
0x91: {  	s16 =	simm.s32 $0xB;
	s4 =	simm.s32 $0x10  }
0x92: {  	[smem:s4], [sflag:s16] =	dma.local [hbm:s2], $0x1  }
0x93: {  	_ =	swait.eq [sflag:s16], $0x1  }
0x94: {  	[sflag:s16] =	ssyncset.done $0x0  }
0x95: {  	[sflag:s16] =	ssyncadd.s32 $0xFFFFFFFF  }
0x96: {  	s17 =	sld [smem:$0x11];
	(tm) =	ssettm $0x1  }
0x97: {  	s18 =	sld [smem:$0x3FFB];
	_ =	sdelay $0x3  }
0x98: {  	_ =	strace s18  }
0x99: {  	s2 =	sld [smem:$0x3FFC];
	_ =	sdelay $0x3  }
0x9a: {  	_ =	strace s2  }
0x9b: {  	s2 =	sld [smem:$0x3FFD];
	_ =	sdelay $0x3  }
0x9c: {  	_ =	strace s2  }
0x9d: {  	_ =	strace $0x8FFFFFFF  }
0x9e: {  	s19 =	sld [smem:$0x3FDB];
	_ =	sdelay $0x1  }
0x9f: {  	s20 =	simm.s32 $_scs_section_size  }
0xa0: {  	s5 =	simm.s32 $_size__tile_overlayer_lowered;
	s6 =	simm.s32 $_tile_overlayer_lowered  }
0xa1: {  	s7 =	simm.s32 $0x1BFF;
	s21 =	sshll.u32 s6, $0x1;
	s4 =	sadd.s32 s20, s19  }
0xa2: {  	s22 =	simm.s32 $0x0;
	s5 =	sshll.u32 s5, $0x1;
	s6 =	sadd.s32 s21, s4  }
0xa3: {  	[timem:s22], [sflag:s7] =	dma.local [hbm:s6], s5  }
0xa4: {  	_ =	swait.ge [sflag:s7], s5  }
0xa5: {  	s5 =	ssub.s32 $0x0, s5;
	[sflag:s7] =	ssyncset.done $0x0  }
0xa6: {  	[sflag:s7] =	ssyncadd.s32 s5;
	_ =	sdelay $0x1  }
0xa7: {  	s23 =	simm.s32 $0x1B8B  }
0xa8: {  	_ =	swait.ge [sflag:s23], $0x1  }
0xa9: {  	[sflag:s23] =	ssyncset.done $0x0  }
0xaa: {  	[sflag:s23] =	ssyncadd.s32 $0xFFFFFFFF  }
0xab: {  	s5 =	sld [smem:$0x0]  }
0xac: {  	s6 =	sand.u32 $0xFFFFFFFE, s1  }
0xad: {  	p0 =	sne.s32 s1, s6  }
0xae: {  	s6 =	sshll.u32 @p0 s6, $0xE  }
0xaf: {  	s6 =	sadd.s32 @p0 $0x11B8D, s6;
	s7 =	sshll.u32 @p0 s5, $0x11  }
0xb0: {  	s6 =	sor.u32 @p0 s7, s6  }
0xb1: {  	[sflag:s6] =	ssyncadd.remote.s32 @p0 $0x1;
	_ =	sdelay $0x1  }
0xb2: {  	s6 =	simm.s32 @p0 $0x1B8D  }
0xb3: {  	_ =	swait.eq @p0 [sflag:s6], $0x1  }
0xb4: {  	[sflag:s6] =	ssyncadd.s32 @p0 $0xFFFFFFFF  }
0xb5: {  	s7 =	sshll.u32 @!p0 s1, $0xE  }
0xb6: {  	s7 =	sor.u32 @!p0 $0x4000, s7;
	s6 =	simm.s32 @!p0 $0x1B8D  }
0xb7: {  	s5 =	sshll.u32 @!p0 s5, $0x11;
	s7 =	sadd.s32 @!p0 $0x11B8D, s7;
	_ =	swait.eq @!p0 [sflag:s6], $0x1  }
0xb8: {  	s5 =	sor.u32 @!p0 s5, s7;
	[sflag:s6] =	ssyncadd.s32 @!p0 $0xFFFFFFFF  }
0xb9: {  	s25 =	simm.s32 $0x1B8E;
	s24 =	sld [smem:$0x3FFE];
	[sflag:s5] =	ssyncadd.remote.s32 @!p0 $0x1  }
0xba: {  	s26 =	simm.s32 $execute0_lowered;
	[smem:$0x3FD2] =	sst s25  }
0xbb: {  	s6 =	sshll.u32 s26, $0x1;
	_ =	strace $0x80000049;
	[dreg:$0x1] =	wrdreg $0xFFFFFFFF  }
0xbc: {  	s28 =	simm.s32 $_size_execute0_lowered;
	s4 =	sadd.s32 s4, s6;
	[dreg:$0x0] =	wrdreg $0x0  }
0xbd: {  	s6 =	sshll.u32 s28, $0x1;
	[dreg:$0x2] =	wrdreg s4  }
0xbe: {  	[dreg:$0x3] =	wrdreg s6  }
0xbf: {  	[dreg:$0x4] =	wrdreg $0xC0  }
0xc0: {  	_ =	task [dreg:s22], $0x5FFFF  }
0xc1: {  	[dreg:$0x1] =	wrdreg $0xFFFFFFFF  }
0xc2: {  	[dreg:$0x0] =	wrdreg $0x60  }
0xc3: {  	[dreg:$0x2] =	wrdreg s24  }
0xc4: {  	[dreg:$0x3] =	wrdreg s17  }
0xc5: {  	[dreg:$0x4] =	wrdreg $0x41000  }
0xc6: {  	[dreg:$0x5] =	wrdreg $0x9  }
0xc7: {  	_ =	task.clear_ibuf [dreg:s22], $0x6FFFF;
	_ =	strace $0x90000049  }
0xc8: {  	s29 =	simm.s32 $0x9;
	_ =	strace $0x8000004B  }
0xc9: {  	_ =	swait.ge [sflag:s29], $0x1  }
0xca: {  	[sflag:s29] =	ssyncadd.s32 $0xFFFFFFFF  }
0xcb: {  	_ =	strace $0x9000004B  }
0xcc: {  	_ =	sfence  }
0xcd: {  	s30 =	sld [smem:$0x0];
	_ =	sdelay $0x2  }
0xce: {  	s31 =	sshll.u32 s1, $0xD;
	s1 =	sshrl.u32 s1, $0x2  }
0xcf: {  	s4 =	sand.u32 $0x4000, s31;
	s1 =	sadd.s32 s1, s30  }
0xd0: {  	s0 =	sor.u32 s4, s0;
	s1 =	sshll.u32 s1, $0x11  }
0xd1: {  	s0 =	sor.u32 s1, s0  }
0xd2: {  	s0 =	sadd.s32 $0x8F2B, s0  }
0xd3: {  	[sflag:s0] =	ssyncadd.remote.s32 $0x1  }
0xd4: {  	_ =	sfence.sel $0xFFFF  }
0xd5: {  	[dreg:$0x0] =	wrdreg $0xFFFFFFFF;
	(pc) =	sbr.abs _section_cstart, $3  }
0xd6: {  	[dreg:$0x1] =	wrdreg $0xFFFFFFFF  }
0xd7: {  	_ =	task.clear_ibuf [dreg:s22], $0x2FFFF;
	_ =	strace $0x9FFFFFFF  }
0xd8: {  	(tm) =	ssettm $0x7FFFFFFF  }
0xd9: {  	_ =	shalt  }
tec
execute0_lowered:
.L_overlay_start_1:
0x0: {  	(tag) =	ssettag $0x1  }
0x1: {  	s1 =	srdreg.scid;
	s7 =	rddreg [dreg:$0x0]  }
0x2: {  	s0 =	stileid.u32;
	s3 =	rddreg [dreg:$0x2];
	s4 =	simm.s32 $0x0  }
0x3: {  	s20 =	simm.s32 $0x100;
	s21 =	simm.s32 $0x5;
	s22 =	simm.s32 $0x80  }
0x4: {  	s23 =	simm.s32 $0x1;
	s24 =	simm.s32 $0x2;
	s25 =	simm.s32 $0x3  }
0x5: {  	s26 =	simm.s32 $0x4;
	s28 =	simm.s32 $0x0;
	s5 =	smul.u32 $0x2800, s0  }
0x6: {  	s1 =	sand.u32 $0x1, s1;
	[smem:$0x7FF] =	sst s4;
	s8 =	smul.u32 $0x4F000, s0  }
0x7: {  	s6 =	smul.u32 $0x1400, s1;
	_ =	strace $0x8000004A;
	s9 =	ssub.s32 $0x2, s1  }
0x8: {  	s17 =	smul.u32 $0x13C000, s1;
	s10 =	sshrl.u32 s9, $0x1;
	s8 =	sshrl.u32 s8, $0x2  }
0x9: {  	s5 =	sadd.s32 s6, s5;
	s6 =	smul.u32 $0x13C00, s0;
	s18 =	ssub.s32 s9, s10  }
0xa: {  	s8 =	sadd.s32 s8, s3;
	s5 =	sshrl.u32 s5, $0x3;
	s18 =	smax.u32 s18, $0x1  }
0xb: {  	s19 =	sadd.s32 s5, s7;
	s5 =	sadd.s32 $0x80FC00, s7;
	s7 =	sadd.s32 $0x810400, s7  }
0xc: {  	s9 =	sadd.s32 $0x4000, s6;
	s11 =	sadd.s32 $0x8000, s6;
	s12 =	sadd.s32 $0xC000, s6  }
0xd: {  	s15 =	sadd.s32 $0x10000, s6;
	s10 =	sadd.s32 s9, s3;
	s13 =	sadd.s32 s11, s3  }
0xe: {  	s14 =	sadd.s32 s12, s3;
	s16 =	sadd.s32 s15, s3;
	s19 =	sadd.s32 $0x7C00, s19  }
.LBB2_1:
0xf: {  	s0 =	rddreg [dreg:$0x1]  }
0x10: {  	[tilespmem:s20], [sflag:$0x5] =	stream.linear.gather [hbm4b:s0+s4], $0x4000, $0x38;
	[tilespmem:$0x17D00] =	vst v63  }
0x11: {  	_ =	swait.ge [sflag:s21], $0x4000  }
0x12: {  	[sflag:s21] =	ssyncset.done $0x0  }
0x13: {  	[sflag:s21] =	ssyncadd.s32 $0xFFFFC000  }
0x14: {  	[spmem:s8] =	stream.linear.scatter [tilespmem:s20], [sflag:$0x5], $0x4000, $0x38;
	[tilespmem:$0x17D00] =	vst v63  }
0x15: {  	_ =	swait.ge [sflag:s21], $0x4000  }
0x16: {  	[sflag:s21] =	ssyncset.done $0x0  }
0x17: {  	[sflag:s21] =	ssyncadd.s32 $0xFFFFC000  }
0x18: {  	[spmem:s10] =	stream.linear.scatter [tilespmem:s20], [sflag:$0x5], $0x4000, $0x38;
	[tilespmem:$0x17D00] =	vst v63  }
0x19: {  	_ =	swait.ge [sflag:s21], $0x4000  }
0x1a: {  	[sflag:s21] =	ssyncset.done $0x0  }
0x1b: {  	[sflag:s21] =	ssyncadd.s32 $0xFFFFC000  }
0x1c: {  	[spmem:s13] =	stream.linear.scatter [tilespmem:s20], [sflag:$0x5], $0x4000, $0x38;
	[tilespmem:$0x17D00] =	vst v63  }
0x1d: {  	_ =	swait.ge [sflag:s21], $0x4000  }
0x1e: {  	[sflag:s21] =	ssyncset.done $0x0  }
0x1f: {  	[sflag:s21] =	ssyncadd.s32 $0xFFFFC000  }
0x20: {  	[spmem:s14] =	stream.linear.scatter [tilespmem:s20], [sflag:$0x5], $0x4000, $0x38;
	[tilespmem:$0x17D00] =	vst v63  }
0x21: {  	_ =	swait.ge [sflag:s21], $0x4000  }
0x22: {  	[sflag:s21] =	ssyncset.done $0x0  }
0x23: {  	[sflag:s21] =	ssyncadd.s32 $0xFFFFC000  }
0x24: {  	[spmem:s16] =	stream.linear.scatter [tilespmem:s20], [sflag:$0x5], $0x3C00, $0x38;
	[tilespmem:$0x17D00] =	vst v63  }
0x25: {  	_ =	swait.ge [sflag:s21], $0x3C00  }
0x26: {  	[sflag:s21] =	ssyncset.done $0x0  }
0x27: {  	s29 =	smov.u32 s19;
	s30 =	simm.s32 $0x0;
	[sflag:s21] =	ssyncadd.s32 $0xFFFFC400  }
.LBB2_2:
0x28: {  	s1 =	simm.s32 $0x0  }
0x29: {  	[tilespmem:s20], [sflag:$0x5] =	stream.linear.gather [hbm4b:s5+s1], $0x4000, $0x38;
	[tilespmem:$0x17D00] =	vst v63  }
0x2a: {  	_ =	swait.ge [sflag:s21], $0x4000  }
0x2b: {  	[sflag:s21] =	ssyncset.done $0x0  }
0x2c: {  	[sflag:s21] =	ssyncadd.s32 $0xFFFFC000  }
0x2d: {  	s2 =	sadd.s32 $0x0, s29;
	[bflag:$0x0] =	sbarrier.arrive $0xFFFF  }
0x2e: {  	[tilespmem:s4], [sflag:$0x1] =	stream.linear.gather [hbm4b:s2+s4], $0x80, $0x38;
	[tilespmem:$0x17D00] =	vst v63  }
0x2f: {  	s1 =	sadd.s32 $0x10, s2  }
0x30: {  	[tilespmem:s22], [sflag:$0x2] =	stream.linear.gather [hbm4b:s1+s4], $0x80, $0x38;
	[tilespmem:$0x17D00] =	vst v63  }
0x31: {  	_ =	swait.ge [sflag:s23], $0x80  }
0x32: {  	[sflag:s23] =	ssyncset.done $0x0  }
0x33: {  	[sflag:s23] =	ssyncadd.s32 $0xFFFFFF80  }
0x34: {  	[spmem:s3] =	stream.indirect.scatter.add.f32 [tilespmem:s20], [sflag:$0x3], $0x80, s4, s22, $0xb8;
	[tilespmem:$0x17D00] =	vst v63  }
0x35: {  	_ =	swait.ge [sflag:s24], $0x80  }
0x36: {  	[sflag:s24] =	ssyncset.done $0x0  }
0x37: {  	[sflag:s24] =	ssyncadd.s32 $0xFFFFFF80  }
0x38: {  	[spmem:s3] =	stream.indirect.scatter.add.f32 [tilespmem:s20], [sflag:$0x4], $0x80, s22, s22, $0xb8;
	[tilespmem:$0x17D00] =	vst v63  }
0x39: {  	_ =	swait.ge [sflag:s25], $0x4000  }
0x3a: {  	[sflag:s25] =	ssyncset.done $0x0  }
0x3b: {  	[sflag:s25] =	ssyncadd.s32 $0xFFFFC000  }
0x3c: {  	_ =	swait.ge [sflag:s26], $0x4000  }
0x3d: {  	s31 =	simm.s32 $0x20;
	s1 =	simm.s32 $0x40;
	[sflag:s26] =	ssyncset.done $0x0  }
.LBB2_3:
0x3e: {  	s0 =	sadd.s32 s31, s29  }
0x3f: {  	[sflag:s26] =	ssyncadd.s32 $0xFFFFC000;
	s31 =	smov.u32 s1;
	s2 =	sadd.s32 $0x20, s1  }
0x40: {  	[tilespmem:s4], [sflag:$0x1] =	stream.linear.gather [hbm4b:s0+s4], $0x80, $0x38;
	[tilespmem:$0x17D00] =	vst v63  }
0x41: {  	p0 =	sne.s32 s1, $0x260;
	s0 =	sadd.s32 $0x10, s0  }
0x42: {  	[tilespmem:s22], [sflag:$0x2] =	stream.linear.gather [hbm4b:s0+s4], $0x80, $0x38;
	[tilespmem:$0x17D00] =	vst v63  }
0x43: {  	_ =	swait.ge [sflag:s23], $0x80  }
0x44: {  	[sflag:s23] =	ssyncset.done $0x0  }
0x45: {  	[sflag:s23] =	ssyncadd.s32 $0xFFFFFF80  }
0x46: {  	[spmem:s3] =	stream.indirect.scatter.add.f32 [tilespmem:s20], [sflag:$0x3], $0x80, s4, s22, $0xb8;
	[tilespmem:$0x17D00] =	vst v63  }
0x47: {  	_ =	swait.ge [sflag:s24], $0x80  }
0x48: {  	[sflag:s24] =	ssyncset.done $0x0  }
0x49: {  	[sflag:s24] =	ssyncadd.s32 $0xFFFFFF80  }
0x4a: {  	[spmem:s3] =	stream.indirect.scatter.add.f32 [tilespmem:s20], [sflag:$0x4], $0x80, s22, s22, $0xb8;
	[tilespmem:$0x17D00] =	vst v63  }
.Ltmp0:
0x4b: {  	_ =	swait.ge [sflag:s25], $0x4000;
	(pc) =	sbr.rel @p0 .LBB2_3-.Ltmp0, $4  }
0x4c: {  	[sflag:s25] =	ssyncset.done $0x0  }
0x4d: {  	[sflag:s25] =	ssyncadd.s32 $0xFFFFC000  }
0x4e: {  	_ =	swait.ge [sflag:s26], $0x4000  }
0x4f: {  	s1 =	smov.u32 s2;
	[sflag:s26] =	ssyncset.done $0x0  }
0x50: {  	s0 =	sadd.s32 s31, s29;
	[sflag:s26] =	ssyncadd.s32 $0xFFFFC000  }
0x51: {  	[tilespmem:s4], [sflag:$0x1] =	stream.linear.gather [hbm4b:s0+s4], $0x80, $0x38;
	[tilespmem:$0x17D00] =	vst v63  }
0x52: {  	s0 =	sadd.s32 $0x10, s0  }
0x53: {  	[tilespmem:s22], [sflag:$0x2] =	stream.linear.gather [hbm4b:s0+s4], $0x80, $0x38;
	[tilespmem:$0x17D00] =	vst v63  }
0x54: {  	_ =	swait.ge [sflag:s23], $0x80  }
0x55: {  	[sflag:s23] =	ssyncset.done $0x0  }
0x56: {  	[sflag:s23] =	ssyncadd.s32 $0xFFFFFF80  }
0x57: {  	[spmem:s3] =	stream.indirect.scatter.add.f32 [tilespmem:s20], [sflag:$0x3], $0x80, s4, s22, $0xb8;
	[tilespmem:$0x17D00] =	vst v63  }
0x58: {  	_ =	swait.ge [sflag:s24], $0x80  }
0x59: {  	[sflag:s24] =	ssyncset.done $0x0  }
0x5a: {  	[sflag:s24] =	ssyncadd.s32 $0xFFFFFF80  }
0x5b: {  	[spmem:s3] =	stream.indirect.scatter.add.f32 [tilespmem:s20], [sflag:$0x4], $0x80, s22, s22, $0xb8;
	[tilespmem:$0x17D00] =	vst v63  }
0x5c: {  	_ =	swait.ge [sflag:s25], $0x4000  }
0x5d: {  	[sflag:s25] =	ssyncset.done $0x0  }
0x5e: {  	[sflag:s25] =	ssyncadd.s32 $0xFFFFC000  }
0x5f: {  	_ =	swait.ge [sflag:s26], $0x4000  }
0x60: {  	s2 =	smul.u32 $0x278000, s30;
	[sflag:s26] =	ssyncset.done $0x0  }
0x61: {  	[sflag:s26] =	ssyncadd.s32 $0xFFFFC000  }
0x62: {  	s0 =	sadd.s32 s17, s2;
	[bflag:$0x0] =	sbarrier.arrive $0xFFFF  }
0x63: {  	[tilespmem:s20], [sflag:$0x5] =	stream.linear.gather [spmem:s8], $0x4000, $0x38;
	[tilespmem:$0x17D00] =	vst v63  }
0x64: {  	s1 =	sadd.s32 s6, s0;
	_ =	swait.ge [sflag:s21], $0x4000  }
0x65: {  	s1 =	sshrl.u32 s1, $0x3;
	[sflag:s21] =	ssyncset.done $0x0  }
0x66: {  	s1 =	sadd.s32 s7, s1;
	[sflag:s21] =	ssyncadd.s32 $0xFFFFC000  }
0x67: {  	[hbm4b:s1+s4] =	stream.linear.scatter [tilespmem:s20], [sflag:$0x5], $0x4000, $0x38;
	[tilespmem:$0x17D00] =	vst v63  }
0x68: {  	_ =	swait.ge [sflag:s21], $0x4000  }
0x69: {  	[sflag:s21] =	ssyncset.done $0x0  }
0x6a: {  	[sflag:s21] =	ssyncadd.s32 $0xFFFFC000  }
0x6b: {  	[tilespmem:s20], [sflag:$0x5] =	stream.linear.gather [spmem:s10], $0x4000, $0x38;
	[tilespmem:$0x17D00] =	vst v63  }
0x6c: {  	s31 =	sadd.s32 s9, s0;
	_ =	swait.ge [sflag:s21], $0x4000  }
0x6d: {  	s1 =	sshrl.u32 s31, $0x3;
	[sflag:s21] =	ssyncset.done $0x0  }
0x6e: {  	s1 =	sadd.s32 s7, s1;
	[sflag:s21] =	ssyncadd.s32 $0xFFFFC000  }
0x6f: {  	[hbm4b:s1+s4] =	stream.linear.scatter [tilespmem:s20], [sflag:$0x5], $0x4000, $0x38;
	[tilespmem:$0x17D00] =	vst v63  }
0x70: {  	_ =	swait.ge [sflag:s21], $0x4000  }
0x71: {  	[sflag:s21] =	ssyncset.done $0x0  }
0x72: {  	[sflag:s21] =	ssyncadd.s32 $0xFFFFC000  }
0x73: {  	[tilespmem:s20], [sflag:$0x5] =	stream.linear.gather [spmem:s13], $0x4000, $0x38;
	[tilespmem:$0x17D00] =	vst v63  }
0x74: {  	s2 =	sadd.s32 s11, s0;
	_ =	swait.ge [sflag:s21], $0x4000  }
0x75: {  	s1 =	sshrl.u32 s2, $0x3;
	[sflag:s21] =	ssyncset.done $0x0  }
0x76: {  	s1 =	sadd.s32 s7, s1;
	[sflag:s21] =	ssyncadd.s32 $0xFFFFC000  }
0x77: {  	[hbm4b:s1+s4] =	stream.linear.scatter [tilespmem:s20], [sflag:$0x5], $0x4000, $0x38;
	[tilespmem:$0x17D00] =	vst v63  }
0x78: {  	_ =	swait.ge [sflag:s21], $0x4000  }
0x79: {  	[sflag:s21] =	ssyncset.done $0x0  }
0x7a: {  	[sflag:s21] =	ssyncadd.s32 $0xFFFFC000  }
0x7b: {  	[tilespmem:s20], [sflag:$0x5] =	stream.linear.gather [spmem:s14], $0x4000, $0x38;
	[tilespmem:$0x17D00] =	vst v63  }
0x7c: {  	s31 =	sadd.s32 s12, s0;
	_ =	swait.ge [sflag:s21], $0x4000  }
0x7d: {  	s1 =	sshrl.u32 s31, $0x3;
	[sflag:s21] =	ssyncset.done $0x0  }
0x7e: {  	s1 =	sadd.s32 s7, s1;
	[sflag:s21] =	ssyncadd.s32 $0xFFFFC000  }
0x7f: {  	[hbm4b:s1+s4] =	stream.linear.scatter [tilespmem:s20], [sflag:$0x5], $0x4000, $0x38;
	[tilespmem:$0x17D00] =	vst v63  }
0x80: {  	_ =	swait.ge [sflag:s21], $0x4000  }
0x81: {  	[sflag:s21] =	ssyncset.done $0x0  }
0x82: {  	[sflag:s21] =	ssyncadd.s32 $0xFFFFC000  }
0x83: {  	[tilespmem:s20], [sflag:$0x5] =	stream.linear.gather [spmem:s16], $0x3C00, $0x38;
	[tilespmem:$0x17D00] =	vst v63  }
0x84: {  	s30 =	sadd.s32 $0x1, s30;
	s0 =	sadd.s32 s15, s0;
	_ =	swait.ge [sflag:s21], $0x3C00  }
0x85: {  	p0 =	sne.s32 s30, $0x10;
	s0 =	sshrl.u32 s0, $0x3;
	[sflag:s21] =	ssyncset.done $0x0  }
.Ltmp1:
0x86: {  	s0 =	sadd.s32 s7, s0;
	[sflag:s21] =	ssyncadd.s32 $0xFFFFC400;
	(pc) =	sbr.rel @p0 .LBB2_2-.Ltmp1, $4  }
0x87: {  	[hbm4b:s0+s4] =	stream.linear.scatter [tilespmem:s20], [sflag:$0x5], $0x3C00, $0x38;
	[tilespmem:$0x17D00] =	vst v63  }
0x88: {  	_ =	swait.ge [sflag:s21], $0x3C00  }
0x89: {  	[sflag:s21] =	ssyncset.done $0x0  }
0x8a: {  	s29 =	sadd.s32 $0x5000, s29;
	[sflag:s21] =	ssyncadd.s32 $0xFFFFC400  }
0x8b: {  	s28 =	sadd.s32 $0x1, s28  }
0x8c: {  	p0 =	sne.s32 s28, s18  }
.Ltmp2:
0x8d: {  	_ = 	snop;
	(pc) =	sbr.rel @p0 .LBB2_1-.Ltmp2, $1  }
0x8e: {  	_ =	sdelay $0x3  }
0x8f: {  	_ =	sfence.sel $0x180000  }
0x90: {  	[bflag:$0x0] =	sbarrier.arrive $0xFFFF  }
0x91: {  	_ =	strace $0x9000004A  }
0x92: {  	s0 =	stileid.u32;
	[bflag:$0x2] =	sbarrier.arrive $0xFFFF  }
0x93: {  	p0 =	sne.s32 s0, $0x0;
	s0 =	rddreg [dreg:$0x3]  }
0x94: {  	s0 =	sadd.s32 @!p0 $0x100000, s0  }
0x95: {  	[sflag:s0] =	ssyncadd.tile.s32 @!p0 $0x1;
	_ =	shalt  }
.Lfunc_end2:
_tile_overlayer_lowered:
.L_overlay_start_2:
0x96: {  	(tag) =	ssettag $0x2  }
0x97: {  	s0 =	rddreg [dreg:$0x0];
	s2 =	stileid.u32  }
0x98: {  	s1 =	rddreg [dreg:$0x1];
	p0 =	sne.s32 s2, $0x0  }
0x99: {  	s3 =	rddreg [dreg:$0x2];
	[bflag:$0x3] =	sbarrier.arrive $0xFFFF;
	s2 =	simm.s32 @!p0 $0x1C05  }
0x9a: {  	[timem:s3], [sflag:s2] =	dma.local @!p0 [hbm:s0], s1  }
0x9b: {  	s0 =	simm.s32 @!p0 $0x5  }
0x9c: {  	_ =	swait.ge @!p0 [sflag:s0], s1  }
0x9d: {  	s1 =	ssub.s32 @!p0 $0x0, s1;
	[sflag:s0] =	ssyncset.done @!p0 $0x0  }
0x9e: {  	[sflag:s0] =	ssyncadd.s32 @!p0 s1  }
0x9f: {  	[bflag:$0x3] =	sbarrier.arrive $0xFFFF  }
0xa0: {  	_ =	shalt  }

</sc_bundles>
